<compile_context>
chip_gen: v7x
topology: tpu7x:2x2x1
jax: 0.10.2.dev20260603
libtpu: 0.0.44.dev20260713+nightly
codegen_flags: <defaults>
</compile_context>

<pallas_src>
import functools

import jax
import jax.numpy as jnp
from jax import lax
from jax.experimental import pallas as pl
from jax.experimental.pallas import tpu as pltpu
from jax.experimental.pallas import tpu_sc as plsc

VOCAB = 1000000
EMB = 64

_info = plsc.get_sparse_core_info()
NC, NS, L = _info.num_cores, _info.num_subcores, _info.num_lanes
NW = NC * NS

B_TOTAL = 4096 * 200
PER_W = B_TOTAL // NW
V_ROWS = PER_W // 128
CHUNK = 128
N_CHUNKS = PER_W // CHUNK
NBUF = 4


def _body(idx_hbm, tab_hbm, out_hbm, idx_v, g, o, gsems, ssems):
    c = lax.axis_index("c")
    s = lax.axis_index("s")
    wid = s * NC + c
    base = wid * PER_W

    pltpu.sync_copy(idx_hbm.at[wid], idx_v)

    def fire_gather(ci, b):
        pltpu.async_copy(tab_hbm.at[idx_v.at[ci]], g[b], gsems[b])

    def wait_gather(b):
        pltpu.make_async_copy(tab_hbm.at[pl.ds(0, CHUNK)], g[b], gsems[b]).wait()

    def compact(b, ob):
        def row_body(r16, _):
            for u in range(L):
                r = r16 * L + u
                for cg in range(EMB // L):
                    o[ob][r, pl.ds(cg * L, L)] = g[b][r, pl.ds(cg * L, L)]
            return 0

        lax.fori_loop(0, CHUNK // L, row_body, 0)

    def fire_store(ci, ob):
        pltpu.async_copy(
            o[ob], out_hbm.at[pl.ds(base + ci * CHUNK, CHUNK)], ssems[ob]
        )

    def wait_store(ob):
        pltpu.make_async_copy(
            o[ob], out_hbm.at[pl.ds(base, CHUNK)], ssems[ob]
        ).wait()

    for p in range(NBUF - 1):
        fire_gather(p, p)

    def group(gidx, _):
        for b in range(NBUF):
            ci = gidx * NBUF + b
            ob = b % 2
            wait_gather(b)
            @pl.when(ci + NBUF - 1 < N_CHUNKS)
            def _():
                fire_gather(ci + NBUF - 1, (b + NBUF - 1) % NBUF)
            @pl.when(ci >= 2)
            def _():
                wait_store(ob)
            compact(b, ob)
            fire_store(ci, ob)
        return 0

    lax.fori_loop(0, N_CHUNKS // NBUF, group, 0)
    for ob in range(2):
        wait_store(ob)


@jax.jit
def _gather(idx, tab128):
    mesh = plsc.VectorSubcoreMesh(core_axis_name="c", subcore_axis_name="s")
    f = pl.kernel(
        _body,
        out_type=jax.ShapeDtypeStruct((B_TOTAL, EMB), jnp.float32),
        mesh=mesh,
        scratch_types=[
            pltpu.VMEM((V_ROWS, 128), jnp.int32),
            [pltpu.VMEM((CHUNK, 128), jnp.float32) for _ in range(NBUF)],
            [pltpu.VMEM((CHUNK, EMB), jnp.float32) for _ in range(2)],
            [pltpu.SemaphoreType.DMA for _ in range(NBUF)],
            [pltpu.SemaphoreType.DMA for _ in range(2)],
        ],
        compiler_params=pltpu.CompilerParams(use_tc_tiling_on_sc=True),
    )
    return f(idx, tab128)


def kernel(data, tvectors):
    idx = data.astype(jnp.int32).reshape(NW, V_ROWS, 128)
    tab128 = jnp.concatenate(
        [tvectors, jnp.zeros((VOCAB, EMB), jnp.float32)], axis=1
    )
    out = _gather(idx, tab128)
    return out.reshape(data.shape[0], data.shape[1], EMB)

# --- scband reference (transcript-rebuilt; emitter-appended) ---
"""Pipeline reference for scband-item2-vec-27599459844818 (READ-ONLY COPY).

The authoritative reference and input builder live on the scoring server;
editing this copy changes nothing except your own understanding.
"""

import jax, jax.numpy as jnp
import numpy as np

VOCAB = 1000000
EMB = 64
PAD = 999999


def setup_inputs(seed: int = 0) -> dict:
    key = jax.random.key(seed)
    k1, k2 = jax.random.split(key)
    data = jax.random.randint(k1, (4096, 200), 0, VOCAB)
    # tvectors initialized as in Item2Vec: uniform(-0.5/emb, 0.5/emb) for first vocab-1 rows,
    # zeros for the padding row (padding_idx = vocab_size - 1)
    tvectors = jnp.concatenate(
        [
            jax.random.uniform(k2, (VOCAB - 1, EMB), minval=-0.5 / EMB, maxval=0.5 / EMB, dtype=jnp.float32),
            jnp.zeros((1, EMB), dtype=jnp.float32),
        ],
        axis=0,
    )
    return {"data": data, "tvectors": tvectors}


def reference(data, tvectors):
    # Item2Vec.forward_t: embedding lookup into target vectors table.
    v = data.astype(jnp.int32)
    return jnp.take(tvectors, v, axis=0)

if __name__ == "__main__":
    import jax
    _d = setup_inputs()
    print(jax.jit(kernel)(*tuple(_d.values())))

</pallas_src>

<mosaic_0001>
#map = affine_map<(d0, d1) -> (0, 0, 0)>
#map1 = affine_map<(d0, d1) -> (0, 0)>
module attributes {stable_mosaic.version = 14 : i64} {
  func.func @_body(%arg0: i32, %arg1: i32, %arg2: memref<32x200x128xi32, #tpu.memory_space<hbm>>, %arg3: memref<1000000x128xf32, #tpu.memory_space<hbm>>, %arg4: memref<819200x64xf32, #tpu.memory_space<hbm>>, %arg5: memref<200x128xi32, #tpu.memory_space<vmem>>, %arg6: memref<128x128xf32, #tpu.memory_space<vmem>>, %arg7: memref<128x128xf32, #tpu.memory_space<vmem>>, %arg8: memref<128x128xf32, #tpu.memory_space<vmem>>, %arg9: memref<128x128xf32, #tpu.memory_space<vmem>>, %arg10: memref<128x64xf32, #tpu.memory_space<vmem>>, %arg11: memref<128x64xf32, #tpu.memory_space<vmem>>, %arg12: memref<!tpu.dma_semaphore, #tpu.memory_space<semaphore_mem>>, %arg13: memref<!tpu.dma_semaphore, #tpu.memory_space<semaphore_mem>>, %arg14: memref<!tpu.dma_semaphore, #tpu.memory_space<semaphore_mem>>, %arg15: memref<!tpu.dma_semaphore, #tpu.memory_space<semaphore_mem>>, %arg16: memref<!tpu.dma_semaphore, #tpu.memory_space<semaphore_mem>>, %arg17: memref<!tpu.dma_semaphore, #tpu.memory_space<semaphore_mem>>) attributes {dimension_semantics = [#tpu.dimension_semantics<core_parallel>, #tpu.dimension_semantics<subcore_parallel>], iteration_bounds = array<i64: 2, 16>, scalar_prefetch = 0 : i64, scratch_operands = 13 : i64, tpu.core_type = #tpu.core_type<sc_vector_subcore>, window_params = [{transform_indices = #map}, {transform_indices = #map1}, {transform_indices = #map1}]} {
    %mul3A = arith.constant 2 : i32
    %mul3A_0 = arith.muli %arg1, %mul3A : i32
    %add3A = arith.addi %mul3A_0, %arg0 : i32
    %mul3A_1 = arith.constant 25600 : i32
    %mul3A_2 = arith.muli %add3A, %mul3A_1 : i32
    "tpu.region"() ({
      %run_scoped3A = tpu.sem_alloc : memref<!tpu.dma_semaphore, #tpu.memory_space<semaphore_mem>>
      %dma_start3A_36 = arith.constant 0 : i32
      %dma_start3A_37 = arith.constant 0 : i32
      %dma_start3A_38 = tpu.memref_slice %arg2[%add3A, %dma_start3A_36, %dma_start3A_37] : memref<32x200x128xi32, #tpu.memory_space<hbm>> -> memref<1x200x128xi32, #tpu.memory_space<hbm>>
      %dma_start3A_39 = tpu.memref_squeeze %dma_start3A_38 : memref<1x200x128xi32, #tpu.memory_space<hbm>> -> memref<200x128xi32, #tpu.memory_space<hbm>>
      %dma_start3A_40 = arith.constant 0 : i32
      %dma_start3A_41 = arith.constant 0 : i32
      %dma_start3A_42 = tpu.memref_slice %arg2[%add3A, %dma_start3A_40, %dma_start3A_41] : memref<32x200x128xi32, #tpu.memory_space<hbm>> -> memref<1x200x128xi32, #tpu.memory_space<hbm>>
      %dma_start3A_43 = tpu.memref_squeeze %dma_start3A_42 : memref<1x200x128xi32, #tpu.memory_space<hbm>> -> memref<200x128xi32, #tpu.memory_space<hbm>>
      tpu.enqueue_dma source(%dma_start3A_43 : memref<200x128xi32, #tpu.memory_space<hbm>>) target(%arg5 : memref<200x128xi32, #tpu.memory_space<vmem>>) target_semaphore(%run_scoped3A : memref<!tpu.dma_semaphore, #tpu.memory_space<semaphore_mem>>)
      %dma_wait3A_44 = arith.constant 0 : i32
      %dma_wait3A_45 = arith.constant 0 : i32
      %dma_wait3A_46 = tpu.memref_slice %arg2[%add3A, %dma_wait3A_44, %dma_wait3A_45] : memref<32x200x128xi32, #tpu.memory_space<hbm>> -> memref<1x200x128xi32, #tpu.memory_space<hbm>>
      %dma_wait3A_47 = tpu.memref_squeeze %dma_wait3A_46 : memref<1x200x128xi32, #tpu.memory_space<hbm>> -> memref<200x128xi32, #tpu.memory_space<hbm>>
      %dma_wait3A_48 = arith.constant 0 : i32
      %dma_wait3A_49 = arith.constant 0 : i32
      %dma_wait3A_50 = tpu.memref_slice %arg2[%add3A, %dma_wait3A_48, %dma_wait3A_49] : memref<32x200x128xi32, #tpu.memory_space<hbm>> -> memref<1x200x128xi32, #tpu.memory_space<hbm>>
      %dma_wait3A_51 = tpu.memref_squeeze %dma_wait3A_50 : memref<1x200x128xi32, #tpu.memory_space<hbm>> -> memref<200x128xi32, #tpu.memory_space<hbm>>
      tpu.wait_dma2 semaphore(%run_scoped3A : memref<!tpu.dma_semaphore, #tpu.memory_space<semaphore_mem>>) src(%dma_wait3A_51 : memref<200x128xi32, #tpu.memory_space<hbm>>) dst(%arg5 : memref<200x128xi32, #tpu.memory_space<vmem>>)
      tpu.yield
    }) : () -> ()
    %dma_start3A = arith.constant 0 : i32
    %dma_start3A_3 = arith.constant 0 : i32
    %dma_start3A_4 = tpu.memref_slice %arg5[%dma_start3A, %dma_start3A_3] : memref<200x128xi32, #tpu.memory_space<vmem>> -> memref<1x128xi32, #tpu.memory_space<vmem>>
    %dma_start3A_5 = tpu.memref_squeeze %dma_start3A_4 : memref<1x128xi32, #tpu.memory_space<vmem>> -> memref<128xi32, #tpu.memory_space<vmem>>
    %dma_start3A_6 = arith.constant 0 : i32
    %dma_start3A_7 = arith.constant 0 : i32
    %dma_start3A_8 = tpu.memref_slice %arg3[%dma_start3A_6, %dma_start3A_7] : memref<1000000x128xf32, #tpu.memory_space<hbm>> -> memref<1000000x128xf32, #tpu.memory_space<hbm>>
    tpu.enqueue_indirect_dma source(%dma_start3A_8 : memref<1000000x128xf32, #tpu.memory_space<hbm>>) target(%arg6 : memref<128x128xf32, #tpu.memory_space<vmem>>) offsets(%dma_start3A_5 : memref<128xi32, #tpu.memory_space<vmem>>) semaphore(%arg12 : memref<!tpu.dma_semaphore, #tpu.memory_space<semaphore_mem>>)
    %dma_start3A_9 = arith.constant 1 : i32
    %dma_start3A_10 = arith.constant 0 : i32
    %dma_start3A_11 = tpu.memref_slice %arg5[%dma_start3A_9, %dma_start3A_10] : memref<200x128xi32, #tpu.memory_space<vmem>> -> memref<1x128xi32, #tpu.memory_space<vmem>>
    %dma_start3A_12 = tpu.memref_squeeze %dma_start3A_11 : memref<1x128xi32, #tpu.memory_space<vmem>> -> memref<128xi32, #tpu.memory_space<vmem>>
    %dma_start3A_13 = arith.constant 0 : i32
    %dma_start3A_14 = arith.constant 0 : i32
    %dma_start3A_15 = tpu.memref_slice %arg3[%dma_start3A_13, %dma_start3A_14] : memref<1000000x128xf32, #tpu.memory_space<hbm>> -> memref<1000000x128xf32, #tpu.memory_space<hbm>>
    tpu.enqueue_indirect_dma source(%dma_start3A_15 : memref<1000000x128xf32, #tpu.memory_space<hbm>>) target(%arg7 : memref<128x128xf32, #tpu.memory_space<vmem>>) offsets(%dma_start3A_12 : memref<128xi32, #tpu.memory_space<vmem>>) semaphore(%arg13 : memref<!tpu.dma_semaphore, #tpu.memory_space<semaphore_mem>>)
    %dma_start3A_16 = arith.constant 2 : i32
    %dma_start3A_17 = arith.constant 0 : i32
    %dma_start3A_18 = tpu.memref_slice %arg5[%dma_start3A_16, %dma_start3A_17] : memref<200x128xi32, #tpu.memory_space<vmem>> -> memref<1x128xi32, #tpu.memory_space<vmem>>
    %dma_start3A_19 = tpu.memref_squeeze %dma_start3A_18 : memref<1x128xi32, #tpu.memory_space<vmem>> -> memref<128xi32, #tpu.memory_space<vmem>>
    %dma_start3A_20 = arith.constant 0 : i32
    %dma_start3A_21 = arith.constant 0 : i32
    %dma_start3A_22 = tpu.memref_slice %arg3[%dma_start3A_20, %dma_start3A_21] : memref<1000000x128xf32, #tpu.memory_space<hbm>> -> memref<1000000x128xf32, #tpu.memory_space<hbm>>
    tpu.enqueue_indirect_dma source(%dma_start3A_22 : memref<1000000x128xf32, #tpu.memory_space<hbm>>) target(%arg8 : memref<128x128xf32, #tpu.memory_space<vmem>>) offsets(%dma_start3A_19 : memref<128xi32, #tpu.memory_space<vmem>>) semaphore(%arg14 : memref<!tpu.dma_semaphore, #tpu.memory_space<semaphore_mem>>)
    %scan3A = arith.constant 0 : i32
    %scan3A_23 = arith.constant 0 : i32
    %scan3A_24 = arith.constant 50 : i32
    %scan3A_25 = arith.addi %scan3A_23, %scan3A_24 : i32
    %scan3A_26 = arith.constant 1 : i32
    %scan3A_27 = scf.for %scan3A_36 = %scan3A_23 to %scan3A_25 step %scan3A_26 iter_args(%scan3A_37 = %scan3A) -> (i32)  : i32 {
      %mul3A_38 = arith.constant 4 : i32
      %mul3A_39 = arith.muli %scan3A_36, %mul3A_38 : i32
      %add3A_40 = arith.constant 0 : i32
      %add3A_41 = arith.addi %mul3A_39, %add3A_40 : i32
      %dma_wait3A_42 = arith.constant 0 : i32
      %dma_wait3A_43 = arith.constant 0 : i32
      %dma_wait3A_44 = tpu.memref_slice %arg3[%dma_wait3A_42, %dma_wait3A_43] : memref<1000000x128xf32, #tpu.memory_space<hbm>> -> memref<128x128xf32, #tpu.memory_space<hbm>>
      %dma_wait3A_45 = arith.constant 0 : i32
      %dma_wait3A_46 = arith.constant 0 : i32
      %dma_wait3A_47 = tpu.memref_slice %arg3[%dma_wait3A_45, %dma_wait3A_46] : memref<1000000x128xf32, #tpu.memory_space<hbm>> -> memref<128x128xf32, #tpu.memory_space<hbm>>
      tpu.wait_dma2 semaphore(%arg12 : memref<!tpu.dma_semaphore, #tpu.memory_space<semaphore_mem>>) src(%dma_wait3A_47 : memref<128x128xf32, #tpu.memory_space<hbm>>) dst(%arg6 : memref<128x128xf32, #tpu.memory_space<vmem>>)
      %add3A_48 = arith.constant 4 : i32
      %add3A_49 = arith.addi %add3A_41, %add3A_48 : i32
      %sub3A = arith.constant 1 : i32
      %sub3A_50 = arith.subi %add3A_49, %sub3A : i32
      %lt3A = arith.constant 200 : i32
      %lt3A_51 = arith.cmpi slt, %sub3A_50, %lt3A : i32
      %convert_element_type3A = arith.extui %lt3A_51 : i1 to i32
      %cond3A = arith.constant 0 : i32
      %cond3A_52 = arith.cmpi ne, %convert_element_type3A, %cond3A : i32
      scf.if %cond3A_52 {
        %add3A_186 = arith.constant 4 : i32
        %add3A_187 = arith.addi %add3A_41, %add3A_186 : i32
        %sub3A_188 = arith.constant 1 : i32
        %sub3A_189 = arith.subi %add3A_187, %sub3A_188 : i32
        %dma_start3A_190 = arith.constant 0 : i32
        %dma_start3A_191 = tpu.memref_slice %arg5[%sub3A_189, %dma_start3A_190] : memref<200x128xi32, #tpu.memory_space<vmem>> -> memref<1x128xi32, #tpu.memory_space<vmem>>
        %dma_start3A_192 = tpu.memref_squeeze %dma_start3A_191 : memref<1x128xi32, #tpu.memory_space<vmem>> -> memref<128xi32, #tpu.memory_space<vmem>>
        %dma_start3A_193 = arith.constant 0 : i32
        %dma_start3A_194 = arith.constant 0 : i32
        %dma_start3A_195 = tpu.memref_slice %arg3[%dma_start3A_193, %dma_start3A_194] : memref<1000000x128xf32, #tpu.memory_space<hbm>> -> memref<1000000x128xf32, #tpu.memory_space<hbm>>
        tpu.enqueue_indirect_dma source(%dma_start3A_195 : memref<1000000x128xf32, #tpu.memory_space<hbm>>) target(%arg9 : memref<128x128xf32, #tpu.memory_space<vmem>>) offsets(%dma_start3A_192 : memref<128xi32, #tpu.memory_space<vmem>>) semaphore(%arg15 : memref<!tpu.dma_semaphore, #tpu.memory_space<semaphore_mem>>)
      } else {
      }
      %ge3A = arith.constant 2 : i32
      %ge3A_53 = arith.cmpi sge, %add3A_41, %ge3A : i32
      %convert_element_type3A_54 = arith.extui %ge3A_53 : i1 to i32
      %cond3A_55 = arith.constant 0 : i32
      %cond3A_56 = arith.cmpi ne, %convert_element_type3A_54, %cond3A_55 : i32
      scf.if %cond3A_56 {
        %dma_wait3A_186 = arith.constant 0 : i32
        %dma_wait3A_187 = tpu.memref_slice %arg4[%mul3A_2, %dma_wait3A_186] : memref<819200x64xf32, #tpu.memory_space<hbm>> -> memref<128x64xf32, #tpu.memory_space<hbm>>
        %dma_wait3A_188 = arith.constant 0 : i32
        %dma_wait3A_189 = tpu.memref_slice %arg4[%mul3A_2, %dma_wait3A_188] : memref<819200x64xf32, #tpu.memory_space<hbm>> -> memref<128x64xf32, #tpu.memory_space<hbm>>
        tpu.wait_dma2 semaphore(%arg16 : memref<!tpu.dma_semaphore, #tpu.memory_space<semaphore_mem>>) src(%arg10 : memref<128x64xf32, #tpu.memory_space<vmem>>) dst(%dma_wait3A_189 : memref<128x64xf32, #tpu.memory_space<hbm>>)
      } else {
      }
      %scan3A_57 = arith.constant 0 : i32
      %scan3A_58 = arith.constant 0 : i32
      %scan3A_59 = arith.constant 8 : i32
      %scan3A_60 = arith.addi %scan3A_58, %scan3A_59 : i32
      %scan3A_61 = arith.constant 1 : i32
      %scan3A_62 = scf.for %scan3A_186 = %scan3A_58 to %scan3A_60 step %scan3A_61 iter_args(%scan3A_187 = %scan3A_57) -> (i32)  : i32 {
        %mul3A_188 = arith.constant 16 : i32
        %mul3A_189 = arith.muli %scan3A_186, %mul3A_188 : i32
        %add3A_190 = arith.constant 0 : i32
        %add3A_191 = arith.addi %mul3A_189, %add3A_190 : i32
        %get3A = arith.index_cast %add3A_191 : i32 to index
        %get3A_192 = arith.constant 0 : index
        %get3A_193 = tpu.vector_load %arg6[%get3A, %get3A_192] {strides = array<i32>} : memref<128x128xf32, #tpu.memory_space<vmem>>, vector<1x16xf32>,
        %get3A_194 = vector.shape_cast %get3A_193 : vector<1x16xf32> to vector<16xf32>
        %swap3A = arith.index_cast %add3A_191 : i32 to index
        %swap3A_195 = arith.constant 0 : index
        %swap3A_196 = tpu.vector_load %arg10[%swap3A, %swap3A_195] {strides = array<i32>} : memref<128x64xf32, #tpu.memory_space<vmem>>, vector<1x16xf32>,
        %swap3A_197 = vector.shape_cast %swap3A_196 : vector<1x16xf32> to vector<16xf32>
        %swap3A_198 = vector.shape_cast %get3A_194 : vector<16xf32> to vector<1x16xf32>
        tpu.vector_store %arg10[%swap3A, %swap3A_195], %swap3A_198 {strides = array<i32>} : memref<128x64xf32, #tpu.memory_space<vmem>>, vector<1x16xf32>,
        %get3A_199 = arith.index_cast %add3A_191 : i32 to index
        %get3A_200 = arith.constant 16 : index
        %get3A_201 = tpu.vector_load %arg6[%get3A_199, %get3A_200] {strides = array<i32>} : memref<128x128xf32, #tpu.memory_space<vmem>>, vector<1x16xf32>,
        %get3A_202 = vector.shape_cast %get3A_201 : vector<1x16xf32> to vector<16xf32>
        %swap3A_203 = arith.index_cast %add3A_191 : i32 to index
        %swap3A_204 = arith.constant 16 : index
        %swap3A_205 = tpu.vector_load %arg10[%swap3A_203, %swap3A_204] {strides = array<i32>} : memref<128x64xf32, #tpu.memory_space<vmem>>, vector<1x16xf32>,
        %swap3A_206 = vector.shape_cast %swap3A_205 : vector<1x16xf32> to vector<16xf32>
        %swap3A_207 = vector.shape_cast %get3A_202 : vector<16xf32> to vector<1x16xf32>
        tpu.vector_store %arg10[%swap3A_203, %swap3A_204], %swap3A_207 {strides = array<i32>} : memref<128x64xf32, #tpu.memory_space<vmem>>, vector<1x16xf32>,
        %get3A_208 = arith.index_cast %add3A_191 : i32 to index
        %get3A_209 = arith.constant 32 : index
        %get3A_210 = tpu.vector_load %arg6[%get3A_208, %get3A_209] {strides = array<i32>} : memref<128x128xf32, #tpu.memory_space<vmem>>, vector<1x16xf32>,
        %get3A_211 = vector.shape_cast %get3A_210 : vector<1x16xf32> to vector<16xf32>
        %swap3A_212 = arith.index_cast %add3A_191 : i32 to index
        %swap3A_213 = arith.constant 32 : index
        %swap3A_214 = tpu.vector_load %arg10[%swap3A_212, %swap3A_213] {strides = array<i32>} : memref<128x64xf32, #tpu.memory_space<vmem>>, vector<1x16xf32>,
        %swap3A_215 = vector.shape_cast %swap3A_214 : vector<1x16xf32> to vector<16xf32>
        %swap3A_216 = vector.shape_cast %get3A_211 : vector<16xf32> to vector<1x16xf32>
        tpu.vector_store %arg10[%swap3A_212, %swap3A_213], %swap3A_216 {strides = array<i32>} : memref<128x64xf32, #tpu.memory_space<vmem>>, vector<1x16xf32>,
        %get3A_217 = arith.index_cast %add3A_191 : i32 to index
        %get3A_218 = arith.constant 48 : index
        %get3A_219 = tpu.vector_load %arg6[%get3A_217, %get3A_218] {strides = array<i32>} : memref<128x128xf32, #tpu.memory_space<vmem>>, vector<1x16xf32>,
        %get3A_220 = vector.shape_cast %get3A_219 : vector<1x16xf32> to vector<16xf32>
        %swap3A_221 = arith.index_cast %add3A_191 : i32 to index
        %swap3A_222 = arith.constant 48 : index
        %swap3A_223 = tpu.vector_load %arg10[%swap3A_221, %swap3A_222] {strides = array<i32>} : memref<128x64xf32, #tpu.memory_space<vmem>>, vector<1x16xf32>,
        %swap3A_224 = vector.shape_cast %swap3A_223 : vector<1x16xf32> to vector<16xf32>
        %swap3A_225 = vector.shape_cast %get3A_220 : vector<16xf32> to vector<1x16xf32>
        tpu.vector_store %arg10[%swap3A_221, %swap3A_222], %swap3A_225 {strides = array<i32>} : memref<128x64xf32, #tpu.memory_space<vmem>>, vector<1x16xf32>,
        %mul3A_226 = arith.constant 16 : i32
        %mul3A_227 = arith.muli %scan3A_186, %mul3A_226 : i32
        %add3A_228 = arith.constant 1 : i32
        %add3A_229 = arith.addi %mul3A_227, %add3A_228 : i32
        %get3A_230 = arith.index_cast %add3A_229 : i32 to index
        %get3A_231 = arith.constant 0 : index
        %get3A_232 = tpu.vector_load %arg6[%get3A_230, %get3A_231] {strides = array<i32>} : memref<128x128xf32, #tpu.memory_space<vmem>>, vector<1x16xf32>,
        %get3A_233 = vector.shape_cast %get3A_232 : vector<1x16xf32> to vector<16xf32>
        %swap3A_234 = arith.index_cast %add3A_229 : i32 to index
        %swap3A_235 = arith.constant 0 : index
        %swap3A_236 = tpu.vector_load %arg10[%swap3A_234, %swap3A_235] {strides = array<i32>} : memref<128x64xf32, #tpu.memory_space<vmem>>, vector<1x16xf32>,
        %swap3A_237 = vector.shape_cast %swap3A_236 : vector<1x16xf32> to vector<16xf32>
        %swap3A_238 = vector.shape_cast %get3A_233 : vector<16xf32> to vector<1x16xf32>
        tpu.vector_store %arg10[%swap3A_234, %swap3A_235], %swap3A_238 {strides = array<i32>} : memref<128x64xf32, #tpu.memory_space<vmem>>, vector<1x16xf32>,
        %get3A_239 = arith.index_cast %add3A_229 : i32 to index
        %get3A_240 = arith.constant 16 : index
        %get3A_241 = tpu.vector_load %arg6[%get3A_239, %get3A_240] {strides = array<i32>} : memref<128x128xf32, #tpu.memory_space<vmem>>, vector<1x16xf32>,
        %get3A_242 = vector.shape_cast %get3A_241 : vector<1x16xf32> to vector<16xf32>
        %swap3A_243 = arith.index_cast %add3A_229 : i32 to index
        %swap3A_244 = arith.constant 16 : index
        %swap3A_245 = tpu.vector_load %arg10[%swap3A_243, %swap3A_244] {strides = array<i32>} : memref<128x64xf32, #tpu.memory_space<vmem>>, vector<1x16xf32>,
        %swap3A_246 = vector.shape_cast %swap3A_245 : vector<1x16xf32> to vector<16xf32>
        %swap3A_247 = vector.shape_cast %get3A_242 : vector<16xf32> to vector<1x16xf32>
        tpu.vector_store %arg10[%swap3A_243, %swap3A_244], %swap3A_247 {strides = array<i32>} : memref<128x64xf32, #tpu.memory_space<vmem>>, vector<1x16xf32>,
        %get3A_248 = arith.index_cast %add3A_229 : i32 to index
        %get3A_249 = arith.constant 32 : index
        %get3A_250 = tpu.vector_load %arg6[%get3A_248, %get3A_249] {strides = array<i32>} : memref<128x128xf32, #tpu.memory_space<vmem>>, vector<1x16xf32>,
        %get3A_251 = vector.shape_cast %get3A_250 : vector<1x16xf32> to vector<16xf32>
        %swap3A_252 = arith.index_cast %add3A_229 : i32 to index
        %swap3A_253 = arith.constant 32 : index
        %swap3A_254 = tpu.vector_load %arg10[%swap3A_252, %swap3A_253] {strides = array<i32>} : memref<128x64xf32, #tpu.memory_space<vmem>>, vector<1x16xf32>,
        %swap3A_255 = vector.shape_cast %swap3A_254 : vector<1x16xf32> to vector<16xf32>
        %swap3A_256 = vector.shape_cast %get3A_251 : vector<16xf32> to vector<1x16xf32>
        tpu.vector_store %arg10[%swap3A_252, %swap3A_253], %swap3A_256 {strides = array<i32>} : memref<128x64xf32, #tpu.memory_space<vmem>>, vector<1x16xf32>,
        %get3A_257 = arith.index_cast %add3A_229 : i32 to index
        %get3A_258 = arith.constant 48 : index
        %get3A_259 = tpu.vector_load %arg6[%get3A_257, %get3A_258] {strides = array<i32>} : memref<128x128xf32, #tpu.memory_space<vmem>>, vector<1x16xf32>,
        %get3A_260 = vector.shape_cast %get3A_259 : vector<1x16xf32> to vector<16xf32>
        %swap3A_261 = arith.index_cast %add3A_229 : i32 to index
        %swap3A_262 = arith.constant 48 : index
        %swap3A_263 = tpu.vector_load %arg10[%swap3A_261, %swap3A_262] {strides = array<i32>} : memref<128x64xf32, #tpu.memory_space<vmem>>, vector<1x16xf32>,
        %swap3A_264 = vector.shape_cast %swap3A_263 : vector<1x16xf32> to vector<16xf32>
        %swap3A_265 = vector.shape_cast %get3A_260 : vector<16xf32> to vector<1x16xf32>
        tpu.vector_store %arg10[%swap3A_261, %swap3A_262], %swap3A_265 {strides = array<i32>} : memref<128x64xf32, #tpu.memory_space<vmem>>, vector<1x16xf32>,
        %mul3A_266 = arith.constant 16 : i32
        %mul3A_267 = arith.muli %scan3A_186, %mul3A_266 : i32
        %add3A_268 = arith.constant 2 : i32
        %add3A_269 = arith.addi %mul3A_267, %add3A_268 : i32
        %get3A_270 = arith.index_cast %add3A_269 : i32 to index
        %get3A_271 = arith.constant 0 : index
        %get3A_272 = tpu.vector_load %arg6[%get3A_270, %get3A_271] {strides = array<i32>} : memref<128x128xf32, #tpu.memory_space<vmem>>, vector<1x16xf32>,
        %get3A_273 = vector.shape_cast %get3A_272 : vector<1x16xf32> to vector<16xf32>
        %swap3A_274 = arith.index_cast %add3A_269 : i32 to index
        %swap3A_275 = arith.constant 0 : index
        %swap3A_276 = tpu.vector_load %arg10[%swap3A_274, %swap3A_275] {strides = array<i32>} : memref<128x64xf32, #tpu.memory_space<vmem>>, vector<1x16xf32>,
        %swap3A_277 = vector.shape_cast %swap3A_276 : vector<1x16xf32> to vector<16xf32>
        %swap3A_278 = vector.shape_cast %get3A_273 : vector<16xf32> to vector<1x16xf32>
        tpu.vector_store %arg10[%swap3A_274, %swap3A_275], %swap3A_278 {strides = array<i32>} : memref<128x64xf32, #tpu.memory_space<vmem>>, vector<1x16xf32>,
        %get3A_279 = arith.index_cast %add3A_269 : i32 to index
        %get3A_280 = arith.constant 16 : index
        %get3A_281 = tpu.vector_load %arg6[%get3A_279, %get3A_280] {strides = array<i32>} : memref<128x128xf32, #tpu.memory_space<vmem>>, vector<1x16xf32>,
        %get3A_282 = vector.shape_cast %get3A_281 : vector<1x16xf32> to vector<16xf32>
        %swap3A_283 = arith.index_cast %add3A_269 : i32 to index
        %swap3A_284 = arith.constant 16 : index
        %swap3A_285 = tpu.vector_load %arg10[%swap3A_283, %swap3A_284] {strides = array<i32>} : memref<128x64xf32, #tpu.memory_space<vmem>>, vector<1x16xf32>,
        %swap3A_286 = vector.shape_cast %swap3A_285 : vector<1x16xf32> to vector<16xf32>
        %swap3A_287 = vector.shape_cast %get3A_282 : vector<16xf32> to vector<1x16xf32>
        tpu.vector_store %arg10[%swap3A_283, %swap3A_284], %swap3A_287 {strides = array<i32>} : memref<128x64xf32, #tpu.memory_space<vmem>>, vector<1x16xf32>,
        %get3A_288 = arith.index_cast %add3A_269 : i32 to index
        %get3A_289 = arith.constant 32 : index
        %get3A_290 = tpu.vector_load %arg6[%get3A_288, %get3A_289] {strides = array<i32>} : memref<128x128xf32, #tpu.memory_space<vmem>>, vector<1x16xf32>,
        %get3A_291 = vector.shape_cast %get3A_290 : vector<1x16xf32> to vector<16xf32>
        %swap3A_292 = arith.index_cast %add3A_269 : i32 to index
        %swap3A_293 = arith.constant 32 : index
        %swap3A_294 = tpu.vector_load %arg10[%swap3A_292, %swap3A_293] {strides = array<i32>} : memref<128x64xf32, #tpu.memory_space<vmem>>, vector<1x16xf32>,
        %swap3A_295 = vector.shape_cast %swap3A_294 : vector<1x16xf32> to vector<16xf32>
        %swap3A_296 = vector.shape_cast %get3A_291 : vector<16xf32> to vector<1x16xf32>
        tpu.vector_store %arg10[%swap3A_292, %swap3A_293], %swap3A_296 {strides = array<i32>} : memref<128x64xf32, #tpu.memory_space<vmem>>, vector<1x16xf32>,
        %get3A_297 = arith.index_cast %add3A_269 : i32 to index
        %get3A_298 = arith.constant 48 : index
        %get3A_299 = tpu.vector_load %arg6[%get3A_297, %get3A_298] {strides = array<i32>} : memref<128x128xf32, #tpu.memory_space<vmem>>, vector<1x16xf32>,
        %get3A_300 = vector.shape_cast %get3A_299 : vector<1x16xf32> to vector<16xf32>
        %swap3A_301 = arith.index_cast %add3A_269 : i32 to index
        %swap3A_302 = arith.constant 48 : index
        %swap3A_303 = tpu.vector_load %arg10[%swap3A_301, %swap3A_302] {strides = array<i32>} : memref<128x64xf32, #tpu.memory_space<vmem>>, vector<1x16xf32>,
        %swap3A_304 = vector.shape_cast %swap3A_303 : vector<1x16xf32> to vector<16xf32>
        %swap3A_305 = vector.shape_cast %get3A_300 : vector<16xf32> to vector<1x16xf32>
        tpu.vector_store %arg10[%swap3A_301, %swap3A_302], %swap3A_305 {strides = array<i32>} : memref<128x64xf32, #tpu.memory_space<vmem>>, vector<1x16xf32>,
        %mul3A_306 = arith.constant 16 : i32
        %mul3A_307 = arith.muli %scan3A_186, %mul3A_306 : i32
        %add3A_308 = arith.constant 3 : i32
        %add3A_309 = arith.addi %mul3A_307, %add3A_308 : i32
        %get3A_310 = arith.index_cast %add3A_309 : i32 to index
        %get3A_311 = arith.constant 0 : index
        %get3A_312 = tpu.vector_load %arg6[%get3A_310, %get3A_311] {strides = array<i32>} : memref<128x128xf32, #tpu.memory_space<vmem>>, vector<1x16xf32>,
        %get3A_313 = vector.shape_cast %get3A_312 : vector<1x16xf32> to vector<16xf32>
        %swap3A_314 = arith.index_cast %add3A_309 : i32 to index
        %swap3A_315 = arith.constant 0 : index
        %swap3A_316 = tpu.vector_load %arg10[%swap3A_314, %swap3A_315] {strides = array<i32>} : memref<128x64xf32, #tpu.memory_space<vmem>>, vector<1x16xf32>,
        %swap3A_317 = vector.shape_cast %swap3A_316 : vector<1x16xf32> to vector<16xf32>
        %swap3A_318 = vector.shape_cast %get3A_313 : vector<16xf32> to vector<1x16xf32>
        tpu.vector_store %arg10[%swap3A_314, %swap3A_315], %swap3A_318 {strides = array<i32>} : memref<128x64xf32, #tpu.memory_space<vmem>>, vector<1x16xf32>,
        %get3A_319 = arith.index_cast %add3A_309 : i32 to index
        %get3A_320 = arith.constant 16 : index
        %get3A_321 = tpu.vector_load %arg6[%get3A_319, %get3A_320] {strides = array<i32>} : memref<128x128xf32, #tpu.memory_space<vmem>>, vector<1x16xf32>,
        %get3A_322 = vector.shape_cast %get3A_321 : vector<1x16xf32> to vector<16xf32>
        %swap3A_323 = arith.index_cast %add3A_309 : i32 to index
        %swap3A_324 = arith.constant 16 : index
        %swap3A_325 = tpu.vector_load %arg10[%swap3A_323, %swap3A_324] {strides = array<i32>} : memref<128x64xf32, #tpu.memory_space<vmem>>, vector<1x16xf32>,
        %swap3A_326 = vector.shape_cast %swap3A_325 : vector<1x16xf32> to vector<16xf32>
        %swap3A_327 = vector.shape_cast %get3A_322 : vector<16xf32> to vector<1x16xf32>
        tpu.vector_store %arg10[%swap3A_323, %swap3A_324], %swap3A_327 {strides = array<i32>} : memref<128x64xf32, #tpu.memory_space<vmem>>, vector<1x16xf32>,
        %get3A_328 = arith.index_cast %add3A_309 : i32 to index
        %get3A_329 = arith.constant 32 : index
        %get3A_330 = tpu.vector_load %arg6[%get3A_328, %get3A_329] {strides = array<i32>} : memref<128x128xf32, #tpu.memory_space<vmem>>, vector<1x16xf32>,
        %get3A_331 = vector.shape_cast %get3A_330 : vector<1x16xf32> to vector<16xf32>
        %swap3A_332 = arith.index_cast %add3A_309 : i32 to index
        %swap3A_333 = arith.constant 32 : index
        %swap3A_334 = tpu.vector_load %arg10[%swap3A_332, %swap3A_333] {strides = array<i32>} : memref<128x64xf32, #tpu.memory_space<vmem>>, vector<1x16xf32>,
        %swap3A_335 = vector.shape_cast %swap3A_334 : vector<1x16xf32> to vector<16xf32>
        %swap3A_336 = vector.shape_cast %get3A_331 : vector<16xf32> to vector<1x16xf32>
        tpu.vector_store %arg10[%swap3A_332, %swap3A_333], %swap3A_336 {strides = array<i32>} : memref<128x64xf32, #tpu.memory_space<vmem>>, vector<1x16xf32>,
        %get3A_337 = arith.index_cast %add3A_309 : i32 to index
        %get3A_338 = arith.constant 48 : index
        %get3A_339 = tpu.vector_load %arg6[%get3A_337, %get3A_338] {strides = array<i32>} : memref<128x128xf32, #tpu.memory_space<vmem>>, vector<1x16xf32>,
        %get3A_340 = vector.shape_cast %get3A_339 : vector<1x16xf32> to vector<16xf32>
        %swap3A_341 = arith.index_cast %add3A_309 : i32 to index
        %swap3A_342 = arith.constant 48 : index
        %swap3A_343 = tpu.vector_load %arg10[%swap3A_341, %swap3A_342] {strides = array<i32>} : memref<128x64xf32, #tpu.memory_space<vmem>>, vector<1x16xf32>,
        %swap3A_344 = vector.shape_cast %swap3A_343 : vector<1x16xf32> to vector<16xf32>
        %swap3A_345 = vector.shape_cast %get3A_340 : vector<16xf32> to vector<1x16xf32>
        tpu.vector_store %arg10[%swap3A_341, %swap3A_342], %swap3A_345 {strides = array<i32>} : memref<128x64xf32, #tpu.memory_space<vmem>>, vector<1x16xf32>,
        %mul3A_346 = arith.constant 16 : i32
        %mul3A_347 = arith.muli %scan3A_186, %mul3A_346 : i32
        %add3A_348 = arith.constant 4 : i32
        %add3A_349 = arith.addi %mul3A_347, %add3A_348 : i32
        %get3A_350 = arith.index_cast %add3A_349 : i32 to index
        %get3A_351 = arith.constant 0 : index
        %get3A_352 = tpu.vector_load %arg6[%get3A_350, %get3A_351] {strides = array<i32>} : memref<128x128xf32, #tpu.memory_space<vmem>>, vector<1x16xf32>,
        %get3A_353 = vector.shape_cast %get3A_352 : vector<1x16xf32> to vector<16xf32>
        %swap3A_354 = arith.index_cast %add3A_349 : i32 to index
        %swap3A_355 = arith.constant 0 : index
        %swap3A_356 = tpu.vector_load %arg10[%swap3A_354, %swap3A_355] {strides = array<i32>} : memref<128x64xf32, #tpu.memory_space<vmem>>, vector<1x16xf32>,
        %swap3A_357 = vector.shape_cast %swap3A_356 : vector<1x16xf32> to vector<16xf32>
        %swap3A_358 = vector.shape_cast %get3A_353 : vector<16xf32> to vector<1x16xf32>
        tpu.vector_store %arg10[%swap3A_354, %swap3A_355], %swap3A_358 {strides = array<i32>} : memref<128x64xf32, #tpu.memory_space<vmem>>, vector<1x16xf32>,
        %get3A_359 = arith.index_cast %add3A_349 : i32 to index
        %get3A_360 = arith.constant 16 : index
        %get3A_361 = tpu.vector_load %arg6[%get3A_359, %get3A_360] {strides = array<i32>} : memref<128x128xf32, #tpu.memory_space<vmem>>, vector<1x16xf32>,
        %get3A_362 = vector.shape_cast %get3A_361 : vector<1x16xf32> to vector<16xf32>
        %swap3A_363 = arith.index_cast %add3A_349 : i32 to index
        %swap3A_364 = arith.constant 16 : index
        %swap3A_365 = tpu.vector_load %arg10[%swap3A_363, %swap3A_364] {strides = array<i32>} : memref<128x64xf32, #tpu.memory_space<vmem>>, vector<1x16xf32>,
        %swap3A_366 = vector.shape_cast %swap3A_365 : vector<1x16xf32> to vector<16xf32>
        %swap3A_367 = vector.shape_cast %get3A_362 : vector<16xf32> to vector<1x16xf32>
        tpu.vector_store %arg10[%swap3A_363, %swap3A_364], %swap3A_367 {strides = array<i32>} : memref<128x64xf32, #tpu.memory_space<vmem>>, vector<1x16xf32>,
        %get3A_368 = arith.index_cast %add3A_349 : i32 to index
        %get3A_369 = arith.constant 32 : index
        %get3A_370 = tpu.vector_load %arg6[%get3A_368, %get3A_369] {strides = array<i32>} : memref<128x128xf32, #tpu.memory_space<vmem>>, vector<1x16xf32>,
        %get3A_371 = vector.shape_cast %get3A_370 : vector<1x16xf32> to vector<16xf32>
        %swap3A_372 = arith.index_cast %add3A_349 : i32 to index
        %swap3A_373 = arith.constant 32 : index
        %swap3A_374 = tpu.vector_load %arg10[%swap3A_372, %swap3A_373] {strides = array<i32>} : memref<128x64xf32, #tpu.memory_space<vmem>>, vector<1x16xf32>,
        %swap3A_375 = vector.shape_cast %swap3A_374 : vector<1x16xf32> to vector<16xf32>
        %swap3A_376 = vector.shape_cast %get3A_371 : vector<16xf32> to vector<1x16xf32>
        tpu.vector_store %arg10[%swap3A_372, %swap3A_373], %swap3A_376 {strides = array<i32>} : memref<128x64xf32, #tpu.memory_space<vmem>>, vector<1x16xf32>,
        %get3A_377 = arith.index_cast %add3A_349 : i32 to index
        %get3A_378 = arith.constant 48 : index
        %get3A_379 = tpu.vector_load %arg6[%get3A_377, %get3A_378] {strides = array<i32>} : memref<128x128xf32, #tpu.memory_space<vmem>>, vector<1x16xf32>,
        %get3A_380 = vector.shape_cast %get3A_379 : vector<1x16xf32> to vector<16xf32>
        %swap3A_381 = arith.index_cast %add3A_349 : i32 to index
        %swap3A_382 = arith.constant 48 : index
        %swap3A_383 = tpu.vector_load %arg10[%swap3A_381, %swap3A_382] {strides = array<i32>} : memref<128x64xf32, #tpu.memory_space<vmem>>, vector<1x16xf32>,
        %swap3A_384 = vector.shape_cast %swap3A_383 : vector<1x16xf32> to vector<16xf32>
        %swap3A_385 = vector.shape_cast %get3A_380 : vector<16xf32> to vector<1x16xf32>
        tpu.vector_store %arg10[%swap3A_381, %swap3A_382], %swap3A_385 {strides = array<i32>} : memref<128x64xf32, #tpu.memory_space<vmem>>, vector<1x16xf32>,
        %mul3A_386 = arith.constant 16 : i32
        %mul3A_387 = arith.muli %scan3A_186, %mul3A_386 : i32
        %add3A_388 = arith.constant 5 : i32
        %add3A_389 = arith.addi %mul3A_387, %add3A_388 : i32
        %get3A_390 = arith.index_cast %add3A_389 : i32 to index
        %get3A_391 = arith.constant 0 : index
        %get3A_392 = tpu.vector_load %arg6[%get3A_390, %get3A_391] {strides = array<i32>} : memref<128x128xf32, #tpu.memory_space<vmem>>, vector<1x16xf32>,
        %get3A_393 = vector.shape_cast %get3A_392 : vector<1x16xf32> to vector<16xf32>
        %swap3A_394 = arith.index_cast %add3A_389 : i32 to index
        %swap3A_395 = arith.constant 0 : index
        %swap3A_396 = tpu.vector_load %arg10[%swap3A_394, %swap3A_395] {strides = array<i32>} : memref<128x64xf32, #tpu.memory_space<vmem>>, vector<1x16xf32>,
        %swap3A_397 = vector.shape_cast %swap3A_396 : vector<1x16xf32> to vector<16xf32>
        %swap3A_398 = vector.shape_cast %get3A_393 : vector<16xf32> to vector<1x16xf32>
        tpu.vector_store %arg10[%swap3A_394, %swap3A_395], %swap3A_398 {strides = array<i32>} : memref<128x64xf32, #tpu.memory_space<vmem>>, vector<1x16xf32>,
        %get3A_399 = arith.index_cast %add3A_389 : i32 to index
        %get3A_400 = arith.constant 16 : index
        %get3A_401 = tpu.vector_load %arg6[%get3A_399, %get3A_400] {strides = array<i32>} : memref<128x128xf32, #tpu.memory_space<vmem>>, vector<1x16xf32>,
        %get3A_402 = vector.shape_cast %get3A_401 : vector<1x16xf32> to vector<16xf32>
        %swap3A_403 = arith.index_cast %add3A_389 : i32 to index
        %swap3A_404 = arith.constant 16 : index
        %swap3A_405 = tpu.vector_load %arg10[%swap3A_403, %swap3A_404] {strides = array<i32>} : memref<128x64xf32, #tpu.memory_space<vmem>>, vector<1x16xf32>,
        %swap3A_406 = vector.shape_cast %swap3A_405 : vector<1x16xf32> to vector<16xf32>
        %swap3A_407 = vector.shape_cast %get3A_402 : vector<16xf32> to vector<1x16xf32>
        tpu.vector_store %arg10[%swap3A_403, %swap3A_404], %swap3A_407 {strides = array<i32>} : memref<128x64xf32, #tpu.memory_space<vmem>>, vector<1x16xf32>,
        %get3A_408 = arith.index_cast %add3A_389 : i32 to index
        %get3A_409 = arith.constant 32 : index
        %get3A_410 = tpu.vector_load %arg6[%get3A_408, %get3A_409] {strides = array<i32>} : memref<128x128xf32, #tpu.memory_space<vmem>>, vector<1x16xf32>,
        %get3A_411 = vector.shape_cast %get3A_410 : vector<1x16xf32> to vector<16xf32>
        %swap3A_412 = arith.index_cast %add3A_389 : i32 to index
        %swap3A_413 = arith.constant 32 : index
        %swap3A_414 = tpu.vector_load %arg10[%swap3A_412, %swap3A_413] {strides = array<i32>} : memref<128x64xf32, #tpu.memory_space<vmem>>, vector<1x16xf32>,
        %swap3A_415 = vector.shape_cast %swap3A_414 : vector<1x16xf32> to vector<16xf32>
        %swap3A_416 = vector.shape_cast %get3A_411 : vector<16xf32> to vector<1x16xf32>
        tpu.vector_store %arg10[%swap3A_412, %swap3A_413], %swap3A_416 {strides = array<i32>} : memref<128x64xf32, #tpu.memory_space<vmem>>, vector<1x16xf32>,
        %get3A_417 = arith.index_cast %add3A_389 : i32 to index
        %get3A_418 = arith.constant 48 : index
        %get3A_419 = tpu.vector_load %arg6[%get3A_417, %get3A_418] {strides = array<i32>} : memref<128x128xf32, #tpu.memory_space<vmem>>, vector<1x16xf32>,
        %get3A_420 = vector.shape_cast %get3A_419 : vector<1x16xf32> to vector<16xf32>
        %swap3A_421 = arith.index_cast %add3A_389 : i32 to index
        %swap3A_422 = arith.constant 48 : index
        %swap3A_423 = tpu.vector_load %arg10[%swap3A_421, %swap3A_422] {strides = array<i32>} : memref<128x64xf32, #tpu.memory_space<vmem>>, vector<1x16xf32>,
        %swap3A_424 = vector.shape_cast %swap3A_423 : vector<1x16xf32> to vector<16xf32>
        %swap3A_425 = vector.shape_cast %get3A_420 : vector<16xf32> to vector<1x16xf32>
        tpu.vector_store %arg10[%swap3A_421, %swap3A_422], %swap3A_425 {strides = array<i32>} : memref<128x64xf32, #tpu.memory_space<vmem>>, vector<1x16xf32>,
        %mul3A_426 = arith.constant 16 : i32
        %mul3A_427 = arith.muli %scan3A_186, %mul3A_426 : i32
        %add3A_428 = arith.constant 6 : i32
        %add3A_429 = arith.addi %mul3A_427, %add3A_428 : i32
        %get3A_430 = arith.index_cast %add3A_429 : i32 to index
        %get3A_431 = arith.constant 0 : index
        %get3A_432 = tpu.vector_load %arg6[%get3A_430, %get3A_431] {strides = array<i32>} : memref<128x128xf32, #tpu.memory_space<vmem>>, vector<1x16xf32>,
        %get3A_433 = vector.shape_cast %get3A_432 : vector<1x16xf32> to vector<16xf32>
        %swap3A_434 = arith.index_cast %add3A_429 : i32 to index
        %swap3A_435 = arith.constant 0 : index
        %swap3A_436 = tpu.vector_load %arg10[%swap3A_434, %swap3A_435] {strides = array<i32>} : memref<128x64xf32, #tpu.memory_space<vmem>>, vector<1x16xf32>,
        %swap3A_437 = vector.shape_cast %swap3A_436 : vector<1x16xf32> to vector<16xf32>
        %swap3A_438 = vector.shape_cast %get3A_433 : vector<16xf32> to vector<1x16xf32>
        tpu.vector_store %arg10[%swap3A_434, %swap3A_435], %swap3A_438 {strides = array<i32>} : memref<128x64xf32, #tpu.memory_space<vmem>>, vector<1x16xf32>,
        %get3A_439 = arith.index_cast %add3A_429 : i32 to index
        %get3A_440 = arith.constant 16 : index
        %get3A_441 = tpu.vector_load %arg6[%get3A_439, %get3A_440] {strides = array<i32>} : memref<128x128xf32, #tpu.memory_space<vmem>>, vector<1x16xf32>,
        %get3A_442 = vector.shape_cast %get3A_441 : vector<1x16xf32> to vector<16xf32>
        %swap3A_443 = arith.index_cast %add3A_429 : i32 to index
        %swap3A_444 = arith.constant 16 : index
        %swap3A_445 = tpu.vector_load %arg10[%swap3A_443, %swap3A_444] {strides = array<i32>} : memref<128x64xf32, #tpu.memory_space<vmem>>, vector<1x16xf32>,
        %swap3A_446 = vector.shape_cast %swap3A_445 : vector<1x16xf32> to vector<16xf32>
        %swap3A_447 = vector.shape_cast %get3A_442 : vector<16xf32> to vector<1x16xf32>
        tpu.vector_store %arg10[%swap3A_443, %swap3A_444], %swap3A_447 {strides = array<i32>} : memref<128x64xf32, #tpu.memory_space<vmem>>, vector<1x16xf32>,
        %get3A_448 = arith.index_cast %add3A_429 : i32 to index
        %get3A_449 = arith.constant 32 : index
        %get3A_450 = tpu.vector_load %arg6[%get3A_448, %get3A_449] {strides = array<i32>} : memref<128x128xf32, #tpu.memory_space<vmem>>, vector<1x16xf32>,
        %get3A_451 = vector.shape_cast %get3A_450 : vector<1x16xf32> to vector<16xf32>
        %swap3A_452 = arith.index_cast %add3A_429 : i32 to index
        %swap3A_453 = arith.constant 32 : index
        %swap3A_454 = tpu.vector_load %arg10[%swap3A_452, %swap3A_453] {strides = array<i32>} : memref<128x64xf32, #tpu.memory_space<vmem>>, vector<1x16xf32>,
        %swap3A_455 = vector.shape_cast %swap3A_454 : vector<1x16xf32> to vector<16xf32>
        %swap3A_456 = vector.shape_cast %get3A_451 : vector<16xf32> to vector<1x16xf32>
        tpu.vector_store %arg10[%swap3A_452, %swap3A_453], %swap3A_456 {strides = array<i32>} : memref<128x64xf32, #tpu.memory_space<vmem>>, vector<1x16xf32>,
        %get3A_457 = arith.index_cast %add3A_429 : i32 to index
        %get3A_458 = arith.constant 48 : index
        %get3A_459 = tpu.vector_load %arg6[%get3A_457, %get3A_458] {strides = array<i32>} : memref<128x128xf32, #tpu.memory_space<vmem>>, vector<1x16xf32>,
        %get3A_460 = vector.shape_cast %get3A_459 : vector<1x16xf32> to vector<16xf32>
        %swap3A_461 = arith.index_cast %add3A_429 : i32 to index
        %swap3A_462 = arith.constant 48 : index
        %swap3A_463 = tpu.vector_load %arg10[%swap3A_461, %swap3A_462] {strides = array<i32>} : memref<128x64xf32, #tpu.memory_space<vmem>>, vector<1x16xf32>,
        %swap3A_464 = vector.shape_cast %swap3A_463 : vector<1x16xf32> to vector<16xf32>
        %swap3A_465 = vector.shape_cast %get3A_460 : vector<16xf32> to vector<1x16xf32>
        tpu.vector_store %arg10[%swap3A_461, %swap3A_462], %swap3A_465 {strides = array<i32>} : memref<128x64xf32, #tpu.memory_space<vmem>>, vector<1x16xf32>,
        %mul3A_466 = arith.constant 16 : i32
        %mul3A_467 = arith.muli %scan3A_186, %mul3A_466 : i32
        %add3A_468 = arith.constant 7 : i32
        %add3A_469 = arith.addi %mul3A_467, %add3A_468 : i32
        %get3A_470 = arith.index_cast %add3A_469 : i32 to index
        %get3A_471 = arith.constant 0 : index
        %get3A_472 = tpu.vector_load %arg6[%get3A_470, %get3A_471] {strides = array<i32>} : memref<128x128xf32, #tpu.memory_space<vmem>>, vector<1x16xf32>,
        %get3A_473 = vector.shape_cast %get3A_472 : vector<1x16xf32> to vector<16xf32>
        %swap3A_474 = arith.index_cast %add3A_469 : i32 to index
        %swap3A_475 = arith.constant 0 : index
        %swap3A_476 = tpu.vector_load %arg10[%swap3A_474, %swap3A_475] {strides = array<i32>} : memref<128x64xf32, #tpu.memory_space<vmem>>, vector<1x16xf32>,
        %swap3A_477 = vector.shape_cast %swap3A_476 : vector<1x16xf32> to vector<16xf32>
        %swap3A_478 = vector.shape_cast %get3A_473 : vector<16xf32> to vector<1x16xf32>
        tpu.vector_store %arg10[%swap3A_474, %swap3A_475], %swap3A_478 {strides = array<i32>} : memref<128x64xf32, #tpu.memory_space<vmem>>, vector<1x16xf32>,
        %get3A_479 = arith.index_cast %add3A_469 : i32 to index
        %get3A_480 = arith.constant 16 : index
        %get3A_481 = tpu.vector_load %arg6[%get3A_479, %get3A_480] {strides = array<i32>} : memref<128x128xf32, #tpu.memory_space<vmem>>, vector<1x16xf32>,
        %get3A_482 = vector.shape_cast %get3A_481 : vector<1x16xf32> to vector<16xf32>
        %swap3A_483 = arith.index_cast %add3A_469 : i32 to index
        %swap3A_484 = arith.constant 16 : index
        %swap3A_485 = tpu.vector_load %arg10[%swap3A_483, %swap3A_484] {strides = array<i32>} : memref<128x64xf32, #tpu.memory_space<vmem>>, vector<1x16xf32>,
        %swap3A_486 = vector.shape_cast %swap3A_485 : vector<1x16xf32> to vector<16xf32>
        %swap3A_487 = vector.shape_cast %get3A_482 : vector<16xf32> to vector<1x16xf32>
        tpu.vector_store %arg10[%swap3A_483, %swap3A_484], %swap3A_487 {strides = array<i32>} : memref<128x64xf32, #tpu.memory_space<vmem>>, vector<1x16xf32>,
        %get3A_488 = arith.index_cast %add3A_469 : i32 to index
        %get3A_489 = arith.constant 32 : index
        %get3A_490 = tpu.vector_load %arg6[%get3A_488, %get3A_489] {strides = array<i32>} : memref<128x128xf32, #tpu.memory_space<vmem>>, vector<1x16xf32>,
        %get3A_491 = vector.shape_cast %get3A_490 : vector<1x16xf32> to vector<16xf32>
        %swap3A_492 = arith.index_cast %add3A_469 : i32 to index
        %swap3A_493 = arith.constant 32 : index
        %swap3A_494 = tpu.vector_load %arg10[%swap3A_492, %swap3A_493] {strides = array<i32>} : memref<128x64xf32, #tpu.memory_space<vmem>>, vector<1x16xf32>,
        %swap3A_495 = vector.shape_cast %swap3A_494 : vector<1x16xf32> to vector<16xf32>
        %swap3A_496 = vector.shape_cast %get3A_491 : vector<16xf32> to vector<1x16xf32>
        tpu.vector_store %arg10[%swap3A_492, %swap3A_493], %swap3A_496 {strides = array<i32>} : memref<128x64xf32, #tpu.memory_space<vmem>>, vector<1x16xf32>,
        %get3A_497 = arith.index_cast %add3A_469 : i32 to index
        %get3A_498 = arith.constant 48 : index
        %get3A_499 = tpu.vector_load %arg6[%get3A_497, %get3A_498] {strides = array<i32>} : memref<128x128xf32, #tpu.memory_space<vmem>>, vector<1x16xf32>,
        %get3A_500 = vector.shape_cast %get3A_499 : vector<1x16xf32> to vector<16xf32>
        %swap3A_501 = arith.index_cast %add3A_469 : i32 to index
        %swap3A_502 = arith.constant 48 : index
        %swap3A_503 = tpu.vector_load %arg10[%swap3A_501, %swap3A_502] {strides = array<i32>} : memref<128x64xf32, #tpu.memory_space<vmem>>, vector<1x16xf32>,
        %swap3A_504 = vector.shape_cast %swap3A_503 : vector<1x16xf32> to vector<16xf32>
        %swap3A_505 = vector.shape_cast %get3A_500 : vector<16xf32> to vector<1x16xf32>
        tpu.vector_store %arg10[%swap3A_501, %swap3A_502], %swap3A_505 {strides = array<i32>} : memref<128x64xf32, #tpu.memory_space<vmem>>, vector<1x16xf32>,
        %mul3A_506 = arith.constant 16 : i32
        %mul3A_507 = arith.muli %scan3A_186, %mul3A_506 : i32
        %add3A_508 = arith.constant 8 : i32
        %add3A_509 = arith.addi %mul3A_507, %add3A_508 : i32
        %get3A_510 = arith.index_cast %add3A_509 : i32 to index
        %get3A_511 = arith.constant 0 : index
        %get3A_512 = tpu.vector_load %arg6[%get3A_510, %get3A_511] {strides = array<i32>} : memref<128x128xf32, #tpu.memory_space<vmem>>, vector<1x16xf32>,
        %get3A_513 = vector.shape_cast %get3A_512 : vector<1x16xf32> to vector<16xf32>
        %swap3A_514 = arith.index_cast %add3A_509 : i32 to index
        %swap3A_515 = arith.constant 0 : index
        %swap3A_516 = tpu.vector_load %arg10[%swap3A_514, %swap3A_515] {strides = array<i32>} : memref<128x64xf32, #tpu.memory_space<vmem>>, vector<1x16xf32>,
        %swap3A_517 = vector.shape_cast %swap3A_516 : vector<1x16xf32> to vector<16xf32>
        %swap3A_518 = vector.shape_cast %get3A_513 : vector<16xf32> to vector<1x16xf32>
        tpu.vector_store %arg10[%swap3A_514, %swap3A_515], %swap3A_518 {strides = array<i32>} : memref<128x64xf32, #tpu.memory_space<vmem>>, vector<1x16xf32>,
        %get3A_519 = arith.index_cast %add3A_509 : i32 to index
        %get3A_520 = arith.constant 16 : index
        %get3A_521 = tpu.vector_load %arg6[%get3A_519, %get3A_520] {strides = array<i32>} : memref<128x128xf32, #tpu.memory_space<vmem>>, vector<1x16xf32>,
        %get3A_522 = vector.shape_cast %get3A_521 : vector<1x16xf32> to vector<16xf32>
        %swap3A_523 = arith.index_cast %add3A_509 : i32 to index
        %swap3A_524 = arith.constant 16 : index
        %swap3A_525 = tpu.vector_load %arg10[%swap3A_523, %swap3A_524] {strides = array<i32>} : memref<128x64xf32, #tpu.memory_space<vmem>>, vector<1x16xf32>,
        %swap3A_526 = vector.shape_cast %swap3A_525 : vector<1x16xf32> to vector<16xf32>
        %swap3A_527 = vector.shape_cast %get3A_522 : vector<16xf32> to vector<1x16xf32>
        tpu.vector_store %arg10[%swap3A_523, %swap3A_524], %swap3A_527 {strides = array<i32>} : memref<128x64xf32, #tpu.memory_space<vmem>>, vector<1x16xf32>,
        %get3A_528 = arith.index_cast %add3A_509 : i32 to index
        %get3A_529 = arith.constant 32 : index
        %get3A_530 = tpu.vector_load %arg6[%get3A_528, %get3A_529] {strides = array<i32>} : memref<128x128xf32, #tpu.memory_space<vmem>>, vector<1x16xf32>,
        %get3A_531 = vector.shape_cast %get3A_530 : vector<1x16xf32> to vector<16xf32>
        %swap3A_532 = arith.index_cast %add3A_509 : i32 to index
        %swap3A_533 = arith.constant 32 : index
        %swap3A_534 = tpu.vector_load %arg10[%swap3A_532, %swap3A_533] {strides = array<i32>} : memref<128x64xf32, #tpu.memory_space<vmem>>, vector<1x16xf32>,
        %swap3A_535 = vector.shape_cast %swap3A_534 : vector<1x16xf32> to vector<16xf32>
        %swap3A_536 = vector.shape_cast %get3A_531 : vector<16xf32> to vector<1x16xf32>
        tpu.vector_store %arg10[%swap3A_532, %swap3A_533], %swap3A_536 {strides = array<i32>} : memref<128x64xf32, #tpu.memory_space<vmem>>, vector<1x16xf32>,
        %get3A_537 = arith.index_cast %add3A_509 : i32 to index
        %get3A_538 = arith.constant 48 : index
        %get3A_539 = tpu.vector_load %arg6[%get3A_537, %get3A_538] {strides = array<i32>} : memref<128x128xf32, #tpu.memory_space<vmem>>, vector<1x16xf32>,
        %get3A_540 = vector.shape_cast %get3A_539 : vector<1x16xf32> to vector<16xf32>
        %swap3A_541 = arith.index_cast %add3A_509 : i32 to index
        %swap3A_542 = arith.constant 48 : index
        %swap3A_543 = tpu.vector_load %arg10[%swap3A_541, %swap3A_542] {strides = array<i32>} : memref<128x64xf32, #tpu.memory_space<vmem>>, vector<1x16xf32>,
        %swap3A_544 = vector.shape_cast %swap3A_543 : vector<1x16xf32> to vector<16xf32>
        %swap3A_545 = vector.shape_cast %get3A_540 : vector<16xf32> to vector<1x16xf32>
        tpu.vector_store %arg10[%swap3A_541, %swap3A_542], %swap3A_545 {strides = array<i32>} : memref<128x64xf32, #tpu.memory_space<vmem>>, vector<1x16xf32>,
        %mul3A_546 = arith.constant 16 : i32
        %mul3A_547 = arith.muli %scan3A_186, %mul3A_546 : i32
        %add3A_548 = arith.constant 9 : i32
        %add3A_549 = arith.addi %mul3A_547, %add3A_548 : i32
        %get3A_550 = arith.index_cast %add3A_549 : i32 to index
        %get3A_551 = arith.constant 0 : index
        %get3A_552 = tpu.vector_load %arg6[%get3A_550, %get3A_551] {strides = array<i32>} : memref<128x128xf32, #tpu.memory_space<vmem>>, vector<1x16xf32>,
        %get3A_553 = vector.shape_cast %get3A_552 : vector<1x16xf32> to vector<16xf32>
        %swap3A_554 = arith.index_cast %add3A_549 : i32 to index
        %swap3A_555 = arith.constant 0 : index
        %swap3A_556 = tpu.vector_load %arg10[%swap3A_554, %swap3A_555] {strides = array<i32>} : memref<128x64xf32, #tpu.memory_space<vmem>>, vector<1x16xf32>,
        %swap3A_557 = vector.shape_cast %swap3A_556 : vector<1x16xf32> to vector<16xf32>
        %swap3A_558 = vector.shape_cast %get3A_553 : vector<16xf32> to vector<1x16xf32>
        tpu.vector_store %arg10[%swap3A_554, %swap3A_555], %swap3A_558 {strides = array<i32>} : memref<128x64xf32, #tpu.memory_space<vmem>>, vector<1x16xf32>,
        %get3A_559 = arith.index_cast %add3A_549 : i32 to index
        %get3A_560 = arith.constant 16 : index
        %get3A_561 = tpu.vector_load %arg6[%get3A_559, %get3A_560] {strides = array<i32>} : memref<128x128xf32, #tpu.memory_space<vmem>>, vector<1x16xf32>,
        %get3A_562 = vector.shape_cast %get3A_561 : vector<1x16xf32> to vector<16xf32>
        %swap3A_563 = arith.index_cast %add3A_549 : i32 to index
        %swap3A_564 = arith.constant 16 : index
        %swap3A_565 = tpu.vector_load %arg10[%swap3A_563, %swap3A_564] {strides = array<i32>} : memref<128x64xf32, #tpu.memory_space<vmem>>, vector<1x16xf32>,
        %swap3A_566 = vector.shape_cast %swap3A_565 : vector<1x16xf32> to vector<16xf32>
        %swap3A_567 = vector.shape_cast %get3A_562 : vector<16xf32> to vector<1x16xf32>
        tpu.vector_store %arg10[%swap3A_563, %swap3A_564], %swap3A_567 {strides = array<i32>} : memref<128x64xf32, #tpu.memory_space<vmem>>, vector<1x16xf32>,
        %get3A_568 = arith.index_cast %add3A_549 : i32 to index
        %get3A_569 = arith.constant 32 : index
        %get3A_570 = tpu.vector_load %arg6[%get3A_568, %get3A_569] {strides = array<i32>} : memref<128x128xf32, #tpu.memory_space<vmem>>, vector<1x16xf32>,
        %get3A_571 = vector.shape_cast %get3A_570 : vector<1x16xf32> to vector<16xf32>
        %swap3A_572 = arith.index_cast %add3A_549 : i32 to index
        %swap3A_573 = arith.constant 32 : index
        %swap3A_574 = tpu.vector_load %arg10[%swap3A_572, %swap3A_573] {strides = array<i32>} : memref<128x64xf32, #tpu.memory_space<vmem>>, vector<1x16xf32>,
        %swap3A_575 = vector.shape_cast %swap3A_574 : vector<1x16xf32> to vector<16xf32>
        %swap3A_576 = vector.shape_cast %get3A_571 : vector<16xf32> to vector<1x16xf32>
        tpu.vector_store %arg10[%swap3A_572, %swap3A_573], %swap3A_576 {strides = array<i32>} : memref<128x64xf32, #tpu.memory_space<vmem>>, vector<1x16xf32>,
        %get3A_577 = arith.index_cast %add3A_549 : i32 to index
        %get3A_578 = arith.constant 48 : index
        %get3A_579 = tpu.vector_load %arg6[%get3A_577, %get3A_578] {strides = array<i32>} : memref<128x128xf32, #tpu.memory_space<vmem>>, vector<1x16xf32>,
        %get3A_580 = vector.shape_cast %get3A_579 : vector<1x16xf32> to vector<16xf32>
        %swap3A_581 = arith.index_cast %add3A_549 : i32 to index
        %swap3A_582 = arith.constant 48 : index
        %swap3A_583 = tpu.vector_load %arg10[%swap3A_581, %swap3A_582] {strides = array<i32>} : memref<128x64xf32, #tpu.memory_space<vmem>>, vector<1x16xf32>,
        %swap3A_584 = vector.shape_cast %swap3A_583 : vector<1x16xf32> to vector<16xf32>
        %swap3A_585 = vector.shape_cast %get3A_580 : vector<16xf32> to vector<1x16xf32>
        tpu.vector_store %arg10[%swap3A_581, %swap3A_582], %swap3A_585 {strides = array<i32>} : memref<128x64xf32, #tpu.memory_space<vmem>>, vector<1x16xf32>,
        %mul3A_586 = arith.constant 16 : i32
        %mul3A_587 = arith.muli %scan3A_186, %mul3A_586 : i32
        %add3A_588 = arith.constant 10 : i32
        %add3A_589 = arith.addi %mul3A_587, %add3A_588 : i32
        %get3A_590 = arith.index_cast %add3A_589 : i32 to index
        %get3A_591 = arith.constant 0 : index
        %get3A_592 = tpu.vector_load %arg6[%get3A_590, %get3A_591] {strides = array<i32>} : memref<128x128xf32, #tpu.memory_space<vmem>>, vector<1x16xf32>,
        %get3A_593 = vector.shape_cast %get3A_592 : vector<1x16xf32> to vector<16xf32>
        %swap3A_594 = arith.index_cast %add3A_589 : i32 to index
        %swap3A_595 = arith.constant 0 : index
        %swap3A_596 = tpu.vector_load %arg10[%swap3A_594, %swap3A_595] {strides = array<i32>} : memref<128x64xf32, #tpu.memory_space<vmem>>, vector<1x16xf32>,
        %swap3A_597 = vector.shape_cast %swap3A_596 : vector<1x16xf32> to vector<16xf32>
        %swap3A_598 = vector.shape_cast %get3A_593 : vector<16xf32> to vector<1x16xf32>
        tpu.vector_store %arg10[%swap3A_594, %swap3A_595], %swap3A_598 {strides = array<i32>} : memref<128x64xf32, #tpu.memory_space<vmem>>, vector<1x16xf32>,
        %get3A_599 = arith.index_cast %add3A_589 : i32 to index
        %get3A_600 = arith.constant 16 : index
        %get3A_601 = tpu.vector_load %arg6[%get3A_599, %get3A_600] {strides = array<i32>} : memref<128x128xf32, #tpu.memory_space<vmem>>, vector<1x16xf32>,
        %get3A_602 = vector.shape_cast %get3A_601 : vector<1x16xf32> to vector<16xf32>
        %swap3A_603 = arith.index_cast %add3A_589 : i32 to index
        %swap3A_604 = arith.constant 16 : index
        %swap3A_605 = tpu.vector_load %arg10[%swap3A_603, %swap3A_604] {strides = array<i32>} : memref<128x64xf32, #tpu.memory_space<vmem>>, vector<1x16xf32>,
        %swap3A_606 = vector.shape_cast %swap3A_605 : vector<1x16xf32> to vector<16xf32>
        %swap3A_607 = vector.shape_cast %get3A_602 : vector<16xf32> to vector<1x16xf32>
        tpu.vector_store %arg10[%swap3A_603, %swap3A_604], %swap3A_607 {strides = array<i32>} : memref<128x64xf32, #tpu.memory_space<vmem>>, vector<1x16xf32>,
        %get3A_608 = arith.index_cast %add3A_589 : i32 to index
        %get3A_609 = arith.constant 32 : index
        %get3A_610 = tpu.vector_load %arg6[%get3A_608, %get3A_609] {strides = array<i32>} : memref<128x128xf32, #tpu.memory_space<vmem>>, vector<1x16xf32>,
        %get3A_611 = vector.shape_cast %get3A_610 : vector<1x16xf32> to vector<16xf32>
        %swap3A_612 = arith.index_cast %add3A_589 : i32 to index
        %swap3A_613 = arith.constant 32 : index
        %swap3A_614 = tpu.vector_load %arg10[%swap3A_612, %swap3A_613] {strides = array<i32>} : memref<128x64xf32, #tpu.memory_space<vmem>>, vector<1x16xf32>,
        %swap3A_615 = vector.shape_cast %swap3A_614 : vector<1x16xf32> to vector<16xf32>
        %swap3A_616 = vector.shape_cast %get3A_611 : vector<16xf32> to vector<1x16xf32>
        tpu.vector_store %arg10[%swap3A_612, %swap3A_613], %swap3A_616 {strides = array<i32>} : memref<128x64xf32, #tpu.memory_space<vmem>>, vector<1x16xf32>,
        %get3A_617 = arith.index_cast %add3A_589 : i32 to index
        %get3A_618 = arith.constant 48 : index
        %get3A_619 = tpu.vector_load %arg6[%get3A_617, %get3A_618] {strides = array<i32>} : memref<128x128xf32, #tpu.memory_space<vmem>>, vector<1x16xf32>,
        %get3A_620 = vector.shape_cast %get3A_619 : vector<1x16xf32> to vector<16xf32>
        %swap3A_621 = arith.index_cast %add3A_589 : i32 to index
        %swap3A_622 = arith.constant 48 : index
        %swap3A_623 = tpu.vector_load %arg10[%swap3A_621, %swap3A_622] {strides = array<i32>} : memref<128x64xf32, #tpu.memory_space<vmem>>, vector<1x16xf32>,
        %swap3A_624 = vector.shape_cast %swap3A_623 : vector<1x16xf32> to vector<16xf32>
        %swap3A_625 = vector.shape_cast %get3A_620 : vector<16xf32> to vector<1x16xf32>
        tpu.vector_store %arg10[%swap3A_621, %swap3A_622], %swap3A_625 {strides = array<i32>} : memref<128x64xf32, #tpu.memory_space<vmem>>, vector<1x16xf32>,
        %mul3A_626 = arith.constant 16 : i32
        %mul3A_627 = arith.muli %scan3A_186, %mul3A_626 : i32
        %add3A_628 = arith.constant 11 : i32
        %add3A_629 = arith.addi %mul3A_627, %add3A_628 : i32
        %get3A_630 = arith.index_cast %add3A_629 : i32 to index
        %get3A_631 = arith.constant 0 : index
        %get3A_632 = tpu.vector_load %arg6[%get3A_630, %get3A_631] {strides = array<i32>} : memref<128x128xf32, #tpu.memory_space<vmem>>, vector<1x16xf32>,
        %get3A_633 = vector.shape_cast %get3A_632 : vector<1x16xf32> to vector<16xf32>
        %swap3A_634 = arith.index_cast %add3A_629 : i32 to index
        %swap3A_635 = arith.constant 0 : index
        %swap3A_636 = tpu.vector_load %arg10[%swap3A_634, %swap3A_635] {strides = array<i32>} : memref<128x64xf32, #tpu.memory_space<vmem>>, vector<1x16xf32>,
        %swap3A_637 = vector.shape_cast %swap3A_636 : vector<1x16xf32> to vector<16xf32>
        %swap3A_638 = vector.shape_cast %get3A_633 : vector<16xf32> to vector<1x16xf32>
        tpu.vector_store %arg10[%swap3A_634, %swap3A_635], %swap3A_638 {strides = array<i32>} : memref<128x64xf32, #tpu.memory_space<vmem>>, vector<1x16xf32>,
        %get3A_639 = arith.index_cast %add3A_629 : i32 to index
        %get3A_640 = arith.constant 16 : index
        %get3A_641 = tpu.vector_load %arg6[%get3A_639, %get3A_640] {strides = array<i32>} : memref<128x128xf32, #tpu.memory_space<vmem>>, vector<1x16xf32>,
        %get3A_642 = vector.shape_cast %get3A_641 : vector<1x16xf32> to vector<16xf32>
        %swap3A_643 = arith.index_cast %add3A_629 : i32 to index
        %swap3A_644 = arith.constant 16 : index
        %swap3A_645 = tpu.vector_load %arg10[%swap3A_643, %swap3A_644] {strides = array<i32>} : memref<128x64xf32, #tpu.memory_space<vmem>>, vector<1x16xf32>,
        %swap3A_646 = vector.shape_cast %swap3A_645 : vector<1x16xf32> to vector<16xf32>
        %swap3A_647 = vector.shape_cast %get3A_642 : vector<16xf32> to vector<1x16xf32>
        tpu.vector_store %arg10[%swap3A_643, %swap3A_644], %swap3A_647 {strides = array<i32>} : memref<128x64xf32, #tpu.memory_space<vmem>>, vector<1x16xf32>,
        %get3A_648 = arith.index_cast %add3A_629 : i32 to index
        %get3A_649 = arith.constant 32 : index
        %get3A_650 = tpu.vector_load %arg6[%get3A_648, %get3A_649] {strides = array<i32>} : memref<128x128xf32, #tpu.memory_space<vmem>>, vector<1x16xf32>,
        %get3A_651 = vector.shape_cast %get3A_650 : vector<1x16xf32> to vector<16xf32>
        %swap3A_652 = arith.index_cast %add3A_629 : i32 to index
        %swap3A_653 = arith.constant 32 : index
        %swap3A_654 = tpu.vector_load %arg10[%swap3A_652, %swap3A_653] {strides = array<i32>} : memref<128x64xf32, #tpu.memory_space<vmem>>, vector<1x16xf32>,
        %swap3A_655 = vector.shape_cast %swap3A_654 : vector<1x16xf32> to vector<16xf32>
        %swap3A_656 = vector.shape_cast %get3A_651 : vector<16xf32> to vector<1x16xf32>
        tpu.vector_store %arg10[%swap3A_652, %swap3A_653], %swap3A_656 {strides = array<i32>} : memref<128x64xf32, #tpu.memory_space<vmem>>, vector<1x16xf32>,
        %get3A_657 = arith.index_cast %add3A_629 : i32 to index
        %get3A_658 = arith.constant 48 : index
        %get3A_659 = tpu.vector_load %arg6[%get3A_657, %get3A_658] {strides = array<i32>} : memref<128x128xf32, #tpu.memory_space<vmem>>, vector<1x16xf32>,
        %get3A_660 = vector.shape_cast %get3A_659 : vector<1x16xf32> to vector<16xf32>
        %swap3A_661 = arith.index_cast %add3A_629 : i32 to index
        %swap3A_662 = arith.constant 48 : index
        %swap3A_663 = tpu.vector_load %arg10[%swap3A_661, %swap3A_662] {strides = array<i32>} : memref<128x64xf32, #tpu.memory_space<vmem>>, vector<1x16xf32>,
        %swap3A_664 = vector.shape_cast %swap3A_663 : vector<1x16xf32> to vector<16xf32>
        %swap3A_665 = vector.shape_cast %get3A_660 : vector<16xf32> to vector<1x16xf32>
        tpu.vector_store %arg10[%swap3A_661, %swap3A_662], %swap3A_665 {strides = array<i32>} : memref<128x64xf32, #tpu.memory_space<vmem>>, vector<1x16xf32>,
        %mul3A_666 = arith.constant 16 : i32
        %mul3A_667 = arith.muli %scan3A_186, %mul3A_666 : i32
        %add3A_668 = arith.constant 12 : i32
        %add3A_669 = arith.addi %mul3A_667, %add3A_668 : i32
        %get3A_670 = arith.index_cast %add3A_669 : i32 to index
        %get3A_671 = arith.constant 0 : index
        %get3A_672 = tpu.vector_load %arg6[%get3A_670, %get3A_671] {strides = array<i32>} : memref<128x128xf32, #tpu.memory_space<vmem>>, vector<1x16xf32>,
        %get3A_673 = vector.shape_cast %get3A_672 : vector<1x16xf32> to vector<16xf32>
        %swap3A_674 = arith.index_cast %add3A_669 : i32 to index
        %swap3A_675 = arith.constant 0 : index
        %swap3A_676 = tpu.vector_load %arg10[%swap3A_674, %swap3A_675] {strides = array<i32>} : memref<128x64xf32, #tpu.memory_space<vmem>>, vector<1x16xf32>,
        %swap3A_677 = vector.shape_cast %swap3A_676 : vector<1x16xf32> to vector<16xf32>
        %swap3A_678 = vector.shape_cast %get3A_673 : vector<16xf32> to vector<1x16xf32>
        tpu.vector_store %arg10[%swap3A_674, %swap3A_675], %swap3A_678 {strides = array<i32>} : memref<128x64xf32, #tpu.memory_space<vmem>>, vector<1x16xf32>,
        %get3A_679 = arith.index_cast %add3A_669 : i32 to index
        %get3A_680 = arith.constant 16 : index
        %get3A_681 = tpu.vector_load %arg6[%get3A_679, %get3A_680] {strides = array<i32>} : memref<128x128xf32, #tpu.memory_space<vmem>>, vector<1x16xf32>,
        %get3A_682 = vector.shape_cast %get3A_681 : vector<1x16xf32> to vector<16xf32>
        %swap3A_683 = arith.index_cast %add3A_669 : i32 to index
        %swap3A_684 = arith.constant 16 : index
        %swap3A_685 = tpu.vector_load %arg10[%swap3A_683, %swap3A_684] {strides = array<i32>} : memref<128x64xf32, #tpu.memory_space<vmem>>, vector<1x16xf32>,
        %swap3A_686 = vector.shape_cast %swap3A_685 : vector<1x16xf32> to vector<16xf32>
        %swap3A_687 = vector.shape_cast %get3A_682 : vector<16xf32> to vector<1x16xf32>
        tpu.vector_store %arg10[%swap3A_683, %swap3A_684], %swap3A_687 {strides = array<i32>} : memref<128x64xf32, #tpu.memory_space<vmem>>, vector<1x16xf32>,
        %get3A_688 = arith.index_cast %add3A_669 : i32 to index
        %get3A_689 = arith.constant 32 : index
        %get3A_690 = tpu.vector_load %arg6[%get3A_688, %get3A_689] {strides = array<i32>} : memref<128x128xf32, #tpu.memory_space<vmem>>, vector<1x16xf32>,
        %get3A_691 = vector.shape_cast %get3A_690 : vector<1x16xf32> to vector<16xf32>
        %swap3A_692 = arith.index_cast %add3A_669 : i32 to index
        %swap3A_693 = arith.constant 32 : index
        %swap3A_694 = tpu.vector_load %arg10[%swap3A_692, %swap3A_693] {strides = array<i32>} : memref<128x64xf32, #tpu.memory_space<vmem>>, vector<1x16xf32>,
        %swap3A_695 = vector.shape_cast %swap3A_694 : vector<1x16xf32> to vector<16xf32>
        %swap3A_696 = vector.shape_cast %get3A_691 : vector<16xf32> to vector<1x16xf32>
        tpu.vector_store %arg10[%swap3A_692, %swap3A_693], %swap3A_696 {strides = array<i32>} : memref<128x64xf32, #tpu.memory_space<vmem>>, vector<1x16xf32>,
        %get3A_697 = arith.index_cast %add3A_669 : i32 to index
        %get3A_698 = arith.constant 48 : index
        %get3A_699 = tpu.vector_load %arg6[%get3A_697, %get3A_698] {strides = array<i32>} : memref<128x128xf32, #tpu.memory_space<vmem>>, vector<1x16xf32>,
        %get3A_700 = vector.shape_cast %get3A_699 : vector<1x16xf32> to vector<16xf32>
        %swap3A_701 = arith.index_cast %add3A_669 : i32 to index
        %swap3A_702 = arith.constant 48 : index
        %swap3A_703 = tpu.vector_load %arg10[%swap3A_701, %swap3A_702] {strides = array<i32>} : memref<128x64xf32, #tpu.memory_space<vmem>>, vector<1x16xf32>,
        %swap3A_704 = vector.shape_cast %swap3A_703 : vector<1x16xf32> to vector<16xf32>
        %swap3A_705 = vector.shape_cast %get3A_700 : vector<16xf32> to vector<1x16xf32>
        tpu.vector_store %arg10[%swap3A_701, %swap3A_702], %swap3A_705 {strides = array<i32>} : memref<128x64xf32, #tpu.memory_space<vmem>>, vector<1x16xf32>,
        %mul3A_706 = arith.constant 16 : i32
        %mul3A_707 = arith.muli %scan3A_186, %mul3A_706 : i32
        %add3A_708 = arith.constant 13 : i32
        %add3A_709 = arith.addi %mul3A_707, %add3A_708 : i32
        %get3A_710 = arith.index_cast %add3A_709 : i32 to index
        %get3A_711 = arith.constant 0 : index
        %get3A_712 = tpu.vector_load %arg6[%get3A_710, %get3A_711] {strides = array<i32>} : memref<128x128xf32, #tpu.memory_space<vmem>>, vector<1x16xf32>,
        %get3A_713 = vector.shape_cast %get3A_712 : vector<1x16xf32> to vector<16xf32>
        %swap3A_714 = arith.index_cast %add3A_709 : i32 to index
        %swap3A_715 = arith.constant 0 : index
        %swap3A_716 = tpu.vector_load %arg10[%swap3A_714, %swap3A_715] {strides = array<i32>} : memref<128x64xf32, #tpu.memory_space<vmem>>, vector<1x16xf32>,
        %swap3A_717 = vector.shape_cast %swap3A_716 : vector<1x16xf32> to vector<16xf32>
        %swap3A_718 = vector.shape_cast %get3A_713 : vector<16xf32> to vector<1x16xf32>
        tpu.vector_store %arg10[%swap3A_714, %swap3A_715], %swap3A_718 {strides = array<i32>} : memref<128x64xf32, #tpu.memory_space<vmem>>, vector<1x16xf32>,
        %get3A_719 = arith.index_cast %add3A_709 : i32 to index
        %get3A_720 = arith.constant 16 : index
        %get3A_721 = tpu.vector_load %arg6[%get3A_719, %get3A_720] {strides = array<i32>} : memref<128x128xf32, #tpu.memory_space<vmem>>, vector<1x16xf32>,
        %get3A_722 = vector.shape_cast %get3A_721 : vector<1x16xf32> to vector<16xf32>
        %swap3A_723 = arith.index_cast %add3A_709 : i32 to index
        %swap3A_724 = arith.constant 16 : index
        %swap3A_725 = tpu.vector_load %arg10[%swap3A_723, %swap3A_724] {strides = array<i32>} : memref<128x64xf32, #tpu.memory_space<vmem>>, vector<1x16xf32>,
        %swap3A_726 = vector.shape_cast %swap3A_725 : vector<1x16xf32> to vector<16xf32>
        %swap3A_727 = vector.shape_cast %get3A_722 : vector<16xf32> to vector<1x16xf32>
        tpu.vector_store %arg10[%swap3A_723, %swap3A_724], %swap3A_727 {strides = array<i32>} : memref<128x64xf32, #tpu.memory_space<vmem>>, vector<1x16xf32>,
        %get3A_728 = arith.index_cast %add3A_709 : i32 to index
        %get3A_729 = arith.constant 32 : index
        %get3A_730 = tpu.vector_load %arg6[%get3A_728, %get3A_729] {strides = array<i32>} : memref<128x128xf32, #tpu.memory_space<vmem>>, vector<1x16xf32>,
        %get3A_731 = vector.shape_cast %get3A_730 : vector<1x16xf32> to vector<16xf32>
        %swap3A_732 = arith.index_cast %add3A_709 : i32 to index
        %swap3A_733 = arith.constant 32 : index
        %swap3A_734 = tpu.vector_load %arg10[%swap3A_732, %swap3A_733] {strides = array<i32>} : memref<128x64xf32, #tpu.memory_space<vmem>>, vector<1x16xf32>,
        %swap3A_735 = vector.shape_cast %swap3A_734 : vector<1x16xf32> to vector<16xf32>
        %swap3A_736 = vector.shape_cast %get3A_731 : vector<16xf32> to vector<1x16xf32>
        tpu.vector_store %arg10[%swap3A_732, %swap3A_733], %swap3A_736 {strides = array<i32>} : memref<128x64xf32, #tpu.memory_space<vmem>>, vector<1x16xf32>,
        %get3A_737 = arith.index_cast %add3A_709 : i32 to index
        %get3A_738 = arith.constant 48 : index
        %get3A_739 = tpu.vector_load %arg6[%get3A_737, %get3A_738] {strides = array<i32>} : memref<128x128xf32, #tpu.memory_space<vmem>>, vector<1x16xf32>,
        %get3A_740 = vector.shape_cast %get3A_739 : vector<1x16xf32> to vector<16xf32>
        %swap3A_741 = arith.index_cast %add3A_709 : i32 to index
        %swap3A_742 = arith.constant 48 : index
        %swap3A_743 = tpu.vector_load %arg10[%swap3A_741, %swap3A_742] {strides = array<i32>} : memref<128x64xf32, #tpu.memory_space<vmem>>, vector<1x16xf32>,
        %swap3A_744 = vector.shape_cast %swap3A_743 : vector<1x16xf32> to vector<16xf32>
        %swap3A_745 = vector.shape_cast %get3A_740 : vector<16xf32> to vector<1x16xf32>
        tpu.vector_store %arg10[%swap3A_741, %swap3A_742], %swap3A_745 {strides = array<i32>} : memref<128x64xf32, #tpu.memory_space<vmem>>, vector<1x16xf32>,
        %mul3A_746 = arith.constant 16 : i32
        %mul3A_747 = arith.muli %scan3A_186, %mul3A_746 : i32
        %add3A_748 = arith.constant 14 : i32
        %add3A_749 = arith.addi %mul3A_747, %add3A_748 : i32
        %get3A_750 = arith.index_cast %add3A_749 : i32 to index
        %get3A_751 = arith.constant 0 : index
        %get3A_752 = tpu.vector_load %arg6[%get3A_750, %get3A_751] {strides = array<i32>} : memref<128x128xf32, #tpu.memory_space<vmem>>, vector<1x16xf32>,
        %get3A_753 = vector.shape_cast %get3A_752 : vector<1x16xf32> to vector<16xf32>
        %swap3A_754 = arith.index_cast %add3A_749 : i32 to index
        %swap3A_755 = arith.constant 0 : index
        %swap3A_756 = tpu.vector_load %arg10[%swap3A_754, %swap3A_755] {strides = array<i32>} : memref<128x64xf32, #tpu.memory_space<vmem>>, vector<1x16xf32>,
        %swap3A_757 = vector.shape_cast %swap3A_756 : vector<1x16xf32> to vector<16xf32>
        %swap3A_758 = vector.shape_cast %get3A_753 : vector<16xf32> to vector<1x16xf32>
        tpu.vector_store %arg10[%swap3A_754, %swap3A_755], %swap3A_758 {strides = array<i32>} : memref<128x64xf32, #tpu.memory_space<vmem>>, vector<1x16xf32>,
        %get3A_759 = arith.index_cast %add3A_749 : i32 to index
        %get3A_760 = arith.constant 16 : index
        %get3A_761 = tpu.vector_load %arg6[%get3A_759, %get3A_760] {strides = array<i32>} : memref<128x128xf32, #tpu.memory_space<vmem>>, vector<1x16xf32>,
        %get3A_762 = vector.shape_cast %get3A_761 : vector<1x16xf32> to vector<16xf32>
        %swap3A_763 = arith.index_cast %add3A_749 : i32 to index
        %swap3A_764 = arith.constant 16 : index
        %swap3A_765 = tpu.vector_load %arg10[%swap3A_763, %swap3A_764] {strides = array<i32>} : memref<128x64xf32, #tpu.memory_space<vmem>>, vector<1x16xf32>,
        %swap3A_766 = vector.shape_cast %swap3A_765 : vector<1x16xf32> to vector<16xf32>
        %swap3A_767 = vector.shape_cast %get3A_762 : vector<16xf32> to vector<1x16xf32>
        tpu.vector_store %arg10[%swap3A_763, %swap3A_764], %swap3A_767 {strides = array<i32>} : memref<128x64xf32, #tpu.memory_space<vmem>>, vector<1x16xf32>,
        %get3A_768 = arith.index_cast %add3A_749 : i32 to index
        %get3A_769 = arith.constant 32 : index
        %get3A_770 = tpu.vector_load %arg6[%get3A_768, %get3A_769] {strides = array<i32>} : memref<128x128xf32, #tpu.memory_space<vmem>>, vector<1x16xf32>,
        %get3A_771 = vector.shape_cast %get3A_770 : vector<1x16xf32> to vector<16xf32>
        %swap3A_772 = arith.index_cast %add3A_749 : i32 to index
        %swap3A_773 = arith.constant 32 : index
        %swap3A_774 = tpu.vector_load %arg10[%swap3A_772, %swap3A_773] {strides = array<i32>} : memref<128x64xf32, #tpu.memory_space<vmem>>, vector<1x16xf32>,
        %swap3A_775 = vector.shape_cast %swap3A_774 : vector<1x16xf32> to vector<16xf32>
        %swap3A_776 = vector.shape_cast %get3A_771 : vector<16xf32> to vector<1x16xf32>
        tpu.vector_store %arg10[%swap3A_772, %swap3A_773], %swap3A_776 {strides = array<i32>} : memref<128x64xf32, #tpu.memory_space<vmem>>, vector<1x16xf32>,
        %get3A_777 = arith.index_cast %add3A_749 : i32 to index
        %get3A_778 = arith.constant 48 : index
        %get3A_779 = tpu.vector_load %arg6[%get3A_777, %get3A_778] {strides = array<i32>} : memref<128x128xf32, #tpu.memory_space<vmem>>, vector<1x16xf32>,
        %get3A_780 = vector.shape_cast %get3A_779 : vector<1x16xf32> to vector<16xf32>
        %swap3A_781 = arith.index_cast %add3A_749 : i32 to index
        %swap3A_782 = arith.constant 48 : index
        %swap3A_783 = tpu.vector_load %arg10[%swap3A_781, %swap3A_782] {strides = array<i32>} : memref<128x64xf32, #tpu.memory_space<vmem>>, vector<1x16xf32>,
        %swap3A_784 = vector.shape_cast %swap3A_783 : vector<1x16xf32> to vector<16xf32>
        %swap3A_785 = vector.shape_cast %get3A_780 : vector<16xf32> to vector<1x16xf32>
        tpu.vector_store %arg10[%swap3A_781, %swap3A_782], %swap3A_785 {strides = array<i32>} : memref<128x64xf32, #tpu.memory_space<vmem>>, vector<1x16xf32>,
        %mul3A_786 = arith.constant 16 : i32
        %mul3A_787 = arith.muli %scan3A_186, %mul3A_786 : i32
        %add3A_788 = arith.constant 15 : i32
        %add3A_789 = arith.addi %mul3A_787, %add3A_788 : i32
        %get3A_790 = arith.index_cast %add3A_789 : i32 to index
        %get3A_791 = arith.constant 0 : index
        %get3A_792 = tpu.vector_load %arg6[%get3A_790, %get3A_791] {strides = array<i32>} : memref<128x128xf32, #tpu.memory_space<vmem>>, vector<1x16xf32>,
        %get3A_793 = vector.shape_cast %get3A_792 : vector<1x16xf32> to vector<16xf32>
        %swap3A_794 = arith.index_cast %add3A_789 : i32 to index
        %swap3A_795 = arith.constant 0 : index
        %swap3A_796 = tpu.vector_load %arg10[%swap3A_794, %swap3A_795] {strides = array<i32>} : memref<128x64xf32, #tpu.memory_space<vmem>>, vector<1x16xf32>,
        %swap3A_797 = vector.shape_cast %swap3A_796 : vector<1x16xf32> to vector<16xf32>
        %swap3A_798 = vector.shape_cast %get3A_793 : vector<16xf32> to vector<1x16xf32>
        tpu.vector_store %arg10[%swap3A_794, %swap3A_795], %swap3A_798 {strides = array<i32>} : memref<128x64xf32, #tpu.memory_space<vmem>>, vector<1x16xf32>,
        %get3A_799 = arith.index_cast %add3A_789 : i32 to index
        %get3A_800 = arith.constant 16 : index
        %get3A_801 = tpu.vector_load %arg6[%get3A_799, %get3A_800] {strides = array<i32>} : memref<128x128xf32, #tpu.memory_space<vmem>>, vector<1x16xf32>,
        %get3A_802 = vector.shape_cast %get3A_801 : vector<1x16xf32> to vector<16xf32>
        %swap3A_803 = arith.index_cast %add3A_789 : i32 to index
        %swap3A_804 = arith.constant 16 : index
        %swap3A_805 = tpu.vector_load %arg10[%swap3A_803, %swap3A_804] {strides = array<i32>} : memref<128x64xf32, #tpu.memory_space<vmem>>, vector<1x16xf32>,
        %swap3A_806 = vector.shape_cast %swap3A_805 : vector<1x16xf32> to vector<16xf32>
        %swap3A_807 = vector.shape_cast %get3A_802 : vector<16xf32> to vector<1x16xf32>
        tpu.vector_store %arg10[%swap3A_803, %swap3A_804], %swap3A_807 {strides = array<i32>} : memref<128x64xf32, #tpu.memory_space<vmem>>, vector<1x16xf32>,
        %get3A_808 = arith.index_cast %add3A_789 : i32 to index
        %get3A_809 = arith.constant 32 : index
        %get3A_810 = tpu.vector_load %arg6[%get3A_808, %get3A_809] {strides = array<i32>} : memref<128x128xf32, #tpu.memory_space<vmem>>, vector<1x16xf32>,
        %get3A_811 = vector.shape_cast %get3A_810 : vector<1x16xf32> to vector<16xf32>
        %swap3A_812 = arith.index_cast %add3A_789 : i32 to index
        %swap3A_813 = arith.constant 32 : index
        %swap3A_814 = tpu.vector_load %arg10[%swap3A_812, %swap3A_813] {strides = array<i32>} : memref<128x64xf32, #tpu.memory_space<vmem>>, vector<1x16xf32>,
        %swap3A_815 = vector.shape_cast %swap3A_814 : vector<1x16xf32> to vector<16xf32>
        %swap3A_816 = vector.shape_cast %get3A_811 : vector<16xf32> to vector<1x16xf32>
        tpu.vector_store %arg10[%swap3A_812, %swap3A_813], %swap3A_816 {strides = array<i32>} : memref<128x64xf32, #tpu.memory_space<vmem>>, vector<1x16xf32>,
        %get3A_817 = arith.index_cast %add3A_789 : i32 to index
        %get3A_818 = arith.constant 48 : index
        %get3A_819 = tpu.vector_load %arg6[%get3A_817, %get3A_818] {strides = array<i32>} : memref<128x128xf32, #tpu.memory_space<vmem>>, vector<1x16xf32>,
        %get3A_820 = vector.shape_cast %get3A_819 : vector<1x16xf32> to vector<16xf32>
        %swap3A_821 = arith.index_cast %add3A_789 : i32 to index
        %swap3A_822 = arith.constant 48 : index
        %swap3A_823 = tpu.vector_load %arg10[%swap3A_821, %swap3A_822] {strides = array<i32>} : memref<128x64xf32, #tpu.memory_space<vmem>>, vector<1x16xf32>,
        %swap3A_824 = vector.shape_cast %swap3A_823 : vector<1x16xf32> to vector<16xf32>
        %swap3A_825 = vector.shape_cast %get3A_820 : vector<16xf32> to vector<1x16xf32>
        tpu.vector_store %arg10[%swap3A_821, %swap3A_822], %swap3A_825 {strides = array<i32>} : memref<128x64xf32, #tpu.memory_space<vmem>>, vector<1x16xf32>,
        %scan3A_826 = arith.constant 0 : i32
        scf.yield %scan3A_826 : i32
      }
      %scan3A_63 = arith.constant 8 : i32
      %mul3A_64 = arith.constant 128 : i32
      %mul3A_65 = arith.muli %add3A_41, %mul3A_64 : i32
      %add3A_66 = arith.addi %mul3A_2, %mul3A_65 : i32
      %dma_start3A_67 = arith.constant 0 : i32
      %dma_start3A_68 = tpu.memref_slice %arg4[%add3A_66, %dma_start3A_67] : memref<819200x64xf32, #tpu.memory_space<hbm>> -> memref<128x64xf32, #tpu.memory_space<hbm>>
      %dma_start3A_69 = arith.constant 0 : i32
      %dma_start3A_70 = tpu.memref_slice %arg4[%add3A_66, %dma_start3A_69] : memref<819200x64xf32, #tpu.memory_space<hbm>> -> memref<128x64xf32, #tpu.memory_space<hbm>>
      tpu.enqueue_dma source(%arg10 : memref<128x64xf32, #tpu.memory_space<vmem>>) target(%dma_start3A_70 : memref<128x64xf32, #tpu.memory_space<hbm>>) target_semaphore(%arg16 : memref<!tpu.dma_semaphore, #tpu.memory_space<semaphore_mem>>)
      %mul3A_71 = arith.constant 4 : i32
      %mul3A_72 = arith.muli %scan3A_36, %mul3A_71 : i32
      %add3A_73 = arith.constant 1 : i32
      %add3A_74 = arith.addi %mul3A_72, %add3A_73 : i32
      %dma_wait3A_75 = arith.constant 0 : i32
      %dma_wait3A_76 = arith.constant 0 : i32
      %dma_wait3A_77 = tpu.memref_slice %arg3[%dma_wait3A_75, %dma_wait3A_76] : memref<1000000x128xf32, #tpu.memory_space<hbm>> -> memref<128x128xf32, #tpu.memory_space<hbm>>
      %dma_wait3A_78 = arith.constant 0 : i32
      %dma_wait3A_79 = arith.constant 0 : i32
      %dma_wait3A_80 = tpu.memref_slice %arg3[%dma_wait3A_78, %dma_wait3A_79] : memref<1000000x128xf32, #tpu.memory_space<hbm>> -> memref<128x128xf32, #tpu.memory_space<hbm>>
      tpu.wait_dma2 semaphore(%arg13 : memref<!tpu.dma_semaphore, #tpu.memory_space<semaphore_mem>>) src(%dma_wait3A_80 : memref<128x128xf32, #tpu.memory_space<hbm>>) dst(%arg7 : memref<128x128xf32, #tpu.memory_space<vmem>>)
      %add3A_81 = arith.constant 4 : i32
      %add3A_82 = arith.addi %add3A_74, %add3A_81 : i32
      %sub3A_83 = arith.constant 1 : i32
      %sub3A_84 = arith.subi %add3A_82, %sub3A_83 : i32
      %lt3A_85 = arith.constant 200 : i32
      %lt3A_86 = arith.cmpi slt, %sub3A_84, %lt3A_85 : i32
      %convert_element_type3A_87 = arith.extui %lt3A_86 : i1 to i32
      %cond3A_88 = arith.constant 0 : i32
      %cond3A_89 = arith.cmpi ne, %convert_element_type3A_87, %cond3A_88 : i32
      scf.if %cond3A_89 {
        %add3A_186 = arith.constant 4 : i32
        %add3A_187 = arith.addi %add3A_74, %add3A_186 : i32
        %sub3A_188 = arith.constant 1 : i32
        %sub3A_189 = arith.subi %add3A_187, %sub3A_188 : i32
        %dma_start3A_190 = arith.constant 0 : i32
        %dma_start3A_191 = tpu.memref_slice %arg5[%sub3A_189, %dma_start3A_190] : memref<200x128xi32, #tpu.memory_space<vmem>> -> memref<1x128xi32, #tpu.memory_space<vmem>>
        %dma_start3A_192 = tpu.memref_squeeze %dma_start3A_191 : memref<1x128xi32, #tpu.memory_space<vmem>> -> memref<128xi32, #tpu.memory_space<vmem>>
        %dma_start3A_193 = arith.constant 0 : i32
        %dma_start3A_194 = arith.constant 0 : i32
        %dma_start3A_195 = tpu.memref_slice %arg3[%dma_start3A_193, %dma_start3A_194] : memref<1000000x128xf32, #tpu.memory_space<hbm>> -> memref<1000000x128xf32, #tpu.memory_space<hbm>>
        tpu.enqueue_indirect_dma source(%dma_start3A_195 : memref<1000000x128xf32, #tpu.memory_space<hbm>>) target(%arg6 : memref<128x128xf32, #tpu.memory_space<vmem>>) offsets(%dma_start3A_192 : memref<128xi32, #tpu.memory_space<vmem>>) semaphore(%arg12 : memref<!tpu.dma_semaphore, #tpu.memory_space<semaphore_mem>>)
      } else {
      }
      %ge3A_90 = arith.constant 2 : i32
      %ge3A_91 = arith.cmpi sge, %add3A_74, %ge3A_90 : i32
      %convert_element_type3A_92 = arith.extui %ge3A_91 : i1 to i32
      %cond3A_93 = arith.constant 0 : i32
      %cond3A_94 = arith.cmpi ne, %convert_element_type3A_92, %cond3A_93 : i32
      scf.if %cond3A_94 {
        %dma_wait3A_186 = arith.constant 0 : i32
        %dma_wait3A_187 = tpu.memref_slice %arg4[%mul3A_2, %dma_wait3A_186] : memref<819200x64xf32, #tpu.memory_space<hbm>> -> memref<128x64xf32, #tpu.memory_space<hbm>>
        %dma_wait3A_188 = arith.constant 0 : i32
        %dma_wait3A_189 = tpu.memref_slice %arg4[%mul3A_2, %dma_wait3A_188] : memref<819200x64xf32, #tpu.memory_space<hbm>> -> memref<128x64xf32, #tpu.memory_space<hbm>>
        tpu.wait_dma2 semaphore(%arg17 : memref<!tpu.dma_semaphore, #tpu.memory_space<semaphore_mem>>) src(%arg11 : memref<128x64xf32, #tpu.memory_space<vmem>>) dst(%dma_wait3A_189 : memref<128x64xf32, #tpu.memory_space<hbm>>)
      } else {
      }
      %scan3A_95 = arith.constant 0 : i32
      %scan3A_96 = arith.constant 0 : i32
      %scan3A_97 = arith.constant 8 : i32
      %scan3A_98 = arith.addi %scan3A_96, %scan3A_97 : i32
      %scan3A_99 = arith.constant 1 : i32
      %scan3A_100 = scf.for %scan3A_186 = %scan3A_96 to %scan3A_98 step %scan3A_99 iter_args(%scan3A_187 = %scan3A_95) -> (i32)  : i32 {
        %mul3A_188 = arith.constant 16 : i32
        %mul3A_189 = arith.muli %scan3A_186, %mul3A_188 : i32
        %add3A_190 = arith.constant 0 : i32
        %add3A_191 = arith.addi %mul3A_189, %add3A_190 : i32
        %get3A = arith.index_cast %add3A_191 : i32 to index
        %get3A_192 = arith.constant 0 : index
        %get3A_193 = tpu.vector_load %arg7[%get3A, %get3A_192] {strides = array<i32>} : memref<128x128xf32, #tpu.memory_space<vmem>>, vector<1x16xf32>,
        %get3A_194 = vector.shape_cast %get3A_193 : vector<1x16xf32> to vector<16xf32>
        %swap3A = arith.index_cast %add3A_191 : i32 to index
        %swap3A_195 = arith.constant 0 : index
        %swap3A_196 = tpu.vector_load %arg11[%swap3A, %swap3A_195] {strides = array<i32>} : memref<128x64xf32, #tpu.memory_space<vmem>>, vector<1x16xf32>,
        %swap3A_197 = vector.shape_cast %swap3A_196 : vector<1x16xf32> to vector<16xf32>
        %swap3A_198 = vector.shape_cast %get3A_194 : vector<16xf32> to vector<1x16xf32>
        tpu.vector_store %arg11[%swap3A, %swap3A_195], %swap3A_198 {strides = array<i32>} : memref<128x64xf32, #tpu.memory_space<vmem>>, vector<1x16xf32>,
        %get3A_199 = arith.index_cast %add3A_191 : i32 to index
        %get3A_200 = arith.constant 16 : index
        %get3A_201 = tpu.vector_load %arg7[%get3A_199, %get3A_200] {strides = array<i32>} : memref<128x128xf32, #tpu.memory_space<vmem>>, vector<1x16xf32>,
        %get3A_202 = vector.shape_cast %get3A_201 : vector<1x16xf32> to vector<16xf32>
        %swap3A_203 = arith.index_cast %add3A_191 : i32 to index
        %swap3A_204 = arith.constant 16 : index
        %swap3A_205 = tpu.vector_load %arg11[%swap3A_203, %swap3A_204] {strides = array<i32>} : memref<128x64xf32, #tpu.memory_space<vmem>>, vector<1x16xf32>,
        %swap3A_206 = vector.shape_cast %swap3A_205 : vector<1x16xf32> to vector<16xf32>
        %swap3A_207 = vector.shape_cast %get3A_202 : vector<16xf32> to vector<1x16xf32>
        tpu.vector_store %arg11[%swap3A_203, %swap3A_204], %swap3A_207 {strides = array<i32>} : memref<128x64xf32, #tpu.memory_space<vmem>>, vector<1x16xf32>,
        %get3A_208 = arith.index_cast %add3A_191 : i32 to index
        %get3A_209 = arith.constant 32 : index
        %get3A_210 = tpu.vector_load %arg7[%get3A_208, %get3A_209] {strides = array<i32>} : memref<128x128xf32, #tpu.memory_space<vmem>>, vector<1x16xf32>,
        %get3A_211 = vector.shape_cast %get3A_210 : vector<1x16xf32> to vector<16xf32>
        %swap3A_212 = arith.index_cast %add3A_191 : i32 to index
        %swap3A_213 = arith.constant 32 : index
        %swap3A_214 = tpu.vector_load %arg11[%swap3A_212, %swap3A_213] {strides = array<i32>} : memref<128x64xf32, #tpu.memory_space<vmem>>, vector<1x16xf32>,
        %swap3A_215 = vector.shape_cast %swap3A_214 : vector<1x16xf32> to vector<16xf32>
        %swap3A_216 = vector.shape_cast %get3A_211 : vector<16xf32> to vector<1x16xf32>
        tpu.vector_store %arg11[%swap3A_212, %swap3A_213], %swap3A_216 {strides = array<i32>} : memref<128x64xf32, #tpu.memory_space<vmem>>, vector<1x16xf32>,
        %get3A_217 = arith.index_cast %add3A_191 : i32 to index
        %get3A_218 = arith.constant 48 : index
        %get3A_219 = tpu.vector_load %arg7[%get3A_217, %get3A_218] {strides = array<i32>} : memref<128x128xf32, #tpu.memory_space<vmem>>, vector<1x16xf32>,
        %get3A_220 = vector.shape_cast %get3A_219 : vector<1x16xf32> to vector<16xf32>
        %swap3A_221 = arith.index_cast %add3A_191 : i32 to index
        %swap3A_222 = arith.constant 48 : index
        %swap3A_223 = tpu.vector_load %arg11[%swap3A_221, %swap3A_222] {strides = array<i32>} : memref<128x64xf32, #tpu.memory_space<vmem>>, vector<1x16xf32>,
        %swap3A_224 = vector.shape_cast %swap3A_223 : vector<1x16xf32> to vector<16xf32>
        %swap3A_225 = vector.shape_cast %get3A_220 : vector<16xf32> to vector<1x16xf32>
        tpu.vector_store %arg11[%swap3A_221, %swap3A_222], %swap3A_225 {strides = array<i32>} : memref<128x64xf32, #tpu.memory_space<vmem>>, vector<1x16xf32>,
        %mul3A_226 = arith.constant 16 : i32
        %mul3A_227 = arith.muli %scan3A_186, %mul3A_226 : i32
        %add3A_228 = arith.constant 1 : i32
        %add3A_229 = arith.addi %mul3A_227, %add3A_228 : i32
        %get3A_230 = arith.index_cast %add3A_229 : i32 to index
        %get3A_231 = arith.constant 0 : index
        %get3A_232 = tpu.vector_load %arg7[%get3A_230, %get3A_231] {strides = array<i32>} : memref<128x128xf32, #tpu.memory_space<vmem>>, vector<1x16xf32>,
        %get3A_233 = vector.shape_cast %get3A_232 : vector<1x16xf32> to vector<16xf32>
        %swap3A_234 = arith.index_cast %add3A_229 : i32 to index
        %swap3A_235 = arith.constant 0 : index
        %swap3A_236 = tpu.vector_load %arg11[%swap3A_234, %swap3A_235] {strides = array<i32>} : memref<128x64xf32, #tpu.memory_space<vmem>>, vector<1x16xf32>,
        %swap3A_237 = vector.shape_cast %swap3A_236 : vector<1x16xf32> to vector<16xf32>
        %swap3A_238 = vector.shape_cast %get3A_233 : vector<16xf32> to vector<1x16xf32>
        tpu.vector_store %arg11[%swap3A_234, %swap3A_235], %swap3A_238 {strides = array<i32>} : memref<128x64xf32, #tpu.memory_space<vmem>>, vector<1x16xf32>,
        %get3A_239 = arith.index_cast %add3A_229 : i32 to index
        %get3A_240 = arith.constant 16 : index
        %get3A_241 = tpu.vector_load %arg7[%get3A_239, %get3A_240] {strides = array<i32>} : memref<128x128xf32, #tpu.memory_space<vmem>>, vector<1x16xf32>,
        %get3A_242 = vector.shape_cast %get3A_241 : vector<1x16xf32> to vector<16xf32>
        %swap3A_243 = arith.index_cast %add3A_229 : i32 to index
        %swap3A_244 = arith.constant 16 : index
        %swap3A_245 = tpu.vector_load %arg11[%swap3A_243, %swap3A_244] {strides = array<i32>} : memref<128x64xf32, #tpu.memory_space<vmem>>, vector<1x16xf32>,
        %swap3A_246 = vector.shape_cast %swap3A_245 : vector<1x16xf32> to vector<16xf32>
        %swap3A_247 = vector.shape_cast %get3A_242 : vector<16xf32> to vector<1x16xf32>
        tpu.vector_store %arg11[%swap3A_243, %swap3A_244], %swap3A_247 {strides = array<i32>} : memref<128x64xf32, #tpu.memory_space<vmem>>, vector<1x16xf32>,
        %get3A_248 = arith.index_cast %add3A_229 : i32 to index
        %get3A_249 = arith.constant 32 : index
        %get3A_250 = tpu.vector_load %arg7[%get3A_248, %get3A_249] {strides = array<i32>} : memref<128x128xf32, #tpu.memory_space<vmem>>, vector<1x16xf32>,
        %get3A_251 = vector.shape_cast %get3A_250 : vector<1x16xf32> to vector<16xf32>
        %swap3A_252 = arith.index_cast %add3A_229 : i32 to index
        %swap3A_253 = arith.constant 32 : index
        %swap3A_254 = tpu.vector_load %arg11[%swap3A_252, %swap3A_253] {strides = array<i32>} : memref<128x64xf32, #tpu.memory_space<vmem>>, vector<1x16xf32>,
        %swap3A_255 = vector.shape_cast %swap3A_254 : vector<1x16xf32> to vector<16xf32>
        %swap3A_256 = vector.shape_cast %get3A_251 : vector<16xf32> to vector<1x16xf32>
        tpu.vector_store %arg11[%swap3A_252, %swap3A_253], %swap3A_256 {strides = array<i32>} : memref<128x64xf32, #tpu.memory_space<vmem>>, vector<1x16xf32>,
        %get3A_257 = arith.index_cast %add3A_229 : i32 to index
        %get3A_258 = arith.constant 48 : index
        %get3A_259 = tpu.vector_load %arg7[%get3A_257, %get3A_258] {strides = array<i32>} : memref<128x128xf32, #tpu.memory_space<vmem>>, vector<1x16xf32>,
        %get3A_260 = vector.shape_cast %get3A_259 : vector<1x16xf32> to vector<16xf32>
        %swap3A_261 = arith.index_cast %add3A_229 : i32 to index
        %swap3A_262 = arith.constant 48 : index
        %swap3A_263 = tpu.vector_load %arg11[%swap3A_261, %swap3A_262] {strides = array<i32>} : memref<128x64xf32, #tpu.memory_space<vmem>>, vector<1x16xf32>,
        %swap3A_264 = vector.shape_cast %swap3A_263 : vector<1x16xf32> to vector<16xf32>
        %swap3A_265 = vector.shape_cast %get3A_260 : vector<16xf32> to vector<1x16xf32>
        tpu.vector_store %arg11[%swap3A_261, %swap3A_262], %swap3A_265 {strides = array<i32>} : memref<128x64xf32, #tpu.memory_space<vmem>>, vector<1x16xf32>,
        %mul3A_266 = arith.constant 16 : i32
        %mul3A_267 = arith.muli %scan3A_186, %mul3A_266 : i32
        %add3A_268 = arith.constant 2 : i32
        %add3A_269 = arith.addi %mul3A_267, %add3A_268 : i32
        %get3A_270 = arith.index_cast %add3A_269 : i32 to index
        %get3A_271 = arith.constant 0 : index
        %get3A_272 = tpu.vector_load %arg7[%get3A_270, %get3A_271] {strides = array<i32>} : memref<128x128xf32, #tpu.memory_space<vmem>>, vector<1x16xf32>,
        %get3A_273 = vector.shape_cast %get3A_272 : vector<1x16xf32> to vector<16xf32>
        %swap3A_274 = arith.index_cast %add3A_269 : i32 to index
        %swap3A_275 = arith.constant 0 : index
        %swap3A_276 = tpu.vector_load %arg11[%swap3A_274, %swap3A_275] {strides = array<i32>} : memref<128x64xf32, #tpu.memory_space<vmem>>, vector<1x16xf32>,
        %swap3A_277 = vector.shape_cast %swap3A_276 : vector<1x16xf32> to vector<16xf32>
        %swap3A_278 = vector.shape_cast %get3A_273 : vector<16xf32> to vector<1x16xf32>
        tpu.vector_store %arg11[%swap3A_274, %swap3A_275], %swap3A_278 {strides = array<i32>} : memref<128x64xf32, #tpu.memory_space<vmem>>, vector<1x16xf32>,
        %get3A_279 = arith.index_cast %add3A_269 : i32 to index
        %get3A_280 = arith.constant 16 : index
        %get3A_281 = tpu.vector_load %arg7[%get3A_279, %get3A_280] {strides = array<i32>} : memref<128x128xf32, #tpu.memory_space<vmem>>, vector<1x16xf32>,
        %get3A_282 = vector.shape_cast %get3A_281 : vector<1x16xf32> to vector<16xf32>
        %swap3A_283 = arith.index_cast %add3A_269 : i32 to index
        %swap3A_284 = arith.constant 16 : index
        %swap3A_285 = tpu.vector_load %arg11[%swap3A_283, %swap3A_284] {strides = array<i32>} : memref<128x64xf32, #tpu.memory_space<vmem>>, vector<1x16xf32>,
        %swap3A_286 = vector.shape_cast %swap3A_285 : vector<1x16xf32> to vector<16xf32>
        %swap3A_287 = vector.shape_cast %get3A_282 : vector<16xf32> to vector<1x16xf32>
        tpu.vector_store %arg11[%swap3A_283, %swap3A_284], %swap3A_287 {strides = array<i32>} : memref<128x64xf32, #tpu.memory_space<vmem>>, vector<1x16xf32>,
        %get3A_288 = arith.index_cast %add3A_269 : i32 to index
        %get3A_289 = arith.constant 32 : index
        %get3A_290 = tpu.vector_load %arg7[%get3A_288, %get3A_289] {strides = array<i32>} : memref<128x128xf32, #tpu.memory_space<vmem>>, vector<1x16xf32>,
        %get3A_291 = vector.shape_cast %get3A_290 : vector<1x16xf32> to vector<16xf32>
        %swap3A_292 = arith.index_cast %add3A_269 : i32 to index
        %swap3A_293 = arith.constant 32 : index
        %swap3A_294 = tpu.vector_load %arg11[%swap3A_292, %swap3A_293] {strides = array<i32>} : memref<128x64xf32, #tpu.memory_space<vmem>>, vector<1x16xf32>,
        %swap3A_295 = vector.shape_cast %swap3A_294 : vector<1x16xf32> to vector<16xf32>
        %swap3A_296 = vector.shape_cast %get3A_291 : vector<16xf32> to vector<1x16xf32>
        tpu.vector_store %arg11[%swap3A_292, %swap3A_293], %swap3A_296 {strides = array<i32>} : memref<128x64xf32, #tpu.memory_space<vmem>>, vector<1x16xf32>,
        %get3A_297 = arith.index_cast %add3A_269 : i32 to index
        %get3A_298 = arith.constant 48 : index
        %get3A_299 = tpu.vector_load %arg7[%get3A_297, %get3A_298] {strides = array<i32>} : memref<128x128xf32, #tpu.memory_space<vmem>>, vector<1x16xf32>,
        %get3A_300 = vector.shape_cast %get3A_299 : vector<1x16xf32> to vector<16xf32>
        %swap3A_301 = arith.index_cast %add3A_269 : i32 to index
        %swap3A_302 = arith.constant 48 : index
        %swap3A_303 = tpu.vector_load %arg11[%swap3A_301, %swap3A_302] {strides = array<i32>} : memref<128x64xf32, #tpu.memory_space<vmem>>, vector<1x16xf32>,
        %swap3A_304 = vector.shape_cast %swap3A_303 : vector<1x16xf32> to vector<16xf32>
        %swap3A_305 = vector.shape_cast %get3A_300 : vector<16xf32> to vector<1x16xf32>
        tpu.vector_store %arg11[%swap3A_301, %swap3A_302], %swap3A_305 {strides = array<i32>} : memref<128x64xf32, #tpu.memory_space<vmem>>, vector<1x16xf32>,
        %mul3A_306 = arith.constant 16 : i32
        %mul3A_307 = arith.muli %scan3A_186, %mul3A_306 : i32
        %add3A_308 = arith.constant 3 : i32
        %add3A_309 = arith.addi %mul3A_307, %add3A_308 : i32
        %get3A_310 = arith.index_cast %add3A_309 : i32 to index
        %get3A_311 = arith.constant 0 : index
        %get3A_312 = tpu.vector_load %arg7[%get3A_310, %get3A_311] {strides = array<i32>} : memref<128x128xf32, #tpu.memory_space<vmem>>, vector<1x16xf32>,
        %get3A_313 = vector.shape_cast %get3A_312 : vector<1x16xf32> to vector<16xf32>
        %swap3A_314 = arith.index_cast %add3A_309 : i32 to index
        %swap3A_315 = arith.constant 0 : index
        %swap3A_316 = tpu.vector_load %arg11[%swap3A_314, %swap3A_315] {strides = array<i32>} : memref<128x64xf32, #tpu.memory_space<vmem>>, vector<1x16xf32>,
        %swap3A_317 = vector.shape_cast %swap3A_316 : vector<1x16xf32> to vector<16xf32>
        %swap3A_318 = vector.shape_cast %get3A_313 : vector<16xf32> to vector<1x16xf32>
        tpu.vector_store %arg11[%swap3A_314, %swap3A_315], %swap3A_318 {strides = array<i32>} : memref<128x64xf32, #tpu.memory_space<vmem>>, vector<1x16xf32>,
        %get3A_319 = arith.index_cast %add3A_309 : i32 to index
        %get3A_320 = arith.constant 16 : index
        %get3A_321 = tpu.vector_load %arg7[%get3A_319, %get3A_320] {strides = array<i32>} : memref<128x128xf32, #tpu.memory_space<vmem>>, vector<1x16xf32>,
        %get3A_322 = vector.shape_cast %get3A_321 : vector<1x16xf32> to vector<16xf32>
        %swap3A_323 = arith.index_cast %add3A_309 : i32 to index
        %swap3A_324 = arith.constant 16 : index
        %swap3A_325 = tpu.vector_load %arg11[%swap3A_323, %swap3A_324] {strides = array<i32>} : memref<128x64xf32, #tpu.memory_space<vmem>>, vector<1x16xf32>,
        %swap3A_326 = vector.shape_cast %swap3A_325 : vector<1x16xf32> to vector<16xf32>
        %swap3A_327 = vector.shape_cast %get3A_322 : vector<16xf32> to vector<1x16xf32>
        tpu.vector_store %arg11[%swap3A_323, %swap3A_324], %swap3A_327 {strides = array<i32>} : memref<128x64xf32, #tpu.memory_space<vmem>>, vector<1x16xf32>,
        %get3A_328 = arith.index_cast %add3A_309 : i32 to index
        %get3A_329 = arith.constant 32 : index
        %get3A_330 = tpu.vector_load %arg7[%get3A_328, %get3A_329] {strides = array<i32>} : memref<128x128xf32, #tpu.memory_space<vmem>>, vector<1x16xf32>,
        %get3A_331 = vector.shape_cast %get3A_330 : vector<1x16xf32> to vector<16xf32>
        %swap3A_332 = arith.index_cast %add3A_309 : i32 to index
        %swap3A_333 = arith.constant 32 : index
        %swap3A_334 = tpu.vector_load %arg11[%swap3A_332, %swap3A_333] {strides = array<i32>} : memref<128x64xf32, #tpu.memory_space<vmem>>, vector<1x16xf32>,
        %swap3A_335 = vector.shape_cast %swap3A_334 : vector<1x16xf32> to vector<16xf32>
        %swap3A_336 = vector.shape_cast %get3A_331 : vector<16xf32> to vector<1x16xf32>
        tpu.vector_store %arg11[%swap3A_332, %swap3A_333], %swap3A_336 {strides = array<i32>} : memref<128x64xf32, #tpu.memory_space<vmem>>, vector<1x16xf32>,
        %get3A_337 = arith.index_cast %add3A_309 : i32 to index
        %get3A_338 = arith.constant 48 : index
        %get3A_339 = tpu.vector_load %arg7[%get3A_337, %get3A_338] {strides = array<i32>} : memref<128x128xf32, #tpu.memory_space<vmem>>, vector<1x16xf32>,
        %get3A_340 = vector.shape_cast %get3A_339 : vector<1x16xf32> to vector<16xf32>
        %swap3A_341 = arith.index_cast %add3A_309 : i32 to index
        %swap3A_342 = arith.constant 48 : index
        %swap3A_343 = tpu.vector_load %arg11[%swap3A_341, %swap3A_342] {strides = array<i32>} : memref<128x64xf32, #tpu.memory_space<vmem>>, vector<1x16xf32>,
        %swap3A_344 = vector.shape_cast %swap3A_343 : vector<1x16xf32> to vector<16xf32>
        %swap3A_345 = vector.shape_cast %get3A_340 : vector<16xf32> to vector<1x16xf32>
        tpu.vector_store %arg11[%swap3A_341, %swap3A_342], %swap3A_345 {strides = array<i32>} : memref<128x64xf32, #tpu.memory_space<vmem>>, vector<1x16xf32>,
        %mul3A_346 = arith.constant 16 : i32
        %mul3A_347 = arith.muli %scan3A_186, %mul3A_346 : i32
        %add3A_348 = arith.constant 4 : i32
        %add3A_349 = arith.addi %mul3A_347, %add3A_348 : i32
        %get3A_350 = arith.index_cast %add3A_349 : i32 to index
        %get3A_351 = arith.constant 0 : index
        %get3A_352 = tpu.vector_load %arg7[%get3A_350, %get3A_351] {strides = array<i32>} : memref<128x128xf32, #tpu.memory_space<vmem>>, vector<1x16xf32>,
        %get3A_353 = vector.shape_cast %get3A_352 : vector<1x16xf32> to vector<16xf32>
        %swap3A_354 = arith.index_cast %add3A_349 : i32 to index
        %swap3A_355 = arith.constant 0 : index
        %swap3A_356 = tpu.vector_load %arg11[%swap3A_354, %swap3A_355] {strides = array<i32>} : memref<128x64xf32, #tpu.memory_space<vmem>>, vector<1x16xf32>,
        %swap3A_357 = vector.shape_cast %swap3A_356 : vector<1x16xf32> to vector<16xf32>
        %swap3A_358 = vector.shape_cast %get3A_353 : vector<16xf32> to vector<1x16xf32>
        tpu.vector_store %arg11[%swap3A_354, %swap3A_355], %swap3A_358 {strides = array<i32>} : memref<128x64xf32, #tpu.memory_space<vmem>>, vector<1x16xf32>,
        %get3A_359 = arith.index_cast %add3A_349 : i32 to index
        %get3A_360 = arith.constant 16 : index
        %get3A_361 = tpu.vector_load %arg7[%get3A_359, %get3A_360] {strides = array<i32>} : memref<128x128xf32, #tpu.memory_space<vmem>>, vector<1x16xf32>,
        %get3A_362 = vector.shape_cast %get3A_361 : vector<1x16xf32> to vector<16xf32>
        %swap3A_363 = arith.index_cast %add3A_349 : i32 to index
        %swap3A_364 = arith.constant 16 : index
        %swap3A_365 = tpu.vector_load %arg11[%swap3A_363, %swap3A_364] {strides = array<i32>} : memref<128x64xf32, #tpu.memory_space<vmem>>, vector<1x16xf32>,
        %swap3A_366 = vector.shape_cast %swap3A_365 : vector<1x16xf32> to vector<16xf32>
        %swap3A_367 = vector.shape_cast %get3A_362 : vector<16xf32> to vector<1x16xf32>
        tpu.vector_store %arg11[%swap3A_363, %swap3A_364], %swap3A_367 {strides = array<i32>} : memref<128x64xf32, #tpu.memory_space<vmem>>, vector<1x16xf32>,
        %get3A_368 = arith.index_cast %add3A_349 : i32 to index
        %get3A_369 = arith.constant 32 : index
        %get3A_370 = tpu.vector_load %arg7[%get3A_368, %get3A_369] {strides = array<i32>} : memref<128x128xf32, #tpu.memory_space<vmem>>, vector<1x16xf32>,
        %get3A_371 = vector.shape_cast %get3A_370 : vector<1x16xf32> to vector<16xf32>
        %swap3A_372 = arith.index_cast %add3A_349 : i32 to index
        %swap3A_373 = arith.constant 32 : index
        %swap3A_374 = tpu.vector_load %arg11[%swap3A_372, %swap3A_373] {strides = array<i32>} : memref<128x64xf32, #tpu.memory_space<vmem>>, vector<1x16xf32>,
        %swap3A_375 = vector.shape_cast %swap3A_374 : vector<1x16xf32> to vector<16xf32>
        %swap3A_376 = vector.shape_cast %get3A_371 : vector<16xf32> to vector<1x16xf32>
        tpu.vector_store %arg11[%swap3A_372, %swap3A_373], %swap3A_376 {strides = array<i32>} : memref<128x64xf32, #tpu.memory_space<vmem>>, vector<1x16xf32>,
        %get3A_377 = arith.index_cast %add3A_349 : i32 to index
        %get3A_378 = arith.constant 48 : index
        %get3A_379 = tpu.vector_load %arg7[%get3A_377, %get3A_378] {strides = array<i32>} : memref<128x128xf32, #tpu.memory_space<vmem>>, vector<1x16xf32>,
        %get3A_380 = vector.shape_cast %get3A_379 : vector<1x16xf32> to vector<16xf32>
        %swap3A_381 = arith.index_cast %add3A_349 : i32 to index
        %swap3A_382 = arith.constant 48 : index
        %swap3A_383 = tpu.vector_load %arg11[%swap3A_381, %swap3A_382] {strides = array<i32>} : memref<128x64xf32, #tpu.memory_space<vmem>>, vector<1x16xf32>,
        %swap3A_384 = vector.shape_cast %swap3A_383 : vector<1x16xf32> to vector<16xf32>
        %swap3A_385 = vector.shape_cast %get3A_380 : vector<16xf32> to vector<1x16xf32>
        tpu.vector_store %arg11[%swap3A_381, %swap3A_382], %swap3A_385 {strides = array<i32>} : memref<128x64xf32, #tpu.memory_space<vmem>>, vector<1x16xf32>,
        %mul3A_386 = arith.constant 16 : i32
        %mul3A_387 = arith.muli %scan3A_186, %mul3A_386 : i32
        %add3A_388 = arith.constant 5 : i32
        %add3A_389 = arith.addi %mul3A_387, %add3A_388 : i32
        %get3A_390 = arith.index_cast %add3A_389 : i32 to index
        %get3A_391 = arith.constant 0 : index
        %get3A_392 = tpu.vector_load %arg7[%get3A_390, %get3A_391] {strides = array<i32>} : memref<128x128xf32, #tpu.memory_space<vmem>>, vector<1x16xf32>,
        %get3A_393 = vector.shape_cast %get3A_392 : vector<1x16xf32> to vector<16xf32>
        %swap3A_394 = arith.index_cast %add3A_389 : i32 to index
        %swap3A_395 = arith.constant 0 : index
        %swap3A_396 = tpu.vector_load %arg11[%swap3A_394, %swap3A_395] {strides = array<i32>} : memref<128x64xf32, #tpu.memory_space<vmem>>, vector<1x16xf32>,
        %swap3A_397 = vector.shape_cast %swap3A_396 : vector<1x16xf32> to vector<16xf32>
        %swap3A_398 = vector.shape_cast %get3A_393 : vector<16xf32> to vector<1x16xf32>
        tpu.vector_store %arg11[%swap3A_394, %swap3A_395], %swap3A_398 {strides = array<i32>} : memref<128x64xf32, #tpu.memory_space<vmem>>, vector<1x16xf32>,
        %get3A_399 = arith.index_cast %add3A_389 : i32 to index
        %get3A_400 = arith.constant 16 : index
        %get3A_401 = tpu.vector_load %arg7[%get3A_399, %get3A_400] {strides = array<i32>} : memref<128x128xf32, #tpu.memory_space<vmem>>, vector<1x16xf32>,
        %get3A_402 = vector.shape_cast %get3A_401 : vector<1x16xf32> to vector<16xf32>
        %swap3A_403 = arith.index_cast %add3A_389 : i32 to index
        %swap3A_404 = arith.constant 16 : index
        %swap3A_405 = tpu.vector_load %arg11[%swap3A_403, %swap3A_404] {strides = array<i32>} : memref<128x64xf32, #tpu.memory_space<vmem>>, vector<1x16xf32>,
        %swap3A_406 = vector.shape_cast %swap3A_405 : vector<1x16xf32> to vector<16xf32>
        %swap3A_407 = vector.shape_cast %get3A_402 : vector<16xf32> to vector<1x16xf32>
        tpu.vector_store %arg11[%swap3A_403, %swap3A_404], %swap3A_407 {strides = array<i32>} : memref<128x64xf32, #tpu.memory_space<vmem>>, vector<1x16xf32>,
        %get3A_408 = arith.index_cast %add3A_389 : i32 to index
        %get3A_409 = arith.constant 32 : index
        %get3A_410 = tpu.vector_load %arg7[%get3A_408, %get3A_409] {strides = array<i32>} : memref<128x128xf32, #tpu.memory_space<vmem>>, vector<1x16xf32>,
        %get3A_411 = vector.shape_cast %get3A_410 : vector<1x16xf32> to vector<16xf32>
        %swap3A_412 = arith.index_cast %add3A_389 : i32 to index
        %swap3A_413 = arith.constant 32 : index
        %swap3A_414 = tpu.vector_load %arg11[%swap3A_412, %swap3A_413] {strides = array<i32>} : memref<128x64xf32, #tpu.memory_space<vmem>>, vector<1x16xf32>,
        %swap3A_415 = vector.shape_cast %swap3A_414 : vector<1x16xf32> to vector<16xf32>
        %swap3A_416 = vector.shape_cast %get3A_411 : vector<16xf32> to vector<1x16xf32>
        tpu.vector_store %arg11[%swap3A_412, %swap3A_413], %swap3A_416 {strides = array<i32>} : memref<128x64xf32, #tpu.memory_space<vmem>>, vector<1x16xf32>,
        %get3A_417 = arith.index_cast %add3A_389 : i32 to index
        %get3A_418 = arith.constant 48 : index
        %get3A_419 = tpu.vector_load %arg7[%get3A_417, %get3A_418] {strides = array<i32>} : memref<128x128xf32, #tpu.memory_space<vmem>>, vector<1x16xf32>,
        %get3A_420 = vector.shape_cast %get3A_419 : vector<1x16xf32> to vector<16xf32>
        %swap3A_421 = arith.index_cast %add3A_389 : i32 to index
        %swap3A_422 = arith.constant 48 : index
        %swap3A_423 = tpu.vector_load %arg11[%swap3A_421, %swap3A_422] {strides = array<i32>} : memref<128x64xf32, #tpu.memory_space<vmem>>, vector<1x16xf32>,
        %swap3A_424 = vector.shape_cast %swap3A_423 : vector<1x16xf32> to vector<16xf32>
        %swap3A_425 = vector.shape_cast %get3A_420 : vector<16xf32> to vector<1x16xf32>
        tpu.vector_store %arg11[%swap3A_421, %swap3A_422], %swap3A_425 {strides = array<i32>} : memref<128x64xf32, #tpu.memory_space<vmem>>, vector<1x16xf32>,
        %mul3A_426 = arith.constant 16 : i32
        %mul3A_427 = arith.muli %scan3A_186, %mul3A_426 : i32
        %add3A_428 = arith.constant 6 : i32
        %add3A_429 = arith.addi %mul3A_427, %add3A_428 : i32
        %get3A_430 = arith.index_cast %add3A_429 : i32 to index
        %get3A_431 = arith.constant 0 : index
        %get3A_432 = tpu.vector_load %arg7[%get3A_430, %get3A_431] {strides = array<i32>} : memref<128x128xf32, #tpu.memory_space<vmem>>, vector<1x16xf32>,
        %get3A_433 = vector.shape_cast %get3A_432 : vector<1x16xf32> to vector<16xf32>
        %swap3A_434 = arith.index_cast %add3A_429 : i32 to index
        %swap3A_435 = arith.constant 0 : index
        %swap3A_436 = tpu.vector_load %arg11[%swap3A_434, %swap3A_435] {strides = array<i32>} : memref<128x64xf32, #tpu.memory_space<vmem>>, vector<1x16xf32>,
        %swap3A_437 = vector.shape_cast %swap3A_436 : vector<1x16xf32> to vector<16xf32>
        %swap3A_438 = vector.shape_cast %get3A_433 : vector<16xf32> to vector<1x16xf32>
        tpu.vector_store %arg11[%swap3A_434, %swap3A_435], %swap3A_438 {strides = array<i32>} : memref<128x64xf32, #tpu.memory_space<vmem>>, vector<1x16xf32>,
        %get3A_439 = arith.index_cast %add3A_429 : i32 to index
        %get3A_440 = arith.constant 16 : index
        %get3A_441 = tpu.vector_load %arg7[%get3A_439, %get3A_440] {strides = array<i32>} : memref<128x128xf32, #tpu.memory_space<vmem>>, vector<1x16xf32>,
        %get3A_442 = vector.shape_cast %get3A_441 : vector<1x16xf32> to vector<16xf32>
        %swap3A_443 = arith.index_cast %add3A_429 : i32 to index
        %swap3A_444 = arith.constant 16 : index
        %swap3A_445 = tpu.vector_load %arg11[%swap3A_443, %swap3A_444] {strides = array<i32>} : memref<128x64xf32, #tpu.memory_space<vmem>>, vector<1x16xf32>,
        %swap3A_446 = vector.shape_cast %swap3A_445 : vector<1x16xf32> to vector<16xf32>
        %swap3A_447 = vector.shape_cast %get3A_442 : vector<16xf32> to vector<1x16xf32>
        tpu.vector_store %arg11[%swap3A_443, %swap3A_444], %swap3A_447 {strides = array<i32>} : memref<128x64xf32, #tpu.memory_space<vmem>>, vector<1x16xf32>,
        %get3A_448 = arith.index_cast %add3A_429 : i32 to index
        %get3A_449 = arith.constant 32 : index
        %get3A_450 = tpu.vector_load %arg7[%get3A_448, %get3A_449] {strides = array<i32>} : memref<128x128xf32, #tpu.memory_space<vmem>>, vector<1x16xf32>,
        %get3A_451 = vector.shape_cast %get3A_450 : vector<1x16xf32> to vector<16xf32>
        %swap3A_452 = arith.index_cast %add3A_429 : i32 to index
        %swap3A_453 = arith.constant 32 : index
        %swap3A_454 = tpu.vector_load %arg11[%swap3A_452, %swap3A_453] {strides = array<i32>} : memref<128x64xf32, #tpu.memory_space<vmem>>, vector<1x16xf32>,
        %swap3A_455 = vector.shape_cast %swap3A_454 : vector<1x16xf32> to vector<16xf32>
        %swap3A_456 = vector.shape_cast %get3A_451 : vector<16xf32> to vector<1x16xf32>
        tpu.vector_store %arg11[%swap3A_452, %swap3A_453], %swap3A_456 {strides = array<i32>} : memref<128x64xf32, #tpu.memory_space<vmem>>, vector<1x16xf32>,
        %get3A_457 = arith.index_cast %add3A_429 : i32 to index
        %get3A_458 = arith.constant 48 : index
        %get3A_459 = tpu.vector_load %arg7[%get3A_457, %get3A_458] {strides = array<i32>} : memref<128x128xf32, #tpu.memory_space<vmem>>, vector<1x16xf32>,
        %get3A_460 = vector.shape_cast %get3A_459 : vector<1x16xf32> to vector<16xf32>
        %swap3A_461 = arith.index_cast %add3A_429 : i32 to index
        %swap3A_462 = arith.constant 48 : index
        %swap3A_463 = tpu.vector_load %arg11[%swap3A_461, %swap3A_462] {strides = array<i32>} : memref<128x64xf32, #tpu.memory_space<vmem>>, vector<1x16xf32>,
        %swap3A_464 = vector.shape_cast %swap3A_463 : vector<1x16xf32> to vector<16xf32>
        %swap3A_465 = vector.shape_cast %get3A_460 : vector<16xf32> to vector<1x16xf32>
        tpu.vector_store %arg11[%swap3A_461, %swap3A_462], %swap3A_465 {strides = array<i32>} : memref<128x64xf32, #tpu.memory_space<vmem>>, vector<1x16xf32>,
        %mul3A_466 = arith.constant 16 : i32
        %mul3A_467 = arith.muli %scan3A_186, %mul3A_466 : i32
        %add3A_468 = arith.constant 7 : i32
        %add3A_469 = arith.addi %mul3A_467, %add3A_468 : i32
        %get3A_470 = arith.index_cast %add3A_469 : i32 to index
        %get3A_471 = arith.constant 0 : index
        %get3A_472 = tpu.vector_load %arg7[%get3A_470, %get3A_471] {strides = array<i32>} : memref<128x128xf32, #tpu.memory_space<vmem>>, vector<1x16xf32>,
        %get3A_473 = vector.shape_cast %get3A_472 : vector<1x16xf32> to vector<16xf32>
        %swap3A_474 = arith.index_cast %add3A_469 : i32 to index
        %swap3A_475 = arith.constant 0 : index
        %swap3A_476 = tpu.vector_load %arg11[%swap3A_474, %swap3A_475] {strides = array<i32>} : memref<128x64xf32, #tpu.memory_space<vmem>>, vector<1x16xf32>,
        %swap3A_477 = vector.shape_cast %swap3A_476 : vector<1x16xf32> to vector<16xf32>
        %swap3A_478 = vector.shape_cast %get3A_473 : vector<16xf32> to vector<1x16xf32>
        tpu.vector_store %arg11[%swap3A_474, %swap3A_475], %swap3A_478 {strides = array<i32>} : memref<128x64xf32, #tpu.memory_space<vmem>>, vector<1x16xf32>,
        %get3A_479 = arith.index_cast %add3A_469 : i32 to index
        %get3A_480 = arith.constant 16 : index
        %get3A_481 = tpu.vector_load %arg7[%get3A_479, %get3A_480] {strides = array<i32>} : memref<128x128xf32, #tpu.memory_space<vmem>>, vector<1x16xf32>,
        %get3A_482 = vector.shape_cast %get3A_481 : vector<1x16xf32> to vector<16xf32>
        %swap3A_483 = arith.index_cast %add3A_469 : i32 to index
        %swap3A_484 = arith.constant 16 : index
        %swap3A_485 = tpu.vector_load %arg11[%swap3A_483, %swap3A_484] {strides = array<i32>} : memref<128x64xf32, #tpu.memory_space<vmem>>, vector<1x16xf32>,
        %swap3A_486 = vector.shape_cast %swap3A_485 : vector<1x16xf32> to vector<16xf32>
        %swap3A_487 = vector.shape_cast %get3A_482 : vector<16xf32> to vector<1x16xf32>
        tpu.vector_store %arg11[%swap3A_483, %swap3A_484], %swap3A_487 {strides = array<i32>} : memref<128x64xf32, #tpu.memory_space<vmem>>, vector<1x16xf32>,
        %get3A_488 = arith.index_cast %add3A_469 : i32 to index
        %get3A_489 = arith.constant 32 : index
        %get3A_490 = tpu.vector_load %arg7[%get3A_488, %get3A_489] {strides = array<i32>} : memref<128x128xf32, #tpu.memory_space<vmem>>, vector<1x16xf32>,
        %get3A_491 = vector.shape_cast %get3A_490 : vector<1x16xf32> to vector<16xf32>
        %swap3A_492 = arith.index_cast %add3A_469 : i32 to index
        %swap3A_493 = arith.constant 32 : index
        %swap3A_494 = tpu.vector_load %arg11[%swap3A_492, %swap3A_493] {strides = array<i32>} : memref<128x64xf32, #tpu.memory_space<vmem>>, vector<1x16xf32>,
        %swap3A_495 = vector.shape_cast %swap3A_494 : vector<1x16xf32> to vector<16xf32>
        %swap3A_496 = vector.shape_cast %get3A_491 : vector<16xf32> to vector<1x16xf32>
        tpu.vector_store %arg11[%swap3A_492, %swap3A_493], %swap3A_496 {strides = array<i32>} : memref<128x64xf32, #tpu.memory_space<vmem>>, vector<1x16xf32>,
        %get3A_497 = arith.index_cast %add3A_469 : i32 to index
        %get3A_498 = arith.constant 48 : index
        %get3A_499 = tpu.vector_load %arg7[%get3A_497, %get3A_498] {strides = array<i32>} : memref<128x128xf32, #tpu.memory_space<vmem>>, vector<1x16xf32>,
        %get3A_500 = vector.shape_cast %get3A_499 : vector<1x16xf32> to vector<16xf32>
        %swap3A_501 = arith.index_cast %add3A_469 : i32 to index
        %swap3A_502 = arith.constant 48 : index
        %swap3A_503 = tpu.vector_load %arg11[%swap3A_501, %swap3A_502] {strides = array<i32>} : memref<128x64xf32, #tpu.memory_space<vmem>>, vector<1x16xf32>,
        %swap3A_504 = vector.shape_cast %swap3A_503 : vector<1x16xf32> to vector<16xf32>
        %swap3A_505 = vector.shape_cast %get3A_500 : vector<16xf32> to vector<1x16xf32>
        tpu.vector_store %arg11[%swap3A_501, %swap3A_502], %swap3A_505 {strides = array<i32>} : memref<128x64xf32, #tpu.memory_space<vmem>>, vector<1x16xf32>,
        %mul3A_506 = arith.constant 16 : i32
        %mul3A_507 = arith.muli %scan3A_186, %mul3A_506 : i32
        %add3A_508 = arith.constant 8 : i32
        %add3A_509 = arith.addi %mul3A_507, %add3A_508 : i32
        %get3A_510 = arith.index_cast %add3A_509 : i32 to index
        %get3A_511 = arith.constant 0 : index
        %get3A_512 = tpu.vector_load %arg7[%get3A_510, %get3A_511] {strides = array<i32>} : memref<128x128xf32, #tpu.memory_space<vmem>>, vector<1x16xf32>,
        %get3A_513 = vector.shape_cast %get3A_512 : vector<1x16xf32> to vector<16xf32>
        %swap3A_514 = arith.index_cast %add3A_509 : i32 to index
        %swap3A_515 = arith.constant 0 : index
        %swap3A_516 = tpu.vector_load %arg11[%swap3A_514, %swap3A_515] {strides = array<i32>} : memref<128x64xf32, #tpu.memory_space<vmem>>, vector<1x16xf32>,
        %swap3A_517 = vector.shape_cast %swap3A_516 : vector<1x16xf32> to vector<16xf32>
        %swap3A_518 = vector.shape_cast %get3A_513 : vector<16xf32> to vector<1x16xf32>
        tpu.vector_store %arg11[%swap3A_514, %swap3A_515], %swap3A_518 {strides = array<i32>} : memref<128x64xf32, #tpu.memory_space<vmem>>, vector<1x16xf32>,
        %get3A_519 = arith.index_cast %add3A_509 : i32 to index
        %get3A_520 = arith.constant 16 : index
        %get3A_521 = tpu.vector_load %arg7[%get3A_519, %get3A_520] {strides = array<i32>} : memref<128x128xf32, #tpu.memory_space<vmem>>, vector<1x16xf32>,
        %get3A_522 = vector.shape_cast %get3A_521 : vector<1x16xf32> to vector<16xf32>
        %swap3A_523 = arith.index_cast %add3A_509 : i32 to index
        %swap3A_524 = arith.constant 16 : index
        %swap3A_525 = tpu.vector_load %arg11[%swap3A_523, %swap3A_524] {strides = array<i32>} : memref<128x64xf32, #tpu.memory_space<vmem>>, vector<1x16xf32>,
        %swap3A_526 = vector.shape_cast %swap3A_525 : vector<1x16xf32> to vector<16xf32>
        %swap3A_527 = vector.shape_cast %get3A_522 : vector<16xf32> to vector<1x16xf32>
        tpu.vector_store %arg11[%swap3A_523, %swap3A_524], %swap3A_527 {strides = array<i32>} : memref<128x64xf32, #tpu.memory_space<vmem>>, vector<1x16xf32>,
        %get3A_528 = arith.index_cast %add3A_509 : i32 to index
        %get3A_529 = arith.constant 32 : index
        %get3A_530 = tpu.vector_load %arg7[%get3A_528, %get3A_529] {strides = array<i32>} : memref<128x128xf32, #tpu.memory_space<vmem>>, vector<1x16xf32>,
        %get3A_531 = vector.shape_cast %get3A_530 : vector<1x16xf32> to vector<16xf32>
        %swap3A_532 = arith.index_cast %add3A_509 : i32 to index
        %swap3A_533 = arith.constant 32 : index
        %swap3A_534 = tpu.vector_load %arg11[%swap3A_532, %swap3A_533] {strides = array<i32>} : memref<128x64xf32, #tpu.memory_space<vmem>>, vector<1x16xf32>,
        %swap3A_535 = vector.shape_cast %swap3A_534 : vector<1x16xf32> to vector<16xf32>
        %swap3A_536 = vector.shape_cast %get3A_531 : vector<16xf32> to vector<1x16xf32>
        tpu.vector_store %arg11[%swap3A_532, %swap3A_533], %swap3A_536 {strides = array<i32>} : memref<128x64xf32, #tpu.memory_space<vmem>>, vector<1x16xf32>,
        %get3A_537 = arith.index_cast %add3A_509 : i32 to index
        %get3A_538 = arith.constant 48 : index
        %get3A_539 = tpu.vector_load %arg7[%get3A_537, %get3A_538] {strides = array<i32>} : memref<128x128xf32, #tpu.memory_space<vmem>>, vector<1x16xf32>,
        %get3A_540 = vector.shape_cast %get3A_539 : vector<1x16xf32> to vector<16xf32>
        %swap3A_541 = arith.index_cast %add3A_509 : i32 to index
        %swap3A_542 = arith.constant 48 : index
        %swap3A_543 = tpu.vector_load %arg11[%swap3A_541, %swap3A_542] {strides = array<i32>} : memref<128x64xf32, #tpu.memory_space<vmem>>, vector<1x16xf32>,
        %swap3A_544 = vector.shape_cast %swap3A_543 : vector<1x16xf32> to vector<16xf32>
        %swap3A_545 = vector.shape_cast %get3A_540 : vector<16xf32> to vector<1x16xf32>
        tpu.vector_store %arg11[%swap3A_541, %swap3A_542], %swap3A_545 {strides = array<i32>} : memref<128x64xf32, #tpu.memory_space<vmem>>, vector<1x16xf32>,
        %mul3A_546 = arith.constant 16 : i32
        %mul3A_547 = arith.muli %scan3A_186, %mul3A_546 : i32
        %add3A_548 = arith.constant 9 : i32
        %add3A_549 = arith.addi %mul3A_547, %add3A_548 : i32
        %get3A_550 = arith.index_cast %add3A_549 : i32 to index
        %get3A_551 = arith.constant 0 : index
        %get3A_552 = tpu.vector_load %arg7[%get3A_550, %get3A_551] {strides = array<i32>} : memref<128x128xf32, #tpu.memory_space<vmem>>, vector<1x16xf32>,
        %get3A_553 = vector.shape_cast %get3A_552 : vector<1x16xf32> to vector<16xf32>
        %swap3A_554 = arith.index_cast %add3A_549 : i32 to index
        %swap3A_555 = arith.constant 0 : index
        %swap3A_556 = tpu.vector_load %arg11[%swap3A_554, %swap3A_555] {strides = array<i32>} : memref<128x64xf32, #tpu.memory_space<vmem>>, vector<1x16xf32>,
        %swap3A_557 = vector.shape_cast %swap3A_556 : vector<1x16xf32> to vector<16xf32>
        %swap3A_558 = vector.shape_cast %get3A_553 : vector<16xf32> to vector<1x16xf32>
        tpu.vector_store %arg11[%swap3A_554, %swap3A_555], %swap3A_558 {strides = array<i32>} : memref<128x64xf32, #tpu.memory_space<vmem>>, vector<1x16xf32>,
        %get3A_559 = arith.index_cast %add3A_549 : i32 to index
        %get3A_560 = arith.constant 16 : index
        %get3A_561 = tpu.vector_load %arg7[%get3A_559, %get3A_560] {strides = array<i32>} : memref<128x128xf32, #tpu.memory_space<vmem>>, vector<1x16xf32>,
        %get3A_562 = vector.shape_cast %get3A_561 : vector<1x16xf32> to vector<16xf32>
        %swap3A_563 = arith.index_cast %add3A_549 : i32 to index
        %swap3A_564 = arith.constant 16 : index
        %swap3A_565 = tpu.vector_load %arg11[%swap3A_563, %swap3A_564] {strides = array<i32>} : memref<128x64xf32, #tpu.memory_space<vmem>>, vector<1x16xf32>,
        %swap3A_566 = vector.shape_cast %swap3A_565 : vector<1x16xf32> to vector<16xf32>
        %swap3A_567 = vector.shape_cast %get3A_562 : vector<16xf32> to vector<1x16xf32>
        tpu.vector_store %arg11[%swap3A_563, %swap3A_564], %swap3A_567 {strides = array<i32>} : memref<128x64xf32, #tpu.memory_space<vmem>>, vector<1x16xf32>,
        %get3A_568 = arith.index_cast %add3A_549 : i32 to index
        %get3A_569 = arith.constant 32 : index
        %get3A_570 = tpu.vector_load %arg7[%get3A_568, %get3A_569] {strides = array<i32>} : memref<128x128xf32, #tpu.memory_space<vmem>>, vector<1x16xf32>,
        %get3A_571 = vector.shape_cast %get3A_570 : vector<1x16xf32> to vector<16xf32>
        %swap3A_572 = arith.index_cast %add3A_549 : i32 to index
        %swap3A_573 = arith.constant 32 : index
        %swap3A_574 = tpu.vector_load %arg11[%swap3A_572, %swap3A_573] {strides = array<i32>} : memref<128x64xf32, #tpu.memory_space<vmem>>, vector<1x16xf32>,
        %swap3A_575 = vector.shape_cast %swap3A_574 : vector<1x16xf32> to vector<16xf32>
        %swap3A_576 = vector.shape_cast %get3A_571 : vector<16xf32> to vector<1x16xf32>
        tpu.vector_store %arg11[%swap3A_572, %swap3A_573], %swap3A_576 {strides = array<i32>} : memref<128x64xf32, #tpu.memory_space<vmem>>, vector<1x16xf32>,
        %get3A_577 = arith.index_cast %add3A_549 : i32 to index
        %get3A_578 = arith.constant 48 : index
        %get3A_579 = tpu.vector_load %arg7[%get3A_577, %get3A_578] {strides = array<i32>} : memref<128x128xf32, #tpu.memory_space<vmem>>, vector<1x16xf32>,
        %get3A_580 = vector.shape_cast %get3A_579 : vector<1x16xf32> to vector<16xf32>
        %swap3A_581 = arith.index_cast %add3A_549 : i32 to index
        %swap3A_582 = arith.constant 48 : index
        %swap3A_583 = tpu.vector_load %arg11[%swap3A_581, %swap3A_582] {strides = array<i32>} : memref<128x64xf32, #tpu.memory_space<vmem>>, vector<1x16xf32>,
        %swap3A_584 = vector.shape_cast %swap3A_583 : vector<1x16xf32> to vector<16xf32>
        %swap3A_585 = vector.shape_cast %get3A_580 : vector<16xf32> to vector<1x16xf32>
        tpu.vector_store %arg11[%swap3A_581, %swap3A_582], %swap3A_585 {strides = array<i32>} : memref<128x64xf32, #tpu.memory_space<vmem>>, vector<1x16xf32>,
        %mul3A_586 = arith.constant 16 : i32
        %mul3A_587 = arith.muli %scan3A_186, %mul3A_586 : i32
        %add3A_588 = arith.constant 10 : i32
        %add3A_589 = arith.addi %mul3A_587, %add3A_588 : i32
        %get3A_590 = arith.index_cast %add3A_589 : i32 to index
        %get3A_591 = arith.constant 0 : index
        %get3A_592 = tpu.vector_load %arg7[%get3A_590, %get3A_591] {strides = array<i32>} : memref<128x128xf32, #tpu.memory_space<vmem>>, vector<1x16xf32>,
        %get3A_593 = vector.shape_cast %get3A_592 : vector<1x16xf32> to vector<16xf32>
        %swap3A_594 = arith.index_cast %add3A_589 : i32 to index
        %swap3A_595 = arith.constant 0 : index
        %swap3A_596 = tpu.vector_load %arg11[%swap3A_594, %swap3A_595] {strides = array<i32>} : memref<128x64xf32, #tpu.memory_space<vmem>>, vector<1x16xf32>,
        %swap3A_597 = vector.shape_cast %swap3A_596 : vector<1x16xf32> to vector<16xf32>
        %swap3A_598 = vector.shape_cast %get3A_593 : vector<16xf32> to vector<1x16xf32>
        tpu.vector_store %arg11[%swap3A_594, %swap3A_595], %swap3A_598 {strides = array<i32>} : memref<128x64xf32, #tpu.memory_space<vmem>>, vector<1x16xf32>,
        %get3A_599 = arith.index_cast %add3A_589 : i32 to index
        %get3A_600 = arith.constant 16 : index
        %get3A_601 = tpu.vector_load %arg7[%get3A_599, %get3A_600] {strides = array<i32>} : memref<128x128xf32, #tpu.memory_space<vmem>>, vector<1x16xf32>,
        %get3A_602 = vector.shape_cast %get3A_601 : vector<1x16xf32> to vector<16xf32>
        %swap3A_603 = arith.index_cast %add3A_589 : i32 to index
        %swap3A_604 = arith.constant 16 : index
        %swap3A_605 = tpu.vector_load %arg11[%swap3A_603, %swap3A_604] {strides = array<i32>} : memref<128x64xf32, #tpu.memory_space<vmem>>, vector<1x16xf32>,
        %swap3A_606 = vector.shape_cast %swap3A_605 : vector<1x16xf32> to vector<16xf32>
        %swap3A_607 = vector.shape_cast %get3A_602 : vector<16xf32> to vector<1x16xf32>
        tpu.vector_store %arg11[%swap3A_603, %swap3A_604], %swap3A_607 {strides = array<i32>} : memref<128x64xf32, #tpu.memory_space<vmem>>, vector<1x16xf32>,
        %get3A_608 = arith.index_cast %add3A_589 : i32 to index
        %get3A_609 = arith.constant 32 : index
        %get3A_610 = tpu.vector_load %arg7[%get3A_608, %get3A_609] {strides = array<i32>} : memref<128x128xf32, #tpu.memory_space<vmem>>, vector<1x16xf32>,
        %get3A_611 = vector.shape_cast %get3A_610 : vector<1x16xf32> to vector<16xf32>
        %swap3A_612 = arith.index_cast %add3A_589 : i32 to index
        %swap3A_613 = arith.constant 32 : index
        %swap3A_614 = tpu.vector_load %arg11[%swap3A_612, %swap3A_613] {strides = array<i32>} : memref<128x64xf32, #tpu.memory_space<vmem>>, vector<1x16xf32>,
        %swap3A_615 = vector.shape_cast %swap3A_614 : vector<1x16xf32> to vector<16xf32>
        %swap3A_616 = vector.shape_cast %get3A_611 : vector<16xf32> to vector<1x16xf32>
        tpu.vector_store %arg11[%swap3A_612, %swap3A_613], %swap3A_616 {strides = array<i32>} : memref<128x64xf32, #tpu.memory_space<vmem>>, vector<1x16xf32>,
        %get3A_617 = arith.index_cast %add3A_589 : i32 to index
        %get3A_618 = arith.constant 48 : index
        %get3A_619 = tpu.vector_load %arg7[%get3A_617, %get3A_618] {strides = array<i32>} : memref<128x128xf32, #tpu.memory_space<vmem>>, vector<1x16xf32>,
        %get3A_620 = vector.shape_cast %get3A_619 : vector<1x16xf32> to vector<16xf32>
        %swap3A_621 = arith.index_cast %add3A_589 : i32 to index
        %swap3A_622 = arith.constant 48 : index
        %swap3A_623 = tpu.vector_load %arg11[%swap3A_621, %swap3A_622] {strides = array<i32>} : memref<128x64xf32, #tpu.memory_space<vmem>>, vector<1x16xf32>,
        %swap3A_624 = vector.shape_cast %swap3A_623 : vector<1x16xf32> to vector<16xf32>
        %swap3A_625 = vector.shape_cast %get3A_620 : vector<16xf32> to vector<1x16xf32>
        tpu.vector_store %arg11[%swap3A_621, %swap3A_622], %swap3A_625 {strides = array<i32>} : memref<128x64xf32, #tpu.memory_space<vmem>>, vector<1x16xf32>,
        %mul3A_626 = arith.constant 16 : i32
        %mul3A_627 = arith.muli %scan3A_186, %mul3A_626 : i32
        %add3A_628 = arith.constant 11 : i32
        %add3A_629 = arith.addi %mul3A_627, %add3A_628 : i32
        %get3A_630 = arith.index_cast %add3A_629 : i32 to index
        %get3A_631 = arith.constant 0 : index
        %get3A_632 = tpu.vector_load %arg7[%get3A_630, %get3A_631] {strides = array<i32>} : memref<128x128xf32, #tpu.memory_space<vmem>>, vector<1x16xf32>,
        %get3A_633 = vector.shape_cast %get3A_632 : vector<1x16xf32> to vector<16xf32>
        %swap3A_634 = arith.index_cast %add3A_629 : i32 to index
        %swap3A_635 = arith.constant 0 : index
        %swap3A_636 = tpu.vector_load %arg11[%swap3A_634, %swap3A_635] {strides = array<i32>} : memref<128x64xf32, #tpu.memory_space<vmem>>, vector<1x16xf32>,
        %swap3A_637 = vector.shape_cast %swap3A_636 : vector<1x16xf32> to vector<16xf32>
        %swap3A_638 = vector.shape_cast %get3A_633 : vector<16xf32> to vector<1x16xf32>
        tpu.vector_store %arg11[%swap3A_634, %swap3A_635], %swap3A_638 {strides = array<i32>} : memref<128x64xf32, #tpu.memory_space<vmem>>, vector<1x16xf32>,
        %get3A_639 = arith.index_cast %add3A_629 : i32 to index
        %get3A_640 = arith.constant 16 : index
        %get3A_641 = tpu.vector_load %arg7[%get3A_639, %get3A_640] {strides = array<i32>} : memref<128x128xf32, #tpu.memory_space<vmem>>, vector<1x16xf32>,
        %get3A_642 = vector.shape_cast %get3A_641 : vector<1x16xf32> to vector<16xf32>
        %swap3A_643 = arith.index_cast %add3A_629 : i32 to index
        %swap3A_644 = arith.constant 16 : index
        %swap3A_645 = tpu.vector_load %arg11[%swap3A_643, %swap3A_644] {strides = array<i32>} : memref<128x64xf32, #tpu.memory_space<vmem>>, vector<1x16xf32>,
        %swap3A_646 = vector.shape_cast %swap3A_645 : vector<1x16xf32> to vector<16xf32>
        %swap3A_647 = vector.shape_cast %get3A_642 : vector<16xf32> to vector<1x16xf32>
        tpu.vector_store %arg11[%swap3A_643, %swap3A_644], %swap3A_647 {strides = array<i32>} : memref<128x64xf32, #tpu.memory_space<vmem>>, vector<1x16xf32>,
        %get3A_648 = arith.index_cast %add3A_629 : i32 to index
        %get3A_649 = arith.constant 32 : index
        %get3A_650 = tpu.vector_load %arg7[%get3A_648, %get3A_649] {strides = array<i32>} : memref<128x128xf32, #tpu.memory_space<vmem>>, vector<1x16xf32>,
        %get3A_651 = vector.shape_cast %get3A_650 : vector<1x16xf32> to vector<16xf32>
        %swap3A_652 = arith.index_cast %add3A_629 : i32 to index
        %swap3A_653 = arith.constant 32 : index
        %swap3A_654 = tpu.vector_load %arg11[%swap3A_652, %swap3A_653] {strides = array<i32>} : memref<128x64xf32, #tpu.memory_space<vmem>>, vector<1x16xf32>,
        %swap3A_655 = vector.shape_cast %swap3A_654 : vector<1x16xf32> to vector<16xf32>
        %swap3A_656 = vector.shape_cast %get3A_651 : vector<16xf32> to vector<1x16xf32>
        tpu.vector_store %arg11[%swap3A_652, %swap3A_653], %swap3A_656 {strides = array<i32>} : memref<128x64xf32, #tpu.memory_space<vmem>>, vector<1x16xf32>,
        %get3A_657 = arith.index_cast %add3A_629 : i32 to index
        %get3A_658 = arith.constant 48 : index
        %get3A_659 = tpu.vector_load %arg7[%get3A_657, %get3A_658] {strides = array<i32>} : memref<128x128xf32, #tpu.memory_space<vmem>>, vector<1x16xf32>,
        %get3A_660 = vector.shape_cast %get3A_659 : vector<1x16xf32> to vector<16xf32>
        %swap3A_661 = arith.index_cast %add3A_629 : i32 to index
        %swap3A_662 = arith.constant 48 : index
        %swap3A_663 = tpu.vector_load %arg11[%swap3A_661, %swap3A_662] {strides = array<i32>} : memref<128x64xf32, #tpu.memory_space<vmem>>, vector<1x16xf32>,
        %swap3A_664 = vector.shape_cast %swap3A_663 : vector<1x16xf32> to vector<16xf32>
        %swap3A_665 = vector.shape_cast %get3A_660 : vector<16xf32> to vector<1x16xf32>
        tpu.vector_store %arg11[%swap3A_661, %swap3A_662], %swap3A_665 {strides = array<i32>} : memref<128x64xf32, #tpu.memory_space<vmem>>, vector<1x16xf32>,
        %mul3A_666 = arith.constant 16 : i32
        %mul3A_667 = arith.muli %scan3A_186, %mul3A_666 : i32
        %add3A_668 = arith.constant 12 : i32
        %add3A_669 = arith.addi %mul3A_667, %add3A_668 : i32
        %get3A_670 = arith.index_cast %add3A_669 : i32 to index
        %get3A_671 = arith.constant 0 : index
        %get3A_672 = tpu.vector_load %arg7[%get3A_670, %get3A_671] {strides = array<i32>} : memref<128x128xf32, #tpu.memory_space<vmem>>, vector<1x16xf32>,
        %get3A_673 = vector.shape_cast %get3A_672 : vector<1x16xf32> to vector<16xf32>
        %swap3A_674 = arith.index_cast %add3A_669 : i32 to index
        %swap3A_675 = arith.constant 0 : index
        %swap3A_676 = tpu.vector_load %arg11[%swap3A_674, %swap3A_675] {strides = array<i32>} : memref<128x64xf32, #tpu.memory_space<vmem>>, vector<1x16xf32>,
        %swap3A_677 = vector.shape_cast %swap3A_676 : vector<1x16xf32> to vector<16xf32>
        %swap3A_678 = vector.shape_cast %get3A_673 : vector<16xf32> to vector<1x16xf32>
        tpu.vector_store %arg11[%swap3A_674, %swap3A_675], %swap3A_678 {strides = array<i32>} : memref<128x64xf32, #tpu.memory_space<vmem>>, vector<1x16xf32>,
        %get3A_679 = arith.index_cast %add3A_669 : i32 to index
        %get3A_680 = arith.constant 16 : index
        %get3A_681 = tpu.vector_load %arg7[%get3A_679, %get3A_680] {strides = array<i32>} : memref<128x128xf32, #tpu.memory_space<vmem>>, vector<1x16xf32>,
        %get3A_682 = vector.shape_cast %get3A_681 : vector<1x16xf32> to vector<16xf32>
        %swap3A_683 = arith.index_cast %add3A_669 : i32 to index
        %swap3A_684 = arith.constant 16 : index
        %swap3A_685 = tpu.vector_load %arg11[%swap3A_683, %swap3A_684] {strides = array<i32>} : memref<128x64xf32, #tpu.memory_space<vmem>>, vector<1x16xf32>,
        %swap3A_686 = vector.shape_cast %swap3A_685 : vector<1x16xf32> to vector<16xf32>
        %swap3A_687 = vector.shape_cast %get3A_682 : vector<16xf32> to vector<1x16xf32>
        tpu.vector_store %arg11[%swap3A_683, %swap3A_684], %swap3A_687 {strides = array<i32>} : memref<128x64xf32, #tpu.memory_space<vmem>>, vector<1x16xf32>,
        %get3A_688 = arith.index_cast %add3A_669 : i32 to index
        %get3A_689 = arith.constant 32 : index
        %get3A_690 = tpu.vector_load %arg7[%get3A_688, %get3A_689] {strides = array<i32>} : memref<128x128xf32, #tpu.memory_space<vmem>>, vector<1x16xf32>,
        %get3A_691 = vector.shape_cast %get3A_690 : vector<1x16xf32> to vector<16xf32>
        %swap3A_692 = arith.index_cast %add3A_669 : i32 to index
        %swap3A_693 = arith.constant 32 : index
        %swap3A_694 = tpu.vector_load %arg11[%swap3A_692, %swap3A_693] {strides = array<i32>} : memref<128x64xf32, #tpu.memory_space<vmem>>, vector<1x16xf32>,
        %swap3A_695 = vector.shape_cast %swap3A_694 : vector<1x16xf32> to vector<16xf32>
        %swap3A_696 = vector.shape_cast %get3A_691 : vector<16xf32> to vector<1x16xf32>
        tpu.vector_store %arg11[%swap3A_692, %swap3A_693], %swap3A_696 {strides = array<i32>} : memref<128x64xf32, #tpu.memory_space<vmem>>, vector<1x16xf32>,
        %get3A_697 = arith.index_cast %add3A_669 : i32 to index
        %get3A_698 = arith.constant 48 : index
        %get3A_699 = tpu.vector_load %arg7[%get3A_697, %get3A_698] {strides = array<i32>} : memref<128x128xf32, #tpu.memory_space<vmem>>, vector<1x16xf32>,
        %get3A_700 = vector.shape_cast %get3A_699 : vector<1x16xf32> to vector<16xf32>
        %swap3A_701 = arith.index_cast %add3A_669 : i32 to index
        %swap3A_702 = arith.constant 48 : index
        %swap3A_703 = tpu.vector_load %arg11[%swap3A_701, %swap3A_702] {strides = array<i32>} : memref<128x64xf32, #tpu.memory_space<vmem>>, vector<1x16xf32>,
        %swap3A_704 = vector.shape_cast %swap3A_703 : vector<1x16xf32> to vector<16xf32>
        %swap3A_705 = vector.shape_cast %get3A_700 : vector<16xf32> to vector<1x16xf32>
        tpu.vector_store %arg11[%swap3A_701, %swap3A_702], %swap3A_705 {strides = array<i32>} : memref<128x64xf32, #tpu.memory_space<vmem>>, vector<1x16xf32>,
        %mul3A_706 = arith.constant 16 : i32
        %mul3A_707 = arith.muli %scan3A_186, %mul3A_706 : i32
        %add3A_708 = arith.constant 13 : i32
        %add3A_709 = arith.addi %mul3A_707, %add3A_708 : i32
        %get3A_710 = arith.index_cast %add3A_709 : i32 to index
        %get3A_711 = arith.constant 0 : index
        %get3A_712 = tpu.vector_load %arg7[%get3A_710, %get3A_711] {strides = array<i32>} : memref<128x128xf32, #tpu.memory_space<vmem>>, vector<1x16xf32>,
        %get3A_713 = vector.shape_cast %get3A_712 : vector<1x16xf32> to vector<16xf32>
        %swap3A_714 = arith.index_cast %add3A_709 : i32 to index
        %swap3A_715 = arith.constant 0 : index
        %swap3A_716 = tpu.vector_load %arg11[%swap3A_714, %swap3A_715] {strides = array<i32>} : memref<128x64xf32, #tpu.memory_space<vmem>>, vector<1x16xf32>,
        %swap3A_717 = vector.shape_cast %swap3A_716 : vector<1x16xf32> to vector<16xf32>
        %swap3A_718 = vector.shape_cast %get3A_713 : vector<16xf32> to vector<1x16xf32>
        tpu.vector_store %arg11[%swap3A_714, %swap3A_715], %swap3A_718 {strides = array<i32>} : memref<128x64xf32, #tpu.memory_space<vmem>>, vector<1x16xf32>,
        %get3A_719 = arith.index_cast %add3A_709 : i32 to index
        %get3A_720 = arith.constant 16 : index
        %get3A_721 = tpu.vector_load %arg7[%get3A_719, %get3A_720] {strides = array<i32>} : memref<128x128xf32, #tpu.memory_space<vmem>>, vector<1x16xf32>,
        %get3A_722 = vector.shape_cast %get3A_721 : vector<1x16xf32> to vector<16xf32>
        %swap3A_723 = arith.index_cast %add3A_709 : i32 to index
        %swap3A_724 = arith.constant 16 : index
        %swap3A_725 = tpu.vector_load %arg11[%swap3A_723, %swap3A_724] {strides = array<i32>} : memref<128x64xf32, #tpu.memory_space<vmem>>, vector<1x16xf32>,
        %swap3A_726 = vector.shape_cast %swap3A_725 : vector<1x16xf32> to vector<16xf32>
        %swap3A_727 = vector.shape_cast %get3A_722 : vector<16xf32> to vector<1x16xf32>
        tpu.vector_store %arg11[%swap3A_723, %swap3A_724], %swap3A_727 {strides = array<i32>} : memref<128x64xf32, #tpu.memory_space<vmem>>, vector<1x16xf32>,
        %get3A_728 = arith.index_cast %add3A_709 : i32 to index
        %get3A_729 = arith.constant 32 : index
        %get3A_730 = tpu.vector_load %arg7[%get3A_728, %get3A_729] {strides = array<i32>} : memref<128x128xf32, #tpu.memory_space<vmem>>, vector<1x16xf32>,
        %get3A_731 = vector.shape_cast %get3A_730 : vector<1x16xf32> to vector<16xf32>
        %swap3A_732 = arith.index_cast %add3A_709 : i32 to index
        %swap3A_733 = arith.constant 32 : index
        %swap3A_734 = tpu.vector_load %arg11[%swap3A_732, %swap3A_733] {strides = array<i32>} : memref<128x64xf32, #tpu.memory_space<vmem>>, vector<1x16xf32>,
        %swap3A_735 = vector.shape_cast %swap3A_734 : vector<1x16xf32> to vector<16xf32>
        %swap3A_736 = vector.shape_cast %get3A_731 : vector<16xf32> to vector<1x16xf32>
        tpu.vector_store %arg11[%swap3A_732, %swap3A_733], %swap3A_736 {strides = array<i32>} : memref<128x64xf32, #tpu.memory_space<vmem>>, vector<1x16xf32>,
        %get3A_737 = arith.index_cast %add3A_709 : i32 to index
        %get3A_738 = arith.constant 48 : index
        %get3A_739 = tpu.vector_load %arg7[%get3A_737, %get3A_738] {strides = array<i32>} : memref<128x128xf32, #tpu.memory_space<vmem>>, vector<1x16xf32>,
        %get3A_740 = vector.shape_cast %get3A_739 : vector<1x16xf32> to vector<16xf32>
        %swap3A_741 = arith.index_cast %add3A_709 : i32 to index
        %swap3A_742 = arith.constant 48 : index
        %swap3A_743 = tpu.vector_load %arg11[%swap3A_741, %swap3A_742] {strides = array<i32>} : memref<128x64xf32, #tpu.memory_space<vmem>>, vector<1x16xf32>,
        %swap3A_744 = vector.shape_cast %swap3A_743 : vector<1x16xf32> to vector<16xf32>
        %swap3A_745 = vector.shape_cast %get3A_740 : vector<16xf32> to vector<1x16xf32>
        tpu.vector_store %arg11[%swap3A_741, %swap3A_742], %swap3A_745 {strides = array<i32>} : memref<128x64xf32, #tpu.memory_space<vmem>>, vector<1x16xf32>,
        %mul3A_746 = arith.constant 16 : i32
        %mul3A_747 = arith.muli %scan3A_186, %mul3A_746 : i32
        %add3A_748 = arith.constant 14 : i32
        %add3A_749 = arith.addi %mul3A_747, %add3A_748 : i32
        %get3A_750 = arith.index_cast %add3A_749 : i32 to index
        %get3A_751 = arith.constant 0 : index
        %get3A_752 = tpu.vector_load %arg7[%get3A_750, %get3A_751] {strides = array<i32>} : memref<128x128xf32, #tpu.memory_space<vmem>>, vector<1x16xf32>,
        %get3A_753 = vector.shape_cast %get3A_752 : vector<1x16xf32> to vector<16xf32>
        %swap3A_754 = arith.index_cast %add3A_749 : i32 to index
        %swap3A_755 = arith.constant 0 : index
        %swap3A_756 = tpu.vector_load %arg11[%swap3A_754, %swap3A_755] {strides = array<i32>} : memref<128x64xf32, #tpu.memory_space<vmem>>, vector<1x16xf32>,
        %swap3A_757 = vector.shape_cast %swap3A_756 : vector<1x16xf32> to vector<16xf32>
        %swap3A_758 = vector.shape_cast %get3A_753 : vector<16xf32> to vector<1x16xf32>
        tpu.vector_store %arg11[%swap3A_754, %swap3A_755], %swap3A_758 {strides = array<i32>} : memref<128x64xf32, #tpu.memory_space<vmem>>, vector<1x16xf32>,
        %get3A_759 = arith.index_cast %add3A_749 : i32 to index
        %get3A_760 = arith.constant 16 : index
        %get3A_761 = tpu.vector_load %arg7[%get3A_759, %get3A_760] {strides = array<i32>} : memref<128x128xf32, #tpu.memory_space<vmem>>, vector<1x16xf32>,
        %get3A_762 = vector.shape_cast %get3A_761 : vector<1x16xf32> to vector<16xf32>
        %swap3A_763 = arith.index_cast %add3A_749 : i32 to index
        %swap3A_764 = arith.constant 16 : index
        %swap3A_765 = tpu.vector_load %arg11[%swap3A_763, %swap3A_764] {strides = array<i32>} : memref<128x64xf32, #tpu.memory_space<vmem>>, vector<1x16xf32>,
        %swap3A_766 = vector.shape_cast %swap3A_765 : vector<1x16xf32> to vector<16xf32>
        %swap3A_767 = vector.shape_cast %get3A_762 : vector<16xf32> to vector<1x16xf32>
        tpu.vector_store %arg11[%swap3A_763, %swap3A_764], %swap3A_767 {strides = array<i32>} : memref<128x64xf32, #tpu.memory_space<vmem>>, vector<1x16xf32>,
        %get3A_768 = arith.index_cast %add3A_749 : i32 to index
        %get3A_769 = arith.constant 32 : index
        %get3A_770 = tpu.vector_load %arg7[%get3A_768, %get3A_769] {strides = array<i32>} : memref<128x128xf32, #tpu.memory_space<vmem>>, vector<1x16xf32>,
        %get3A_771 = vector.shape_cast %get3A_770 : vector<1x16xf32> to vector<16xf32>
        %swap3A_772 = arith.index_cast %add3A_749 : i32 to index
        %swap3A_773 = arith.constant 32 : index
        %swap3A_774 = tpu.vector_load %arg11[%swap3A_772, %swap3A_773] {strides = array<i32>} : memref<128x64xf32, #tpu.memory_space<vmem>>, vector<1x16xf32>,
        %swap3A_775 = vector.shape_cast %swap3A_774 : vector<1x16xf32> to vector<16xf32>
        %swap3A_776 = vector.shape_cast %get3A_771 : vector<16xf32> to vector<1x16xf32>
        tpu.vector_store %arg11[%swap3A_772, %swap3A_773], %swap3A_776 {strides = array<i32>} : memref<128x64xf32, #tpu.memory_space<vmem>>, vector<1x16xf32>,
        %get3A_777 = arith.index_cast %add3A_749 : i32 to index
        %get3A_778 = arith.constant 48 : index
        %get3A_779 = tpu.vector_load %arg7[%get3A_777, %get3A_778] {strides = array<i32>} : memref<128x128xf32, #tpu.memory_space<vmem>>, vector<1x16xf32>,
        %get3A_780 = vector.shape_cast %get3A_779 : vector<1x16xf32> to vector<16xf32>
        %swap3A_781 = arith.index_cast %add3A_749 : i32 to index
        %swap3A_782 = arith.constant 48 : index
        %swap3A_783 = tpu.vector_load %arg11[%swap3A_781, %swap3A_782] {strides = array<i32>} : memref<128x64xf32, #tpu.memory_space<vmem>>, vector<1x16xf32>,
        %swap3A_784 = vector.shape_cast %swap3A_783 : vector<1x16xf32> to vector<16xf32>
        %swap3A_785 = vector.shape_cast %get3A_780 : vector<16xf32> to vector<1x16xf32>
        tpu.vector_store %arg11[%swap3A_781, %swap3A_782], %swap3A_785 {strides = array<i32>} : memref<128x64xf32, #tpu.memory_space<vmem>>, vector<1x16xf32>,
        %mul3A_786 = arith.constant 16 : i32
        %mul3A_787 = arith.muli %scan3A_186, %mul3A_786 : i32
        %add3A_788 = arith.constant 15 : i32
        %add3A_789 = arith.addi %mul3A_787, %add3A_788 : i32
        %get3A_790 = arith.index_cast %add3A_789 : i32 to index
        %get3A_791 = arith.constant 0 : index
        %get3A_792 = tpu.vector_load %arg7[%get3A_790, %get3A_791] {strides = array<i32>} : memref<128x128xf32, #tpu.memory_space<vmem>>, vector<1x16xf32>,
        %get3A_793 = vector.shape_cast %get3A_792 : vector<1x16xf32> to vector<16xf32>
        %swap3A_794 = arith.index_cast %add3A_789 : i32 to index
        %swap3A_795 = arith.constant 0 : index
        %swap3A_796 = tpu.vector_load %arg11[%swap3A_794, %swap3A_795] {strides = array<i32>} : memref<128x64xf32, #tpu.memory_space<vmem>>, vector<1x16xf32>,
        %swap3A_797 = vector.shape_cast %swap3A_796 : vector<1x16xf32> to vector<16xf32>
        %swap3A_798 = vector.shape_cast %get3A_793 : vector<16xf32> to vector<1x16xf32>
        tpu.vector_store %arg11[%swap3A_794, %swap3A_795], %swap3A_798 {strides = array<i32>} : memref<128x64xf32, #tpu.memory_space<vmem>>, vector<1x16xf32>,
        %get3A_799 = arith.index_cast %add3A_789 : i32 to index
        %get3A_800 = arith.constant 16 : index
        %get3A_801 = tpu.vector_load %arg7[%get3A_799, %get3A_800] {strides = array<i32>} : memref<128x128xf32, #tpu.memory_space<vmem>>, vector<1x16xf32>,
        %get3A_802 = vector.shape_cast %get3A_801 : vector<1x16xf32> to vector<16xf32>
        %swap3A_803 = arith.index_cast %add3A_789 : i32 to index
        %swap3A_804 = arith.constant 16 : index
        %swap3A_805 = tpu.vector_load %arg11[%swap3A_803, %swap3A_804] {strides = array<i32>} : memref<128x64xf32, #tpu.memory_space<vmem>>, vector<1x16xf32>,
        %swap3A_806 = vector.shape_cast %swap3A_805 : vector<1x16xf32> to vector<16xf32>
        %swap3A_807 = vector.shape_cast %get3A_802 : vector<16xf32> to vector<1x16xf32>
        tpu.vector_store %arg11[%swap3A_803, %swap3A_804], %swap3A_807 {strides = array<i32>} : memref<128x64xf32, #tpu.memory_space<vmem>>, vector<1x16xf32>,
        %get3A_808 = arith.index_cast %add3A_789 : i32 to index
        %get3A_809 = arith.constant 32 : index
        %get3A_810 = tpu.vector_load %arg7[%get3A_808, %get3A_809] {strides = array<i32>} : memref<128x128xf32, #tpu.memory_space<vmem>>, vector<1x16xf32>,
        %get3A_811 = vector.shape_cast %get3A_810 : vector<1x16xf32> to vector<16xf32>
        %swap3A_812 = arith.index_cast %add3A_789 : i32 to index
        %swap3A_813 = arith.constant 32 : index
        %swap3A_814 = tpu.vector_load %arg11[%swap3A_812, %swap3A_813] {strides = array<i32>} : memref<128x64xf32, #tpu.memory_space<vmem>>, vector<1x16xf32>,
        %swap3A_815 = vector.shape_cast %swap3A_814 : vector<1x16xf32> to vector<16xf32>
        %swap3A_816 = vector.shape_cast %get3A_811 : vector<16xf32> to vector<1x16xf32>
        tpu.vector_store %arg11[%swap3A_812, %swap3A_813], %swap3A_816 {strides = array<i32>} : memref<128x64xf32, #tpu.memory_space<vmem>>, vector<1x16xf32>,
        %get3A_817 = arith.index_cast %add3A_789 : i32 to index
        %get3A_818 = arith.constant 48 : index
        %get3A_819 = tpu.vector_load %arg7[%get3A_817, %get3A_818] {strides = array<i32>} : memref<128x128xf32, #tpu.memory_space<vmem>>, vector<1x16xf32>,
        %get3A_820 = vector.shape_cast %get3A_819 : vector<1x16xf32> to vector<16xf32>
        %swap3A_821 = arith.index_cast %add3A_789 : i32 to index
        %swap3A_822 = arith.constant 48 : index
        %swap3A_823 = tpu.vector_load %arg11[%swap3A_821, %swap3A_822] {strides = array<i32>} : memref<128x64xf32, #tpu.memory_space<vmem>>, vector<1x16xf32>,
        %swap3A_824 = vector.shape_cast %swap3A_823 : vector<1x16xf32> to vector<16xf32>
        %swap3A_825 = vector.shape_cast %get3A_820 : vector<16xf32> to vector<1x16xf32>
        tpu.vector_store %arg11[%swap3A_821, %swap3A_822], %swap3A_825 {strides = array<i32>} : memref<128x64xf32, #tpu.memory_space<vmem>>, vector<1x16xf32>,
        %scan3A_826 = arith.constant 0 : i32
        scf.yield %scan3A_826 : i32
      }
      %scan3A_101 = arith.constant 8 : i32
      %mul3A_102 = arith.constant 128 : i32
      %mul3A_103 = arith.muli %add3A_74, %mul3A_102 : i32
      %add3A_104 = arith.addi %mul3A_2, %mul3A_103 : i32
      %dma_start3A_105 = arith.constant 0 : i32
      %dma_start3A_106 = tpu.memref_slice %arg4[%add3A_104, %dma_start3A_105] : memref<819200x64xf32, #tpu.memory_space<hbm>> -> memref<128x64xf32, #tpu.memory_space<hbm>>
      %dma_start3A_107 = arith.constant 0 : i32
      %dma_start3A_108 = tpu.memref_slice %arg4[%add3A_104, %dma_start3A_107] : memref<819200x64xf32, #tpu.memory_space<hbm>> -> memref<128x64xf32, #tpu.memory_space<hbm>>
      tpu.enqueue_dma source(%arg11 : memref<128x64xf32, #tpu.memory_space<vmem>>) target(%dma_start3A_108 : memref<128x64xf32, #tpu.memory_space<hbm>>) target_semaphore(%arg17 : memref<!tpu.dma_semaphore, #tpu.memory_space<semaphore_mem>>)
      %mul3A_109 = arith.constant 4 : i32
      %mul3A_110 = arith.muli %scan3A_36, %mul3A_109 : i32
      %add3A_111 = arith.constant 2 : i32
      %add3A_112 = arith.addi %mul3A_110, %add3A_111 : i32
      %dma_wait3A_113 = arith.constant 0 : i32
      %dma_wait3A_114 = arith.constant 0 : i32
      %dma_wait3A_115 = tpu.memref_slice %arg3[%dma_wait3A_113, %dma_wait3A_114] : memref<1000000x128xf32, #tpu.memory_space<hbm>> -> memref<128x128xf32, #tpu.memory_space<hbm>>
      %dma_wait3A_116 = arith.constant 0 : i32
      %dma_wait3A_117 = arith.constant 0 : i32
      %dma_wait3A_118 = tpu.memref_slice %arg3[%dma_wait3A_116, %dma_wait3A_117] : memref<1000000x128xf32, #tpu.memory_space<hbm>> -> memref<128x128xf32, #tpu.memory_space<hbm>>
      tpu.wait_dma2 semaphore(%arg14 : memref<!tpu.dma_semaphore, #tpu.memory_space<semaphore_mem>>) src(%dma_wait3A_118 : memref<128x128xf32, #tpu.memory_space<hbm>>) dst(%arg8 : memref<128x128xf32, #tpu.memory_space<vmem>>)
      %add3A_119 = arith.constant 4 : i32
      %add3A_120 = arith.addi %add3A_112, %add3A_119 : i32
      %sub3A_121 = arith.constant 1 : i32
      %sub3A_122 = arith.subi %add3A_120, %sub3A_121 : i32
      %lt3A_123 = arith.constant 200 : i32
      %lt3A_124 = arith.cmpi slt, %sub3A_122, %lt3A_123 : i32
      %convert_element_type3A_125 = arith.extui %lt3A_124 : i1 to i32
      %cond3A_126 = arith.constant 0 : i32
      %cond3A_127 = arith.cmpi ne, %convert_element_type3A_125, %cond3A_126 : i32
      scf.if %cond3A_127 {
        %add3A_186 = arith.constant 4 : i32
        %add3A_187 = arith.addi %add3A_112, %add3A_186 : i32
        %sub3A_188 = arith.constant 1 : i32
        %sub3A_189 = arith.subi %add3A_187, %sub3A_188 : i32
        %dma_start3A_190 = arith.constant 0 : i32
        %dma_start3A_191 = tpu.memref_slice %arg5[%sub3A_189, %dma_start3A_190] : memref<200x128xi32, #tpu.memory_space<vmem>> -> memref<1x128xi32, #tpu.memory_space<vmem>>
        %dma_start3A_192 = tpu.memref_squeeze %dma_start3A_191 : memref<1x128xi32, #tpu.memory_space<vmem>> -> memref<128xi32, #tpu.memory_space<vmem>>
        %dma_start3A_193 = arith.constant 0 : i32
        %dma_start3A_194 = arith.constant 0 : i32
        %dma_start3A_195 = tpu.memref_slice %arg3[%dma_start3A_193, %dma_start3A_194] : memref<1000000x128xf32, #tpu.memory_space<hbm>> -> memref<1000000x128xf32, #tpu.memory_space<hbm>>
        tpu.enqueue_indirect_dma source(%dma_start3A_195 : memref<1000000x128xf32, #tpu.memory_space<hbm>>) target(%arg7 : memref<128x128xf32, #tpu.memory_space<vmem>>) offsets(%dma_start3A_192 : memref<128xi32, #tpu.memory_space<vmem>>) semaphore(%arg13 : memref<!tpu.dma_semaphore, #tpu.memory_space<semaphore_mem>>)
      } else {
      }
      %ge3A_128 = arith.constant 2 : i32
      %ge3A_129 = arith.cmpi sge, %add3A_112, %ge3A_128 : i32
      %convert_element_type3A_130 = arith.extui %ge3A_129 : i1 to i32
      %cond3A_131 = arith.constant 0 : i32
      %cond3A_132 = arith.cmpi ne, %convert_element_type3A_130, %cond3A_131 : i32
      scf.if %cond3A_132 {
        %dma_wait3A_186 = arith.constant 0 : i32
        %dma_wait3A_187 = tpu.memref_slice %arg4[%mul3A_2, %dma_wait3A_186] : memref<819200x64xf32, #tpu.memory_space<hbm>> -> memref<128x64xf32, #tpu.memory_space<hbm>>
        %dma_wait3A_188 = arith.constant 0 : i32
        %dma_wait3A_189 = tpu.memref_slice %arg4[%mul3A_2, %dma_wait3A_188] : memref<819200x64xf32, #tpu.memory_space<hbm>> -> memref<128x64xf32, #tpu.memory_space<hbm>>
        tpu.wait_dma2 semaphore(%arg16 : memref<!tpu.dma_semaphore, #tpu.memory_space<semaphore_mem>>) src(%arg10 : memref<128x64xf32, #tpu.memory_space<vmem>>) dst(%dma_wait3A_189 : memref<128x64xf32, #tpu.memory_space<hbm>>)
      } else {
      }
      %scan3A_133 = arith.constant 0 : i32
      %scan3A_134 = arith.constant 0 : i32
      %scan3A_135 = arith.constant 8 : i32
      %scan3A_136 = arith.addi %scan3A_134, %scan3A_135 : i32
      %scan3A_137 = arith.constant 1 : i32
      %scan3A_138 = scf.for %scan3A_186 = %scan3A_134 to %scan3A_136 step %scan3A_137 iter_args(%scan3A_187 = %scan3A_133) -> (i32)  : i32 {
        %mul3A_188 = arith.constant 16 : i32
        %mul3A_189 = arith.muli %scan3A_186, %mul3A_188 : i32
        %add3A_190 = arith.constant 0 : i32
        %add3A_191 = arith.addi %mul3A_189, %add3A_190 : i32
        %get3A = arith.index_cast %add3A_191 : i32 to index
        %get3A_192 = arith.constant 0 : index
        %get3A_193 = tpu.vector_load %arg8[%get3A, %get3A_192] {strides = array<i32>} : memref<128x128xf32, #tpu.memory_space<vmem>>, vector<1x16xf32>,
        %get3A_194 = vector.shape_cast %get3A_193 : vector<1x16xf32> to vector<16xf32>
        %swap3A = arith.index_cast %add3A_191 : i32 to index
        %swap3A_195 = arith.constant 0 : index
        %swap3A_196 = tpu.vector_load %arg10[%swap3A, %swap3A_195] {strides = array<i32>} : memref<128x64xf32, #tpu.memory_space<vmem>>, vector<1x16xf32>,
        %swap3A_197 = vector.shape_cast %swap3A_196 : vector<1x16xf32> to vector<16xf32>
        %swap3A_198 = vector.shape_cast %get3A_194 : vector<16xf32> to vector<1x16xf32>
        tpu.vector_store %arg10[%swap3A, %swap3A_195], %swap3A_198 {strides = array<i32>} : memref<128x64xf32, #tpu.memory_space<vmem>>, vector<1x16xf32>,
        %get3A_199 = arith.index_cast %add3A_191 : i32 to index
        %get3A_200 = arith.constant 16 : index
        %get3A_201 = tpu.vector_load %arg8[%get3A_199, %get3A_200] {strides = array<i32>} : memref<128x128xf32, #tpu.memory_space<vmem>>, vector<1x16xf32>,
        %get3A_202 = vector.shape_cast %get3A_201 : vector<1x16xf32> to vector<16xf32>
        %swap3A_203 = arith.index_cast %add3A_191 : i32 to index
        %swap3A_204 = arith.constant 16 : index
        %swap3A_205 = tpu.vector_load %arg10[%swap3A_203, %swap3A_204] {strides = array<i32>} : memref<128x64xf32, #tpu.memory_space<vmem>>, vector<1x16xf32>,
        %swap3A_206 = vector.shape_cast %swap3A_205 : vector<1x16xf32> to vector<16xf32>
        %swap3A_207 = vector.shape_cast %get3A_202 : vector<16xf32> to vector<1x16xf32>
        tpu.vector_store %arg10[%swap3A_203, %swap3A_204], %swap3A_207 {strides = array<i32>} : memref<128x64xf32, #tpu.memory_space<vmem>>, vector<1x16xf32>,
        %get3A_208 = arith.index_cast %add3A_191 : i32 to index
        %get3A_209 = arith.constant 32 : index
        %get3A_210 = tpu.vector_load %arg8[%get3A_208, %get3A_209] {strides = array<i32>} : memref<128x128xf32, #tpu.memory_space<vmem>>, vector<1x16xf32>,
        %get3A_211 = vector.shape_cast %get3A_210 : vector<1x16xf32> to vector<16xf32>
        %swap3A_212 = arith.index_cast %add3A_191 : i32 to index
        %swap3A_213 = arith.constant 32 : index
        %swap3A_214 = tpu.vector_load %arg10[%swap3A_212, %swap3A_213] {strides = array<i32>} : memref<128x64xf32, #tpu.memory_space<vmem>>, vector<1x16xf32>,
        %swap3A_215 = vector.shape_cast %swap3A_214 : vector<1x16xf32> to vector<16xf32>
        %swap3A_216 = vector.shape_cast %get3A_211 : vector<16xf32> to vector<1x16xf32>
        tpu.vector_store %arg10[%swap3A_212, %swap3A_213], %swap3A_216 {strides = array<i32>} : memref<128x64xf32, #tpu.memory_space<vmem>>, vector<1x16xf32>,
        %get3A_217 = arith.index_cast %add3A_191 : i32 to index
        %get3A_218 = arith.constant 48 : index
        %get3A_219 = tpu.vector_load %arg8[%get3A_217, %get3A_218] {strides = array<i32>} : memref<128x128xf32, #tpu.memory_space<vmem>>, vector<1x16xf32>,
        %get3A_220 = vector.shape_cast %get3A_219 : vector<1x16xf32> to vector<16xf32>
        %swap3A_221 = arith.index_cast %add3A_191 : i32 to index
        %swap3A_222 = arith.constant 48 : index
        %swap3A_223 = tpu.vector_load %arg10[%swap3A_221, %swap3A_222] {strides = array<i32>} : memref<128x64xf32, #tpu.memory_space<vmem>>, vector<1x16xf32>,
        %swap3A_224 = vector.shape_cast %swap3A_223 : vector<1x16xf32> to vector<16xf32>
        %swap3A_225 = vector.shape_cast %get3A_220 : vector<16xf32> to vector<1x16xf32>
        tpu.vector_store %arg10[%swap3A_221, %swap3A_222], %swap3A_225 {strides = array<i32>} : memref<128x64xf32, #tpu.memory_space<vmem>>, vector<1x16xf32>,
        %mul3A_226 = arith.constant 16 : i32
        %mul3A_227 = arith.muli %scan3A_186, %mul3A_226 : i32
        %add3A_228 = arith.constant 1 : i32
        %add3A_229 = arith.addi %mul3A_227, %add3A_228 : i32
        %get3A_230 = arith.index_cast %add3A_229 : i32 to index
        %get3A_231 = arith.constant 0 : index
        %get3A_232 = tpu.vector_load %arg8[%get3A_230, %get3A_231] {strides = array<i32>} : memref<128x128xf32, #tpu.memory_space<vmem>>, vector<1x16xf32>,
        %get3A_233 = vector.shape_cast %get3A_232 : vector<1x16xf32> to vector<16xf32>
        %swap3A_234 = arith.index_cast %add3A_229 : i32 to index
        %swap3A_235 = arith.constant 0 : index
        %swap3A_236 = tpu.vector_load %arg10[%swap3A_234, %swap3A_235] {strides = array<i32>} : memref<128x64xf32, #tpu.memory_space<vmem>>, vector<1x16xf32>,
        %swap3A_237 = vector.shape_cast %swap3A_236 : vector<1x16xf32> to vector<16xf32>
        %swap3A_238 = vector.shape_cast %get3A_233 : vector<16xf32> to vector<1x16xf32>
        tpu.vector_store %arg10[%swap3A_234, %swap3A_235], %swap3A_238 {strides = array<i32>} : memref<128x64xf32, #tpu.memory_space<vmem>>, vector<1x16xf32>,
        %get3A_239 = arith.index_cast %add3A_229 : i32 to index
        %get3A_240 = arith.constant 16 : index
        %get3A_241 = tpu.vector_load %arg8[%get3A_239, %get3A_240] {strides = array<i32>} : memref<128x128xf32, #tpu.memory_space<vmem>>, vector<1x16xf32>,
        %get3A_242 = vector.shape_cast %get3A_241 : vector<1x16xf32> to vector<16xf32>
        %swap3A_243 = arith.index_cast %add3A_229 : i32 to index
        %swap3A_244 = arith.constant 16 : index
        %swap3A_245 = tpu.vector_load %arg10[%swap3A_243, %swap3A_244] {strides = array<i32>} : memref<128x64xf32, #tpu.memory_space<vmem>>, vector<1x16xf32>,
        %swap3A_246 = vector.shape_cast %swap3A_245 : vector<1x16xf32> to vector<16xf32>
        %swap3A_247 = vector.shape_cast %get3A_242 : vector<16xf32> to vector<1x16xf32>
        tpu.vector_store %arg10[%swap3A_243, %swap3A_244], %swap3A_247 {strides = array<i32>} : memref<128x64xf32, #tpu.memory_space<vmem>>, vector<1x16xf32>,
        %get3A_248 = arith.index_cast %add3A_229 : i32 to index
        %get3A_249 = arith.constant 32 : index
        %get3A_250 = tpu.vector_load %arg8[%get3A_248, %get3A_249] {strides = array<i32>} : memref<128x128xf32, #tpu.memory_space<vmem>>, vector<1x16xf32>,
        %get3A_251 = vector.shape_cast %get3A_250 : vector<1x16xf32> to vector<16xf32>
        %swap3A_252 = arith.index_cast %add3A_229 : i32 to index
        %swap3A_253 = arith.constant 32 : index
        %swap3A_254 = tpu.vector_load %arg10[%swap3A_252, %swap3A_253] {strides = array<i32>} : memref<128x64xf32, #tpu.memory_space<vmem>>, vector<1x16xf32>,
        %swap3A_255 = vector.shape_cast %swap3A_254 : vector<1x16xf32> to vector<16xf32>
        %swap3A_256 = vector.shape_cast %get3A_251 : vector<16xf32> to vector<1x16xf32>
        tpu.vector_store %arg10[%swap3A_252, %swap3A_253], %swap3A_256 {strides = array<i32>} : memref<128x64xf32, #tpu.memory_space<vmem>>, vector<1x16xf32>,
        %get3A_257 = arith.index_cast %add3A_229 : i32 to index
        %get3A_258 = arith.constant 48 : index
        %get3A_259 = tpu.vector_load %arg8[%get3A_257, %get3A_258] {strides = array<i32>} : memref<128x128xf32, #tpu.memory_space<vmem>>, vector<1x16xf32>,
        %get3A_260 = vector.shape_cast %get3A_259 : vector<1x16xf32> to vector<16xf32>
        %swap3A_261 = arith.index_cast %add3A_229 : i32 to index
        %swap3A_262 = arith.constant 48 : index
        %swap3A_263 = tpu.vector_load %arg10[%swap3A_261, %swap3A_262] {strides = array<i32>} : memref<128x64xf32, #tpu.memory_space<vmem>>, vector<1x16xf32>,
        %swap3A_264 = vector.shape_cast %swap3A_263 : vector<1x16xf32> to vector<16xf32>
        %swap3A_265 = vector.shape_cast %get3A_260 : vector<16xf32> to vector<1x16xf32>
        tpu.vector_store %arg10[%swap3A_261, %swap3A_262], %swap3A_265 {strides = array<i32>} : memref<128x64xf32, #tpu.memory_space<vmem>>, vector<1x16xf32>,
        %mul3A_266 = arith.constant 16 : i32
        %mul3A_267 = arith.muli %scan3A_186, %mul3A_266 : i32
        %add3A_268 = arith.constant 2 : i32
        %add3A_269 = arith.addi %mul3A_267, %add3A_268 : i32
        %get3A_270 = arith.index_cast %add3A_269 : i32 to index
        %get3A_271 = arith.constant 0 : index
        %get3A_272 = tpu.vector_load %arg8[%get3A_270, %get3A_271] {strides = array<i32>} : memref<128x128xf32, #tpu.memory_space<vmem>>, vector<1x16xf32>,
        %get3A_273 = vector.shape_cast %get3A_272 : vector<1x16xf32> to vector<16xf32>
        %swap3A_274 = arith.index_cast %add3A_269 : i32 to index
        %swap3A_275 = arith.constant 0 : index
        %swap3A_276 = tpu.vector_load %arg10[%swap3A_274, %swap3A_275] {strides = array<i32>} : memref<128x64xf32, #tpu.memory_space<vmem>>, vector<1x16xf32>,
        %swap3A_277 = vector.shape_cast %swap3A_276 : vector<1x16xf32> to vector<16xf32>
        %swap3A_278 = vector.shape_cast %get3A_273 : vector<16xf32> to vector<1x16xf32>
        tpu.vector_store %arg10[%swap3A_274, %swap3A_275], %swap3A_278 {strides = array<i32>} : memref<128x64xf32, #tpu.memory_space<vmem>>, vector<1x16xf32>,
        %get3A_279 = arith.index_cast %add3A_269 : i32 to index
        %get3A_280 = arith.constant 16 : index
        %get3A_281 = tpu.vector_load %arg8[%get3A_279, %get3A_280] {strides = array<i32>} : memref<128x128xf32, #tpu.memory_space<vmem>>, vector<1x16xf32>,
        %get3A_282 = vector.shape_cast %get3A_281 : vector<1x16xf32> to vector<16xf32>
        %swap3A_283 = arith.index_cast %add3A_269 : i32 to index
        %swap3A_284 = arith.constant 16 : index
        %swap3A_285 = tpu.vector_load %arg10[%swap3A_283, %swap3A_284] {strides = array<i32>} : memref<128x64xf32, #tpu.memory_space<vmem>>, vector<1x16xf32>,
        %swap3A_286 = vector.shape_cast %swap3A_285 : vector<1x16xf32> to vector<16xf32>
        %swap3A_287 = vector.shape_cast %get3A_282 : vector<16xf32> to vector<1x16xf32>
        tpu.vector_store %arg10[%swap3A_283, %swap3A_284], %swap3A_287 {strides = array<i32>} : memref<128x64xf32, #tpu.memory_space<vmem>>, vector<1x16xf32>,
        %get3A_288 = arith.index_cast %add3A_269 : i32 to index
        %get3A_289 = arith.constant 32 : index
        %get3A_290 = tpu.vector_load %arg8[%get3A_288, %get3A_289] {strides = array<i32>} : memref<128x128xf32, #tpu.memory_space<vmem>>, vector<1x16xf32>,
        %get3A_291 = vector.shape_cast %get3A_290 : vector<1x16xf32> to vector<16xf32>
        %swap3A_292 = arith.index_cast %add3A_269 : i32 to index
        %swap3A_293 = arith.constant 32 : index
        %swap3A_294 = tpu.vector_load %arg10[%swap3A_292, %swap3A_293] {strides = array<i32>} : memref<128x64xf32, #tpu.memory_space<vmem>>, vector<1x16xf32>,
        %swap3A_295 = vector.shape_cast %swap3A_294 : vector<1x16xf32> to vector<16xf32>
        %swap3A_296 = vector.shape_cast %get3A_291 : vector<16xf32> to vector<1x16xf32>
        tpu.vector_store %arg10[%swap3A_292, %swap3A_293], %swap3A_296 {strides = array<i32>} : memref<128x64xf32, #tpu.memory_space<vmem>>, vector<1x16xf32>,
        %get3A_297 = arith.index_cast %add3A_269 : i32 to index
        %get3A_298 = arith.constant 48 : index
        %get3A_299 = tpu.vector_load %arg8[%get3A_297, %get3A_298] {strides = array<i32>} : memref<128x128xf32, #tpu.memory_space<vmem>>, vector<1x16xf32>,
        %get3A_300 = vector.shape_cast %get3A_299 : vector<1x16xf32> to vector<16xf32>
        %swap3A_301 = arith.index_cast %add3A_269 : i32 to index
        %swap3A_302 = arith.constant 48 : index
        %swap3A_303 = tpu.vector_load %arg10[%swap3A_301, %swap3A_302] {strides = array<i32>} : memref<128x64xf32, #tpu.memory_space<vmem>>, vector<1x16xf32>,
        %swap3A_304 = vector.shape_cast %swap3A_303 : vector<1x16xf32> to vector<16xf32>
        %swap3A_305 = vector.shape_cast %get3A_300 : vector<16xf32> to vector<1x16xf32>
        tpu.vector_store %arg10[%swap3A_301, %swap3A_302], %swap3A_305 {strides = array<i32>} : memref<128x64xf32, #tpu.memory_space<vmem>>, vector<1x16xf32>,
        %mul3A_306 = arith.constant 16 : i32
        %mul3A_307 = arith.muli %scan3A_186, %mul3A_306 : i32
        %add3A_308 = arith.constant 3 : i32
        %add3A_309 = arith.addi %mul3A_307, %add3A_308 : i32
        %get3A_310 = arith.index_cast %add3A_309 : i32 to index
        %get3A_311 = arith.constant 0 : index
        %get3A_312 = tpu.vector_load %arg8[%get3A_310, %get3A_311] {strides = array<i32>} : memref<128x128xf32, #tpu.memory_space<vmem>>, vector<1x16xf32>,
        %get3A_313 = vector.shape_cast %get3A_312 : vector<1x16xf32> to vector<16xf32>
        %swap3A_314 = arith.index_cast %add3A_309 : i32 to index
        %swap3A_315 = arith.constant 0 : index
        %swap3A_316 = tpu.vector_load %arg10[%swap3A_314, %swap3A_315] {strides = array<i32>} : memref<128x64xf32, #tpu.memory_space<vmem>>, vector<1x16xf32>,
        %swap3A_317 = vector.shape_cast %swap3A_316 : vector<1x16xf32> to vector<16xf32>
        %swap3A_318 = vector.shape_cast %get3A_313 : vector<16xf32> to vector<1x16xf32>
        tpu.vector_store %arg10[%swap3A_314, %swap3A_315], %swap3A_318 {strides = array<i32>} : memref<128x64xf32, #tpu.memory_space<vmem>>, vector<1x16xf32>,
        %get3A_319 = arith.index_cast %add3A_309 : i32 to index
        %get3A_320 = arith.constant 16 : index
        %get3A_321 = tpu.vector_load %arg8[%get3A_319, %get3A_320] {strides = array<i32>} : memref<128x128xf32, #tpu.memory_space<vmem>>, vector<1x16xf32>,
        %get3A_322 = vector.shape_cast %get3A_321 : vector<1x16xf32> to vector<16xf32>
        %swap3A_323 = arith.index_cast %add3A_309 : i32 to index
        %swap3A_324 = arith.constant 16 : index
        %swap3A_325 = tpu.vector_load %arg10[%swap3A_323, %swap3A_324] {strides = array<i32>} : memref<128x64xf32, #tpu.memory_space<vmem>>, vector<1x16xf32>,
        %swap3A_326 = vector.shape_cast %swap3A_325 : vector<1x16xf32> to vector<16xf32>
        %swap3A_327 = vector.shape_cast %get3A_322 : vector<16xf32> to vector<1x16xf32>
        tpu.vector_store %arg10[%swap3A_323, %swap3A_324], %swap3A_327 {strides = array<i32>} : memref<128x64xf32, #tpu.memory_space<vmem>>, vector<1x16xf32>,
        %get3A_328 = arith.index_cast %add3A_309 : i32 to index
        %get3A_329 = arith.constant 32 : index
        %get3A_330 = tpu.vector_load %arg8[%get3A_328, %get3A_329] {strides = array<i32>} : memref<128x128xf32, #tpu.memory_space<vmem>>, vector<1x16xf32>,
        %get3A_331 = vector.shape_cast %get3A_330 : vector<1x16xf32> to vector<16xf32>
        %swap3A_332 = arith.index_cast %add3A_309 : i32 to index
        %swap3A_333 = arith.constant 32 : index
        %swap3A_334 = tpu.vector_load %arg10[%swap3A_332, %swap3A_333] {strides = array<i32>} : memref<128x64xf32, #tpu.memory_space<vmem>>, vector<1x16xf32>,
        %swap3A_335 = vector.shape_cast %swap3A_334 : vector<1x16xf32> to vector<16xf32>
        %swap3A_336 = vector.shape_cast %get3A_331 : vector<16xf32> to vector<1x16xf32>
        tpu.vector_store %arg10[%swap3A_332, %swap3A_333], %swap3A_336 {strides = array<i32>} : memref<128x64xf32, #tpu.memory_space<vmem>>, vector<1x16xf32>,
        %get3A_337 = arith.index_cast %add3A_309 : i32 to index
        %get3A_338 = arith.constant 48 : index
        %get3A_339 = tpu.vector_load %arg8[%get3A_337, %get3A_338] {strides = array<i32>} : memref<128x128xf32, #tpu.memory_space<vmem>>, vector<1x16xf32>,
        %get3A_340 = vector.shape_cast %get3A_339 : vector<1x16xf32> to vector<16xf32>
        %swap3A_341 = arith.index_cast %add3A_309 : i32 to index
        %swap3A_342 = arith.constant 48 : index
        %swap3A_343 = tpu.vector_load %arg10[%swap3A_341, %swap3A_342] {strides = array<i32>} : memref<128x64xf32, #tpu.memory_space<vmem>>, vector<1x16xf32>,
        %swap3A_344 = vector.shape_cast %swap3A_343 : vector<1x16xf32> to vector<16xf32>
        %swap3A_345 = vector.shape_cast %get3A_340 : vector<16xf32> to vector<1x16xf32>
        tpu.vector_store %arg10[%swap3A_341, %swap3A_342], %swap3A_345 {strides = array<i32>} : memref<128x64xf32, #tpu.memory_space<vmem>>, vector<1x16xf32>,
        %mul3A_346 = arith.constant 16 : i32
        %mul3A_347 = arith.muli %scan3A_186, %mul3A_346 : i32
        %add3A_348 = arith.constant 4 : i32
        %add3A_349 = arith.addi %mul3A_347, %add3A_348 : i32
        %get3A_350 = arith.index_cast %add3A_349 : i32 to index
        %get3A_351 = arith.constant 0 : index
        %get3A_352 = tpu.vector_load %arg8[%get3A_350, %get3A_351] {strides = array<i32>} : memref<128x128xf32, #tpu.memory_space<vmem>>, vector<1x16xf32>,
        %get3A_353 = vector.shape_cast %get3A_352 : vector<1x16xf32> to vector<16xf32>
        %swap3A_354 = arith.index_cast %add3A_349 : i32 to index
        %swap3A_355 = arith.constant 0 : index
        %swap3A_356 = tpu.vector_load %arg10[%swap3A_354, %swap3A_355] {strides = array<i32>} : memref<128x64xf32, #tpu.memory_space<vmem>>, vector<1x16xf32>,
        %swap3A_357 = vector.shape_cast %swap3A_356 : vector<1x16xf32> to vector<16xf32>
        %swap3A_358 = vector.shape_cast %get3A_353 : vector<16xf32> to vector<1x16xf32>
        tpu.vector_store %arg10[%swap3A_354, %swap3A_355], %swap3A_358 {strides = array<i32>} : memref<128x64xf32, #tpu.memory_space<vmem>>, vector<1x16xf32>,
        %get3A_359 = arith.index_cast %add3A_349 : i32 to index
        %get3A_360 = arith.constant 16 : index
        %get3A_361 = tpu.vector_load %arg8[%get3A_359, %get3A_360] {strides = array<i32>} : memref<128x128xf32, #tpu.memory_space<vmem>>, vector<1x16xf32>,
        %get3A_362 = vector.shape_cast %get3A_361 : vector<1x16xf32> to vector<16xf32>
        %swap3A_363 = arith.index_cast %add3A_349 : i32 to index
        %swap3A_364 = arith.constant 16 : index
        %swap3A_365 = tpu.vector_load %arg10[%swap3A_363, %swap3A_364] {strides = array<i32>} : memref<128x64xf32, #tpu.memory_space<vmem>>, vector<1x16xf32>,
        %swap3A_366 = vector.shape_cast %swap3A_365 : vector<1x16xf32> to vector<16xf32>
        %swap3A_367 = vector.shape_cast %get3A_362 : vector<16xf32> to vector<1x16xf32>
        tpu.vector_store %arg10[%swap3A_363, %swap3A_364], %swap3A_367 {strides = array<i32>} : memref<128x64xf32, #tpu.memory_space<vmem>>, vector<1x16xf32>,
        %get3A_368 = arith.index_cast %add3A_349 : i32 to index
        %get3A_369 = arith.constant 32 : index
        %get3A_370 = tpu.vector_load %arg8[%get3A_368, %get3A_369] {strides = array<i32>} : memref<128x128xf32, #tpu.memory_space<vmem>>, vector<1x16xf32>,
        %get3A_371 = vector.shape_cast %get3A_370 : vector<1x16xf32> to vector<16xf32>
        %swap3A_372 = arith.index_cast %add3A_349 : i32 to index
        %swap3A_373 = arith.constant 32 : index
        %swap3A_374 = tpu.vector_load %arg10[%swap3A_372, %swap3A_373] {strides = array<i32>} : memref<128x64xf32, #tpu.memory_space<vmem>>, vector<1x16xf32>,
        %swap3A_375 = vector.shape_cast %swap3A_374 : vector<1x16xf32> to vector<16xf32>
        %swap3A_376 = vector.shape_cast %get3A_371 : vector<16xf32> to vector<1x16xf32>
        tpu.vector_store %arg10[%swap3A_372, %swap3A_373], %swap3A_376 {strides = array<i32>} : memref<128x64xf32, #tpu.memory_space<vmem>>, vector<1x16xf32>,
        %get3A_377 = arith.index_cast %add3A_349 : i32 to index
        %get3A_378 = arith.constant 48 : index
        %get3A_379 = tpu.vector_load %arg8[%get3A_377, %get3A_378] {strides = array<i32>} : memref<128x128xf32, #tpu.memory_space<vmem>>, vector<1x16xf32>,
        %get3A_380 = vector.shape_cast %get3A_379 : vector<1x16xf32> to vector<16xf32>
        %swap3A_381 = arith.index_cast %add3A_349 : i32 to index
        %swap3A_382 = arith.constant 48 : index
        %swap3A_383 = tpu.vector_load %arg10[%swap3A_381, %swap3A_382] {strides = array<i32>} : memref<128x64xf32, #tpu.memory_space<vmem>>, vector<1x16xf32>,
        %swap3A_384 = vector.shape_cast %swap3A_383 : vector<1x16xf32> to vector<16xf32>
        %swap3A_385 = vector.shape_cast %get3A_380 : vector<16xf32> to vector<1x16xf32>
        tpu.vector_store %arg10[%swap3A_381, %swap3A_382], %swap3A_385 {strides = array<i32>} : memref<128x64xf32, #tpu.memory_space<vmem>>, vector<1x16xf32>,
        %mul3A_386 = arith.constant 16 : i32
        %mul3A_387 = arith.muli %scan3A_186, %mul3A_386 : i32
        %add3A_388 = arith.constant 5 : i32
        %add3A_389 = arith.addi %mul3A_387, %add3A_388 : i32
        %get3A_390 = arith.index_cast %add3A_389 : i32 to index
        %get3A_391 = arith.constant 0 : index
        %get3A_392 = tpu.vector_load %arg8[%get3A_390, %get3A_391] {strides = array<i32>} : memref<128x128xf32, #tpu.memory_space<vmem>>, vector<1x16xf32>,
        %get3A_393 = vector.shape_cast %get3A_392 : vector<1x16xf32> to vector<16xf32>
        %swap3A_394 = arith.index_cast %add3A_389 : i32 to index
        %swap3A_395 = arith.constant 0 : index
        %swap3A_396 = tpu.vector_load %arg10[%swap3A_394, %swap3A_395] {strides = array<i32>} : memref<128x64xf32, #tpu.memory_space<vmem>>, vector<1x16xf32>,
        %swap3A_397 = vector.shape_cast %swap3A_396 : vector<1x16xf32> to vector<16xf32>
        %swap3A_398 = vector.shape_cast %get3A_393 : vector<16xf32> to vector<1x16xf32>
        tpu.vector_store %arg10[%swap3A_394, %swap3A_395], %swap3A_398 {strides = array<i32>} : memref<128x64xf32, #tpu.memory_space<vmem>>, vector<1x16xf32>,
        %get3A_399 = arith.index_cast %add3A_389 : i32 to index
        %get3A_400 = arith.constant 16 : index
        %get3A_401 = tpu.vector_load %arg8[%get3A_399, %get3A_400] {strides = array<i32>} : memref<128x128xf32, #tpu.memory_space<vmem>>, vector<1x16xf32>,
        %get3A_402 = vector.shape_cast %get3A_401 : vector<1x16xf32> to vector<16xf32>
        %swap3A_403 = arith.index_cast %add3A_389 : i32 to index
        %swap3A_404 = arith.constant 16 : index
        %swap3A_405 = tpu.vector_load %arg10[%swap3A_403, %swap3A_404] {strides = array<i32>} : memref<128x64xf32, #tpu.memory_space<vmem>>, vector<1x16xf32>,
        %swap3A_406 = vector.shape_cast %swap3A_405 : vector<1x16xf32> to vector<16xf32>
        %swap3A_407 = vector.shape_cast %get3A_402 : vector<16xf32> to vector<1x16xf32>
        tpu.vector_store %arg10[%swap3A_403, %swap3A_404], %swap3A_407 {strides = array<i32>} : memref<128x64xf32, #tpu.memory_space<vmem>>, vector<1x16xf32>,
        %get3A_408 = arith.index_cast %add3A_389 : i32 to index
        %get3A_409 = arith.constant 32 : index
        %get3A_410 = tpu.vector_load %arg8[%get3A_408, %get3A_409] {strides = array<i32>} : memref<128x128xf32, #tpu.memory_space<vmem>>, vector<1x16xf32>,
        %get3A_411 = vector.shape_cast %get3A_410 : vector<1x16xf32> to vector<16xf32>
        %swap3A_412 = arith.index_cast %add3A_389 : i32 to index
        %swap3A_413 = arith.constant 32 : index
        %swap3A_414 = tpu.vector_load %arg10[%swap3A_412, %swap3A_413] {strides = array<i32>} : memref<128x64xf32, #tpu.memory_space<vmem>>, vector<1x16xf32>,
        %swap3A_415 = vector.shape_cast %swap3A_414 : vector<1x16xf32> to vector<16xf32>
        %swap3A_416 = vector.shape_cast %get3A_411 : vector<16xf32> to vector<1x16xf32>
        tpu.vector_store %arg10[%swap3A_412, %swap3A_413], %swap3A_416 {strides = array<i32>} : memref<128x64xf32, #tpu.memory_space<vmem>>, vector<1x16xf32>,
        %get3A_417 = arith.index_cast %add3A_389 : i32 to index
        %get3A_418 = arith.constant 48 : index
        %get3A_419 = tpu.vector_load %arg8[%get3A_417, %get3A_418] {strides = array<i32>} : memref<128x128xf32, #tpu.memory_space<vmem>>, vector<1x16xf32>,
        %get3A_420 = vector.shape_cast %get3A_419 : vector<1x16xf32> to vector<16xf32>
        %swap3A_421 = arith.index_cast %add3A_389 : i32 to index
        %swap3A_422 = arith.constant 48 : index
        %swap3A_423 = tpu.vector_load %arg10[%swap3A_421, %swap3A_422] {strides = array<i32>} : memref<128x64xf32, #tpu.memory_space<vmem>>, vector<1x16xf32>,
        %swap3A_424 = vector.shape_cast %swap3A_423 : vector<1x16xf32> to vector<16xf32>
        %swap3A_425 = vector.shape_cast %get3A_420 : vector<16xf32> to vector<1x16xf32>
        tpu.vector_store %arg10[%swap3A_421, %swap3A_422], %swap3A_425 {strides = array<i32>} : memref<128x64xf32, #tpu.memory_space<vmem>>, vector<1x16xf32>,
        %mul3A_426 = arith.constant 16 : i32
        %mul3A_427 = arith.muli %scan3A_186, %mul3A_426 : i32
        %add3A_428 = arith.constant 6 : i32
        %add3A_429 = arith.addi %mul3A_427, %add3A_428 : i32
        %get3A_430 = arith.index_cast %add3A_429 : i32 to index
        %get3A_431 = arith.constant 0 : index
        %get3A_432 = tpu.vector_load %arg8[%get3A_430, %get3A_431] {strides = array<i32>} : memref<128x128xf32, #tpu.memory_space<vmem>>, vector<1x16xf32>,
        %get3A_433 = vector.shape_cast %get3A_432 : vector<1x16xf32> to vector<16xf32>
        %swap3A_434 = arith.index_cast %add3A_429 : i32 to index
        %swap3A_435 = arith.constant 0 : index
        %swap3A_436 = tpu.vector_load %arg10[%swap3A_434, %swap3A_435] {strides = array<i32>} : memref<128x64xf32, #tpu.memory_space<vmem>>, vector<1x16xf32>,
        %swap3A_437 = vector.shape_cast %swap3A_436 : vector<1x16xf32> to vector<16xf32>
        %swap3A_438 = vector.shape_cast %get3A_433 : vector<16xf32> to vector<1x16xf32>
        tpu.vector_store %arg10[%swap3A_434, %swap3A_435], %swap3A_438 {strides = array<i32>} : memref<128x64xf32, #tpu.memory_space<vmem>>, vector<1x16xf32>,
        %get3A_439 = arith.index_cast %add3A_429 : i32 to index
        %get3A_440 = arith.constant 16 : index
        %get3A_441 = tpu.vector_load %arg8[%get3A_439, %get3A_440] {strides = array<i32>} : memref<128x128xf32, #tpu.memory_space<vmem>>, vector<1x16xf32>,
        %get3A_442 = vector.shape_cast %get3A_441 : vector<1x16xf32> to vector<16xf32>
        %swap3A_443 = arith.index_cast %add3A_429 : i32 to index
        %swap3A_444 = arith.constant 16 : index
        %swap3A_445 = tpu.vector_load %arg10[%swap3A_443, %swap3A_444] {strides = array<i32>} : memref<128x64xf32, #tpu.memory_space<vmem>>, vector<1x16xf32>,
        %swap3A_446 = vector.shape_cast %swap3A_445 : vector<1x16xf32> to vector<16xf32>
        %swap3A_447 = vector.shape_cast %get3A_442 : vector<16xf32> to vector<1x16xf32>
        tpu.vector_store %arg10[%swap3A_443, %swap3A_444], %swap3A_447 {strides = array<i32>} : memref<128x64xf32, #tpu.memory_space<vmem>>, vector<1x16xf32>,
        %get3A_448 = arith.index_cast %add3A_429 : i32 to index
        %get3A_449 = arith.constant 32 : index
        %get3A_450 = tpu.vector_load %arg8[%get3A_448, %get3A_449] {strides = array<i32>} : memref<128x128xf32, #tpu.memory_space<vmem>>, vector<1x16xf32>,
        %get3A_451 = vector.shape_cast %get3A_450 : vector<1x16xf32> to vector<16xf32>
        %swap3A_452 = arith.index_cast %add3A_429 : i32 to index
        %swap3A_453 = arith.constant 32 : index
        %swap3A_454 = tpu.vector_load %arg10[%swap3A_452, %swap3A_453] {strides = array<i32>} : memref<128x64xf32, #tpu.memory_space<vmem>>, vector<1x16xf32>,
        %swap3A_455 = vector.shape_cast %swap3A_454 : vector<1x16xf32> to vector<16xf32>
        %swap3A_456 = vector.shape_cast %get3A_451 : vector<16xf32> to vector<1x16xf32>
        tpu.vector_store %arg10[%swap3A_452, %swap3A_453], %swap3A_456 {strides = array<i32>} : memref<128x64xf32, #tpu.memory_space<vmem>>, vector<1x16xf32>,
        %get3A_457 = arith.index_cast %add3A_429 : i32 to index
        %get3A_458 = arith.constant 48 : index
        %get3A_459 = tpu.vector_load %arg8[%get3A_457, %get3A_458] {strides = array<i32>} : memref<128x128xf32, #tpu.memory_space<vmem>>, vector<1x16xf32>,
        %get3A_460 = vector.shape_cast %get3A_459 : vector<1x16xf32> to vector<16xf32>
        %swap3A_461 = arith.index_cast %add3A_429 : i32 to index
        %swap3A_462 = arith.constant 48 : index
        %swap3A_463 = tpu.vector_load %arg10[%swap3A_461, %swap3A_462] {strides = array<i32>} : memref<128x64xf32, #tpu.memory_space<vmem>>, vector<1x16xf32>,
        %swap3A_464 = vector.shape_cast %swap3A_463 : vector<1x16xf32> to vector<16xf32>
        %swap3A_465 = vector.shape_cast %get3A_460 : vector<16xf32> to vector<1x16xf32>
        tpu.vector_store %arg10[%swap3A_461, %swap3A_462], %swap3A_465 {strides = array<i32>} : memref<128x64xf32, #tpu.memory_space<vmem>>, vector<1x16xf32>,
        %mul3A_466 = arith.constant 16 : i32
        %mul3A_467 = arith.muli %scan3A_186, %mul3A_466 : i32
        %add3A_468 = arith.constant 7 : i32
        %add3A_469 = arith.addi %mul3A_467, %add3A_468 : i32
        %get3A_470 = arith.index_cast %add3A_469 : i32 to index
        %get3A_471 = arith.constant 0 : index
        %get3A_472 = tpu.vector_load %arg8[%get3A_470, %get3A_471] {strides = array<i32>} : memref<128x128xf32, #tpu.memory_space<vmem>>, vector<1x16xf32>,
        %get3A_473 = vector.shape_cast %get3A_472 : vector<1x16xf32> to vector<16xf32>
        %swap3A_474 = arith.index_cast %add3A_469 : i32 to index
        %swap3A_475 = arith.constant 0 : index
        %swap3A_476 = tpu.vector_load %arg10[%swap3A_474, %swap3A_475] {strides = array<i32>} : memref<128x64xf32, #tpu.memory_space<vmem>>, vector<1x16xf32>,
        %swap3A_477 = vector.shape_cast %swap3A_476 : vector<1x16xf32> to vector<16xf32>
        %swap3A_478 = vector.shape_cast %get3A_473 : vector<16xf32> to vector<1x16xf32>
        tpu.vector_store %arg10[%swap3A_474, %swap3A_475], %swap3A_478 {strides = array<i32>} : memref<128x64xf32, #tpu.memory_space<vmem>>, vector<1x16xf32>,
        %get3A_479 = arith.index_cast %add3A_469 : i32 to index
        %get3A_480 = arith.constant 16 : index
        %get3A_481 = tpu.vector_load %arg8[%get3A_479, %get3A_480] {strides = array<i32>} : memref<128x128xf32, #tpu.memory_space<vmem>>, vector<1x16xf32>,
        %get3A_482 = vector.shape_cast %get3A_481 : vector<1x16xf32> to vector<16xf32>
        %swap3A_483 = arith.index_cast %add3A_469 : i32 to index
        %swap3A_484 = arith.constant 16 : index
        %swap3A_485 = tpu.vector_load %arg10[%swap3A_483, %swap3A_484] {strides = array<i32>} : memref<128x64xf32, #tpu.memory_space<vmem>>, vector<1x16xf32>,
        %swap3A_486 = vector.shape_cast %swap3A_485 : vector<1x16xf32> to vector<16xf32>
        %swap3A_487 = vector.shape_cast %get3A_482 : vector<16xf32> to vector<1x16xf32>
        tpu.vector_store %arg10[%swap3A_483, %swap3A_484], %swap3A_487 {strides = array<i32>} : memref<128x64xf32, #tpu.memory_space<vmem>>, vector<1x16xf32>,
        %get3A_488 = arith.index_cast %add3A_469 : i32 to index
        %get3A_489 = arith.constant 32 : index
        %get3A_490 = tpu.vector_load %arg8[%get3A_488, %get3A_489] {strides = array<i32>} : memref<128x128xf32, #tpu.memory_space<vmem>>, vector<1x16xf32>,
        %get3A_491 = vector.shape_cast %get3A_490 : vector<1x16xf32> to vector<16xf32>
        %swap3A_492 = arith.index_cast %add3A_469 : i32 to index
        %swap3A_493 = arith.constant 32 : index
        %swap3A_494 = tpu.vector_load %arg10[%swap3A_492, %swap3A_493] {strides = array<i32>} : memref<128x64xf32, #tpu.memory_space<vmem>>, vector<1x16xf32>,
        %swap3A_495 = vector.shape_cast %swap3A_494 : vector<1x16xf32> to vector<16xf32>
        %swap3A_496 = vector.shape_cast %get3A_491 : vector<16xf32> to vector<1x16xf32>
        tpu.vector_store %arg10[%swap3A_492, %swap3A_493], %swap3A_496 {strides = array<i32>} : memref<128x64xf32, #tpu.memory_space<vmem>>, vector<1x16xf32>,
        %get3A_497 = arith.index_cast %add3A_469 : i32 to index
        %get3A_498 = arith.constant 48 : index
        %get3A_499 = tpu.vector_load %arg8[%get3A_497, %get3A_498] {strides = array<i32>} : memref<128x128xf32, #tpu.memory_space<vmem>>, vector<1x16xf32>,
        %get3A_500 = vector.shape_cast %get3A_499 : vector<1x16xf32> to vector<16xf32>
        %swap3A_501 = arith.index_cast %add3A_469 : i32 to index
        %swap3A_502 = arith.constant 48 : index
        %swap3A_503 = tpu.vector_load %arg10[%swap3A_501, %swap3A_502] {strides = array<i32>} : memref<128x64xf32, #tpu.memory_space<vmem>>, vector<1x16xf32>,
        %swap3A_504 = vector.shape_cast %swap3A_503 : vector<1x16xf32> to vector<16xf32>
        %swap3A_505 = vector.shape_cast %get3A_500 : vector<16xf32> to vector<1x16xf32>
        tpu.vector_store %arg10[%swap3A_501, %swap3A_502], %swap3A_505 {strides = array<i32>} : memref<128x64xf32, #tpu.memory_space<vmem>>, vector<1x16xf32>,
        %mul3A_506 = arith.constant 16 : i32
        %mul3A_507 = arith.muli %scan3A_186, %mul3A_506 : i32
        %add3A_508 = arith.constant 8 : i32
        %add3A_509 = arith.addi %mul3A_507, %add3A_508 : i32
        %get3A_510 = arith.index_cast %add3A_509 : i32 to index
        %get3A_511 = arith.constant 0 : index
        %get3A_512 = tpu.vector_load %arg8[%get3A_510, %get3A_511] {strides = array<i32>} : memref<128x128xf32, #tpu.memory_space<vmem>>, vector<1x16xf32>,
        %get3A_513 = vector.shape_cast %get3A_512 : vector<1x16xf32> to vector<16xf32>
        %swap3A_514 = arith.index_cast %add3A_509 : i32 to index
        %swap3A_515 = arith.constant 0 : index
        %swap3A_516 = tpu.vector_load %arg10[%swap3A_514, %swap3A_515] {strides = array<i32>} : memref<128x64xf32, #tpu.memory_space<vmem>>, vector<1x16xf32>,
        %swap3A_517 = vector.shape_cast %swap3A_516 : vector<1x16xf32> to vector<16xf32>
        %swap3A_518 = vector.shape_cast %get3A_513 : vector<16xf32> to vector<1x16xf32>
        tpu.vector_store %arg10[%swap3A_514, %swap3A_515], %swap3A_518 {strides = array<i32>} : memref<128x64xf32, #tpu.memory_space<vmem>>, vector<1x16xf32>,
        %get3A_519 = arith.index_cast %add3A_509 : i32 to index
        %get3A_520 = arith.constant 16 : index
        %get3A_521 = tpu.vector_load %arg8[%get3A_519, %get3A_520] {strides = array<i32>} : memref<128x128xf32, #tpu.memory_space<vmem>>, vector<1x16xf32>,
        %get3A_522 = vector.shape_cast %get3A_521 : vector<1x16xf32> to vector<16xf32>
        %swap3A_523 = arith.index_cast %add3A_509 : i32 to index
        %swap3A_524 = arith.constant 16 : index
        %swap3A_525 = tpu.vector_load %arg10[%swap3A_523, %swap3A_524] {strides = array<i32>} : memref<128x64xf32, #tpu.memory_space<vmem>>, vector<1x16xf32>,
        %swap3A_526 = vector.shape_cast %swap3A_525 : vector<1x16xf32> to vector<16xf32>
        %swap3A_527 = vector.shape_cast %get3A_522 : vector<16xf32> to vector<1x16xf32>
        tpu.vector_store %arg10[%swap3A_523, %swap3A_524], %swap3A_527 {strides = array<i32>} : memref<128x64xf32, #tpu.memory_space<vmem>>, vector<1x16xf32>,
        %get3A_528 = arith.index_cast %add3A_509 : i32 to index
        %get3A_529 = arith.constant 32 : index
        %get3A_530 = tpu.vector_load %arg8[%get3A_528, %get3A_529] {strides = array<i32>} : memref<128x128xf32, #tpu.memory_space<vmem>>, vector<1x16xf32>,
        %get3A_531 = vector.shape_cast %get3A_530 : vector<1x16xf32> to vector<16xf32>
        %swap3A_532 = arith.index_cast %add3A_509 : i32 to index
        %swap3A_533 = arith.constant 32 : index
        %swap3A_534 = tpu.vector_load %arg10[%swap3A_532, %swap3A_533] {strides = array<i32>} : memref<128x64xf32, #tpu.memory_space<vmem>>, vector<1x16xf32>,
        %swap3A_535 = vector.shape_cast %swap3A_534 : vector<1x16xf32> to vector<16xf32>
        %swap3A_536 = vector.shape_cast %get3A_531 : vector<16xf32> to vector<1x16xf32>
        tpu.vector_store %arg10[%swap3A_532, %swap3A_533], %swap3A_536 {strides = array<i32>} : memref<128x64xf32, #tpu.memory_space<vmem>>, vector<1x16xf32>,
        %get3A_537 = arith.index_cast %add3A_509 : i32 to index
        %get3A_538 = arith.constant 48 : index
        %get3A_539 = tpu.vector_load %arg8[%get3A_537, %get3A_538] {strides = array<i32>} : memref<128x128xf32, #tpu.memory_space<vmem>>, vector<1x16xf32>,
        %get3A_540 = vector.shape_cast %get3A_539 : vector<1x16xf32> to vector<16xf32>
        %swap3A_541 = arith.index_cast %add3A_509 : i32 to index
        %swap3A_542 = arith.constant 48 : index
        %swap3A_543 = tpu.vector_load %arg10[%swap3A_541, %swap3A_542] {strides = array<i32>} : memref<128x64xf32, #tpu.memory_space<vmem>>, vector<1x16xf32>,
        %swap3A_544 = vector.shape_cast %swap3A_543 : vector<1x16xf32> to vector<16xf32>
        %swap3A_545 = vector.shape_cast %get3A_540 : vector<16xf32> to vector<1x16xf32>
        tpu.vector_store %arg10[%swap3A_541, %swap3A_542], %swap3A_545 {strides = array<i32>} : memref<128x64xf32, #tpu.memory_space<vmem>>, vector<1x16xf32>,
        %mul3A_546 = arith.constant 16 : i32
        %mul3A_547 = arith.muli %scan3A_186, %mul3A_546 : i32
        %add3A_548 = arith.constant 9 : i32
        %add3A_549 = arith.addi %mul3A_547, %add3A_548 : i32
        %get3A_550 = arith.index_cast %add3A_549 : i32 to index
        %get3A_551 = arith.constant 0 : index
        %get3A_552 = tpu.vector_load %arg8[%get3A_550, %get3A_551] {strides = array<i32>} : memref<128x128xf32, #tpu.memory_space<vmem>>, vector<1x16xf32>,
        %get3A_553 = vector.shape_cast %get3A_552 : vector<1x16xf32> to vector<16xf32>
        %swap3A_554 = arith.index_cast %add3A_549 : i32 to index
        %swap3A_555 = arith.constant 0 : index
        %swap3A_556 = tpu.vector_load %arg10[%swap3A_554, %swap3A_555] {strides = array<i32>} : memref<128x64xf32, #tpu.memory_space<vmem>>, vector<1x16xf32>,
        %swap3A_557 = vector.shape_cast %swap3A_556 : vector<1x16xf32> to vector<16xf32>
        %swap3A_558 = vector.shape_cast %get3A_553 : vector<16xf32> to vector<1x16xf32>
        tpu.vector_store %arg10[%swap3A_554, %swap3A_555], %swap3A_558 {strides = array<i32>} : memref<128x64xf32, #tpu.memory_space<vmem>>, vector<1x16xf32>,
        %get3A_559 = arith.index_cast %add3A_549 : i32 to index
        %get3A_560 = arith.constant 16 : index
        %get3A_561 = tpu.vector_load %arg8[%get3A_559, %get3A_560] {strides = array<i32>} : memref<128x128xf32, #tpu.memory_space<vmem>>, vector<1x16xf32>,
        %get3A_562 = vector.shape_cast %get3A_561 : vector<1x16xf32> to vector<16xf32>
        %swap3A_563 = arith.index_cast %add3A_549 : i32 to index
        %swap3A_564 = arith.constant 16 : index
        %swap3A_565 = tpu.vector_load %arg10[%swap3A_563, %swap3A_564] {strides = array<i32>} : memref<128x64xf32, #tpu.memory_space<vmem>>, vector<1x16xf32>,
        %swap3A_566 = vector.shape_cast %swap3A_565 : vector<1x16xf32> to vector<16xf32>
        %swap3A_567 = vector.shape_cast %get3A_562 : vector<16xf32> to vector<1x16xf32>
        tpu.vector_store %arg10[%swap3A_563, %swap3A_564], %swap3A_567 {strides = array<i32>} : memref<128x64xf32, #tpu.memory_space<vmem>>, vector<1x16xf32>,
        %get3A_568 = arith.index_cast %add3A_549 : i32 to index
        %get3A_569 = arith.constant 32 : index
        %get3A_570 = tpu.vector_load %arg8[%get3A_568, %get3A_569] {strides = array<i32>} : memref<128x128xf32, #tpu.memory_space<vmem>>, vector<1x16xf32>,
        %get3A_571 = vector.shape_cast %get3A_570 : vector<1x16xf32> to vector<16xf32>
        %swap3A_572 = arith.index_cast %add3A_549 : i32 to index
        %swap3A_573 = arith.constant 32 : index
        %swap3A_574 = tpu.vector_load %arg10[%swap3A_572, %swap3A_573] {strides = array<i32>} : memref<128x64xf32, #tpu.memory_space<vmem>>, vector<1x16xf32>,
        %swap3A_575 = vector.shape_cast %swap3A_574 : vector<1x16xf32> to vector<16xf32>
        %swap3A_576 = vector.shape_cast %get3A_571 : vector<16xf32> to vector<1x16xf32>
        tpu.vector_store %arg10[%swap3A_572, %swap3A_573], %swap3A_576 {strides = array<i32>} : memref<128x64xf32, #tpu.memory_space<vmem>>, vector<1x16xf32>,
        %get3A_577 = arith.index_cast %add3A_549 : i32 to index
        %get3A_578 = arith.constant 48 : index
        %get3A_579 = tpu.vector_load %arg8[%get3A_577, %get3A_578] {strides = array<i32>} : memref<128x128xf32, #tpu.memory_space<vmem>>, vector<1x16xf32>,
        %get3A_580 = vector.shape_cast %get3A_579 : vector<1x16xf32> to vector<16xf32>
        %swap3A_581 = arith.index_cast %add3A_549 : i32 to index
        %swap3A_582 = arith.constant 48 : index
        %swap3A_583 = tpu.vector_load %arg10[%swap3A_581, %swap3A_582] {strides = array<i32>} : memref<128x64xf32, #tpu.memory_space<vmem>>, vector<1x16xf32>,
        %swap3A_584 = vector.shape_cast %swap3A_583 : vector<1x16xf32> to vector<16xf32>
        %swap3A_585 = vector.shape_cast %get3A_580 : vector<16xf32> to vector<1x16xf32>
        tpu.vector_store %arg10[%swap3A_581, %swap3A_582], %swap3A_585 {strides = array<i32>} : memref<128x64xf32, #tpu.memory_space<vmem>>, vector<1x16xf32>,
        %mul3A_586 = arith.constant 16 : i32
        %mul3A_587 = arith.muli %scan3A_186, %mul3A_586 : i32
        %add3A_588 = arith.constant 10 : i32
        %add3A_589 = arith.addi %mul3A_587, %add3A_588 : i32
        %get3A_590 = arith.index_cast %add3A_589 : i32 to index
        %get3A_591 = arith.constant 0 : index
        %get3A_592 = tpu.vector_load %arg8[%get3A_590, %get3A_591] {strides = array<i32>} : memref<128x128xf32, #tpu.memory_space<vmem>>, vector<1x16xf32>,
        %get3A_593 = vector.shape_cast %get3A_592 : vector<1x16xf32> to vector<16xf32>
        %swap3A_594 = arith.index_cast %add3A_589 : i32 to index
        %swap3A_595 = arith.constant 0 : index
        %swap3A_596 = tpu.vector_load %arg10[%swap3A_594, %swap3A_595] {strides = array<i32>} : memref<128x64xf32, #tpu.memory_space<vmem>>, vector<1x16xf32>,
        %swap3A_597 = vector.shape_cast %swap3A_596 : vector<1x16xf32> to vector<16xf32>
        %swap3A_598 = vector.shape_cast %get3A_593 : vector<16xf32> to vector<1x16xf32>
        tpu.vector_store %arg10[%swap3A_594, %swap3A_595], %swap3A_598 {strides = array<i32>} : memref<128x64xf32, #tpu.memory_space<vmem>>, vector<1x16xf32>,
        %get3A_599 = arith.index_cast %add3A_589 : i32 to index
        %get3A_600 = arith.constant 16 : index
        %get3A_601 = tpu.vector_load %arg8[%get3A_599, %get3A_600] {strides = array<i32>} : memref<128x128xf32, #tpu.memory_space<vmem>>, vector<1x16xf32>,
        %get3A_602 = vector.shape_cast %get3A_601 : vector<1x16xf32> to vector<16xf32>
        %swap3A_603 = arith.index_cast %add3A_589 : i32 to index
        %swap3A_604 = arith.constant 16 : index
        %swap3A_605 = tpu.vector_load %arg10[%swap3A_603, %swap3A_604] {strides = array<i32>} : memref<128x64xf32, #tpu.memory_space<vmem>>, vector<1x16xf32>,
        %swap3A_606 = vector.shape_cast %swap3A_605 : vector<1x16xf32> to vector<16xf32>
        %swap3A_607 = vector.shape_cast %get3A_602 : vector<16xf32> to vector<1x16xf32>
        tpu.vector_store %arg10[%swap3A_603, %swap3A_604], %swap3A_607 {strides = array<i32>} : memref<128x64xf32, #tpu.memory_space<vmem>>, vector<1x16xf32>,
        %get3A_608 = arith.index_cast %add3A_589 : i32 to index
        %get3A_609 = arith.constant 32 : index
        %get3A_610 = tpu.vector_load %arg8[%get3A_608, %get3A_609] {strides = array<i32>} : memref<128x128xf32, #tpu.memory_space<vmem>>, vector<1x16xf32>,
        %get3A_611 = vector.shape_cast %get3A_610 : vector<1x16xf32> to vector<16xf32>
        %swap3A_612 = arith.index_cast %add3A_589 : i32 to index
        %swap3A_613 = arith.constant 32 : index
        %swap3A_614 = tpu.vector_load %arg10[%swap3A_612, %swap3A_613] {strides = array<i32>} : memref<128x64xf32, #tpu.memory_space<vmem>>, vector<1x16xf32>,
        %swap3A_615 = vector.shape_cast %swap3A_614 : vector<1x16xf32> to vector<16xf32>
        %swap3A_616 = vector.shape_cast %get3A_611 : vector<16xf32> to vector<1x16xf32>
        tpu.vector_store %arg10[%swap3A_612, %swap3A_613], %swap3A_616 {strides = array<i32>} : memref<128x64xf32, #tpu.memory_space<vmem>>, vector<1x16xf32>,
        %get3A_617 = arith.index_cast %add3A_589 : i32 to index
        %get3A_618 = arith.constant 48 : index
        %get3A_619 = tpu.vector_load %arg8[%get3A_617, %get3A_618] {strides = array<i32>} : memref<128x128xf32, #tpu.memory_space<vmem>>, vector<1x16xf32>,
        %get3A_620 = vector.shape_cast %get3A_619 : vector<1x16xf32> to vector<16xf32>
        %swap3A_621 = arith.index_cast %add3A_589 : i32 to index
        %swap3A_622 = arith.constant 48 : index
        %swap3A_623 = tpu.vector_load %arg10[%swap3A_621, %swap3A_622] {strides = array<i32>} : memref<128x64xf32, #tpu.memory_space<vmem>>, vector<1x16xf32>,
        %swap3A_624 = vector.shape_cast %swap3A_623 : vector<1x16xf32> to vector<16xf32>
        %swap3A_625 = vector.shape_cast %get3A_620 : vector<16xf32> to vector<1x16xf32>
        tpu.vector_store %arg10[%swap3A_621, %swap3A_622], %swap3A_625 {strides = array<i32>} : memref<128x64xf32, #tpu.memory_space<vmem>>, vector<1x16xf32>,
        %mul3A_626 = arith.constant 16 : i32
        %mul3A_627 = arith.muli %scan3A_186, %mul3A_626 : i32
        %add3A_628 = arith.constant 11 : i32
        %add3A_629 = arith.addi %mul3A_627, %add3A_628 : i32
        %get3A_630 = arith.index_cast %add3A_629 : i32 to index
        %get3A_631 = arith.constant 0 : index
        %get3A_632 = tpu.vector_load %arg8[%get3A_630, %get3A_631] {strides = array<i32>} : memref<128x128xf32, #tpu.memory_space<vmem>>, vector<1x16xf32>,
        %get3A_633 = vector.shape_cast %get3A_632 : vector<1x16xf32> to vector<16xf32>
        %swap3A_634 = arith.index_cast %add3A_629 : i32 to index
        %swap3A_635 = arith.constant 0 : index
        %swap3A_636 = tpu.vector_load %arg10[%swap3A_634, %swap3A_635] {strides = array<i32>} : memref<128x64xf32, #tpu.memory_space<vmem>>, vector<1x16xf32>,
        %swap3A_637 = vector.shape_cast %swap3A_636 : vector<1x16xf32> to vector<16xf32>
        %swap3A_638 = vector.shape_cast %get3A_633 : vector<16xf32> to vector<1x16xf32>
        tpu.vector_store %arg10[%swap3A_634, %swap3A_635], %swap3A_638 {strides = array<i32>} : memref<128x64xf32, #tpu.memory_space<vmem>>, vector<1x16xf32>,
        %get3A_639 = arith.index_cast %add3A_629 : i32 to index
        %get3A_640 = arith.constant 16 : index
        %get3A_641 = tpu.vector_load %arg8[%get3A_639, %get3A_640] {strides = array<i32>} : memref<128x128xf32, #tpu.memory_space<vmem>>, vector<1x16xf32>,
        %get3A_642 = vector.shape_cast %get3A_641 : vector<1x16xf32> to vector<16xf32>
        %swap3A_643 = arith.index_cast %add3A_629 : i32 to index
        %swap3A_644 = arith.constant 16 : index
        %swap3A_645 = tpu.vector_load %arg10[%swap3A_643, %swap3A_644] {strides = array<i32>} : memref<128x64xf32, #tpu.memory_space<vmem>>, vector<1x16xf32>,
        %swap3A_646 = vector.shape_cast %swap3A_645 : vector<1x16xf32> to vector<16xf32>
        %swap3A_647 = vector.shape_cast %get3A_642 : vector<16xf32> to vector<1x16xf32>
        tpu.vector_store %arg10[%swap3A_643, %swap3A_644], %swap3A_647 {strides = array<i32>} : memref<128x64xf32, #tpu.memory_space<vmem>>, vector<1x16xf32>,
        %get3A_648 = arith.index_cast %add3A_629 : i32 to index
        %get3A_649 = arith.constant 32 : index
        %get3A_650 = tpu.vector_load %arg8[%get3A_648, %get3A_649] {strides = array<i32>} : memref<128x128xf32, #tpu.memory_space<vmem>>, vector<1x16xf32>,
        %get3A_651 = vector.shape_cast %get3A_650 : vector<1x16xf32> to vector<16xf32>
        %swap3A_652 = arith.index_cast %add3A_629 : i32 to index
        %swap3A_653 = arith.constant 32 : index
        %swap3A_654 = tpu.vector_load %arg10[%swap3A_652, %swap3A_653] {strides = array<i32>} : memref<128x64xf32, #tpu.memory_space<vmem>>, vector<1x16xf32>,
        %swap3A_655 = vector.shape_cast %swap3A_654 : vector<1x16xf32> to vector<16xf32>
        %swap3A_656 = vector.shape_cast %get3A_651 : vector<16xf32> to vector<1x16xf32>
        tpu.vector_store %arg10[%swap3A_652, %swap3A_653], %swap3A_656 {strides = array<i32>} : memref<128x64xf32, #tpu.memory_space<vmem>>, vector<1x16xf32>,
        %get3A_657 = arith.index_cast %add3A_629 : i32 to index
        %get3A_658 = arith.constant 48 : index
        %get3A_659 = tpu.vector_load %arg8[%get3A_657, %get3A_658] {strides = array<i32>} : memref<128x128xf32, #tpu.memory_space<vmem>>, vector<1x16xf32>,
        %get3A_660 = vector.shape_cast %get3A_659 : vector<1x16xf32> to vector<16xf32>
        %swap3A_661 = arith.index_cast %add3A_629 : i32 to index
        %swap3A_662 = arith.constant 48 : index
        %swap3A_663 = tpu.vector_load %arg10[%swap3A_661, %swap3A_662] {strides = array<i32>} : memref<128x64xf32, #tpu.memory_space<vmem>>, vector<1x16xf32>,
        %swap3A_664 = vector.shape_cast %swap3A_663 : vector<1x16xf32> to vector<16xf32>
        %swap3A_665 = vector.shape_cast %get3A_660 : vector<16xf32> to vector<1x16xf32>
        tpu.vector_store %arg10[%swap3A_661, %swap3A_662], %swap3A_665 {strides = array<i32>} : memref<128x64xf32, #tpu.memory_space<vmem>>, vector<1x16xf32>,
        %mul3A_666 = arith.constant 16 : i32
        %mul3A_667 = arith.muli %scan3A_186, %mul3A_666 : i32
        %add3A_668 = arith.constant 12 : i32
        %add3A_669 = arith.addi %mul3A_667, %add3A_668 : i32
        %get3A_670 = arith.index_cast %add3A_669 : i32 to index
        %get3A_671 = arith.constant 0 : index
        %get3A_672 = tpu.vector_load %arg8[%get3A_670, %get3A_671] {strides = array<i32>} : memref<128x128xf32, #tpu.memory_space<vmem>>, vector<1x16xf32>,
        %get3A_673 = vector.shape_cast %get3A_672 : vector<1x16xf32> to vector<16xf32>
        %swap3A_674 = arith.index_cast %add3A_669 : i32 to index
        %swap3A_675 = arith.constant 0 : index
        %swap3A_676 = tpu.vector_load %arg10[%swap3A_674, %swap3A_675] {strides = array<i32>} : memref<128x64xf32, #tpu.memory_space<vmem>>, vector<1x16xf32>,
        %swap3A_677 = vector.shape_cast %swap3A_676 : vector<1x16xf32> to vector<16xf32>
        %swap3A_678 = vector.shape_cast %get3A_673 : vector<16xf32> to vector<1x16xf32>
        tpu.vector_store %arg10[%swap3A_674, %swap3A_675], %swap3A_678 {strides = array<i32>} : memref<128x64xf32, #tpu.memory_space<vmem>>, vector<1x16xf32>,
        %get3A_679 = arith.index_cast %add3A_669 : i32 to index
        %get3A_680 = arith.constant 16 : index
        %get3A_681 = tpu.vector_load %arg8[%get3A_679, %get3A_680] {strides = array<i32>} : memref<128x128xf32, #tpu.memory_space<vmem>>, vector<1x16xf32>,
        %get3A_682 = vector.shape_cast %get3A_681 : vector<1x16xf32> to vector<16xf32>
        %swap3A_683 = arith.index_cast %add3A_669 : i32 to index
        %swap3A_684 = arith.constant 16 : index
        %swap3A_685 = tpu.vector_load %arg10[%swap3A_683, %swap3A_684] {strides = array<i32>} : memref<128x64xf32, #tpu.memory_space<vmem>>, vector<1x16xf32>,
        %swap3A_686 = vector.shape_cast %swap3A_685 : vector<1x16xf32> to vector<16xf32>
        %swap3A_687 = vector.shape_cast %get3A_682 : vector<16xf32> to vector<1x16xf32>
        tpu.vector_store %arg10[%swap3A_683, %swap3A_684], %swap3A_687 {strides = array<i32>} : memref<128x64xf32, #tpu.memory_space<vmem>>, vector<1x16xf32>,
        %get3A_688 = arith.index_cast %add3A_669 : i32 to index
        %get3A_689 = arith.constant 32 : index
        %get3A_690 = tpu.vector_load %arg8[%get3A_688, %get3A_689] {strides = array<i32>} : memref<128x128xf32, #tpu.memory_space<vmem>>, vector<1x16xf32>,
        %get3A_691 = vector.shape_cast %get3A_690 : vector<1x16xf32> to vector<16xf32>
        %swap3A_692 = arith.index_cast %add3A_669 : i32 to index
        %swap3A_693 = arith.constant 32 : index
        %swap3A_694 = tpu.vector_load %arg10[%swap3A_692, %swap3A_693] {strides = array<i32>} : memref<128x64xf32, #tpu.memory_space<vmem>>, vector<1x16xf32>,
        %swap3A_695 = vector.shape_cast %swap3A_694 : vector<1x16xf32> to vector<16xf32>
        %swap3A_696 = vector.shape_cast %get3A_691 : vector<16xf32> to vector<1x16xf32>
        tpu.vector_store %arg10[%swap3A_692, %swap3A_693], %swap3A_696 {strides = array<i32>} : memref<128x64xf32, #tpu.memory_space<vmem>>, vector<1x16xf32>,
        %get3A_697 = arith.index_cast %add3A_669 : i32 to index
        %get3A_698 = arith.constant 48 : index
        %get3A_699 = tpu.vector_load %arg8[%get3A_697, %get3A_698] {strides = array<i32>} : memref<128x128xf32, #tpu.memory_space<vmem>>, vector<1x16xf32>,
        %get3A_700 = vector.shape_cast %get3A_699 : vector<1x16xf32> to vector<16xf32>
        %swap3A_701 = arith.index_cast %add3A_669 : i32 to index
        %swap3A_702 = arith.constant 48 : index
        %swap3A_703 = tpu.vector_load %arg10[%swap3A_701, %swap3A_702] {strides = array<i32>} : memref<128x64xf32, #tpu.memory_space<vmem>>, vector<1x16xf32>,
        %swap3A_704 = vector.shape_cast %swap3A_703 : vector<1x16xf32> to vector<16xf32>
        %swap3A_705 = vector.shape_cast %get3A_700 : vector<16xf32> to vector<1x16xf32>
        tpu.vector_store %arg10[%swap3A_701, %swap3A_702], %swap3A_705 {strides = array<i32>} : memref<128x64xf32, #tpu.memory_space<vmem>>, vector<1x16xf32>,
        %mul3A_706 = arith.constant 16 : i32
        %mul3A_707 = arith.muli %scan3A_186, %mul3A_706 : i32
        %add3A_708 = arith.constant 13 : i32
        %add3A_709 = arith.addi %mul3A_707, %add3A_708 : i32
        %get3A_710 = arith.index_cast %add3A_709 : i32 to index
        %get3A_711 = arith.constant 0 : index
        %get3A_712 = tpu.vector_load %arg8[%get3A_710, %get3A_711] {strides = array<i32>} : memref<128x128xf32, #tpu.memory_space<vmem>>, vector<1x16xf32>,
        %get3A_713 = vector.shape_cast %get3A_712 : vector<1x16xf32> to vector<16xf32>
        %swap3A_714 = arith.index_cast %add3A_709 : i32 to index
        %swap3A_715 = arith.constant 0 : index
        %swap3A_716 = tpu.vector_load %arg10[%swap3A_714, %swap3A_715] {strides = array<i32>} : memref<128x64xf32, #tpu.memory_space<vmem>>, vector<1x16xf32>,
        %swap3A_717 = vector.shape_cast %swap3A_716 : vector<1x16xf32> to vector<16xf32>
        %swap3A_718 = vector.shape_cast %get3A_713 : vector<16xf32> to vector<1x16xf32>
        tpu.vector_store %arg10[%swap3A_714, %swap3A_715], %swap3A_718 {strides = array<i32>} : memref<128x64xf32, #tpu.memory_space<vmem>>, vector<1x16xf32>,
        %get3A_719 = arith.index_cast %add3A_709 : i32 to index
        %get3A_720 = arith.constant 16 : index
        %get3A_721 = tpu.vector_load %arg8[%get3A_719, %get3A_720] {strides = array<i32>} : memref<128x128xf32, #tpu.memory_space<vmem>>, vector<1x16xf32>,
        %get3A_722 = vector.shape_cast %get3A_721 : vector<1x16xf32> to vector<16xf32>
        %swap3A_723 = arith.index_cast %add3A_709 : i32 to index
        %swap3A_724 = arith.constant 16 : index
        %swap3A_725 = tpu.vector_load %arg10[%swap3A_723, %swap3A_724] {strides = array<i32>} : memref<128x64xf32, #tpu.memory_space<vmem>>, vector<1x16xf32>,
        %swap3A_726 = vector.shape_cast %swap3A_725 : vector<1x16xf32> to vector<16xf32>
        %swap3A_727 = vector.shape_cast %get3A_722 : vector<16xf32> to vector<1x16xf32>
        tpu.vector_store %arg10[%swap3A_723, %swap3A_724], %swap3A_727 {strides = array<i32>} : memref<128x64xf32, #tpu.memory_space<vmem>>, vector<1x16xf32>,
        %get3A_728 = arith.index_cast %add3A_709 : i32 to index
        %get3A_729 = arith.constant 32 : index
        %get3A_730 = tpu.vector_load %arg8[%get3A_728, %get3A_729] {strides = array<i32>} : memref<128x128xf32, #tpu.memory_space<vmem>>, vector<1x16xf32>,
        %get3A_731 = vector.shape_cast %get3A_730 : vector<1x16xf32> to vector<16xf32>
        %swap3A_732 = arith.index_cast %add3A_709 : i32 to index
        %swap3A_733 = arith.constant 32 : index
        %swap3A_734 = tpu.vector_load %arg10[%swap3A_732, %swap3A_733] {strides = array<i32>} : memref<128x64xf32, #tpu.memory_space<vmem>>, vector<1x16xf32>,
        %swap3A_735 = vector.shape_cast %swap3A_734 : vector<1x16xf32> to vector<16xf32>
        %swap3A_736 = vector.shape_cast %get3A_731 : vector<16xf32> to vector<1x16xf32>
        tpu.vector_store %arg10[%swap3A_732, %swap3A_733], %swap3A_736 {strides = array<i32>} : memref<128x64xf32, #tpu.memory_space<vmem>>, vector<1x16xf32>,
        %get3A_737 = arith.index_cast %add3A_709 : i32 to index
        %get3A_738 = arith.constant 48 : index
        %get3A_739 = tpu.vector_load %arg8[%get3A_737, %get3A_738] {strides = array<i32>} : memref<128x128xf32, #tpu.memory_space<vmem>>, vector<1x16xf32>,
        %get3A_740 = vector.shape_cast %get3A_739 : vector<1x16xf32> to vector<16xf32>
        %swap3A_741 = arith.index_cast %add3A_709 : i32 to index
        %swap3A_742 = arith.constant 48 : index
        %swap3A_743 = tpu.vector_load %arg10[%swap3A_741, %swap3A_742] {strides = array<i32>} : memref<128x64xf32, #tpu.memory_space<vmem>>, vector<1x16xf32>,
        %swap3A_744 = vector.shape_cast %swap3A_743 : vector<1x16xf32> to vector<16xf32>
        %swap3A_745 = vector.shape_cast %get3A_740 : vector<16xf32> to vector<1x16xf32>
        tpu.vector_store %arg10[%swap3A_741, %swap3A_742], %swap3A_745 {strides = array<i32>} : memref<128x64xf32, #tpu.memory_space<vmem>>, vector<1x16xf32>,
        %mul3A_746 = arith.constant 16 : i32
        %mul3A_747 = arith.muli %scan3A_186, %mul3A_746 : i32
        %add3A_748 = arith.constant 14 : i32
        %add3A_749 = arith.addi %mul3A_747, %add3A_748 : i32
        %get3A_750 = arith.index_cast %add3A_749 : i32 to index
        %get3A_751 = arith.constant 0 : index
        %get3A_752 = tpu.vector_load %arg8[%get3A_750, %get3A_751] {strides = array<i32>} : memref<128x128xf32, #tpu.memory_space<vmem>>, vector<1x16xf32>,
        %get3A_753 = vector.shape_cast %get3A_752 : vector<1x16xf32> to vector<16xf32>
        %swap3A_754 = arith.index_cast %add3A_749 : i32 to index
        %swap3A_755 = arith.constant 0 : index
        %swap3A_756 = tpu.vector_load %arg10[%swap3A_754, %swap3A_755] {strides = array<i32>} : memref<128x64xf32, #tpu.memory_space<vmem>>, vector<1x16xf32>,
        %swap3A_757 = vector.shape_cast %swap3A_756 : vector<1x16xf32> to vector<16xf32>
        %swap3A_758 = vector.shape_cast %get3A_753 : vector<16xf32> to vector<1x16xf32>
        tpu.vector_store %arg10[%swap3A_754, %swap3A_755], %swap3A_758 {strides = array<i32>} : memref<128x64xf32, #tpu.memory_space<vmem>>, vector<1x16xf32>,
        %get3A_759 = arith.index_cast %add3A_749 : i32 to index
        %get3A_760 = arith.constant 16 : index
        %get3A_761 = tpu.vector_load %arg8[%get3A_759, %get3A_760] {strides = array<i32>} : memref<128x128xf32, #tpu.memory_space<vmem>>, vector<1x16xf32>,
        %get3A_762 = vector.shape_cast %get3A_761 : vector<1x16xf32> to vector<16xf32>
        %swap3A_763 = arith.index_cast %add3A_749 : i32 to index
        %swap3A_764 = arith.constant 16 : index
        %swap3A_765 = tpu.vector_load %arg10[%swap3A_763, %swap3A_764] {strides = array<i32>} : memref<128x64xf32, #tpu.memory_space<vmem>>, vector<1x16xf32>,
        %swap3A_766 = vector.shape_cast %swap3A_765 : vector<1x16xf32> to vector<16xf32>
        %swap3A_767 = vector.shape_cast %get3A_762 : vector<16xf32> to vector<1x16xf32>
        tpu.vector_store %arg10[%swap3A_763, %swap3A_764], %swap3A_767 {strides = array<i32>} : memref<128x64xf32, #tpu.memory_space<vmem>>, vector<1x16xf32>,
        %get3A_768 = arith.index_cast %add3A_749 : i32 to index
        %get3A_769 = arith.constant 32 : index
        %get3A_770 = tpu.vector_load %arg8[%get3A_768, %get3A_769] {strides = array<i32>} : memref<128x128xf32, #tpu.memory_space<vmem>>, vector<1x16xf32>,
        %get3A_771 = vector.shape_cast %get3A_770 : vector<1x16xf32> to vector<16xf32>
        %swap3A_772 = arith.index_cast %add3A_749 : i32 to index
        %swap3A_773 = arith.constant 32 : index
        %swap3A_774 = tpu.vector_load %arg10[%swap3A_772, %swap3A_773] {strides = array<i32>} : memref<128x64xf32, #tpu.memory_space<vmem>>, vector<1x16xf32>,
        %swap3A_775 = vector.shape_cast %swap3A_774 : vector<1x16xf32> to vector<16xf32>
        %swap3A_776 = vector.shape_cast %get3A_771 : vector<16xf32> to vector<1x16xf32>
        tpu.vector_store %arg10[%swap3A_772, %swap3A_773], %swap3A_776 {strides = array<i32>} : memref<128x64xf32, #tpu.memory_space<vmem>>, vector<1x16xf32>,
        %get3A_777 = arith.index_cast %add3A_749 : i32 to index
        %get3A_778 = arith.constant 48 : index
        %get3A_779 = tpu.vector_load %arg8[%get3A_777, %get3A_778] {strides = array<i32>} : memref<128x128xf32, #tpu.memory_space<vmem>>, vector<1x16xf32>,
        %get3A_780 = vector.shape_cast %get3A_779 : vector<1x16xf32> to vector<16xf32>
        %swap3A_781 = arith.index_cast %add3A_749 : i32 to index
        %swap3A_782 = arith.constant 48 : index
        %swap3A_783 = tpu.vector_load %arg10[%swap3A_781, %swap3A_782] {strides = array<i32>} : memref<128x64xf32, #tpu.memory_space<vmem>>, vector<1x16xf32>,
        %swap3A_784 = vector.shape_cast %swap3A_783 : vector<1x16xf32> to vector<16xf32>
        %swap3A_785 = vector.shape_cast %get3A_780 : vector<16xf32> to vector<1x16xf32>
        tpu.vector_store %arg10[%swap3A_781, %swap3A_782], %swap3A_785 {strides = array<i32>} : memref<128x64xf32, #tpu.memory_space<vmem>>, vector<1x16xf32>,
        %mul3A_786 = arith.constant 16 : i32
        %mul3A_787 = arith.muli %scan3A_186, %mul3A_786 : i32
        %add3A_788 = arith.constant 15 : i32
        %add3A_789 = arith.addi %mul3A_787, %add3A_788 : i32
        %get3A_790 = arith.index_cast %add3A_789 : i32 to index
        %get3A_791 = arith.constant 0 : index
        %get3A_792 = tpu.vector_load %arg8[%get3A_790, %get3A_791] {strides = array<i32>} : memref<128x128xf32, #tpu.memory_space<vmem>>, vector<1x16xf32>,
        %get3A_793 = vector.shape_cast %get3A_792 : vector<1x16xf32> to vector<16xf32>
        %swap3A_794 = arith.index_cast %add3A_789 : i32 to index
        %swap3A_795 = arith.constant 0 : index
        %swap3A_796 = tpu.vector_load %arg10[%swap3A_794, %swap3A_795] {strides = array<i32>} : memref<128x64xf32, #tpu.memory_space<vmem>>, vector<1x16xf32>,
        %swap3A_797 = vector.shape_cast %swap3A_796 : vector<1x16xf32> to vector<16xf32>
        %swap3A_798 = vector.shape_cast %get3A_793 : vector<16xf32> to vector<1x16xf32>
        tpu.vector_store %arg10[%swap3A_794, %swap3A_795], %swap3A_798 {strides = array<i32>} : memref<128x64xf32, #tpu.memory_space<vmem>>, vector<1x16xf32>,
        %get3A_799 = arith.index_cast %add3A_789 : i32 to index
        %get3A_800 = arith.constant 16 : index
        %get3A_801 = tpu.vector_load %arg8[%get3A_799, %get3A_800] {strides = array<i32>} : memref<128x128xf32, #tpu.memory_space<vmem>>, vector<1x16xf32>,
        %get3A_802 = vector.shape_cast %get3A_801 : vector<1x16xf32> to vector<16xf32>
        %swap3A_803 = arith.index_cast %add3A_789 : i32 to index
        %swap3A_804 = arith.constant 16 : index
        %swap3A_805 = tpu.vector_load %arg10[%swap3A_803, %swap3A_804] {strides = array<i32>} : memref<128x64xf32, #tpu.memory_space<vmem>>, vector<1x16xf32>,
        %swap3A_806 = vector.shape_cast %swap3A_805 : vector<1x16xf32> to vector<16xf32>
        %swap3A_807 = vector.shape_cast %get3A_802 : vector<16xf32> to vector<1x16xf32>
        tpu.vector_store %arg10[%swap3A_803, %swap3A_804], %swap3A_807 {strides = array<i32>} : memref<128x64xf32, #tpu.memory_space<vmem>>, vector<1x16xf32>,
        %get3A_808 = arith.index_cast %add3A_789 : i32 to index
        %get3A_809 = arith.constant 32 : index
        %get3A_810 = tpu.vector_load %arg8[%get3A_808, %get3A_809] {strides = array<i32>} : memref<128x128xf32, #tpu.memory_space<vmem>>, vector<1x16xf32>,
        %get3A_811 = vector.shape_cast %get3A_810 : vector<1x16xf32> to vector<16xf32>
        %swap3A_812 = arith.index_cast %add3A_789 : i32 to index
        %swap3A_813 = arith.constant 32 : index
        %swap3A_814 = tpu.vector_load %arg10[%swap3A_812, %swap3A_813] {strides = array<i32>} : memref<128x64xf32, #tpu.memory_space<vmem>>, vector<1x16xf32>,
        %swap3A_815 = vector.shape_cast %swap3A_814 : vector<1x16xf32> to vector<16xf32>
        %swap3A_816 = vector.shape_cast %get3A_811 : vector<16xf32> to vector<1x16xf32>
        tpu.vector_store %arg10[%swap3A_812, %swap3A_813], %swap3A_816 {strides = array<i32>} : memref<128x64xf32, #tpu.memory_space<vmem>>, vector<1x16xf32>,
        %get3A_817 = arith.index_cast %add3A_789 : i32 to index
        %get3A_818 = arith.constant 48 : index
        %get3A_819 = tpu.vector_load %arg8[%get3A_817, %get3A_818] {strides = array<i32>} : memref<128x128xf32, #tpu.memory_space<vmem>>, vector<1x16xf32>,
        %get3A_820 = vector.shape_cast %get3A_819 : vector<1x16xf32> to vector<16xf32>
        %swap3A_821 = arith.index_cast %add3A_789 : i32 to index
        %swap3A_822 = arith.constant 48 : index
        %swap3A_823 = tpu.vector_load %arg10[%swap3A_821, %swap3A_822] {strides = array<i32>} : memref<128x64xf32, #tpu.memory_space<vmem>>, vector<1x16xf32>,
        %swap3A_824 = vector.shape_cast %swap3A_823 : vector<1x16xf32> to vector<16xf32>
        %swap3A_825 = vector.shape_cast %get3A_820 : vector<16xf32> to vector<1x16xf32>
        tpu.vector_store %arg10[%swap3A_821, %swap3A_822], %swap3A_825 {strides = array<i32>} : memref<128x64xf32, #tpu.memory_space<vmem>>, vector<1x16xf32>,
        %scan3A_826 = arith.constant 0 : i32
        scf.yield %scan3A_826 : i32
      }
      %scan3A_139 = arith.constant 8 : i32
      %mul3A_140 = arith.constant 128 : i32
      %mul3A_141 = arith.muli %add3A_112, %mul3A_140 : i32
      %add3A_142 = arith.addi %mul3A_2, %mul3A_141 : i32
      %dma_start3A_143 = arith.constant 0 : i32
      %dma_start3A_144 = tpu.memref_slice %arg4[%add3A_142, %dma_start3A_143] : memref<819200x64xf32, #tpu.memory_space<hbm>> -> memref<128x64xf32, #tpu.memory_space<hbm>>
      %dma_start3A_145 = arith.constant 0 : i32
      %dma_start3A_146 = tpu.memref_slice %arg4[%add3A_142, %dma_start3A_145] : memref<819200x64xf32, #tpu.memory_space<hbm>> -> memref<128x64xf32, #tpu.memory_space<hbm>>
      tpu.enqueue_dma source(%arg10 : memref<128x64xf32, #tpu.memory_space<vmem>>) target(%dma_start3A_146 : memref<128x64xf32, #tpu.memory_space<hbm>>) target_semaphore(%arg16 : memref<!tpu.dma_semaphore, #tpu.memory_space<semaphore_mem>>)
      %mul3A_147 = arith.constant 4 : i32
      %mul3A_148 = arith.muli %scan3A_36, %mul3A_147 : i32
      %add3A_149 = arith.constant 3 : i32
      %add3A_150 = arith.addi %mul3A_148, %add3A_149 : i32
      %dma_wait3A_151 = arith.constant 0 : i32
      %dma_wait3A_152 = arith.constant 0 : i32
      %dma_wait3A_153 = tpu.memref_slice %arg3[%dma_wait3A_151, %dma_wait3A_152] : memref<1000000x128xf32, #tpu.memory_space<hbm>> -> memref<128x128xf32, #tpu.memory_space<hbm>>
      %dma_wait3A_154 = arith.constant 0 : i32
      %dma_wait3A_155 = arith.constant 0 : i32
      %dma_wait3A_156 = tpu.memref_slice %arg3[%dma_wait3A_154, %dma_wait3A_155] : memref<1000000x128xf32, #tpu.memory_space<hbm>> -> memref<128x128xf32, #tpu.memory_space<hbm>>
      tpu.wait_dma2 semaphore(%arg15 : memref<!tpu.dma_semaphore, #tpu.memory_space<semaphore_mem>>) src(%dma_wait3A_156 : memref<128x128xf32, #tpu.memory_space<hbm>>) dst(%arg9 : memref<128x128xf32, #tpu.memory_space<vmem>>)
      %add3A_157 = arith.constant 4 : i32
      %add3A_158 = arith.addi %add3A_150, %add3A_157 : i32
      %sub3A_159 = arith.constant 1 : i32
      %sub3A_160 = arith.subi %add3A_158, %sub3A_159 : i32
      %lt3A_161 = arith.constant 200 : i32
      %lt3A_162 = arith.cmpi slt, %sub3A_160, %lt3A_161 : i32
      %convert_element_type3A_163 = arith.extui %lt3A_162 : i1 to i32
      %cond3A_164 = arith.constant 0 : i32
      %cond3A_165 = arith.cmpi ne, %convert_element_type3A_163, %cond3A_164 : i32
      scf.if %cond3A_165 {
        %add3A_186 = arith.constant 4 : i32
        %add3A_187 = arith.addi %add3A_150, %add3A_186 : i32
        %sub3A_188 = arith.constant 1 : i32
        %sub3A_189 = arith.subi %add3A_187, %sub3A_188 : i32
        %dma_start3A_190 = arith.constant 0 : i32
        %dma_start3A_191 = tpu.memref_slice %arg5[%sub3A_189, %dma_start3A_190] : memref<200x128xi32, #tpu.memory_space<vmem>> -> memref<1x128xi32, #tpu.memory_space<vmem>>
        %dma_start3A_192 = tpu.memref_squeeze %dma_start3A_191 : memref<1x128xi32, #tpu.memory_space<vmem>> -> memref<128xi32, #tpu.memory_space<vmem>>
        %dma_start3A_193 = arith.constant 0 : i32
        %dma_start3A_194 = arith.constant 0 : i32
        %dma_start3A_195 = tpu.memref_slice %arg3[%dma_start3A_193, %dma_start3A_194] : memref<1000000x128xf32, #tpu.memory_space<hbm>> -> memref<1000000x128xf32, #tpu.memory_space<hbm>>
        tpu.enqueue_indirect_dma source(%dma_start3A_195 : memref<1000000x128xf32, #tpu.memory_space<hbm>>) target(%arg8 : memref<128x128xf32, #tpu.memory_space<vmem>>) offsets(%dma_start3A_192 : memref<128xi32, #tpu.memory_space<vmem>>) semaphore(%arg14 : memref<!tpu.dma_semaphore, #tpu.memory_space<semaphore_mem>>)
      } else {
      }
      %ge3A_166 = arith.constant 2 : i32
      %ge3A_167 = arith.cmpi sge, %add3A_150, %ge3A_166 : i32
      %convert_element_type3A_168 = arith.extui %ge3A_167 : i1 to i32
      %cond3A_169 = arith.constant 0 : i32
      %cond3A_170 = arith.cmpi ne, %convert_element_type3A_168, %cond3A_169 : i32
      scf.if %cond3A_170 {
        %dma_wait3A_186 = arith.constant 0 : i32
        %dma_wait3A_187 = tpu.memref_slice %arg4[%mul3A_2, %dma_wait3A_186] : memref<819200x64xf32, #tpu.memory_space<hbm>> -> memref<128x64xf32, #tpu.memory_space<hbm>>
        %dma_wait3A_188 = arith.constant 0 : i32
        %dma_wait3A_189 = tpu.memref_slice %arg4[%mul3A_2, %dma_wait3A_188] : memref<819200x64xf32, #tpu.memory_space<hbm>> -> memref<128x64xf32, #tpu.memory_space<hbm>>
        tpu.wait_dma2 semaphore(%arg17 : memref<!tpu.dma_semaphore, #tpu.memory_space<semaphore_mem>>) src(%arg11 : memref<128x64xf32, #tpu.memory_space<vmem>>) dst(%dma_wait3A_189 : memref<128x64xf32, #tpu.memory_space<hbm>>)
      } else {
      }
      %scan3A_171 = arith.constant 0 : i32
      %scan3A_172 = arith.constant 0 : i32
      %scan3A_173 = arith.constant 8 : i32
      %scan3A_174 = arith.addi %scan3A_172, %scan3A_173 : i32
      %scan3A_175 = arith.constant 1 : i32
      %scan3A_176 = scf.for %scan3A_186 = %scan3A_172 to %scan3A_174 step %scan3A_175 iter_args(%scan3A_187 = %scan3A_171) -> (i32)  : i32 {
        %mul3A_188 = arith.constant 16 : i32
        %mul3A_189 = arith.muli %scan3A_186, %mul3A_188 : i32
        %add3A_190 = arith.constant 0 : i32
        %add3A_191 = arith.addi %mul3A_189, %add3A_190 : i32
        %get3A = arith.index_cast %add3A_191 : i32 to index
        %get3A_192 = arith.constant 0 : index
        %get3A_193 = tpu.vector_load %arg9[%get3A, %get3A_192] {strides = array<i32>} : memref<128x128xf32, #tpu.memory_space<vmem>>, vector<1x16xf32>,
        %get3A_194 = vector.shape_cast %get3A_193 : vector<1x16xf32> to vector<16xf32>
        %swap3A = arith.index_cast %add3A_191 : i32 to index
        %swap3A_195 = arith.constant 0 : index
        %swap3A_196 = tpu.vector_load %arg11[%swap3A, %swap3A_195] {strides = array<i32>} : memref<128x64xf32, #tpu.memory_space<vmem>>, vector<1x16xf32>,
        %swap3A_197 = vector.shape_cast %swap3A_196 : vector<1x16xf32> to vector<16xf32>
        %swap3A_198 = vector.shape_cast %get3A_194 : vector<16xf32> to vector<1x16xf32>
        tpu.vector_store %arg11[%swap3A, %swap3A_195], %swap3A_198 {strides = array<i32>} : memref<128x64xf32, #tpu.memory_space<vmem>>, vector<1x16xf32>,
        %get3A_199 = arith.index_cast %add3A_191 : i32 to index
        %get3A_200 = arith.constant 16 : index
        %get3A_201 = tpu.vector_load %arg9[%get3A_199, %get3A_200] {strides = array<i32>} : memref<128x128xf32, #tpu.memory_space<vmem>>, vector<1x16xf32>,
        %get3A_202 = vector.shape_cast %get3A_201 : vector<1x16xf32> to vector<16xf32>
        %swap3A_203 = arith.index_cast %add3A_191 : i32 to index
        %swap3A_204 = arith.constant 16 : index
        %swap3A_205 = tpu.vector_load %arg11[%swap3A_203, %swap3A_204] {strides = array<i32>} : memref<128x64xf32, #tpu.memory_space<vmem>>, vector<1x16xf32>,
        %swap3A_206 = vector.shape_cast %swap3A_205 : vector<1x16xf32> to vector<16xf32>
        %swap3A_207 = vector.shape_cast %get3A_202 : vector<16xf32> to vector<1x16xf32>
        tpu.vector_store %arg11[%swap3A_203, %swap3A_204], %swap3A_207 {strides = array<i32>} : memref<128x64xf32, #tpu.memory_space<vmem>>, vector<1x16xf32>,
        %get3A_208 = arith.index_cast %add3A_191 : i32 to index
        %get3A_209 = arith.constant 32 : index
        %get3A_210 = tpu.vector_load %arg9[%get3A_208, %get3A_209] {strides = array<i32>} : memref<128x128xf32, #tpu.memory_space<vmem>>, vector<1x16xf32>,
        %get3A_211 = vector.shape_cast %get3A_210 : vector<1x16xf32> to vector<16xf32>
        %swap3A_212 = arith.index_cast %add3A_191 : i32 to index
        %swap3A_213 = arith.constant 32 : index
        %swap3A_214 = tpu.vector_load %arg11[%swap3A_212, %swap3A_213] {strides = array<i32>} : memref<128x64xf32, #tpu.memory_space<vmem>>, vector<1x16xf32>,
        %swap3A_215 = vector.shape_cast %swap3A_214 : vector<1x16xf32> to vector<16xf32>
        %swap3A_216 = vector.shape_cast %get3A_211 : vector<16xf32> to vector<1x16xf32>
        tpu.vector_store %arg11[%swap3A_212, %swap3A_213], %swap3A_216 {strides = array<i32>} : memref<128x64xf32, #tpu.memory_space<vmem>>, vector<1x16xf32>,
        %get3A_217 = arith.index_cast %add3A_191 : i32 to index
        %get3A_218 = arith.constant 48 : index
        %get3A_219 = tpu.vector_load %arg9[%get3A_217, %get3A_218] {strides = array<i32>} : memref<128x128xf32, #tpu.memory_space<vmem>>, vector<1x16xf32>,
        %get3A_220 = vector.shape_cast %get3A_219 : vector<1x16xf32> to vector<16xf32>
        %swap3A_221 = arith.index_cast %add3A_191 : i32 to index
        %swap3A_222 = arith.constant 48 : index
        %swap3A_223 = tpu.vector_load %arg11[%swap3A_221, %swap3A_222] {strides = array<i32>} : memref<128x64xf32, #tpu.memory_space<vmem>>, vector<1x16xf32>,
        %swap3A_224 = vector.shape_cast %swap3A_223 : vector<1x16xf32> to vector<16xf32>
        %swap3A_225 = vector.shape_cast %get3A_220 : vector<16xf32> to vector<1x16xf32>
        tpu.vector_store %arg11[%swap3A_221, %swap3A_222], %swap3A_225 {strides = array<i32>} : memref<128x64xf32, #tpu.memory_space<vmem>>, vector<1x16xf32>,
        %mul3A_226 = arith.constant 16 : i32
        %mul3A_227 = arith.muli %scan3A_186, %mul3A_226 : i32
        %add3A_228 = arith.constant 1 : i32
        %add3A_229 = arith.addi %mul3A_227, %add3A_228 : i32
        %get3A_230 = arith.index_cast %add3A_229 : i32 to index
        %get3A_231 = arith.constant 0 : index
        %get3A_232 = tpu.vector_load %arg9[%get3A_230, %get3A_231] {strides = array<i32>} : memref<128x128xf32, #tpu.memory_space<vmem>>, vector<1x16xf32>,
        %get3A_233 = vector.shape_cast %get3A_232 : vector<1x16xf32> to vector<16xf32>
        %swap3A_234 = arith.index_cast %add3A_229 : i32 to index
        %swap3A_235 = arith.constant 0 : index
        %swap3A_236 = tpu.vector_load %arg11[%swap3A_234, %swap3A_235] {strides = array<i32>} : memref<128x64xf32, #tpu.memory_space<vmem>>, vector<1x16xf32>,
        %swap3A_237 = vector.shape_cast %swap3A_236 : vector<1x16xf32> to vector<16xf32>
        %swap3A_238 = vector.shape_cast %get3A_233 : vector<16xf32> to vector<1x16xf32>
        tpu.vector_store %arg11[%swap3A_234, %swap3A_235], %swap3A_238 {strides = array<i32>} : memref<128x64xf32, #tpu.memory_space<vmem>>, vector<1x16xf32>,
        %get3A_239 = arith.index_cast %add3A_229 : i32 to index
        %get3A_240 = arith.constant 16 : index
        %get3A_241 = tpu.vector_load %arg9[%get3A_239, %get3A_240] {strides = array<i32>} : memref<128x128xf32, #tpu.memory_space<vmem>>, vector<1x16xf32>,
        %get3A_242 = vector.shape_cast %get3A_241 : vector<1x16xf32> to vector<16xf32>
        %swap3A_243 = arith.index_cast %add3A_229 : i32 to index
        %swap3A_244 = arith.constant 16 : index
        %swap3A_245 = tpu.vector_load %arg11[%swap3A_243, %swap3A_244] {strides = array<i32>} : memref<128x64xf32, #tpu.memory_space<vmem>>, vector<1x16xf32>,
        %swap3A_246 = vector.shape_cast %swap3A_245 : vector<1x16xf32> to vector<16xf32>
        %swap3A_247 = vector.shape_cast %get3A_242 : vector<16xf32> to vector<1x16xf32>
        tpu.vector_store %arg11[%swap3A_243, %swap3A_244], %swap3A_247 {strides = array<i32>} : memref<128x64xf32, #tpu.memory_space<vmem>>, vector<1x16xf32>,
        %get3A_248 = arith.index_cast %add3A_229 : i32 to index
        %get3A_249 = arith.constant 32 : index
        %get3A_250 = tpu.vector_load %arg9[%get3A_248, %get3A_249] {strides = array<i32>} : memref<128x128xf32, #tpu.memory_space<vmem>>, vector<1x16xf32>,
        %get3A_251 = vector.shape_cast %get3A_250 : vector<1x16xf32> to vector<16xf32>
        %swap3A_252 = arith.index_cast %add3A_229 : i32 to index
        %swap3A_253 = arith.constant 32 : index
        %swap3A_254 = tpu.vector_load %arg11[%swap3A_252, %swap3A_253] {strides = array<i32>} : memref<128x64xf32, #tpu.memory_space<vmem>>, vector<1x16xf32>,
        %swap3A_255 = vector.shape_cast %swap3A_254 : vector<1x16xf32> to vector<16xf32>
        %swap3A_256 = vector.shape_cast %get3A_251 : vector<16xf32> to vector<1x16xf32>
        tpu.vector_store %arg11[%swap3A_252, %swap3A_253], %swap3A_256 {strides = array<i32>} : memref<128x64xf32, #tpu.memory_space<vmem>>, vector<1x16xf32>,
        %get3A_257 = arith.index_cast %add3A_229 : i32 to index
        %get3A_258 = arith.constant 48 : index
        %get3A_259 = tpu.vector_load %arg9[%get3A_257, %get3A_258] {strides = array<i32>} : memref<128x128xf32, #tpu.memory_space<vmem>>, vector<1x16xf32>,
        %get3A_260 = vector.shape_cast %get3A_259 : vector<1x16xf32> to vector<16xf32>
        %swap3A_261 = arith.index_cast %add3A_229 : i32 to index
        %swap3A_262 = arith.constant 48 : index
        %swap3A_263 = tpu.vector_load %arg11[%swap3A_261, %swap3A_262] {strides = array<i32>} : memref<128x64xf32, #tpu.memory_space<vmem>>, vector<1x16xf32>,
        %swap3A_264 = vector.shape_cast %swap3A_263 : vector<1x16xf32> to vector<16xf32>
        %swap3A_265 = vector.shape_cast %get3A_260 : vector<16xf32> to vector<1x16xf32>
        tpu.vector_store %arg11[%swap3A_261, %swap3A_262], %swap3A_265 {strides = array<i32>} : memref<128x64xf32, #tpu.memory_space<vmem>>, vector<1x16xf32>,
        %mul3A_266 = arith.constant 16 : i32
        %mul3A_267 = arith.muli %scan3A_186, %mul3A_266 : i32
        %add3A_268 = arith.constant 2 : i32
        %add3A_269 = arith.addi %mul3A_267, %add3A_268 : i32
        %get3A_270 = arith.index_cast %add3A_269 : i32 to index
        %get3A_271 = arith.constant 0 : index
        %get3A_272 = tpu.vector_load %arg9[%get3A_270, %get3A_271] {strides = array<i32>} : memref<128x128xf32, #tpu.memory_space<vmem>>, vector<1x16xf32>,
        %get3A_273 = vector.shape_cast %get3A_272 : vector<1x16xf32> to vector<16xf32>
        %swap3A_274 = arith.index_cast %add3A_269 : i32 to index
        %swap3A_275 = arith.constant 0 : index
        %swap3A_276 = tpu.vector_load %arg11[%swap3A_274, %swap3A_275] {strides = array<i32>} : memref<128x64xf32, #tpu.memory_space<vmem>>, vector<1x16xf32>,
        %swap3A_277 = vector.shape_cast %swap3A_276 : vector<1x16xf32> to vector<16xf32>
        %swap3A_278 = vector.shape_cast %get3A_273 : vector<16xf32> to vector<1x16xf32>
        tpu.vector_store %arg11[%swap3A_274, %swap3A_275], %swap3A_278 {strides = array<i32>} : memref<128x64xf32, #tpu.memory_space<vmem>>, vector<1x16xf32>,
        %get3A_279 = arith.index_cast %add3A_269 : i32 to index
        %get3A_280 = arith.constant 16 : index
        %get3A_281 = tpu.vector_load %arg9[%get3A_279, %get3A_280] {strides = array<i32>} : memref<128x128xf32, #tpu.memory_space<vmem>>, vector<1x16xf32>,
        %get3A_282 = vector.shape_cast %get3A_281 : vector<1x16xf32> to vector<16xf32>
        %swap3A_283 = arith.index_cast %add3A_269 : i32 to index
        %swap3A_284 = arith.constant 16 : index
        %swap3A_285 = tpu.vector_load %arg11[%swap3A_283, %swap3A_284] {strides = array<i32>} : memref<128x64xf32, #tpu.memory_space<vmem>>, vector<1x16xf32>,
        %swap3A_286 = vector.shape_cast %swap3A_285 : vector<1x16xf32> to vector<16xf32>
        %swap3A_287 = vector.shape_cast %get3A_282 : vector<16xf32> to vector<1x16xf32>
        tpu.vector_store %arg11[%swap3A_283, %swap3A_284], %swap3A_287 {strides = array<i32>} : memref<128x64xf32, #tpu.memory_space<vmem>>, vector<1x16xf32>,
        %get3A_288 = arith.index_cast %add3A_269 : i32 to index
        %get3A_289 = arith.constant 32 : index
        %get3A_290 = tpu.vector_load %arg9[%get3A_288, %get3A_289] {strides = array<i32>} : memref<128x128xf32, #tpu.memory_space<vmem>>, vector<1x16xf32>,
        %get3A_291 = vector.shape_cast %get3A_290 : vector<1x16xf32> to vector<16xf32>
        %swap3A_292 = arith.index_cast %add3A_269 : i32 to index
        %swap3A_293 = arith.constant 32 : index
        %swap3A_294 = tpu.vector_load %arg11[%swap3A_292, %swap3A_293] {strides = array<i32>} : memref<128x64xf32, #tpu.memory_space<vmem>>, vector<1x16xf32>,
        %swap3A_295 = vector.shape_cast %swap3A_294 : vector<1x16xf32> to vector<16xf32>
        %swap3A_296 = vector.shape_cast %get3A_291 : vector<16xf32> to vector<1x16xf32>
        tpu.vector_store %arg11[%swap3A_292, %swap3A_293], %swap3A_296 {strides = array<i32>} : memref<128x64xf32, #tpu.memory_space<vmem>>, vector<1x16xf32>,
        %get3A_297 = arith.index_cast %add3A_269 : i32 to index
        %get3A_298 = arith.constant 48 : index
        %get3A_299 = tpu.vector_load %arg9[%get3A_297, %get3A_298] {strides = array<i32>} : memref<128x128xf32, #tpu.memory_space<vmem>>, vector<1x16xf32>,
        %get3A_300 = vector.shape_cast %get3A_299 : vector<1x16xf32> to vector<16xf32>
        %swap3A_301 = arith.index_cast %add3A_269 : i32 to index
        %swap3A_302 = arith.constant 48 : index
        %swap3A_303 = tpu.vector_load %arg11[%swap3A_301, %swap3A_302] {strides = array<i32>} : memref<128x64xf32, #tpu.memory_space<vmem>>, vector<1x16xf32>,
        %swap3A_304 = vector.shape_cast %swap3A_303 : vector<1x16xf32> to vector<16xf32>
        %swap3A_305 = vector.shape_cast %get3A_300 : vector<16xf32> to vector<1x16xf32>
        tpu.vector_store %arg11[%swap3A_301, %swap3A_302], %swap3A_305 {strides = array<i32>} : memref<128x64xf32, #tpu.memory_space<vmem>>, vector<1x16xf32>,
        %mul3A_306 = arith.constant 16 : i32
        %mul3A_307 = arith.muli %scan3A_186, %mul3A_306 : i32
        %add3A_308 = arith.constant 3 : i32
        %add3A_309 = arith.addi %mul3A_307, %add3A_308 : i32
        %get3A_310 = arith.index_cast %add3A_309 : i32 to index
        %get3A_311 = arith.constant 0 : index
        %get3A_312 = tpu.vector_load %arg9[%get3A_310, %get3A_311] {strides = array<i32>} : memref<128x128xf32, #tpu.memory_space<vmem>>, vector<1x16xf32>,
        %get3A_313 = vector.shape_cast %get3A_312 : vector<1x16xf32> to vector<16xf32>
        %swap3A_314 = arith.index_cast %add3A_309 : i32 to index
        %swap3A_315 = arith.constant 0 : index
        %swap3A_316 = tpu.vector_load %arg11[%swap3A_314, %swap3A_315] {strides = array<i32>} : memref<128x64xf32, #tpu.memory_space<vmem>>, vector<1x16xf32>,
        %swap3A_317 = vector.shape_cast %swap3A_316 : vector<1x16xf32> to vector<16xf32>
        %swap3A_318 = vector.shape_cast %get3A_313 : vector<16xf32> to vector<1x16xf32>
        tpu.vector_store %arg11[%swap3A_314, %swap3A_315], %swap3A_318 {strides = array<i32>} : memref<128x64xf32, #tpu.memory_space<vmem>>, vector<1x16xf32>,
        %get3A_319 = arith.index_cast %add3A_309 : i32 to index
        %get3A_320 = arith.constant 16 : index
        %get3A_321 = tpu.vector_load %arg9[%get3A_319, %get3A_320] {strides = array<i32>} : memref<128x128xf32, #tpu.memory_space<vmem>>, vector<1x16xf32>,
        %get3A_322 = vector.shape_cast %get3A_321 : vector<1x16xf32> to vector<16xf32>
        %swap3A_323 = arith.index_cast %add3A_309 : i32 to index
        %swap3A_324 = arith.constant 16 : index
        %swap3A_325 = tpu.vector_load %arg11[%swap3A_323, %swap3A_324] {strides = array<i32>} : memref<128x64xf32, #tpu.memory_space<vmem>>, vector<1x16xf32>,
        %swap3A_326 = vector.shape_cast %swap3A_325 : vector<1x16xf32> to vector<16xf32>
        %swap3A_327 = vector.shape_cast %get3A_322 : vector<16xf32> to vector<1x16xf32>
        tpu.vector_store %arg11[%swap3A_323, %swap3A_324], %swap3A_327 {strides = array<i32>} : memref<128x64xf32, #tpu.memory_space<vmem>>, vector<1x16xf32>,
        %get3A_328 = arith.index_cast %add3A_309 : i32 to index
        %get3A_329 = arith.constant 32 : index
        %get3A_330 = tpu.vector_load %arg9[%get3A_328, %get3A_329] {strides = array<i32>} : memref<128x128xf32, #tpu.memory_space<vmem>>, vector<1x16xf32>,
        %get3A_331 = vector.shape_cast %get3A_330 : vector<1x16xf32> to vector<16xf32>
        %swap3A_332 = arith.index_cast %add3A_309 : i32 to index
        %swap3A_333 = arith.constant 32 : index
        %swap3A_334 = tpu.vector_load %arg11[%swap3A_332, %swap3A_333] {strides = array<i32>} : memref<128x64xf32, #tpu.memory_space<vmem>>, vector<1x16xf32>,
        %swap3A_335 = vector.shape_cast %swap3A_334 : vector<1x16xf32> to vector<16xf32>
        %swap3A_336 = vector.shape_cast %get3A_331 : vector<16xf32> to vector<1x16xf32>
        tpu.vector_store %arg11[%swap3A_332, %swap3A_333], %swap3A_336 {strides = array<i32>} : memref<128x64xf32, #tpu.memory_space<vmem>>, vector<1x16xf32>,
        %get3A_337 = arith.index_cast %add3A_309 : i32 to index
        %get3A_338 = arith.constant 48 : index
        %get3A_339 = tpu.vector_load %arg9[%get3A_337, %get3A_338] {strides = array<i32>} : memref<128x128xf32, #tpu.memory_space<vmem>>, vector<1x16xf32>,
        %get3A_340 = vector.shape_cast %get3A_339 : vector<1x16xf32> to vector<16xf32>
        %swap3A_341 = arith.index_cast %add3A_309 : i32 to index
        %swap3A_342 = arith.constant 48 : index
        %swap3A_343 = tpu.vector_load %arg11[%swap3A_341, %swap3A_342] {strides = array<i32>} : memref<128x64xf32, #tpu.memory_space<vmem>>, vector<1x16xf32>,
        %swap3A_344 = vector.shape_cast %swap3A_343 : vector<1x16xf32> to vector<16xf32>
        %swap3A_345 = vector.shape_cast %get3A_340 : vector<16xf32> to vector<1x16xf32>
        tpu.vector_store %arg11[%swap3A_341, %swap3A_342], %swap3A_345 {strides = array<i32>} : memref<128x64xf32, #tpu.memory_space<vmem>>, vector<1x16xf32>,
        %mul3A_346 = arith.constant 16 : i32
        %mul3A_347 = arith.muli %scan3A_186, %mul3A_346 : i32
        %add3A_348 = arith.constant 4 : i32
        %add3A_349 = arith.addi %mul3A_347, %add3A_348 : i32
        %get3A_350 = arith.index_cast %add3A_349 : i32 to index
        %get3A_351 = arith.constant 0 : index
        %get3A_352 = tpu.vector_load %arg9[%get3A_350, %get3A_351] {strides = array<i32>} : memref<128x128xf32, #tpu.memory_space<vmem>>, vector<1x16xf32>,
        %get3A_353 = vector.shape_cast %get3A_352 : vector<1x16xf32> to vector<16xf32>
        %swap3A_354 = arith.index_cast %add3A_349 : i32 to index
        %swap3A_355 = arith.constant 0 : index
        %swap3A_356 = tpu.vector_load %arg11[%swap3A_354, %swap3A_355] {strides = array<i32>} : memref<128x64xf32, #tpu.memory_space<vmem>>, vector<1x16xf32>,
        %swap3A_357 = vector.shape_cast %swap3A_356 : vector<1x16xf32> to vector<16xf32>
        %swap3A_358 = vector.shape_cast %get3A_353 : vector<16xf32> to vector<1x16xf32>
        tpu.vector_store %arg11[%swap3A_354, %swap3A_355], %swap3A_358 {strides = array<i32>} : memref<128x64xf32, #tpu.memory_space<vmem>>, vector<1x16xf32>,
        %get3A_359 = arith.index_cast %add3A_349 : i32 to index
        %get3A_360 = arith.constant 16 : index
        %get3A_361 = tpu.vector_load %arg9[%get3A_359, %get3A_360] {strides = array<i32>} : memref<128x128xf32, #tpu.memory_space<vmem>>, vector<1x16xf32>,
        %get3A_362 = vector.shape_cast %get3A_361 : vector<1x16xf32> to vector<16xf32>
        %swap3A_363 = arith.index_cast %add3A_349 : i32 to index
        %swap3A_364 = arith.constant 16 : index
        %swap3A_365 = tpu.vector_load %arg11[%swap3A_363, %swap3A_364] {strides = array<i32>} : memref<128x64xf32, #tpu.memory_space<vmem>>, vector<1x16xf32>,
        %swap3A_366 = vector.shape_cast %swap3A_365 : vector<1x16xf32> to vector<16xf32>
        %swap3A_367 = vector.shape_cast %get3A_362 : vector<16xf32> to vector<1x16xf32>
        tpu.vector_store %arg11[%swap3A_363, %swap3A_364], %swap3A_367 {strides = array<i32>} : memref<128x64xf32, #tpu.memory_space<vmem>>, vector<1x16xf32>,
        %get3A_368 = arith.index_cast %add3A_349 : i32 to index
        %get3A_369 = arith.constant 32 : index
        %get3A_370 = tpu.vector_load %arg9[%get3A_368, %get3A_369] {strides = array<i32>} : memref<128x128xf32, #tpu.memory_space<vmem>>, vector<1x16xf32>,
        %get3A_371 = vector.shape_cast %get3A_370 : vector<1x16xf32> to vector<16xf32>
        %swap3A_372 = arith.index_cast %add3A_349 : i32 to index
        %swap3A_373 = arith.constant 32 : index
        %swap3A_374 = tpu.vector_load %arg11[%swap3A_372, %swap3A_373] {strides = array<i32>} : memref<128x64xf32, #tpu.memory_space<vmem>>, vector<1x16xf32>,
        %swap3A_375 = vector.shape_cast %swap3A_374 : vector<1x16xf32> to vector<16xf32>
        %swap3A_376 = vector.shape_cast %get3A_371 : vector<16xf32> to vector<1x16xf32>
        tpu.vector_store %arg11[%swap3A_372, %swap3A_373], %swap3A_376 {strides = array<i32>} : memref<128x64xf32, #tpu.memory_space<vmem>>, vector<1x16xf32>,
        %get3A_377 = arith.index_cast %add3A_349 : i32 to index
        %get3A_378 = arith.constant 48 : index
        %get3A_379 = tpu.vector_load %arg9[%get3A_377, %get3A_378] {strides = array<i32>} : memref<128x128xf32, #tpu.memory_space<vmem>>, vector<1x16xf32>,
        %get3A_380 = vector.shape_cast %get3A_379 : vector<1x16xf32> to vector<16xf32>
        %swap3A_381 = arith.index_cast %add3A_349 : i32 to index
        %swap3A_382 = arith.constant 48 : index
        %swap3A_383 = tpu.vector_load %arg11[%swap3A_381, %swap3A_382] {strides = array<i32>} : memref<128x64xf32, #tpu.memory_space<vmem>>, vector<1x16xf32>,
        %swap3A_384 = vector.shape_cast %swap3A_383 : vector<1x16xf32> to vector<16xf32>
        %swap3A_385 = vector.shape_cast %get3A_380 : vector<16xf32> to vector<1x16xf32>
        tpu.vector_store %arg11[%swap3A_381, %swap3A_382], %swap3A_385 {strides = array<i32>} : memref<128x64xf32, #tpu.memory_space<vmem>>, vector<1x16xf32>,
        %mul3A_386 = arith.constant 16 : i32
        %mul3A_387 = arith.muli %scan3A_186, %mul3A_386 : i32
        %add3A_388 = arith.constant 5 : i32
        %add3A_389 = arith.addi %mul3A_387, %add3A_388 : i32
        %get3A_390 = arith.index_cast %add3A_389 : i32 to index
        %get3A_391 = arith.constant 0 : index
        %get3A_392 = tpu.vector_load %arg9[%get3A_390, %get3A_391] {strides = array<i32>} : memref<128x128xf32, #tpu.memory_space<vmem>>, vector<1x16xf32>,
        %get3A_393 = vector.shape_cast %get3A_392 : vector<1x16xf32> to vector<16xf32>
        %swap3A_394 = arith.index_cast %add3A_389 : i32 to index
        %swap3A_395 = arith.constant 0 : index
        %swap3A_396 = tpu.vector_load %arg11[%swap3A_394, %swap3A_395] {strides = array<i32>} : memref<128x64xf32, #tpu.memory_space<vmem>>, vector<1x16xf32>,
        %swap3A_397 = vector.shape_cast %swap3A_396 : vector<1x16xf32> to vector<16xf32>
        %swap3A_398 = vector.shape_cast %get3A_393 : vector<16xf32> to vector<1x16xf32>
        tpu.vector_store %arg11[%swap3A_394, %swap3A_395], %swap3A_398 {strides = array<i32>} : memref<128x64xf32, #tpu.memory_space<vmem>>, vector<1x16xf32>,
        %get3A_399 = arith.index_cast %add3A_389 : i32 to index
        %get3A_400 = arith.constant 16 : index
        %get3A_401 = tpu.vector_load %arg9[%get3A_399, %get3A_400] {strides = array<i32>} : memref<128x128xf32, #tpu.memory_space<vmem>>, vector<1x16xf32>,
        %get3A_402 = vector.shape_cast %get3A_401 : vector<1x16xf32> to vector<16xf32>
        %swap3A_403 = arith.index_cast %add3A_389 : i32 to index
        %swap3A_404 = arith.constant 16 : index
        %swap3A_405 = tpu.vector_load %arg11[%swap3A_403, %swap3A_404] {strides = array<i32>} : memref<128x64xf32, #tpu.memory_space<vmem>>, vector<1x16xf32>,
        %swap3A_406 = vector.shape_cast %swap3A_405 : vector<1x16xf32> to vector<16xf32>
        %swap3A_407 = vector.shape_cast %get3A_402 : vector<16xf32> to vector<1x16xf32>
        tpu.vector_store %arg11[%swap3A_403, %swap3A_404], %swap3A_407 {strides = array<i32>} : memref<128x64xf32, #tpu.memory_space<vmem>>, vector<1x16xf32>,
        %get3A_408 = arith.index_cast %add3A_389 : i32 to index
        %get3A_409 = arith.constant 32 : index
        %get3A_410 = tpu.vector_load %arg9[%get3A_408, %get3A_409] {strides = array<i32>} : memref<128x128xf32, #tpu.memory_space<vmem>>, vector<1x16xf32>,
        %get3A_411 = vector.shape_cast %get3A_410 : vector<1x16xf32> to vector<16xf32>
        %swap3A_412 = arith.index_cast %add3A_389 : i32 to index
        %swap3A_413 = arith.constant 32 : index
        %swap3A_414 = tpu.vector_load %arg11[%swap3A_412, %swap3A_413] {strides = array<i32>} : memref<128x64xf32, #tpu.memory_space<vmem>>, vector<1x16xf32>,
        %swap3A_415 = vector.shape_cast %swap3A_414 : vector<1x16xf32> to vector<16xf32>
        %swap3A_416 = vector.shape_cast %get3A_411 : vector<16xf32> to vector<1x16xf32>
        tpu.vector_store %arg11[%swap3A_412, %swap3A_413], %swap3A_416 {strides = array<i32>} : memref<128x64xf32, #tpu.memory_space<vmem>>, vector<1x16xf32>,
        %get3A_417 = arith.index_cast %add3A_389 : i32 to index
        %get3A_418 = arith.constant 48 : index
        %get3A_419 = tpu.vector_load %arg9[%get3A_417, %get3A_418] {strides = array<i32>} : memref<128x128xf32, #tpu.memory_space<vmem>>, vector<1x16xf32>,
        %get3A_420 = vector.shape_cast %get3A_419 : vector<1x16xf32> to vector<16xf32>
        %swap3A_421 = arith.index_cast %add3A_389 : i32 to index
        %swap3A_422 = arith.constant 48 : index
        %swap3A_423 = tpu.vector_load %arg11[%swap3A_421, %swap3A_422] {strides = array<i32>} : memref<128x64xf32, #tpu.memory_space<vmem>>, vector<1x16xf32>,
        %swap3A_424 = vector.shape_cast %swap3A_423 : vector<1x16xf32> to vector<16xf32>
        %swap3A_425 = vector.shape_cast %get3A_420 : vector<16xf32> to vector<1x16xf32>
        tpu.vector_store %arg11[%swap3A_421, %swap3A_422], %swap3A_425 {strides = array<i32>} : memref<128x64xf32, #tpu.memory_space<vmem>>, vector<1x16xf32>,
        %mul3A_426 = arith.constant 16 : i32
        %mul3A_427 = arith.muli %scan3A_186, %mul3A_426 : i32
        %add3A_428 = arith.constant 6 : i32
        %add3A_429 = arith.addi %mul3A_427, %add3A_428 : i32
        %get3A_430 = arith.index_cast %add3A_429 : i32 to index
        %get3A_431 = arith.constant 0 : index
        %get3A_432 = tpu.vector_load %arg9[%get3A_430, %get3A_431] {strides = array<i32>} : memref<128x128xf32, #tpu.memory_space<vmem>>, vector<1x16xf32>,
        %get3A_433 = vector.shape_cast %get3A_432 : vector<1x16xf32> to vector<16xf32>
        %swap3A_434 = arith.index_cast %add3A_429 : i32 to index
        %swap3A_435 = arith.constant 0 : index
        %swap3A_436 = tpu.vector_load %arg11[%swap3A_434, %swap3A_435] {strides = array<i32>} : memref<128x64xf32, #tpu.memory_space<vmem>>, vector<1x16xf32>,
        %swap3A_437 = vector.shape_cast %swap3A_436 : vector<1x16xf32> to vector<16xf32>
        %swap3A_438 = vector.shape_cast %get3A_433 : vector<16xf32> to vector<1x16xf32>
        tpu.vector_store %arg11[%swap3A_434, %swap3A_435], %swap3A_438 {strides = array<i32>} : memref<128x64xf32, #tpu.memory_space<vmem>>, vector<1x16xf32>,
        %get3A_439 = arith.index_cast %add3A_429 : i32 to index
        %get3A_440 = arith.constant 16 : index
        %get3A_441 = tpu.vector_load %arg9[%get3A_439, %get3A_440] {strides = array<i32>} : memref<128x128xf32, #tpu.memory_space<vmem>>, vector<1x16xf32>,
        %get3A_442 = vector.shape_cast %get3A_441 : vector<1x16xf32> to vector<16xf32>
        %swap3A_443 = arith.index_cast %add3A_429 : i32 to index
        %swap3A_444 = arith.constant 16 : index
        %swap3A_445 = tpu.vector_load %arg11[%swap3A_443, %swap3A_444] {strides = array<i32>} : memref<128x64xf32, #tpu.memory_space<vmem>>, vector<1x16xf32>,
        %swap3A_446 = vector.shape_cast %swap3A_445 : vector<1x16xf32> to vector<16xf32>
        %swap3A_447 = vector.shape_cast %get3A_442 : vector<16xf32> to vector<1x16xf32>
        tpu.vector_store %arg11[%swap3A_443, %swap3A_444], %swap3A_447 {strides = array<i32>} : memref<128x64xf32, #tpu.memory_space<vmem>>, vector<1x16xf32>,
        %get3A_448 = arith.index_cast %add3A_429 : i32 to index
        %get3A_449 = arith.constant 32 : index
        %get3A_450 = tpu.vector_load %arg9[%get3A_448, %get3A_449] {strides = array<i32>} : memref<128x128xf32, #tpu.memory_space<vmem>>, vector<1x16xf32>,
        %get3A_451 = vector.shape_cast %get3A_450 : vector<1x16xf32> to vector<16xf32>
        %swap3A_452 = arith.index_cast %add3A_429 : i32 to index
        %swap3A_453 = arith.constant 32 : index
        %swap3A_454 = tpu.vector_load %arg11[%swap3A_452, %swap3A_453] {strides = array<i32>} : memref<128x64xf32, #tpu.memory_space<vmem>>, vector<1x16xf32>,
        %swap3A_455 = vector.shape_cast %swap3A_454 : vector<1x16xf32> to vector<16xf32>
        %swap3A_456 = vector.shape_cast %get3A_451 : vector<16xf32> to vector<1x16xf32>
        tpu.vector_store %arg11[%swap3A_452, %swap3A_453], %swap3A_456 {strides = array<i32>} : memref<128x64xf32, #tpu.memory_space<vmem>>, vector<1x16xf32>,
        %get3A_457 = arith.index_cast %add3A_429 : i32 to index
        %get3A_458 = arith.constant 48 : index
        %get3A_459 = tpu.vector_load %arg9[%get3A_457, %get3A_458] {strides = array<i32>} : memref<128x128xf32, #tpu.memory_space<vmem>>, vector<1x16xf32>,
        %get3A_460 = vector.shape_cast %get3A_459 : vector<1x16xf32> to vector<16xf32>
        %swap3A_461 = arith.index_cast %add3A_429 : i32 to index
        %swap3A_462 = arith.constant 48 : index
        %swap3A_463 = tpu.vector_load %arg11[%swap3A_461, %swap3A_462] {strides = array<i32>} : memref<128x64xf32, #tpu.memory_space<vmem>>, vector<1x16xf32>,
        %swap3A_464 = vector.shape_cast %swap3A_463 : vector<1x16xf32> to vector<16xf32>
        %swap3A_465 = vector.shape_cast %get3A_460 : vector<16xf32> to vector<1x16xf32>
        tpu.vector_store %arg11[%swap3A_461, %swap3A_462], %swap3A_465 {strides = array<i32>} : memref<128x64xf32, #tpu.memory_space<vmem>>, vector<1x16xf32>,
        %mul3A_466 = arith.constant 16 : i32
        %mul3A_467 = arith.muli %scan3A_186, %mul3A_466 : i32
        %add3A_468 = arith.constant 7 : i32
        %add3A_469 = arith.addi %mul3A_467, %add3A_468 : i32
        %get3A_470 = arith.index_cast %add3A_469 : i32 to index
        %get3A_471 = arith.constant 0 : index
        %get3A_472 = tpu.vector_load %arg9[%get3A_470, %get3A_471] {strides = array<i32>} : memref<128x128xf32, #tpu.memory_space<vmem>>, vector<1x16xf32>,
        %get3A_473 = vector.shape_cast %get3A_472 : vector<1x16xf32> to vector<16xf32>
        %swap3A_474 = arith.index_cast %add3A_469 : i32 to index
        %swap3A_475 = arith.constant 0 : index
        %swap3A_476 = tpu.vector_load %arg11[%swap3A_474, %swap3A_475] {strides = array<i32>} : memref<128x64xf32, #tpu.memory_space<vmem>>, vector<1x16xf32>,
        %swap3A_477 = vector.shape_cast %swap3A_476 : vector<1x16xf32> to vector<16xf32>
        %swap3A_478 = vector.shape_cast %get3A_473 : vector<16xf32> to vector<1x16xf32>
        tpu.vector_store %arg11[%swap3A_474, %swap3A_475], %swap3A_478 {strides = array<i32>} : memref<128x64xf32, #tpu.memory_space<vmem>>, vector<1x16xf32>,
        %get3A_479 = arith.index_cast %add3A_469 : i32 to index
        %get3A_480 = arith.constant 16 : index
        %get3A_481 = tpu.vector_load %arg9[%get3A_479, %get3A_480] {strides = array<i32>} : memref<128x128xf32, #tpu.memory_space<vmem>>, vector<1x16xf32>,
        %get3A_482 = vector.shape_cast %get3A_481 : vector<1x16xf32> to vector<16xf32>
        %swap3A_483 = arith.index_cast %add3A_469 : i32 to index
        %swap3A_484 = arith.constant 16 : index
        %swap3A_485 = tpu.vector_load %arg11[%swap3A_483, %swap3A_484] {strides = array<i32>} : memref<128x64xf32, #tpu.memory_space<vmem>>, vector<1x16xf32>,
        %swap3A_486 = vector.shape_cast %swap3A_485 : vector<1x16xf32> to vector<16xf32>
        %swap3A_487 = vector.shape_cast %get3A_482 : vector<16xf32> to vector<1x16xf32>
        tpu.vector_store %arg11[%swap3A_483, %swap3A_484], %swap3A_487 {strides = array<i32>} : memref<128x64xf32, #tpu.memory_space<vmem>>, vector<1x16xf32>,
        %get3A_488 = arith.index_cast %add3A_469 : i32 to index
        %get3A_489 = arith.constant 32 : index
        %get3A_490 = tpu.vector_load %arg9[%get3A_488, %get3A_489] {strides = array<i32>} : memref<128x128xf32, #tpu.memory_space<vmem>>, vector<1x16xf32>,
        %get3A_491 = vector.shape_cast %get3A_490 : vector<1x16xf32> to vector<16xf32>
        %swap3A_492 = arith.index_cast %add3A_469 : i32 to index
        %swap3A_493 = arith.constant 32 : index
        %swap3A_494 = tpu.vector_load %arg11[%swap3A_492, %swap3A_493] {strides = array<i32>} : memref<128x64xf32, #tpu.memory_space<vmem>>, vector<1x16xf32>,
        %swap3A_495 = vector.shape_cast %swap3A_494 : vector<1x16xf32> to vector<16xf32>
        %swap3A_496 = vector.shape_cast %get3A_491 : vector<16xf32> to vector<1x16xf32>
        tpu.vector_store %arg11[%swap3A_492, %swap3A_493], %swap3A_496 {strides = array<i32>} : memref<128x64xf32, #tpu.memory_space<vmem>>, vector<1x16xf32>,
        %get3A_497 = arith.index_cast %add3A_469 : i32 to index
        %get3A_498 = arith.constant 48 : index
        %get3A_499 = tpu.vector_load %arg9[%get3A_497, %get3A_498] {strides = array<i32>} : memref<128x128xf32, #tpu.memory_space<vmem>>, vector<1x16xf32>,
        %get3A_500 = vector.shape_cast %get3A_499 : vector<1x16xf32> to vector<16xf32>
        %swap3A_501 = arith.index_cast %add3A_469 : i32 to index
        %swap3A_502 = arith.constant 48 : index
        %swap3A_503 = tpu.vector_load %arg11[%swap3A_501, %swap3A_502] {strides = array<i32>} : memref<128x64xf32, #tpu.memory_space<vmem>>, vector<1x16xf32>,
        %swap3A_504 = vector.shape_cast %swap3A_503 : vector<1x16xf32> to vector<16xf32>
        %swap3A_505 = vector.shape_cast %get3A_500 : vector<16xf32> to vector<1x16xf32>
        tpu.vector_store %arg11[%swap3A_501, %swap3A_502], %swap3A_505 {strides = array<i32>} : memref<128x64xf32, #tpu.memory_space<vmem>>, vector<1x16xf32>,
        %mul3A_506 = arith.constant 16 : i32
        %mul3A_507 = arith.muli %scan3A_186, %mul3A_506 : i32
        %add3A_508 = arith.constant 8 : i32
        %add3A_509 = arith.addi %mul3A_507, %add3A_508 : i32
        %get3A_510 = arith.index_cast %add3A_509 : i32 to index
        %get3A_511 = arith.constant 0 : index
        %get3A_512 = tpu.vector_load %arg9[%get3A_510, %get3A_511] {strides = array<i32>} : memref<128x128xf32, #tpu.memory_space<vmem>>, vector<1x16xf32>,
        %get3A_513 = vector.shape_cast %get3A_512 : vector<1x16xf32> to vector<16xf32>
        %swap3A_514 = arith.index_cast %add3A_509 : i32 to index
        %swap3A_515 = arith.constant 0 : index
        %swap3A_516 = tpu.vector_load %arg11[%swap3A_514, %swap3A_515] {strides = array<i32>} : memref<128x64xf32, #tpu.memory_space<vmem>>, vector<1x16xf32>,
        %swap3A_517 = vector.shape_cast %swap3A_516 : vector<1x16xf32> to vector<16xf32>
        %swap3A_518 = vector.shape_cast %get3A_513 : vector<16xf32> to vector<1x16xf32>
        tpu.vector_store %arg11[%swap3A_514, %swap3A_515], %swap3A_518 {strides = array<i32>} : memref<128x64xf32, #tpu.memory_space<vmem>>, vector<1x16xf32>,
        %get3A_519 = arith.index_cast %add3A_509 : i32 to index
        %get3A_520 = arith.constant 16 : index
        %get3A_521 = tpu.vector_load %arg9[%get3A_519, %get3A_520] {strides = array<i32>} : memref<128x128xf32, #tpu.memory_space<vmem>>, vector<1x16xf32>,
        %get3A_522 = vector.shape_cast %get3A_521 : vector<1x16xf32> to vector<16xf32>
        %swap3A_523 = arith.index_cast %add3A_509 : i32 to index
        %swap3A_524 = arith.constant 16 : index
        %swap3A_525 = tpu.vector_load %arg11[%swap3A_523, %swap3A_524] {strides = array<i32>} : memref<128x64xf32, #tpu.memory_space<vmem>>, vector<1x16xf32>,
        %swap3A_526 = vector.shape_cast %swap3A_525 : vector<1x16xf32> to vector<16xf32>
        %swap3A_527 = vector.shape_cast %get3A_522 : vector<16xf32> to vector<1x16xf32>
        tpu.vector_store %arg11[%swap3A_523, %swap3A_524], %swap3A_527 {strides = array<i32>} : memref<128x64xf32, #tpu.memory_space<vmem>>, vector<1x16xf32>,
        %get3A_528 = arith.index_cast %add3A_509 : i32 to index
        %get3A_529 = arith.constant 32 : index
        %get3A_530 = tpu.vector_load %arg9[%get3A_528, %get3A_529] {strides = array<i32>} : memref<128x128xf32, #tpu.memory_space<vmem>>, vector<1x16xf32>,
        %get3A_531 = vector.shape_cast %get3A_530 : vector<1x16xf32> to vector<16xf32>
        %swap3A_532 = arith.index_cast %add3A_509 : i32 to index
        %swap3A_533 = arith.constant 32 : index
        %swap3A_534 = tpu.vector_load %arg11[%swap3A_532, %swap3A_533] {strides = array<i32>} : memref<128x64xf32, #tpu.memory_space<vmem>>, vector<1x16xf32>,
        %swap3A_535 = vector.shape_cast %swap3A_534 : vector<1x16xf32> to vector<16xf32>
        %swap3A_536 = vector.shape_cast %get3A_531 : vector<16xf32> to vector<1x16xf32>
        tpu.vector_store %arg11[%swap3A_532, %swap3A_533], %swap3A_536 {strides = array<i32>} : memref<128x64xf32, #tpu.memory_space<vmem>>, vector<1x16xf32>,
        %get3A_537 = arith.index_cast %add3A_509 : i32 to index
        %get3A_538 = arith.constant 48 : index
        %get3A_539 = tpu.vector_load %arg9[%get3A_537, %get3A_538] {strides = array<i32>} : memref<128x128xf32, #tpu.memory_space<vmem>>, vector<1x16xf32>,
        %get3A_540 = vector.shape_cast %get3A_539 : vector<1x16xf32> to vector<16xf32>
        %swap3A_541 = arith.index_cast %add3A_509 : i32 to index
        %swap3A_542 = arith.constant 48 : index
        %swap3A_543 = tpu.vector_load %arg11[%swap3A_541, %swap3A_542] {strides = array<i32>} : memref<128x64xf32, #tpu.memory_space<vmem>>, vector<1x16xf32>,
        %swap3A_544 = vector.shape_cast %swap3A_543 : vector<1x16xf32> to vector<16xf32>
        %swap3A_545 = vector.shape_cast %get3A_540 : vector<16xf32> to vector<1x16xf32>
        tpu.vector_store %arg11[%swap3A_541, %swap3A_542], %swap3A_545 {strides = array<i32>} : memref<128x64xf32, #tpu.memory_space<vmem>>, vector<1x16xf32>,
        %mul3A_546 = arith.constant 16 : i32
        %mul3A_547 = arith.muli %scan3A_186, %mul3A_546 : i32
        %add3A_548 = arith.constant 9 : i32
        %add3A_549 = arith.addi %mul3A_547, %add3A_548 : i32
        %get3A_550 = arith.index_cast %add3A_549 : i32 to index
        %get3A_551 = arith.constant 0 : index
        %get3A_552 = tpu.vector_load %arg9[%get3A_550, %get3A_551] {strides = array<i32>} : memref<128x128xf32, #tpu.memory_space<vmem>>, vector<1x16xf32>,
        %get3A_553 = vector.shape_cast %get3A_552 : vector<1x16xf32> to vector<16xf32>
        %swap3A_554 = arith.index_cast %add3A_549 : i32 to index
        %swap3A_555 = arith.constant 0 : index
        %swap3A_556 = tpu.vector_load %arg11[%swap3A_554, %swap3A_555] {strides = array<i32>} : memref<128x64xf32, #tpu.memory_space<vmem>>, vector<1x16xf32>,
        %swap3A_557 = vector.shape_cast %swap3A_556 : vector<1x16xf32> to vector<16xf32>
        %swap3A_558 = vector.shape_cast %get3A_553 : vector<16xf32> to vector<1x16xf32>
        tpu.vector_store %arg11[%swap3A_554, %swap3A_555], %swap3A_558 {strides = array<i32>} : memref<128x64xf32, #tpu.memory_space<vmem>>, vector<1x16xf32>,
        %get3A_559 = arith.index_cast %add3A_549 : i32 to index
        %get3A_560 = arith.constant 16 : index
        %get3A_561 = tpu.vector_load %arg9[%get3A_559, %get3A_560] {strides = array<i32>} : memref<128x128xf32, #tpu.memory_space<vmem>>, vector<1x16xf32>,
        %get3A_562 = vector.shape_cast %get3A_561 : vector<1x16xf32> to vector<16xf32>
        %swap3A_563 = arith.index_cast %add3A_549 : i32 to index
        %swap3A_564 = arith.constant 16 : index
        %swap3A_565 = tpu.vector_load %arg11[%swap3A_563, %swap3A_564] {strides = array<i32>} : memref<128x64xf32, #tpu.memory_space<vmem>>, vector<1x16xf32>,
        %swap3A_566 = vector.shape_cast %swap3A_565 : vector<1x16xf32> to vector<16xf32>
        %swap3A_567 = vector.shape_cast %get3A_562 : vector<16xf32> to vector<1x16xf32>
        tpu.vector_store %arg11[%swap3A_563, %swap3A_564], %swap3A_567 {strides = array<i32>} : memref<128x64xf32, #tpu.memory_space<vmem>>, vector<1x16xf32>,
        %get3A_568 = arith.index_cast %add3A_549 : i32 to index
        %get3A_569 = arith.constant 32 : index
        %get3A_570 = tpu.vector_load %arg9[%get3A_568, %get3A_569] {strides = array<i32>} : memref<128x128xf32, #tpu.memory_space<vmem>>, vector<1x16xf32>,
        %get3A_571 = vector.shape_cast %get3A_570 : vector<1x16xf32> to vector<16xf32>
        %swap3A_572 = arith.index_cast %add3A_549 : i32 to index
        %swap3A_573 = arith.constant 32 : index
        %swap3A_574 = tpu.vector_load %arg11[%swap3A_572, %swap3A_573] {strides = array<i32>} : memref<128x64xf32, #tpu.memory_space<vmem>>, vector<1x16xf32>,
        %swap3A_575 = vector.shape_cast %swap3A_574 : vector<1x16xf32> to vector<16xf32>
        %swap3A_576 = vector.shape_cast %get3A_571 : vector<16xf32> to vector<1x16xf32>
        tpu.vector_store %arg11[%swap3A_572, %swap3A_573], %swap3A_576 {strides = array<i32>} : memref<128x64xf32, #tpu.memory_space<vmem>>, vector<1x16xf32>,
        %get3A_577 = arith.index_cast %add3A_549 : i32 to index
        %get3A_578 = arith.constant 48 : index
        %get3A_579 = tpu.vector_load %arg9[%get3A_577, %get3A_578] {strides = array<i32>} : memref<128x128xf32, #tpu.memory_space<vmem>>, vector<1x16xf32>,
        %get3A_580 = vector.shape_cast %get3A_579 : vector<1x16xf32> to vector<16xf32>
        %swap3A_581 = arith.index_cast %add3A_549 : i32 to index
        %swap3A_582 = arith.constant 48 : index
        %swap3A_583 = tpu.vector_load %arg11[%swap3A_581, %swap3A_582] {strides = array<i32>} : memref<128x64xf32, #tpu.memory_space<vmem>>, vector<1x16xf32>,
        %swap3A_584 = vector.shape_cast %swap3A_583 : vector<1x16xf32> to vector<16xf32>
        %swap3A_585 = vector.shape_cast %get3A_580 : vector<16xf32> to vector<1x16xf32>
        tpu.vector_store %arg11[%swap3A_581, %swap3A_582], %swap3A_585 {strides = array<i32>} : memref<128x64xf32, #tpu.memory_space<vmem>>, vector<1x16xf32>,
        %mul3A_586 = arith.constant 16 : i32
        %mul3A_587 = arith.muli %scan3A_186, %mul3A_586 : i32
        %add3A_588 = arith.constant 10 : i32
        %add3A_589 = arith.addi %mul3A_587, %add3A_588 : i32
        %get3A_590 = arith.index_cast %add3A_589 : i32 to index
        %get3A_591 = arith.constant 0 : index
        %get3A_592 = tpu.vector_load %arg9[%get3A_590, %get3A_591] {strides = array<i32>} : memref<128x128xf32, #tpu.memory_space<vmem>>, vector<1x16xf32>,
        %get3A_593 = vector.shape_cast %get3A_592 : vector<1x16xf32> to vector<16xf32>
        %swap3A_594 = arith.index_cast %add3A_589 : i32 to index
        %swap3A_595 = arith.constant 0 : index
        %swap3A_596 = tpu.vector_load %arg11[%swap3A_594, %swap3A_595] {strides = array<i32>} : memref<128x64xf32, #tpu.memory_space<vmem>>, vector<1x16xf32>,
        %swap3A_597 = vector.shape_cast %swap3A_596 : vector<1x16xf32> to vector<16xf32>
        %swap3A_598 = vector.shape_cast %get3A_593 : vector<16xf32> to vector<1x16xf32>
        tpu.vector_store %arg11[%swap3A_594, %swap3A_595], %swap3A_598 {strides = array<i32>} : memref<128x64xf32, #tpu.memory_space<vmem>>, vector<1x16xf32>,
        %get3A_599 = arith.index_cast %add3A_589 : i32 to index
        %get3A_600 = arith.constant 16 : index
        %get3A_601 = tpu.vector_load %arg9[%get3A_599, %get3A_600] {strides = array<i32>} : memref<128x128xf32, #tpu.memory_space<vmem>>, vector<1x16xf32>,
        %get3A_602 = vector.shape_cast %get3A_601 : vector<1x16xf32> to vector<16xf32>
        %swap3A_603 = arith.index_cast %add3A_589 : i32 to index
        %swap3A_604 = arith.constant 16 : index
        %swap3A_605 = tpu.vector_load %arg11[%swap3A_603, %swap3A_604] {strides = array<i32>} : memref<128x64xf32, #tpu.memory_space<vmem>>, vector<1x16xf32>,
        %swap3A_606 = vector.shape_cast %swap3A_605 : vector<1x16xf32> to vector<16xf32>
        %swap3A_607 = vector.shape_cast %get3A_602 : vector<16xf32> to vector<1x16xf32>
        tpu.vector_store %arg11[%swap3A_603, %swap3A_604], %swap3A_607 {strides = array<i32>} : memref<128x64xf32, #tpu.memory_space<vmem>>, vector<1x16xf32>,
        %get3A_608 = arith.index_cast %add3A_589 : i32 to index
        %get3A_609 = arith.constant 32 : index
        %get3A_610 = tpu.vector_load %arg9[%get3A_608, %get3A_609] {strides = array<i32>} : memref<128x128xf32, #tpu.memory_space<vmem>>, vector<1x16xf32>,
        %get3A_611 = vector.shape_cast %get3A_610 : vector<1x16xf32> to vector<16xf32>
        %swap3A_612 = arith.index_cast %add3A_589 : i32 to index
        %swap3A_613 = arith.constant 32 : index
        %swap3A_614 = tpu.vector_load %arg11[%swap3A_612, %swap3A_613] {strides = array<i32>} : memref<128x64xf32, #tpu.memory_space<vmem>>, vector<1x16xf32>,
        %swap3A_615 = vector.shape_cast %swap3A_614 : vector<1x16xf32> to vector<16xf32>
        %swap3A_616 = vector.shape_cast %get3A_611 : vector<16xf32> to vector<1x16xf32>
        tpu.vector_store %arg11[%swap3A_612, %swap3A_613], %swap3A_616 {strides = array<i32>} : memref<128x64xf32, #tpu.memory_space<vmem>>, vector<1x16xf32>,
        %get3A_617 = arith.index_cast %add3A_589 : i32 to index
        %get3A_618 = arith.constant 48 : index
        %get3A_619 = tpu.vector_load %arg9[%get3A_617, %get3A_618] {strides = array<i32>} : memref<128x128xf32, #tpu.memory_space<vmem>>, vector<1x16xf32>,
        %get3A_620 = vector.shape_cast %get3A_619 : vector<1x16xf32> to vector<16xf32>
        %swap3A_621 = arith.index_cast %add3A_589 : i32 to index
        %swap3A_622 = arith.constant 48 : index
        %swap3A_623 = tpu.vector_load %arg11[%swap3A_621, %swap3A_622] {strides = array<i32>} : memref<128x64xf32, #tpu.memory_space<vmem>>, vector<1x16xf32>,
        %swap3A_624 = vector.shape_cast %swap3A_623 : vector<1x16xf32> to vector<16xf32>
        %swap3A_625 = vector.shape_cast %get3A_620 : vector<16xf32> to vector<1x16xf32>
        tpu.vector_store %arg11[%swap3A_621, %swap3A_622], %swap3A_625 {strides = array<i32>} : memref<128x64xf32, #tpu.memory_space<vmem>>, vector<1x16xf32>,
        %mul3A_626 = arith.constant 16 : i32
        %mul3A_627 = arith.muli %scan3A_186, %mul3A_626 : i32
        %add3A_628 = arith.constant 11 : i32
        %add3A_629 = arith.addi %mul3A_627, %add3A_628 : i32
        %get3A_630 = arith.index_cast %add3A_629 : i32 to index
        %get3A_631 = arith.constant 0 : index
        %get3A_632 = tpu.vector_load %arg9[%get3A_630, %get3A_631] {strides = array<i32>} : memref<128x128xf32, #tpu.memory_space<vmem>>, vector<1x16xf32>,
        %get3A_633 = vector.shape_cast %get3A_632 : vector<1x16xf32> to vector<16xf32>
        %swap3A_634 = arith.index_cast %add3A_629 : i32 to index
        %swap3A_635 = arith.constant 0 : index
        %swap3A_636 = tpu.vector_load %arg11[%swap3A_634, %swap3A_635] {strides = array<i32>} : memref<128x64xf32, #tpu.memory_space<vmem>>, vector<1x16xf32>,
        %swap3A_637 = vector.shape_cast %swap3A_636 : vector<1x16xf32> to vector<16xf32>
        %swap3A_638 = vector.shape_cast %get3A_633 : vector<16xf32> to vector<1x16xf32>
        tpu.vector_store %arg11[%swap3A_634, %swap3A_635], %swap3A_638 {strides = array<i32>} : memref<128x64xf32, #tpu.memory_space<vmem>>, vector<1x16xf32>,
        %get3A_639 = arith.index_cast %add3A_629 : i32 to index
        %get3A_640 = arith.constant 16 : index
        %get3A_641 = tpu.vector_load %arg9[%get3A_639, %get3A_640] {strides = array<i32>} : memref<128x128xf32, #tpu.memory_space<vmem>>, vector<1x16xf32>,
        %get3A_642 = vector.shape_cast %get3A_641 : vector<1x16xf32> to vector<16xf32>
        %swap3A_643 = arith.index_cast %add3A_629 : i32 to index
        %swap3A_644 = arith.constant 16 : index
        %swap3A_645 = tpu.vector_load %arg11[%swap3A_643, %swap3A_644] {strides = array<i32>} : memref<128x64xf32, #tpu.memory_space<vmem>>, vector<1x16xf32>,
        %swap3A_646 = vector.shape_cast %swap3A_645 : vector<1x16xf32> to vector<16xf32>
        %swap3A_647 = vector.shape_cast %get3A_642 : vector<16xf32> to vector<1x16xf32>
        tpu.vector_store %arg11[%swap3A_643, %swap3A_644], %swap3A_647 {strides = array<i32>} : memref<128x64xf32, #tpu.memory_space<vmem>>, vector<1x16xf32>,
        %get3A_648 = arith.index_cast %add3A_629 : i32 to index
        %get3A_649 = arith.constant 32 : index
        %get3A_650 = tpu.vector_load %arg9[%get3A_648, %get3A_649] {strides = array<i32>} : memref<128x128xf32, #tpu.memory_space<vmem>>, vector<1x16xf32>,
        %get3A_651 = vector.shape_cast %get3A_650 : vector<1x16xf32> to vector<16xf32>
        %swap3A_652 = arith.index_cast %add3A_629 : i32 to index
        %swap3A_653 = arith.constant 32 : index
        %swap3A_654 = tpu.vector_load %arg11[%swap3A_652, %swap3A_653] {strides = array<i32>} : memref<128x64xf32, #tpu.memory_space<vmem>>, vector<1x16xf32>,
        %swap3A_655 = vector.shape_cast %swap3A_654 : vector<1x16xf32> to vector<16xf32>
        %swap3A_656 = vector.shape_cast %get3A_651 : vector<16xf32> to vector<1x16xf32>
        tpu.vector_store %arg11[%swap3A_652, %swap3A_653], %swap3A_656 {strides = array<i32>} : memref<128x64xf32, #tpu.memory_space<vmem>>, vector<1x16xf32>,
        %get3A_657 = arith.index_cast %add3A_629 : i32 to index
        %get3A_658 = arith.constant 48 : index
        %get3A_659 = tpu.vector_load %arg9[%get3A_657, %get3A_658] {strides = array<i32>} : memref<128x128xf32, #tpu.memory_space<vmem>>, vector<1x16xf32>,
        %get3A_660 = vector.shape_cast %get3A_659 : vector<1x16xf32> to vector<16xf32>
        %swap3A_661 = arith.index_cast %add3A_629 : i32 to index
        %swap3A_662 = arith.constant 48 : index
        %swap3A_663 = tpu.vector_load %arg11[%swap3A_661, %swap3A_662] {strides = array<i32>} : memref<128x64xf32, #tpu.memory_space<vmem>>, vector<1x16xf32>,
        %swap3A_664 = vector.shape_cast %swap3A_663 : vector<1x16xf32> to vector<16xf32>
        %swap3A_665 = vector.shape_cast %get3A_660 : vector<16xf32> to vector<1x16xf32>
        tpu.vector_store %arg11[%swap3A_661, %swap3A_662], %swap3A_665 {strides = array<i32>} : memref<128x64xf32, #tpu.memory_space<vmem>>, vector<1x16xf32>,
        %mul3A_666 = arith.constant 16 : i32
        %mul3A_667 = arith.muli %scan3A_186, %mul3A_666 : i32
        %add3A_668 = arith.constant 12 : i32
        %add3A_669 = arith.addi %mul3A_667, %add3A_668 : i32
        %get3A_670 = arith.index_cast %add3A_669 : i32 to index
        %get3A_671 = arith.constant 0 : index
        %get3A_672 = tpu.vector_load %arg9[%get3A_670, %get3A_671] {strides = array<i32>} : memref<128x128xf32, #tpu.memory_space<vmem>>, vector<1x16xf32>,
        %get3A_673 = vector.shape_cast %get3A_672 : vector<1x16xf32> to vector<16xf32>
        %swap3A_674 = arith.index_cast %add3A_669 : i32 to index
        %swap3A_675 = arith.constant 0 : index
        %swap3A_676 = tpu.vector_load %arg11[%swap3A_674, %swap3A_675] {strides = array<i32>} : memref<128x64xf32, #tpu.memory_space<vmem>>, vector<1x16xf32>,
        %swap3A_677 = vector.shape_cast %swap3A_676 : vector<1x16xf32> to vector<16xf32>
        %swap3A_678 = vector.shape_cast %get3A_673 : vector<16xf32> to vector<1x16xf32>
        tpu.vector_store %arg11[%swap3A_674, %swap3A_675], %swap3A_678 {strides = array<i32>} : memref<128x64xf32, #tpu.memory_space<vmem>>, vector<1x16xf32>,
        %get3A_679 = arith.index_cast %add3A_669 : i32 to index
        %get3A_680 = arith.constant 16 : index
        %get3A_681 = tpu.vector_load %arg9[%get3A_679, %get3A_680] {strides = array<i32>} : memref<128x128xf32, #tpu.memory_space<vmem>>, vector<1x16xf32>,
        %get3A_682 = vector.shape_cast %get3A_681 : vector<1x16xf32> to vector<16xf32>
        %swap3A_683 = arith.index_cast %add3A_669 : i32 to index
        %swap3A_684 = arith.constant 16 : index
        %swap3A_685 = tpu.vector_load %arg11[%swap3A_683, %swap3A_684] {strides = array<i32>} : memref<128x64xf32, #tpu.memory_space<vmem>>, vector<1x16xf32>,
        %swap3A_686 = vector.shape_cast %swap3A_685 : vector<1x16xf32> to vector<16xf32>
        %swap3A_687 = vector.shape_cast %get3A_682 : vector<16xf32> to vector<1x16xf32>
        tpu.vector_store %arg11[%swap3A_683, %swap3A_684], %swap3A_687 {strides = array<i32>} : memref<128x64xf32, #tpu.memory_space<vmem>>, vector<1x16xf32>,
        %get3A_688 = arith.index_cast %add3A_669 : i32 to index
        %get3A_689 = arith.constant 32 : index
        %get3A_690 = tpu.vector_load %arg9[%get3A_688, %get3A_689] {strides = array<i32>} : memref<128x128xf32, #tpu.memory_space<vmem>>, vector<1x16xf32>,
        %get3A_691 = vector.shape_cast %get3A_690 : vector<1x16xf32> to vector<16xf32>
        %swap3A_692 = arith.index_cast %add3A_669 : i32 to index
        %swap3A_693 = arith.constant 32 : index
        %swap3A_694 = tpu.vector_load %arg11[%swap3A_692, %swap3A_693] {strides = array<i32>} : memref<128x64xf32, #tpu.memory_space<vmem>>, vector<1x16xf32>,
        %swap3A_695 = vector.shape_cast %swap3A_694 : vector<1x16xf32> to vector<16xf32>
        %swap3A_696 = vector.shape_cast %get3A_691 : vector<16xf32> to vector<1x16xf32>
        tpu.vector_store %arg11[%swap3A_692, %swap3A_693], %swap3A_696 {strides = array<i32>} : memref<128x64xf32, #tpu.memory_space<vmem>>, vector<1x16xf32>,
        %get3A_697 = arith.index_cast %add3A_669 : i32 to index
        %get3A_698 = arith.constant 48 : index
        %get3A_699 = tpu.vector_load %arg9[%get3A_697, %get3A_698] {strides = array<i32>} : memref<128x128xf32, #tpu.memory_space<vmem>>, vector<1x16xf32>,
        %get3A_700 = vector.shape_cast %get3A_699 : vector<1x16xf32> to vector<16xf32>
        %swap3A_701 = arith.index_cast %add3A_669 : i32 to index
        %swap3A_702 = arith.constant 48 : index
        %swap3A_703 = tpu.vector_load %arg11[%swap3A_701, %swap3A_702] {strides = array<i32>} : memref<128x64xf32, #tpu.memory_space<vmem>>, vector<1x16xf32>,
        %swap3A_704 = vector.shape_cast %swap3A_703 : vector<1x16xf32> to vector<16xf32>
        %swap3A_705 = vector.shape_cast %get3A_700 : vector<16xf32> to vector<1x16xf32>
        tpu.vector_store %arg11[%swap3A_701, %swap3A_702], %swap3A_705 {strides = array<i32>} : memref<128x64xf32, #tpu.memory_space<vmem>>, vector<1x16xf32>,
        %mul3A_706 = arith.constant 16 : i32
        %mul3A_707 = arith.muli %scan3A_186, %mul3A_706 : i32
        %add3A_708 = arith.constant 13 : i32
        %add3A_709 = arith.addi %mul3A_707, %add3A_708 : i32
        %get3A_710 = arith.index_cast %add3A_709 : i32 to index
        %get3A_711 = arith.constant 0 : index
        %get3A_712 = tpu.vector_load %arg9[%get3A_710, %get3A_711] {strides = array<i32>} : memref<128x128xf32, #tpu.memory_space<vmem>>, vector<1x16xf32>,
        %get3A_713 = vector.shape_cast %get3A_712 : vector<1x16xf32> to vector<16xf32>
        %swap3A_714 = arith.index_cast %add3A_709 : i32 to index
        %swap3A_715 = arith.constant 0 : index
        %swap3A_716 = tpu.vector_load %arg11[%swap3A_714, %swap3A_715] {strides = array<i32>} : memref<128x64xf32, #tpu.memory_space<vmem>>, vector<1x16xf32>,
        %swap3A_717 = vector.shape_cast %swap3A_716 : vector<1x16xf32> to vector<16xf32>
        %swap3A_718 = vector.shape_cast %get3A_713 : vector<16xf32> to vector<1x16xf32>
        tpu.vector_store %arg11[%swap3A_714, %swap3A_715], %swap3A_718 {strides = array<i32>} : memref<128x64xf32, #tpu.memory_space<vmem>>, vector<1x16xf32>,
        %get3A_719 = arith.index_cast %add3A_709 : i32 to index
        %get3A_720 = arith.constant 16 : index
        %get3A_721 = tpu.vector_load %arg9[%get3A_719, %get3A_720] {strides = array<i32>} : memref<128x128xf32, #tpu.memory_space<vmem>>, vector<1x16xf32>,
        %get3A_722 = vector.shape_cast %get3A_721 : vector<1x16xf32> to vector<16xf32>
        %swap3A_723 = arith.index_cast %add3A_709 : i32 to index
        %swap3A_724 = arith.constant 16 : index
        %swap3A_725 = tpu.vector_load %arg11[%swap3A_723, %swap3A_724] {strides = array<i32>} : memref<128x64xf32, #tpu.memory_space<vmem>>, vector<1x16xf32>,
        %swap3A_726 = vector.shape_cast %swap3A_725 : vector<1x16xf32> to vector<16xf32>
        %swap3A_727 = vector.shape_cast %get3A_722 : vector<16xf32> to vector<1x16xf32>
        tpu.vector_store %arg11[%swap3A_723, %swap3A_724], %swap3A_727 {strides = array<i32>} : memref<128x64xf32, #tpu.memory_space<vmem>>, vector<1x16xf32>,
        %get3A_728 = arith.index_cast %add3A_709 : i32 to index
        %get3A_729 = arith.constant 32 : index
        %get3A_730 = tpu.vector_load %arg9[%get3A_728, %get3A_729] {strides = array<i32>} : memref<128x128xf32, #tpu.memory_space<vmem>>, vector<1x16xf32>,
        %get3A_731 = vector.shape_cast %get3A_730 : vector<1x16xf32> to vector<16xf32>
        %swap3A_732 = arith.index_cast %add3A_709 : i32 to index
        %swap3A_733 = arith.constant 32 : index
        %swap3A_734 = tpu.vector_load %arg11[%swap3A_732, %swap3A_733] {strides = array<i32>} : memref<128x64xf32, #tpu.memory_space<vmem>>, vector<1x16xf32>,
        %swap3A_735 = vector.shape_cast %swap3A_734 : vector<1x16xf32> to vector<16xf32>
        %swap3A_736 = vector.shape_cast %get3A_731 : vector<16xf32> to vector<1x16xf32>
        tpu.vector_store %arg11[%swap3A_732, %swap3A_733], %swap3A_736 {strides = array<i32>} : memref<128x64xf32, #tpu.memory_space<vmem>>, vector<1x16xf32>,
        %get3A_737 = arith.index_cast %add3A_709 : i32 to index
        %get3A_738 = arith.constant 48 : index
        %get3A_739 = tpu.vector_load %arg9[%get3A_737, %get3A_738] {strides = array<i32>} : memref<128x128xf32, #tpu.memory_space<vmem>>, vector<1x16xf32>,
        %get3A_740 = vector.shape_cast %get3A_739 : vector<1x16xf32> to vector<16xf32>
        %swap3A_741 = arith.index_cast %add3A_709 : i32 to index
        %swap3A_742 = arith.constant 48 : index
        %swap3A_743 = tpu.vector_load %arg11[%swap3A_741, %swap3A_742] {strides = array<i32>} : memref<128x64xf32, #tpu.memory_space<vmem>>, vector<1x16xf32>,
        %swap3A_744 = vector.shape_cast %swap3A_743 : vector<1x16xf32> to vector<16xf32>
        %swap3A_745 = vector.shape_cast %get3A_740 : vector<16xf32> to vector<1x16xf32>
        tpu.vector_store %arg11[%swap3A_741, %swap3A_742], %swap3A_745 {strides = array<i32>} : memref<128x64xf32, #tpu.memory_space<vmem>>, vector<1x16xf32>,
        %mul3A_746 = arith.constant 16 : i32
        %mul3A_747 = arith.muli %scan3A_186, %mul3A_746 : i32
        %add3A_748 = arith.constant 14 : i32
        %add3A_749 = arith.addi %mul3A_747, %add3A_748 : i32
        %get3A_750 = arith.index_cast %add3A_749 : i32 to index
        %get3A_751 = arith.constant 0 : index
        %get3A_752 = tpu.vector_load %arg9[%get3A_750, %get3A_751] {strides = array<i32>} : memref<128x128xf32, #tpu.memory_space<vmem>>, vector<1x16xf32>,
        %get3A_753 = vector.shape_cast %get3A_752 : vector<1x16xf32> to vector<16xf32>
        %swap3A_754 = arith.index_cast %add3A_749 : i32 to index
        %swap3A_755 = arith.constant 0 : index
        %swap3A_756 = tpu.vector_load %arg11[%swap3A_754, %swap3A_755] {strides = array<i32>} : memref<128x64xf32, #tpu.memory_space<vmem>>, vector<1x16xf32>,
        %swap3A_757 = vector.shape_cast %swap3A_756 : vector<1x16xf32> to vector<16xf32>
        %swap3A_758 = vector.shape_cast %get3A_753 : vector<16xf32> to vector<1x16xf32>
        tpu.vector_store %arg11[%swap3A_754, %swap3A_755], %swap3A_758 {strides = array<i32>} : memref<128x64xf32, #tpu.memory_space<vmem>>, vector<1x16xf32>,
        %get3A_759 = arith.index_cast %add3A_749 : i32 to index
        %get3A_760 = arith.constant 16 : index
        %get3A_761 = tpu.vector_load %arg9[%get3A_759, %get3A_760] {strides = array<i32>} : memref<128x128xf32, #tpu.memory_space<vmem>>, vector<1x16xf32>,
        %get3A_762 = vector.shape_cast %get3A_761 : vector<1x16xf32> to vector<16xf32>
        %swap3A_763 = arith.index_cast %add3A_749 : i32 to index
        %swap3A_764 = arith.constant 16 : index
        %swap3A_765 = tpu.vector_load %arg11[%swap3A_763, %swap3A_764] {strides = array<i32>} : memref<128x64xf32, #tpu.memory_space<vmem>>, vector<1x16xf32>,
        %swap3A_766 = vector.shape_cast %swap3A_765 : vector<1x16xf32> to vector<16xf32>
        %swap3A_767 = vector.shape_cast %get3A_762 : vector<16xf32> to vector<1x16xf32>
        tpu.vector_store %arg11[%swap3A_763, %swap3A_764], %swap3A_767 {strides = array<i32>} : memref<128x64xf32, #tpu.memory_space<vmem>>, vector<1x16xf32>,
        %get3A_768 = arith.index_cast %add3A_749 : i32 to index
        %get3A_769 = arith.constant 32 : index
        %get3A_770 = tpu.vector_load %arg9[%get3A_768, %get3A_769] {strides = array<i32>} : memref<128x128xf32, #tpu.memory_space<vmem>>, vector<1x16xf32>,
        %get3A_771 = vector.shape_cast %get3A_770 : vector<1x16xf32> to vector<16xf32>
        %swap3A_772 = arith.index_cast %add3A_749 : i32 to index
        %swap3A_773 = arith.constant 32 : index
        %swap3A_774 = tpu.vector_load %arg11[%swap3A_772, %swap3A_773] {strides = array<i32>} : memref<128x64xf32, #tpu.memory_space<vmem>>, vector<1x16xf32>,
        %swap3A_775 = vector.shape_cast %swap3A_774 : vector<1x16xf32> to vector<16xf32>
        %swap3A_776 = vector.shape_cast %get3A_771 : vector<16xf32> to vector<1x16xf32>
        tpu.vector_store %arg11[%swap3A_772, %swap3A_773], %swap3A_776 {strides = array<i32>} : memref<128x64xf32, #tpu.memory_space<vmem>>, vector<1x16xf32>,
        %get3A_777 = arith.index_cast %add3A_749 : i32 to index
        %get3A_778 = arith.constant 48 : index
        %get3A_779 = tpu.vector_load %arg9[%get3A_777, %get3A_778] {strides = array<i32>} : memref<128x128xf32, #tpu.memory_space<vmem>>, vector<1x16xf32>,
        %get3A_780 = vector.shape_cast %get3A_779 : vector<1x16xf32> to vector<16xf32>
        %swap3A_781 = arith.index_cast %add3A_749 : i32 to index
        %swap3A_782 = arith.constant 48 : index
        %swap3A_783 = tpu.vector_load %arg11[%swap3A_781, %swap3A_782] {strides = array<i32>} : memref<128x64xf32, #tpu.memory_space<vmem>>, vector<1x16xf32>,
        %swap3A_784 = vector.shape_cast %swap3A_783 : vector<1x16xf32> to vector<16xf32>
        %swap3A_785 = vector.shape_cast %get3A_780 : vector<16xf32> to vector<1x16xf32>
        tpu.vector_store %arg11[%swap3A_781, %swap3A_782], %swap3A_785 {strides = array<i32>} : memref<128x64xf32, #tpu.memory_space<vmem>>, vector<1x16xf32>,
        %mul3A_786 = arith.constant 16 : i32
        %mul3A_787 = arith.muli %scan3A_186, %mul3A_786 : i32
        %add3A_788 = arith.constant 15 : i32
        %add3A_789 = arith.addi %mul3A_787, %add3A_788 : i32
        %get3A_790 = arith.index_cast %add3A_789 : i32 to index
        %get3A_791 = arith.constant 0 : index
        %get3A_792 = tpu.vector_load %arg9[%get3A_790, %get3A_791] {strides = array<i32>} : memref<128x128xf32, #tpu.memory_space<vmem>>, vector<1x16xf32>,
        %get3A_793 = vector.shape_cast %get3A_792 : vector<1x16xf32> to vector<16xf32>
        %swap3A_794 = arith.index_cast %add3A_789 : i32 to index
        %swap3A_795 = arith.constant 0 : index
        %swap3A_796 = tpu.vector_load %arg11[%swap3A_794, %swap3A_795] {strides = array<i32>} : memref<128x64xf32, #tpu.memory_space<vmem>>, vector<1x16xf32>,
        %swap3A_797 = vector.shape_cast %swap3A_796 : vector<1x16xf32> to vector<16xf32>
        %swap3A_798 = vector.shape_cast %get3A_793 : vector<16xf32> to vector<1x16xf32>
        tpu.vector_store %arg11[%swap3A_794, %swap3A_795], %swap3A_798 {strides = array<i32>} : memref<128x64xf32, #tpu.memory_space<vmem>>, vector<1x16xf32>,
        %get3A_799 = arith.index_cast %add3A_789 : i32 to index
        %get3A_800 = arith.constant 16 : index
        %get3A_801 = tpu.vector_load %arg9[%get3A_799, %get3A_800] {strides = array<i32>} : memref<128x128xf32, #tpu.memory_space<vmem>>, vector<1x16xf32>,
        %get3A_802 = vector.shape_cast %get3A_801 : vector<1x16xf32> to vector<16xf32>
        %swap3A_803 = arith.index_cast %add3A_789 : i32 to index
        %swap3A_804 = arith.constant 16 : index
        %swap3A_805 = tpu.vector_load %arg11[%swap3A_803, %swap3A_804] {strides = array<i32>} : memref<128x64xf32, #tpu.memory_space<vmem>>, vector<1x16xf32>,
        %swap3A_806 = vector.shape_cast %swap3A_805 : vector<1x16xf32> to vector<16xf32>
        %swap3A_807 = vector.shape_cast %get3A_802 : vector<16xf32> to vector<1x16xf32>
        tpu.vector_store %arg11[%swap3A_803, %swap3A_804], %swap3A_807 {strides = array<i32>} : memref<128x64xf32, #tpu.memory_space<vmem>>, vector<1x16xf32>,
        %get3A_808 = arith.index_cast %add3A_789 : i32 to index
        %get3A_809 = arith.constant 32 : index
        %get3A_810 = tpu.vector_load %arg9[%get3A_808, %get3A_809] {strides = array<i32>} : memref<128x128xf32, #tpu.memory_space<vmem>>, vector<1x16xf32>,
        %get3A_811 = vector.shape_cast %get3A_810 : vector<1x16xf32> to vector<16xf32>
        %swap3A_812 = arith.index_cast %add3A_789 : i32 to index
        %swap3A_813 = arith.constant 32 : index
        %swap3A_814 = tpu.vector_load %arg11[%swap3A_812, %swap3A_813] {strides = array<i32>} : memref<128x64xf32, #tpu.memory_space<vmem>>, vector<1x16xf32>,
        %swap3A_815 = vector.shape_cast %swap3A_814 : vector<1x16xf32> to vector<16xf32>
        %swap3A_816 = vector.shape_cast %get3A_811 : vector<16xf32> to vector<1x16xf32>
        tpu.vector_store %arg11[%swap3A_812, %swap3A_813], %swap3A_816 {strides = array<i32>} : memref<128x64xf32, #tpu.memory_space<vmem>>, vector<1x16xf32>,
        %get3A_817 = arith.index_cast %add3A_789 : i32 to index
        %get3A_818 = arith.constant 48 : index
        %get3A_819 = tpu.vector_load %arg9[%get3A_817, %get3A_818] {strides = array<i32>} : memref<128x128xf32, #tpu.memory_space<vmem>>, vector<1x16xf32>,
        %get3A_820 = vector.shape_cast %get3A_819 : vector<1x16xf32> to vector<16xf32>
        %swap3A_821 = arith.index_cast %add3A_789 : i32 to index
        %swap3A_822 = arith.constant 48 : index
        %swap3A_823 = tpu.vector_load %arg11[%swap3A_821, %swap3A_822] {strides = array<i32>} : memref<128x64xf32, #tpu.memory_space<vmem>>, vector<1x16xf32>,
        %swap3A_824 = vector.shape_cast %swap3A_823 : vector<1x16xf32> to vector<16xf32>
        %swap3A_825 = vector.shape_cast %get3A_820 : vector<16xf32> to vector<1x16xf32>
        tpu.vector_store %arg11[%swap3A_821, %swap3A_822], %swap3A_825 {strides = array<i32>} : memref<128x64xf32, #tpu.memory_space<vmem>>, vector<1x16xf32>,
        %scan3A_826 = arith.constant 0 : i32
        scf.yield %scan3A_826 : i32
      }
      %scan3A_177 = arith.constant 8 : i32
      %mul3A_178 = arith.constant 128 : i32
      %mul3A_179 = arith.muli %add3A_150, %mul3A_178 : i32
      %add3A_180 = arith.addi %mul3A_2, %mul3A_179 : i32
      %dma_start3A_181 = arith.constant 0 : i32
      %dma_start3A_182 = tpu.memref_slice %arg4[%add3A_180, %dma_start3A_181] : memref<819200x64xf32, #tpu.memory_space<hbm>> -> memref<128x64xf32, #tpu.memory_space<hbm>>
      %dma_start3A_183 = arith.constant 0 : i32
      %dma_start3A_184 = tpu.memref_slice %arg4[%add3A_180, %dma_start3A_183] : memref<819200x64xf32, #tpu.memory_space<hbm>> -> memref<128x64xf32, #tpu.memory_space<hbm>>
      tpu.enqueue_dma source(%arg11 : memref<128x64xf32, #tpu.memory_space<vmem>>) target(%dma_start3A_184 : memref<128x64xf32, #tpu.memory_space<hbm>>) target_semaphore(%arg17 : memref<!tpu.dma_semaphore, #tpu.memory_space<semaphore_mem>>)
      %scan3A_185 = arith.constant 0 : i32
      scf.yield %scan3A_185 : i32
    }
    %scan3A_28 = arith.constant 50 : i32
    %dma_wait3A = arith.constant 0 : i32
    %dma_wait3A_29 = tpu.memref_slice %arg4[%mul3A_2, %dma_wait3A] : memref<819200x64xf32, #tpu.memory_space<hbm>> -> memref<128x64xf32, #tpu.memory_space<hbm>>
    %dma_wait3A_30 = arith.constant 0 : i32
    %dma_wait3A_31 = tpu.memref_slice %arg4[%mul3A_2, %dma_wait3A_30] : memref<819200x64xf32, #tpu.memory_space<hbm>> -> memref<128x64xf32, #tpu.memory_space<hbm>>
    tpu.wait_dma2 semaphore(%arg16 : memref<!tpu.dma_semaphore, #tpu.memory_space<semaphore_mem>>) src(%arg10 : memref<128x64xf32, #tpu.memory_space<vmem>>) dst(%dma_wait3A_31 : memref<128x64xf32, #tpu.memory_space<hbm>>)
    %dma_wait3A_32 = arith.constant 0 : i32
    %dma_wait3A_33 = tpu.memref_slice %arg4[%mul3A_2, %dma_wait3A_32] : memref<819200x64xf32, #tpu.memory_space<hbm>> -> memref<128x64xf32, #tpu.memory_space<hbm>>
    %dma_wait3A_34 = arith.constant 0 : i32
    %dma_wait3A_35 = tpu.memref_slice %arg4[%mul3A_2, %dma_wait3A_34] : memref<819200x64xf32, #tpu.memory_space<hbm>> -> memref<128x64xf32, #tpu.memory_space<hbm>>
    tpu.wait_dma2 semaphore(%arg17 : memref<!tpu.dma_semaphore, #tpu.memory_space<semaphore_mem>>) src(%arg11 : memref<128x64xf32, #tpu.memory_space<vmem>>) dst(%dma_wait3A_35 : memref<128x64xf32, #tpu.memory_space<hbm>>)
    return
  }
}

</mosaic_0001>

<sc_bundles>
// kernel: _gather.3.cloned.1.call-start
scs
__scs_entry_jumppad:
0x0: {  	(pc) =	sbr.rel $0x88, $3  }
0x1: {  	(tag) =	ssettag $0x0;
	lr =	simm.s32 $0x1  }
0x2: {  	[smem:$0x3F9F] =	sst lr;
	_ =	strace $0xD0000000  }
0x3: {  	_ = 	snop  }
0x4: {  	_ = 	snop  }
0x5: {  	_ = 	snop  }
0x6: {  	_ = 	snop  }
0x7: {  	_ = 	snop  }
__scs_overlays_trampoline_lowered:
0x8: {  	[smem:$0x3FAE] =	sst s0  }
0x9: {  	[smem:$0x3FAF] =	sst s1  }
0xa: {  	[smem:$0x3FB0] =	sst s2  }
0xb: {  	[smem:$0x3FB1] =	sst s3  }
0xc: {  	[smem:$0x3FB2] =	sst s4  }
0xd: {  	[smem:$0x3FB3] =	sst s5  }
0xe: {  	[smem:$0x3FB4] =	sst s6  }
0xf: {  	[smem:$0x3FB5] =	sst s7  }
0x10: {  	[smem:$0x3FB6] =	sst s8  }
0x11: {  	[smem:$0x3FB7] =	sst s9;
	s0 =	simm.s32 @!p0 $0x0  }
0x12: {  	s1 =	sld [smem:$0x3F9D];
	s0 =	simm.s32 @p0 $0x1  }
0x13: {  	[smem:$0x3FB8] =	sst s0;
	s0 =	simm.s32 @!p1 $0x0  }
0x14: {  	s2 =	sld [smem:$0x3F9C];
	s0 =	simm.s32 @p1 $0x1  }
0x15: {  	[smem:$0x3FB9] =	sst s0;
	s0 =	simm.s32 @!p2 $0x0  }
0x16: {  	s3 =	sld [smem:$0x3FDB];
	s0 =	simm.s32 @p2 $0x1  }
0x17: {  	s4 =	simm.s32 $0x1BF5;
	[smem:$0x3FBB] =	sst s0  }
0x18: {  	s0 =	sld [smem:$0x3F9E];
	_ =	swait.ge [sflag:s4], $0x0  }
0x19: {  	s7 =	sld [smem:$0x3F9F]  }
0x1a: {  	s8 =	sadd.s32 $0xFFFFE003, lr  }
0x1b: {  	s9 =	sadd.s32 $0xFFFFFEF7, lr;
	s5 =	simm.s32 $0xFFFFFFFF;
	p2 =	slt.u32 s8, $0xFFFFF086  }
0x1c: {  	p1 =	slt.u32 s9, $0xF7A;
	s5 =	simm.s32 @!p2 $0x0  }
0x1d: {  	s5 =	simm.s32 @p1 $0x1;
	p0 =	seq.s32 s7, s2  }
0x1e: {  	s7 =	smul.u32 @!p0 $0xF7A, s2;
	p2 =	seq.s32 @!p0 s5, $0x0  }
0x1f: {  	s9 =	smul.u32 $0xF7A, s1;
	s8 =	simm.s32 @!p0 $0x1BF5;
	p2 =	por !p2, p0  }
0x20: {  	[sflag:s8] =	ssyncset.s32 @!p0 $0xFFFFF086;
	s6 =	sadd.s32 @!p0 s3, s7;
	s7 =	simm.s32 @!p0 $0x108  }
0x21: {  	s3 =	sadd.s32 s3, s9;
	s6 =	sadd.s32 @!p0 $0x88, s6;
	s7 =	simm.s32 @p2 $0x1082  }
0x22: {  	[simem:s7], [sflag:s8] =	dma.local @!p0 [hbm:s6], $0xF7A  }
0x23: {  	s9 =	sor.u32 $0xD0000000, s2;
	s6 =	simm.s32 $0x108;
	_ =	swait.ge @!p0 [sflag:s8], $0x0  }
0x24: {  	s3 =	sadd.s32 $0x88, s3;
	s6 =	simm.s32 @!p1 $0x1082;
	[sflag:s4] =	ssyncset.s32 $0xFFFFF086  }
0x25: {  	[simem:s6], [sflag:s4] =	dma.local [hbm:s3], $0xF7A  }
0x26: {  	[smem:$0x3F9F] =	sst s1;
	(tag) =	ssettag s2;
	_ =	strace s9  }
0x27: {  	s1 =	sld [smem:$0x3FAF]  }
0x28: {  	s2 =	sld [smem:$0x3FB0]  }
0x29: {  	s4 =	sld [smem:$0x3FB2]  }
0x2a: {  	p0 =	seq.s32 s5, $0x0;
	s5 =	sld [smem:$0x3FB3]  }
0x2b: {  	s6 =	sld [smem:$0x3FB4]  }
0x2c: {  	s7 =	sld [smem:$0x3FB5]  }
0x2d: {  	s3 =	simm.s32 $0x108;
	s8 =	sld [smem:$0x3FB6]  }
0x2e: {  	s3 =	simm.s32 @!p0 $0x1082;
	s9 =	sld [smem:$0x3FB7]  }
0x2f: {  	lr =	sadd.s32 s0, s3;
	s0 =	sld [smem:$0x3FAE]  }
0x30: {  	s3 =	sld [smem:$0x3FB1]  }
0x31: {  	[smem:$0x3FBA] =	sst s10  }
0x32: {  	s10 =	sld [smem:$0x3FB8];
	_ =	sdelay $0x3  }
0x33: {  	p0 =	seq.s32 s10, $0x1;
	s10 =	sld [smem:$0x3FBA];
	_ =	sdelay $0x3  }
0x34: {  	[smem:$0x3FBA] =	sst s10  }
0x35: {  	s10 =	sld [smem:$0x3FB9];
	_ =	sdelay $0x3  }
0x36: {  	p1 =	seq.s32 s10, $0x1;
	s10 =	sld [smem:$0x3FBA];
	_ =	sdelay $0x3  }
0x37: {  	[smem:$0x3FBA] =	sst s10  }
0x38: {  	s10 =	sld [smem:$0x3FBB]  }
0x39: {  	_ = 	snop;
	(pc) =	sbr.ind lr, $3  }
0x3a: {  	_ = 	snop  }
0x3b: {  	_ = 	snop  }
0x3c: {  	p2 =	seq.s32 s10, $0x1;
	s10 =	sld [smem:$0x3FBA]  }
0x3d: {  	_ =	shalt  }
0x3e: {  	_ =	shalt  }
0x3f: {  	_ =	shalt  }
0x40: {  	_ =	shalt  }
0x41: {  	_ =	shalt  }
0x42: {  	_ =	shalt  }
0x43: {  	_ =	shalt  }
0x44: {  	_ =	shalt  }
0x45: {  	_ =	shalt  }
0x46: {  	_ =	shalt  }
0x47: {  	_ =	shalt  }
0x48: {  	_ =	shalt  }
0x49: {  	_ =	shalt  }
0x4a: {  	_ =	shalt  }
0x4b: {  	_ =	shalt  }
0x4c: {  	_ =	shalt  }
0x4d: {  	_ =	shalt  }
0x4e: {  	_ =	shalt  }
0x4f: {  	_ =	shalt  }
0x50: {  	_ =	shalt  }
0x51: {  	_ =	shalt  }
0x52: {  	_ =	shalt  }
0x53: {  	_ =	shalt  }
0x54: {  	_ =	shalt  }
0x55: {  	_ =	shalt  }
0x56: {  	_ =	shalt  }
0x57: {  	_ =	shalt  }
0x58: {  	_ =	shalt  }
0x59: {  	_ =	shalt  }
0x5a: {  	_ =	shalt  }
0x5b: {  	_ =	shalt  }
0x5c: {  	_ =	shalt  }
0x5d: {  	_ =	shalt  }
0x5e: {  	_ =	shalt  }
0x5f: {  	_ =	shalt  }
0x60: {  	_ =	shalt  }
0x61: {  	_ =	shalt  }
0x62: {  	_ =	shalt  }
0x63: {  	_ =	shalt  }
0x64: {  	_ =	shalt  }
0x65: {  	_ =	shalt  }
0x66: {  	_ =	shalt  }
0x67: {  	_ =	shalt  }
0x68: {  	_ =	shalt  }
0x69: {  	_ =	shalt  }
0x6a: {  	_ =	shalt  }
0x6b: {  	_ =	shalt  }
0x6c: {  	_ =	shalt  }
0x6d: {  	_ =	shalt  }
0x6e: {  	_ =	shalt  }
0x6f: {  	_ =	shalt  }
0x70: {  	_ =	shalt  }
0x71: {  	_ =	shalt  }
0x72: {  	_ =	shalt  }
0x73: {  	_ =	shalt  }
0x74: {  	_ =	shalt  }
0x75: {  	_ =	shalt  }
0x76: {  	_ =	shalt  }
0x77: {  	_ =	shalt  }
0x78: {  	_ =	shalt  }
0x79: {  	_ =	shalt  }
0x7a: {  	_ =	shalt  }
0x7b: {  	_ =	shalt  }
0x7c: {  	_ =	shalt  }
0x7d: {  	_ =	shalt  }
0x7e: {  	_ =	shalt  }
0x7f: {  	_ =	shalt  }
0x80: {  	_ =	shalt  }
0x81: {  	_ =	shalt  }
0x82: {  	_ =	shalt  }
0x83: {  	_ =	shalt  }
0x84: {  	_ =	shalt  }
0x85: {  	_ =	shalt  }
0x86: {  	_ =	shalt  }
0x87: {  	_ =	shalt  }
.Lfunc_end0:
.L_simem_size_0:
called_computation_lowered:
.L_overlay_start_0:
0x88: {  	s2 =	sld [smem:$0x3FD9]  }
0x89: {  	s3 =	sld [smem:$0x3FFE];
	_ =	sdelay $0x1  }
0x8a: {  	s1 =	srdreg.scid  }
0x8b: {  	s0 =	sand.u32 $0x1, s1  }
0x8c: {  	s17 =	sshll.u32 s0, $0xA;
	s2 =	sadd.s32 s3, s2  }
0x8d: {  	s2 =	sadd.s32 s2, s17  }
0x8e: {  	[smem:$0x3FC6] =	sst s2  }
0x8f: {  	_ = 	snop  }
0x90: {  	s2 =	sld [smem:$0x3FC9]  }
0x91: {  	s18 =	sld [smem:$0x3FC8];
	(tm) =	ssettm $0x1  }
0x92: {  	s4 =	sld [smem:$0x3FFB];
	_ =	sdelay $0x3  }
0x93: {  	_ =	strace s4  }
0x94: {  	s4 =	sld [smem:$0x3FFC];
	_ =	sdelay $0x3  }
0x95: {  	_ =	strace s4  }
0x96: {  	s4 =	sld [smem:$0x3FFD];
	_ =	sdelay $0x3  }
0x97: {  	_ =	strace s4  }
0x98: {  	_ =	strace $0x8FFFFFFF  }
0x99: {  	s19 =	sld [smem:$0x3FDB];
	_ =	sdelay $0x1  }
0x9a: {  	s5 =	simm.s32 $_scs_section_size  }
0x9b: {  	s6 =	simm.s32 $_size__tile_overlayer_lowered;
	s7 =	simm.s32 $_tile_overlayer_lowered  }
0x9c: {  	s22 =	simm.s32 $0x1BFF;
	s21 =	sshll.u32 s7, $0x1;
	s4 =	sadd.s32 s5, s19  }
0x9d: {  	s8 =	simm.s32 $0x0;
	s20 =	sshll.u32 s6, $0x1;
	s6 =	sadd.s32 s21, s4  }
0x9e: {  	[timem:s8], [sflag:s22] =	dma.local [hbm:s6], s20  }
0x9f: {  	_ =	swait.ge [sflag:s22], s20  }
0xa0: {  	s5 =	ssub.s32 $0x0, s20;
	[sflag:s22] =	ssyncset.done $0x0  }
0xa1: {  	[sflag:s22] =	ssyncadd.s32 s5;
	_ =	sdelay $0x1  }
0xa2: {  	s23 =	simm.s32 $0x1B8B  }
0xa3: {  	_ =	swait.ge [sflag:s23], $0x1  }
0xa4: {  	[sflag:s23] =	ssyncset.done $0x0  }
0xa5: {  	s25 =	simm.s32 $0x1B8E;
	s24 =	sld [smem:$0x3FFE];
	[sflag:s23] =	ssyncadd.s32 $0xFFFFFFFF  }
0xa6: {  	s26 =	simm.s32 $execute0_lowered;
	[smem:$0x3FD2] =	sst s25  }
0xa7: {  	s6 =	sshll.u32 s26, $0x1;
	_ =	strace $0x80000046;
	[dreg:$0x1] =	wrdreg $0xFFFFFFFF  }
0xa8: {  	s28 =	simm.s32 $_size_execute0_lowered;
	s4 =	sadd.s32 s4, s6;
	[dreg:$0x0] =	wrdreg $0x0  }
0xa9: {  	s6 =	sshll.u32 s28, $0x1;
	[dreg:$0x2] =	wrdreg s4  }
0xaa: {  	[dreg:$0x3] =	wrdreg s6  }
0xab: {  	[dreg:$0x4] =	wrdreg $0xC0  }
0xac: {  	_ =	task [dreg:s8], $0x5FFFF  }
0xad: {  	[dreg:$0x1] =	wrdreg $0xFFFFFFFF  }
0xae: {  	[dreg:$0x0] =	wrdreg $0x60  }
0xaf: {  	[dreg:$0x2] =	wrdreg s2  }
0xb0: {  	[dreg:$0x3] =	wrdreg s18  }
0xb1: {  	[dreg:$0x4] =	wrdreg s24  }
0xb2: {  	[dreg:$0x5] =	wrdreg $0x9  }
0xb3: {  	_ =	task.clear_ibuf [dreg:s8], $0x6FFFF;
	_ =	strace $0x90000046  }
0xb4: {  	s29 =	simm.s32 $0x9;
	_ =	strace $0x80000048  }
0xb5: {  	_ =	swait.ge [sflag:s29], $0x1  }
0xb6: {  	[sflag:s29] =	ssyncadd.s32 $0xFFFFFFFF  }
0xb7: {  	_ =	strace $0x90000048  }
0xb8: {  	_ =	sfence  }
0xb9: {  	s30 =	sld [smem:$0x0];
	_ =	sdelay $0x2  }
0xba: {  	s31 =	sshll.u32 s1, $0xD;
	s1 =	sshrl.u32 s1, $0x2  }
0xbb: {  	s3 =	sand.u32 $0x4000, s31;
	s1 =	sadd.s32 s1, s30  }
0xbc: {  	s0 =	sor.u32 s3, s0;
	s1 =	sshll.u32 s1, $0x11  }
0xbd: {  	s0 =	sor.u32 s1, s0  }
0xbe: {  	s0 =	sadd.s32 $0x8F2B, s0  }
0xbf: {  	[sflag:s0] =	ssyncadd.remote.s32 $0x1  }
0xc0: {  	_ =	sfence.sel $0xFFFF  }
0xc1: {  	[dreg:$0x0] =	wrdreg $0xFFFFFFFF;
	(pc) =	sbr.abs _section_cstart, $3  }
0xc2: {  	[dreg:$0x1] =	wrdreg $0xFFFFFFFF  }
0xc3: {  	_ =	task.clear_ibuf [dreg:s8], $0x2FFFF;
	_ =	strace $0x9FFFFFFF  }
0xc4: {  	(tm) =	ssettm $0x7FFFFFFF  }
0xc5: {  	_ =	shalt  }
tec
execute0_lowered:
.L_overlay_start_1:
0x0: {  	(tag) =	ssettag $0x1  }
0x1: {  	s0 =	rddreg [dreg:$0x0]  }
0x2: {  	s2 =	rddreg [dreg:$0x1];
	s1 =	srdreg.scid  }
0x3: {  	s3 =	stileid.u32;
	s4 =	rddreg [dreg:$0x2]  }
0x4: {  	s10 =	simm.s32 $0x7;
	s11 =	simm.s32 $0x80;
	s12 =	simm.s32 $0x6400  }
0x5: {  	s13 =	simm.s32 $0xA400;
	s14 =	simm.s32 $0x100;
	s15 =	simm.s32 $0xE400  }
0x6: {  	s16 =	simm.s32 $0x1;
	s17 =	simm.s32 $0x12400;
	s18 =	simm.s32 $0x16400  }
0x7: {  	s19 =	simm.s32 $0x2;
	s20 =	simm.s32 $0x1A400;
	s21 =	simm.s32 $0x3  }
0x8: {  	s22 =	simm.s32 $0x5;
	s23 =	simm.s32 $0x4;
	s24 =	simm.s32 $0x6  }
0x9: {  	s25 =	simm.s32 $0x0;
	s1 =	sand.u32 $0x1, s1;
	s5 =	sshll.u32 s3, $0x1  }
0xa: {  	s3 =	simm.s32 $0x0;
	s4 =	sadd.s32 $0x400, s4;
	s6 =	sor.u32 s1, s5  }
0xb: {  	[smem:$0x7FF] =	sst s3;
	s1 =	ssub.s32 $0x2, s1;
	s8 =	smul.u32 $0x6400, s6  }
0xc: {  	_ =	strace $0x80000047;
	s30 =	sshrl.u32 s1, $0x1;
	s6 =	smul.u32 $0x320000, s6  }
0xd: {  	s1 =	ssub.s32 s1, s30;
	s31 =	sshrl.u32 s8, $0x3;
	s7 =	sor.u32 $0x80, s8  }
0xe: {  	s8 =	sor.u32 $0x100, s8;
	s9 =	smax.u32 s1, $0x1;
	s5 =	sadd.s32 s0, s31  }
.LBB2_1:
0xf: {  	[tilespmem:s3], [sflag:$0x7] =	stream.linear.gather [hbm4b:s5+s3], $0x6400, $0x38;
	[tilespmem:$0x1E400] =	vst v63  }
0x10: {  	_ =	swait.ge [sflag:s10], $0x6400  }
0x11: {  	[sflag:s10] =	ssyncset.done $0x0  }
0x12: {  	[sflag:s10] =	ssyncadd.s32 $0xFFFF9C00  }
0x13: {  	[tilespmem:s12], [sflag:$0x1] =	stream.indirect.gather [hbm4b:s2+s11], $0x80, s3, s11, $0xb8;
	[tilespmem:$0x1E400] =	vst v63  }
0x14: {  	_ = 	snop  }
0x15: {  	[tilespmem:s13], [sflag:$0x2] =	stream.indirect.gather [hbm4b:s2+s11], $0x80, s11, s11, $0xb8;
	[tilespmem:$0x1E400] =	vst v63  }
0x16: {  	s26 =	simm.s32 $0x0  }
0x17: {  	[tilespmem:s15], [sflag:$0x3] =	stream.indirect.gather [hbm4b:s2+s11], $0x80, s14, s11, $0xb8;
	[tilespmem:$0x1E400] =	vst v63  }
.LBB2_2:
0x18: {  	_ =	swait.ge [sflag:s16], $0x4000;
	s28 =	sshllo.u32 s26, $0x2  }
0x19: {  	[sflag:s16] =	ssyncset.done $0x0;
	s0 =	sshll.u32 s28, $0x7  }
0x1a: {  	p0 =	seq.s32 s26, $0x0;
	[sflag:s16] =	ssyncadd.s32 $0xFFFFC000;
	s0 =	sand.u32 $0x3FFFFF80, s0  }
0x1b: {  	[tilespmem:s17], [sflag:$0x4] =	stream.indirect.gather [hbm4b:s2+s11], $0x80, s0, s11, $0xb8;
	[tilespmem:$0x1E400] =	vst v63  }
0x1c: {  	s0 =	simm.s32 @!p0 $0x5  }
0x1d: {  	_ =	swait.ge @!p0 [sflag:s0], $0x4000  }
0x1e: {  	[sflag:s0] =	ssyncset.done @!p0 $0x0  }
0x1f: {  	s29 =	simm.s32 $0x0;
	[sflag:s0] =	ssyncadd.s32 @!p0 $0xFFFFC000  }
0x20: {  	v0 =	vld [tilespmem:s29+$0x6BB0]  }
0x21: {  	v1 =	vld [tilespmem:s29+$0x6400]  }
0x22: {  	v2 =	vld [tilespmem:s29+$0x6410]  }
0x23: {  	v3 =	vld [tilespmem:s29+$0x6420]  }
0x24: {  	v4 =	vld [tilespmem:s29+$0x6430]  }
0x25: {  	v5 =	vld [tilespmem:s29+$0x6480];
	[tilespmem:s29+$0x16BB0] =	vst v0  }
0x26: {  	v6 =	vld [tilespmem:s29+$0x6B00];
	[tilespmem:s29+$0x16400] =	vst v1  }
0x27: {  	v7 =	vld [tilespmem:s29+$0x6B10];
	[tilespmem:s29+$0x16410] =	vst v2  }
0x28: {  	v0 =	vld [tilespmem:s29+$0x6490];
	[tilespmem:s29+$0x16420] =	vst v3  }
0x29: {  	v1 =	vld [tilespmem:s29+$0x64A0];
	[tilespmem:s29+$0x16430] =	vst v4  }
0x2a: {  	v2 =	vld [tilespmem:s29+$0x64B0];
	[tilespmem:s29+$0x16480] =	vst v5  }
0x2b: {  	v3 =	vld [tilespmem:s29+$0x6500];
	[tilespmem:s29+$0x16B00] =	vst v6  }
0x2c: {  	v4 =	vld [tilespmem:s29+$0x6510];
	[tilespmem:s29+$0x16B10] =	vst v7  }
0x2d: {  	v5 =	vld [tilespmem:s29+$0x6AB0];
	[tilespmem:s29+$0x16490] =	vst v0  }
0x2e: {  	v0 =	vld [tilespmem:s29+$0x6520];
	[tilespmem:s29+$0x164A0] =	vst v1  }
0x2f: {  	v1 =	vld [tilespmem:s29+$0x6530];
	[tilespmem:s29+$0x164B0] =	vst v2  }
0x30: {  	v2 =	vld [tilespmem:s29+$0x6580];
	[tilespmem:s29+$0x16500] =	vst v3  }
0x31: {  	v3 =	vld [tilespmem:s29+$0x6590];
	[tilespmem:s29+$0x16510] =	vst v4  }
0x32: {  	v4 =	vld [tilespmem:s29+$0x65A0];
	[tilespmem:s29+$0x16AB0] =	vst v5  }
0x33: {  	[tilespmem:s29+$0x16520] =	vst v0;
	v0 =	vld [tilespmem:s29+$0x65B0]  }
0x34: {  	[tilespmem:s29+$0x16530] =	vst v1;
	v1 =	vld [tilespmem:s29+$0x6600]  }
0x35: {  	[tilespmem:s29+$0x16580] =	vst v2;
	v2 =	vld [tilespmem:s29+$0x6610]  }
0x36: {  	[tilespmem:s29+$0x16590] =	vst v3;
	v3 =	vld [tilespmem:s29+$0x6620]  }
0x37: {  	[tilespmem:s29+$0x165A0] =	vst v4;
	v4 =	vld [tilespmem:s29+$0x6630]  }
0x38: {  	[tilespmem:s29+$0x165B0] =	vst v0;
	v0 =	vld [tilespmem:s29+$0x6680]  }
0x39: {  	[tilespmem:s29+$0x16600] =	vst v1;
	v1 =	vld [tilespmem:s29+$0x6690]  }
0x3a: {  	[tilespmem:s29+$0x16610] =	vst v2;
	v2 =	vld [tilespmem:s29+$0x66A0]  }
0x3b: {  	[tilespmem:s29+$0x16620] =	vst v3;
	v3 =	vld [tilespmem:s29+$0x66B0]  }
0x3c: {  	[tilespmem:s29+$0x16630] =	vst v4;
	v4 =	vld [tilespmem:s29+$0x6700]  }
0x3d: {  	[tilespmem:s29+$0x16680] =	vst v0;
	v0 =	vld [tilespmem:s29+$0x6710]  }
0x3e: {  	[tilespmem:s29+$0x16690] =	vst v1;
	v1 =	vld [tilespmem:s29+$0x6720]  }
0x3f: {  	[tilespmem:s29+$0x166A0] =	vst v2;
	v2 =	vld [tilespmem:s29+$0x6730]  }
0x40: {  	[tilespmem:s29+$0x166B0] =	vst v3;
	v3 =	vld [tilespmem:s29+$0x6780]  }
0x41: {  	[tilespmem:s29+$0x16700] =	vst v4;
	v4 =	vld [tilespmem:s29+$0x6790]  }
0x42: {  	[tilespmem:s29+$0x16710] =	vst v0;
	v0 =	vld [tilespmem:s29+$0x67A0]  }
0x43: {  	[tilespmem:s29+$0x16720] =	vst v1;
	v1 =	vld [tilespmem:s29+$0x67B0]  }
0x44: {  	[tilespmem:s29+$0x16730] =	vst v2;
	v2 =	vld [tilespmem:s29+$0x6800]  }
0x45: {  	[tilespmem:s29+$0x16780] =	vst v3;
	v3 =	vld [tilespmem:s29+$0x6810]  }
0x46: {  	[tilespmem:s29+$0x16790] =	vst v4;
	v4 =	vld [tilespmem:s29+$0x6820]  }
0x47: {  	[tilespmem:s29+$0x167A0] =	vst v0;
	v0 =	vld [tilespmem:s29+$0x6830]  }
0x48: {  	[tilespmem:s29+$0x167B0] =	vst v1;
	v1 =	vld [tilespmem:s29+$0x6880]  }
0x49: {  	[tilespmem:s29+$0x16800] =	vst v2;
	v2 =	vld [tilespmem:s29+$0x6890]  }
0x4a: {  	[tilespmem:s29+$0x16810] =	vst v3;
	v3 =	vld [tilespmem:s29+$0x68A0]  }
0x4b: {  	[tilespmem:s29+$0x16820] =	vst v4;
	v4 =	vld [tilespmem:s29+$0x68B0]  }
0x4c: {  	[tilespmem:s29+$0x16830] =	vst v0;
	v0 =	vld [tilespmem:s29+$0x6900]  }
0x4d: {  	[tilespmem:s29+$0x16880] =	vst v1;
	v1 =	vld [tilespmem:s29+$0x6910]  }
0x4e: {  	[tilespmem:s29+$0x16890] =	vst v2;
	v2 =	vld [tilespmem:s29+$0x6920]  }
0x4f: {  	[tilespmem:s29+$0x168A0] =	vst v3;
	v3 =	vld [tilespmem:s29+$0x6930]  }
0x50: {  	[tilespmem:s29+$0x168B0] =	vst v4;
	v4 =	vld [tilespmem:s29+$0x6980]  }
0x51: {  	[tilespmem:s29+$0x16900] =	vst v0;
	v0 =	vld [tilespmem:s29+$0x6990]  }
0x52: {  	[tilespmem:s29+$0x16910] =	vst v1;
	v1 =	vld [tilespmem:s29+$0x69A0]  }
0x53: {  	[tilespmem:s29+$0x16920] =	vst v2;
	v2 =	vld [tilespmem:s29+$0x69B0]  }
0x54: {  	[tilespmem:s29+$0x16930] =	vst v3;
	v3 =	vld [tilespmem:s29+$0x6A00]  }
0x55: {  	[tilespmem:s29+$0x16980] =	vst v4;
	v4 =	vld [tilespmem:s29+$0x6A10]  }
0x56: {  	[tilespmem:s29+$0x16990] =	vst v0;
	v0 =	vld [tilespmem:s29+$0x6A20]  }
0x57: {  	[tilespmem:s29+$0x169A0] =	vst v1;
	v1 =	vld [tilespmem:s29+$0x6A30]  }
0x58: {  	[tilespmem:s29+$0x169B0] =	vst v2;
	v2 =	vld [tilespmem:s29+$0x6A80]  }
0x59: {  	[tilespmem:s29+$0x16A00] =	vst v3;
	v3 =	vld [tilespmem:s29+$0x6A90]  }
0x5a: {  	[tilespmem:s29+$0x16A10] =	vst v4;
	v4 =	vld [tilespmem:s29+$0x6AA0]  }
0x5b: {  	[tilespmem:s29+$0x16A20] =	vst v0;
	v0 =	vld [tilespmem:s29+$0x6B20]  }
0x5c: {  	[tilespmem:s29+$0x16A30] =	vst v1;
	v1 =	vld [tilespmem:s29+$0x6B30]  }
0x5d: {  	[tilespmem:s29+$0x16A80] =	vst v2;
	v2 =	vld [tilespmem:s29+$0x6B80]  }
0x5e: {  	[tilespmem:s29+$0x16A90] =	vst v3;
	v3 =	vld [tilespmem:s29+$0x6B90]  }
0x5f: {  	s1 =	simm.s32 $0x800;
	s30 =	simm.s32 $0x4000;
	[tilespmem:s29+$0x16AA0] =	vst v4;
	v4 =	vld [tilespmem:s29+$0x6BA0]  }
.LBB2_3:
0x60: {  	p0 =	sne.s32 s30, $0xE000;
	v5 =	vld [tilespmem:s1+$0x6BB0];
	[tilespmem:s29+$0x16B20] =	vst v0  }
0x61: {  	v0 =	vld [tilespmem:s1+$0x6400];
	[tilespmem:s29+$0x16B30] =	vst v1  }
0x62: {  	v1 =	vld [tilespmem:s1+$0x6410];
	[tilespmem:s29+$0x16B80] =	vst v2  }
0x63: {  	v2 =	vld [tilespmem:s1+$0x6420];
	[tilespmem:s29+$0x16B90] =	vst v3  }
0x64: {  	v3 =	vld [tilespmem:s1+$0x6430];
	[tilespmem:s29+$0x16BA0] =	vst v4;
	s29 =	smov.u32 s1  }
0x65: {  	v4 =	vld [tilespmem:s29+$0x6480];
	[tilespmem:s29+$0x16BB0] =	vst v5  }
0x66: {  	[tilespmem:s29+$0x16400] =	vst v0;
	v0 =	vld [tilespmem:s29+$0x6490]  }
0x67: {  	[tilespmem:s29+$0x16410] =	vst v1;
	v1 =	vld [tilespmem:s29+$0x64A0]  }
0x68: {  	[tilespmem:s29+$0x16420] =	vst v2;
	v2 =	vld [tilespmem:s29+$0x64B0]  }
0x69: {  	[tilespmem:s29+$0x16430] =	vst v3;
	v3 =	vld [tilespmem:s29+$0x6500]  }
0x6a: {  	[tilespmem:s29+$0x16480] =	vst v4;
	v4 =	vld [tilespmem:s29+$0x6510]  }
0x6b: {  	[tilespmem:s29+$0x16490] =	vst v0;
	v0 =	vld [tilespmem:s29+$0x6520]  }
0x6c: {  	[tilespmem:s29+$0x164A0] =	vst v1;
	v1 =	vld [tilespmem:s29+$0x6530]  }
0x6d: {  	[tilespmem:s29+$0x164B0] =	vst v2;
	v2 =	vld [tilespmem:s29+$0x6580]  }
0x6e: {  	[tilespmem:s29+$0x16500] =	vst v3;
	v3 =	vld [tilespmem:s29+$0x6590]  }
0x6f: {  	[tilespmem:s29+$0x16510] =	vst v4;
	v4 =	vld [tilespmem:s29+$0x65A0]  }
0x70: {  	[tilespmem:s29+$0x16520] =	vst v0;
	v0 =	vld [tilespmem:s29+$0x65B0]  }
0x71: {  	[tilespmem:s29+$0x16530] =	vst v1;
	v1 =	vld [tilespmem:s29+$0x6600]  }
0x72: {  	[tilespmem:s29+$0x16580] =	vst v2;
	v2 =	vld [tilespmem:s29+$0x6610]  }
0x73: {  	[tilespmem:s29+$0x16590] =	vst v3;
	v3 =	vld [tilespmem:s29+$0x6620]  }
0x74: {  	[tilespmem:s29+$0x165A0] =	vst v4;
	v4 =	vld [tilespmem:s29+$0x6630]  }
0x75: {  	[tilespmem:s29+$0x165B0] =	vst v0;
	v0 =	vld [tilespmem:s29+$0x6680]  }
0x76: {  	[tilespmem:s29+$0x16600] =	vst v1;
	v1 =	vld [tilespmem:s29+$0x6690]  }
0x77: {  	[tilespmem:s29+$0x16610] =	vst v2;
	v2 =	vld [tilespmem:s29+$0x66A0]  }
0x78: {  	[tilespmem:s29+$0x16620] =	vst v3;
	v3 =	vld [tilespmem:s29+$0x66B0]  }
0x79: {  	[tilespmem:s29+$0x16630] =	vst v4;
	v4 =	vld [tilespmem:s29+$0x6700]  }
0x7a: {  	[tilespmem:s29+$0x16680] =	vst v0;
	v0 =	vld [tilespmem:s29+$0x6710]  }
0x7b: {  	[tilespmem:s29+$0x16690] =	vst v1;
	v1 =	vld [tilespmem:s29+$0x6720]  }
0x7c: {  	[tilespmem:s29+$0x166A0] =	vst v2;
	v2 =	vld [tilespmem:s29+$0x6730]  }
0x7d: {  	[tilespmem:s29+$0x166B0] =	vst v3;
	v3 =	vld [tilespmem:s29+$0x6780]  }
0x7e: {  	[tilespmem:s29+$0x16700] =	vst v4;
	v4 =	vld [tilespmem:s29+$0x6790]  }
0x7f: {  	[tilespmem:s29+$0x16710] =	vst v0;
	v0 =	vld [tilespmem:s29+$0x67A0]  }
0x80: {  	[tilespmem:s29+$0x16720] =	vst v1;
	v1 =	vld [tilespmem:s29+$0x67B0]  }
0x81: {  	[tilespmem:s29+$0x16730] =	vst v2;
	v2 =	vld [tilespmem:s29+$0x6800]  }
0x82: {  	[tilespmem:s29+$0x16780] =	vst v3;
	v3 =	vld [tilespmem:s29+$0x6810]  }
0x83: {  	[tilespmem:s29+$0x16790] =	vst v4;
	v4 =	vld [tilespmem:s29+$0x6820]  }
0x84: {  	[tilespmem:s29+$0x167A0] =	vst v0;
	v0 =	vld [tilespmem:s29+$0x6830]  }
0x85: {  	[tilespmem:s29+$0x167B0] =	vst v1;
	v1 =	vld [tilespmem:s29+$0x6880]  }
0x86: {  	[tilespmem:s29+$0x16800] =	vst v2;
	v2 =	vld [tilespmem:s29+$0x6890]  }
0x87: {  	[tilespmem:s29+$0x16810] =	vst v3;
	v3 =	vld [tilespmem:s29+$0x68A0]  }
0x88: {  	[tilespmem:s29+$0x16820] =	vst v4;
	v4 =	vld [tilespmem:s29+$0x68B0]  }
0x89: {  	[tilespmem:s29+$0x16830] =	vst v0;
	v0 =	vld [tilespmem:s29+$0x6900]  }
0x8a: {  	[tilespmem:s29+$0x16880] =	vst v1;
	v1 =	vld [tilespmem:s29+$0x6910]  }
0x8b: {  	[tilespmem:s29+$0x16890] =	vst v2;
	v2 =	vld [tilespmem:s29+$0x6920]  }
0x8c: {  	[tilespmem:s29+$0x168A0] =	vst v3;
	v3 =	vld [tilespmem:s29+$0x6930]  }
0x8d: {  	[tilespmem:s29+$0x168B0] =	vst v4;
	v4 =	vld [tilespmem:s29+$0x6980]  }
0x8e: {  	[tilespmem:s29+$0x16900] =	vst v0;
	v0 =	vld [tilespmem:s29+$0x6990]  }
0x8f: {  	[tilespmem:s29+$0x16910] =	vst v1;
	v1 =	vld [tilespmem:s29+$0x69A0]  }
0x90: {  	[tilespmem:s29+$0x16920] =	vst v2;
	v2 =	vld [tilespmem:s29+$0x69B0]  }
0x91: {  	[tilespmem:s29+$0x16930] =	vst v3;
	v3 =	vld [tilespmem:s29+$0x6A00]  }
0x92: {  	[tilespmem:s29+$0x16980] =	vst v4;
	v4 =	vld [tilespmem:s29+$0x6A10]  }
0x93: {  	[tilespmem:s29+$0x16990] =	vst v0;
	v0 =	vld [tilespmem:s29+$0x6A20]  }
0x94: {  	[tilespmem:s29+$0x169A0] =	vst v1;
	v1 =	vld [tilespmem:s29+$0x6A30]  }
0x95: {  	[tilespmem:s29+$0x169B0] =	vst v2;
	v2 =	vld [tilespmem:s29+$0x6A80]  }
0x96: {  	[tilespmem:s29+$0x16A00] =	vst v3;
	v3 =	vld [tilespmem:s29+$0x6A90]  }
0x97: {  	[tilespmem:s29+$0x16A10] =	vst v4;
	v4 =	vld [tilespmem:s29+$0x6AA0]  }
0x98: {  	[tilespmem:s29+$0x16A20] =	vst v0;
	v5 =	vld [tilespmem:s29+$0x6AB0]  }
0x99: {  	[tilespmem:s29+$0x16A30] =	vst v1;
	v6 =	vld [tilespmem:s29+$0x6B00]  }
0x9a: {  	[tilespmem:s29+$0x16A80] =	vst v2;
	v7 =	vld [tilespmem:s29+$0x6B10]  }
.Ltmp0:
0x9b: {  	[tilespmem:s29+$0x16A90] =	vst v3;
	v0 =	vld [tilespmem:s29+$0x6B20];
	(pc) =	sbr.rel @p0 .LBB2_3-.Ltmp0, $4  }
0x9c: {  	[tilespmem:s29+$0x16AA0] =	vst v4;
	v1 =	vld [tilespmem:s29+$0x6B30]  }
0x9d: {  	[tilespmem:s29+$0x16AB0] =	vst v5;
	v2 =	vld [tilespmem:s29+$0x6B80]  }
0x9e: {  	[tilespmem:s29+$0x16B00] =	vst v6;
	v3 =	vld [tilespmem:s29+$0x6B90]  }
0x9f: {  	s1 =	sshra.s32 s30, $0x2;
	s30 =	sadd.s32 $0x2000, s30;
	[tilespmem:s29+$0x16B10] =	vst v7;
	v4 =	vld [tilespmem:s29+$0x6BA0]  }
0xa0: {  	v5 =	vld [tilespmem:s1+$0x6BB0];
	[tilespmem:s29+$0x16B20] =	vst v0  }
0xa1: {  	v0 =	vld [tilespmem:s1+$0x6400];
	[tilespmem:s29+$0x16B30] =	vst v1  }
0xa2: {  	v1 =	vld [tilespmem:s1+$0x6410];
	[tilespmem:s29+$0x16B80] =	vst v2  }
0xa3: {  	v2 =	vld [tilespmem:s1+$0x6420];
	[tilespmem:s29+$0x16B90] =	vst v3  }
0xa4: {  	v3 =	vld [tilespmem:s1+$0x6430];
	[tilespmem:s29+$0x16BA0] =	vst v4  }
0xa5: {  	v4 =	vld [tilespmem:s1+$0x6480];
	[tilespmem:s1+$0x16BB0] =	vst v5  }
0xa6: {  	[tilespmem:s1+$0x16400] =	vst v0;
	v0 =	vld [tilespmem:s1+$0x6490]  }
0xa7: {  	[tilespmem:s1+$0x16410] =	vst v1;
	v1 =	vld [tilespmem:s1+$0x64A0]  }
0xa8: {  	[tilespmem:s1+$0x16420] =	vst v2;
	v2 =	vld [tilespmem:s1+$0x64B0]  }
0xa9: {  	[tilespmem:s1+$0x16430] =	vst v3;
	v3 =	vld [tilespmem:s1+$0x6500]  }
0xaa: {  	[tilespmem:s1+$0x16480] =	vst v4;
	v4 =	vld [tilespmem:s1+$0x6510]  }
0xab: {  	[tilespmem:s1+$0x16490] =	vst v0;
	v0 =	vld [tilespmem:s1+$0x6520]  }
0xac: {  	[tilespmem:s1+$0x164A0] =	vst v1;
	v1 =	vld [tilespmem:s1+$0x6530]  }
0xad: {  	[tilespmem:s1+$0x164B0] =	vst v2;
	v2 =	vld [tilespmem:s1+$0x6580]  }
0xae: {  	[tilespmem:s1+$0x16500] =	vst v3;
	v3 =	vld [tilespmem:s1+$0x6590]  }
0xaf: {  	[tilespmem:s1+$0x16510] =	vst v4;
	v4 =	vld [tilespmem:s1+$0x65A0]  }
0xb0: {  	[tilespmem:s1+$0x16520] =	vst v0;
	v0 =	vld [tilespmem:s1+$0x65B0]  }
0xb1: {  	[tilespmem:s1+$0x16530] =	vst v1;
	v1 =	vld [tilespmem:s1+$0x6600]  }
0xb2: {  	[tilespmem:s1+$0x16580] =	vst v2;
	v2 =	vld [tilespmem:s1+$0x6610]  }
0xb3: {  	[tilespmem:s1+$0x16590] =	vst v3;
	v3 =	vld [tilespmem:s1+$0x6620]  }
0xb4: {  	[tilespmem:s1+$0x165A0] =	vst v4;
	v4 =	vld [tilespmem:s1+$0x6630]  }
0xb5: {  	[tilespmem:s1+$0x165B0] =	vst v0;
	v0 =	vld [tilespmem:s1+$0x6680]  }
0xb6: {  	[tilespmem:s1+$0x16600] =	vst v1;
	v1 =	vld [tilespmem:s1+$0x6690]  }
0xb7: {  	[tilespmem:s1+$0x16610] =	vst v2;
	v2 =	vld [tilespmem:s1+$0x66A0]  }
0xb8: {  	[tilespmem:s1+$0x16620] =	vst v3;
	v3 =	vld [tilespmem:s1+$0x66B0]  }
0xb9: {  	[tilespmem:s1+$0x16630] =	vst v4;
	v4 =	vld [tilespmem:s1+$0x6700]  }
0xba: {  	[tilespmem:s1+$0x16680] =	vst v0;
	v0 =	vld [tilespmem:s1+$0x6710]  }
0xbb: {  	[tilespmem:s1+$0x16690] =	vst v1;
	v1 =	vld [tilespmem:s1+$0x6720]  }
0xbc: {  	[tilespmem:s1+$0x166A0] =	vst v2;
	v2 =	vld [tilespmem:s1+$0x6730]  }
0xbd: {  	[tilespmem:s1+$0x166B0] =	vst v3;
	v3 =	vld [tilespmem:s1+$0x6780]  }
0xbe: {  	[tilespmem:s1+$0x16700] =	vst v4;
	v4 =	vld [tilespmem:s1+$0x6790]  }
0xbf: {  	[tilespmem:s1+$0x16710] =	vst v0;
	v0 =	vld [tilespmem:s1+$0x67A0]  }
0xc0: {  	[tilespmem:s1+$0x16720] =	vst v1;
	v1 =	vld [tilespmem:s1+$0x67B0]  }
0xc1: {  	[tilespmem:s1+$0x16730] =	vst v2;
	v2 =	vld [tilespmem:s1+$0x6800]  }
0xc2: {  	[tilespmem:s1+$0x16780] =	vst v3;
	v3 =	vld [tilespmem:s1+$0x6810]  }
0xc3: {  	[tilespmem:s1+$0x16790] =	vst v4;
	v4 =	vld [tilespmem:s1+$0x6820]  }
0xc4: {  	[tilespmem:s1+$0x167A0] =	vst v0;
	v0 =	vld [tilespmem:s1+$0x6830]  }
0xc5: {  	[tilespmem:s1+$0x167B0] =	vst v1;
	v1 =	vld [tilespmem:s1+$0x6880]  }
0xc6: {  	[tilespmem:s1+$0x16800] =	vst v2;
	v2 =	vld [tilespmem:s1+$0x6890]  }
0xc7: {  	[tilespmem:s1+$0x16810] =	vst v3;
	v3 =	vld [tilespmem:s1+$0x68A0]  }
0xc8: {  	[tilespmem:s1+$0x16820] =	vst v4;
	v4 =	vld [tilespmem:s1+$0x68B0]  }
0xc9: {  	[tilespmem:s1+$0x16830] =	vst v0;
	v0 =	vld [tilespmem:s1+$0x6900]  }
0xca: {  	[tilespmem:s1+$0x16880] =	vst v1;
	v1 =	vld [tilespmem:s1+$0x6910]  }
0xcb: {  	[tilespmem:s1+$0x16890] =	vst v2;
	v2 =	vld [tilespmem:s1+$0x6920]  }
0xcc: {  	[tilespmem:s1+$0x168A0] =	vst v3;
	v3 =	vld [tilespmem:s1+$0x6930]  }
0xcd: {  	[tilespmem:s1+$0x168B0] =	vst v4;
	v4 =	vld [tilespmem:s1+$0x6980]  }
0xce: {  	[tilespmem:s1+$0x16900] =	vst v0;
	v0 =	vld [tilespmem:s1+$0x6990]  }
0xcf: {  	[tilespmem:s1+$0x16910] =	vst v1;
	v1 =	vld [tilespmem:s1+$0x69A0]  }
0xd0: {  	[tilespmem:s1+$0x16920] =	vst v2;
	v2 =	vld [tilespmem:s1+$0x69B0]  }
0xd1: {  	[tilespmem:s1+$0x16930] =	vst v3;
	v3 =	vld [tilespmem:s1+$0x6A00]  }
0xd2: {  	[tilespmem:s1+$0x16980] =	vst v4;
	v4 =	vld [tilespmem:s1+$0x6A10]  }
0xd3: {  	[tilespmem:s1+$0x16990] =	vst v0;
	v0 =	vld [tilespmem:s1+$0x6A20]  }
0xd4: {  	[tilespmem:s1+$0x169A0] =	vst v1;
	v1 =	vld [tilespmem:s1+$0x6A30]  }
0xd5: {  	[tilespmem:s1+$0x169B0] =	vst v2;
	v2 =	vld [tilespmem:s1+$0x6A80]  }
0xd6: {  	[tilespmem:s1+$0x16A00] =	vst v3;
	v3 =	vld [tilespmem:s1+$0x6A90]  }
0xd7: {  	[tilespmem:s1+$0x16A10] =	vst v4;
	v4 =	vld [tilespmem:s1+$0x6AA0]  }
0xd8: {  	[tilespmem:s1+$0x16A20] =	vst v0;
	v0 =	vld [tilespmem:s1+$0x6AB0]  }
0xd9: {  	[tilespmem:s1+$0x16A30] =	vst v1;
	v1 =	vld [tilespmem:s1+$0x6B00]  }
0xda: {  	[tilespmem:s1+$0x16A80] =	vst v2;
	v2 =	vld [tilespmem:s1+$0x6B10]  }
0xdb: {  	[tilespmem:s1+$0x16A90] =	vst v3;
	v3 =	vld [tilespmem:s1+$0x6B20]  }
0xdc: {  	[tilespmem:s1+$0x16AA0] =	vst v4;
	v4 =	vld [tilespmem:s1+$0x6B30]  }
0xdd: {  	[tilespmem:s1+$0x16AB0] =	vst v0;
	v0 =	vld [tilespmem:s1+$0x6B80]  }
0xde: {  	[tilespmem:s1+$0x16B00] =	vst v1;
	v1 =	vld [tilespmem:s1+$0x6B90]  }
0xdf: {  	[tilespmem:s1+$0x16B10] =	vst v2;
	v2 =	vld [tilespmem:s1+$0x6BA0]  }
0xe0: {  	[tilespmem:s1+$0x16B20] =	vst v3  }
0xe1: {  	s0 =	sshll.u32 s26, $0x10;
	[tilespmem:s1+$0x16B30] =	vst v4  }
0xe2: {  	s0 =	sadd.s32 s6, s0;
	[tilespmem:s1+$0x16B80] =	vst v0  }
0xe3: {  	p0 =	seq.s32 s26, $0x31;
	s0 =	sshrl.u32 s0, $0x3;
	[tilespmem:s1+$0x16B90] =	vst v1  }
0xe4: {  	p1 =	seq.s32 @!p0 s26, $0x0;
	s0 =	sadd.s32 s4, s0;
	[tilespmem:s1+$0x16BA0] =	vst v2  }
0xe5: {  	[hbm4b:s0+s3] =	stream.linear.scatter [tilespmem:s18], [sflag:$0x5], $0x4000, $0x38;
	[tilespmem:$0x1E400] =	vst v63  }
0xe6: {  	s30 =	simm.s32 @!p0 $0x6400;
	s0 =	sshll.u32 @!p0 s26, $0x9;
	_ =	swait.ge [sflag:s19], $0x4000  }
0xe7: {  	p1 =	por p0, !p1;
	s29 =	sand.u32 @!p0 $0x3FFFFE00, s0;
	[sflag:s19] =	ssyncset.done $0x0  }
0xe8: {  	s1 =	simm.s32 @!p0 $0x80;
	s0 =	sadd.s32 @!p0 $0x200, s29;
	[sflag:s19] =	ssyncadd.s32 $0xFFFFC000  }
0xe9: {  	[tilespmem:s30], [sflag:$0x1] =	stream.indirect.gather @!p0 [hbm4b:s2+s1], $0x80, s0, s1, $0xb8;
	[tilespmem:$0x1E400] =	vst v63  }
0xea: {  	_ =	swait.ge @p1 [sflag:s24], $0x4000  }
0xeb: {  	[sflag:s24] =	ssyncset.done @p1 $0x0  }
0xec: {  	s30 =	simm.s32 $0x0;
	[sflag:s24] =	ssyncadd.s32 @p1 $0xFFFFC000  }
0xed: {  	v0 =	vld [tilespmem:s30+$0xABB0]  }
0xee: {  	v1 =	vld [tilespmem:s30+$0xA400]  }
0xef: {  	v2 =	vld [tilespmem:s30+$0xA410]  }
0xf0: {  	v3 =	vld [tilespmem:s30+$0xA420]  }
0xf1: {  	v4 =	vld [tilespmem:s30+$0xA430]  }
0xf2: {  	v5 =	vld [tilespmem:s30+$0xA480];
	[tilespmem:s30+$0x1ABB0] =	vst v0  }
0xf3: {  	v6 =	vld [tilespmem:s30+$0xAB00];
	[tilespmem:s30+$0x1A400] =	vst v1  }
0xf4: {  	v7 =	vld [tilespmem:s30+$0xAB10];
	[tilespmem:s30+$0x1A410] =	vst v2  }
0xf5: {  	v0 =	vld [tilespmem:s30+$0xA490];
	[tilespmem:s30+$0x1A420] =	vst v3  }
0xf6: {  	v1 =	vld [tilespmem:s30+$0xA4A0];
	[tilespmem:s30+$0x1A430] =	vst v4  }
0xf7: {  	v2 =	vld [tilespmem:s30+$0xA4B0];
	[tilespmem:s30+$0x1A480] =	vst v5  }
0xf8: {  	v3 =	vld [tilespmem:s30+$0xA500];
	[tilespmem:s30+$0x1AB00] =	vst v6  }
0xf9: {  	v4 =	vld [tilespmem:s30+$0xA510];
	[tilespmem:s30+$0x1AB10] =	vst v7  }
0xfa: {  	v5 =	vld [tilespmem:s30+$0xAAB0];
	[tilespmem:s30+$0x1A490] =	vst v0  }
0xfb: {  	v0 =	vld [tilespmem:s30+$0xA520];
	[tilespmem:s30+$0x1A4A0] =	vst v1  }
0xfc: {  	v1 =	vld [tilespmem:s30+$0xA530];
	[tilespmem:s30+$0x1A4B0] =	vst v2  }
0xfd: {  	v2 =	vld [tilespmem:s30+$0xA580];
	[tilespmem:s30+$0x1A500] =	vst v3  }
0xfe: {  	v3 =	vld [tilespmem:s30+$0xA590];
	[tilespmem:s30+$0x1A510] =	vst v4  }
0xff: {  	v4 =	vld [tilespmem:s30+$0xA5A0];
	[tilespmem:s30+$0x1AAB0] =	vst v5  }
0x100: {  	[tilespmem:s30+$0x1A520] =	vst v0;
	v0 =	vld [tilespmem:s30+$0xA5B0]  }
0x101: {  	[tilespmem:s30+$0x1A530] =	vst v1;
	v1 =	vld [tilespmem:s30+$0xA600]  }
0x102: {  	[tilespmem:s30+$0x1A580] =	vst v2;
	v2 =	vld [tilespmem:s30+$0xA610]  }
0x103: {  	[tilespmem:s30+$0x1A590] =	vst v3;
	v3 =	vld [tilespmem:s30+$0xA620]  }
0x104: {  	[tilespmem:s30+$0x1A5A0] =	vst v4;
	v4 =	vld [tilespmem:s30+$0xA630]  }
0x105: {  	[tilespmem:s30+$0x1A5B0] =	vst v0;
	v0 =	vld [tilespmem:s30+$0xA680]  }
0x106: {  	[tilespmem:s30+$0x1A600] =	vst v1;
	v1 =	vld [tilespmem:s30+$0xA690]  }
0x107: {  	[tilespmem:s30+$0x1A610] =	vst v2;
	v2 =	vld [tilespmem:s30+$0xA6A0]  }
0x108: {  	[tilespmem:s30+$0x1A620] =	vst v3;
	v3 =	vld [tilespmem:s30+$0xA6B0]  }
0x109: {  	[tilespmem:s30+$0x1A630] =	vst v4;
	v4 =	vld [tilespmem:s30+$0xA700]  }
0x10a: {  	[tilespmem:s30+$0x1A680] =	vst v0;
	v0 =	vld [tilespmem:s30+$0xA710]  }
0x10b: {  	[tilespmem:s30+$0x1A690] =	vst v1;
	v1 =	vld [tilespmem:s30+$0xA720]  }
0x10c: {  	[tilespmem:s30+$0x1A6A0] =	vst v2;
	v2 =	vld [tilespmem:s30+$0xA730]  }
0x10d: {  	[tilespmem:s30+$0x1A6B0] =	vst v3;
	v3 =	vld [tilespmem:s30+$0xA780]  }
0x10e: {  	[tilespmem:s30+$0x1A700] =	vst v4;
	v4 =	vld [tilespmem:s30+$0xA790]  }
0x10f: {  	[tilespmem:s30+$0x1A710] =	vst v0;
	v0 =	vld [tilespmem:s30+$0xA7A0]  }
0x110: {  	[tilespmem:s30+$0x1A720] =	vst v1;
	v1 =	vld [tilespmem:s30+$0xA7B0]  }
0x111: {  	[tilespmem:s30+$0x1A730] =	vst v2;
	v2 =	vld [tilespmem:s30+$0xA800]  }
0x112: {  	[tilespmem:s30+$0x1A780] =	vst v3;
	v3 =	vld [tilespmem:s30+$0xA810]  }
0x113: {  	[tilespmem:s30+$0x1A790] =	vst v4;
	v4 =	vld [tilespmem:s30+$0xA820]  }
0x114: {  	[tilespmem:s30+$0x1A7A0] =	vst v0;
	v0 =	vld [tilespmem:s30+$0xA830]  }
0x115: {  	[tilespmem:s30+$0x1A7B0] =	vst v1;
	v1 =	vld [tilespmem:s30+$0xA880]  }
0x116: {  	[tilespmem:s30+$0x1A800] =	vst v2;
	v2 =	vld [tilespmem:s30+$0xA890]  }
0x117: {  	[tilespmem:s30+$0x1A810] =	vst v3;
	v3 =	vld [tilespmem:s30+$0xA8A0]  }
0x118: {  	[tilespmem:s30+$0x1A820] =	vst v4;
	v4 =	vld [tilespmem:s30+$0xA8B0]  }
0x119: {  	[tilespmem:s30+$0x1A830] =	vst v0;
	v0 =	vld [tilespmem:s30+$0xA900]  }
0x11a: {  	[tilespmem:s30+$0x1A880] =	vst v1;
	v1 =	vld [tilespmem:s30+$0xA910]  }
0x11b: {  	[tilespmem:s30+$0x1A890] =	vst v2;
	v2 =	vld [tilespmem:s30+$0xA920]  }
0x11c: {  	[tilespmem:s30+$0x1A8A0] =	vst v3;
	v3 =	vld [tilespmem:s30+$0xA930]  }
0x11d: {  	[tilespmem:s30+$0x1A8B0] =	vst v4;
	v4 =	vld [tilespmem:s30+$0xA980]  }
0x11e: {  	[tilespmem:s30+$0x1A900] =	vst v0;
	v0 =	vld [tilespmem:s30+$0xA990]  }
0x11f: {  	[tilespmem:s30+$0x1A910] =	vst v1;
	v1 =	vld [tilespmem:s30+$0xA9A0]  }
0x120: {  	[tilespmem:s30+$0x1A920] =	vst v2;
	v2 =	vld [tilespmem:s30+$0xA9B0]  }
0x121: {  	[tilespmem:s30+$0x1A930] =	vst v3;
	v3 =	vld [tilespmem:s30+$0xAA00]  }
0x122: {  	[tilespmem:s30+$0x1A980] =	vst v4;
	v4 =	vld [tilespmem:s30+$0xAA10]  }
0x123: {  	[tilespmem:s30+$0x1A990] =	vst v0;
	v0 =	vld [tilespmem:s30+$0xAA20]  }
0x124: {  	[tilespmem:s30+$0x1A9A0] =	vst v1;
	v1 =	vld [tilespmem:s30+$0xAA30]  }
0x125: {  	[tilespmem:s30+$0x1A9B0] =	vst v2;
	v2 =	vld [tilespmem:s30+$0xAA80]  }
0x126: {  	[tilespmem:s30+$0x1AA00] =	vst v3;
	v3 =	vld [tilespmem:s30+$0xAA90]  }
0x127: {  	[tilespmem:s30+$0x1AA10] =	vst v4;
	v4 =	vld [tilespmem:s30+$0xAAA0]  }
0x128: {  	[tilespmem:s30+$0x1AA20] =	vst v0;
	v0 =	vld [tilespmem:s30+$0xAB20]  }
0x129: {  	[tilespmem:s30+$0x1AA30] =	vst v1;
	v1 =	vld [tilespmem:s30+$0xAB30]  }
0x12a: {  	[tilespmem:s30+$0x1AA80] =	vst v2;
	v2 =	vld [tilespmem:s30+$0xAB80]  }
0x12b: {  	[tilespmem:s30+$0x1AA90] =	vst v3;
	v3 =	vld [tilespmem:s30+$0xAB90]  }
0x12c: {  	s31 =	simm.s32 $0x4000;
	s1 =	simm.s32 $0x800;
	[tilespmem:s30+$0x1AAA0] =	vst v4;
	v4 =	vld [tilespmem:s30+$0xABA0]  }
.LBB2_5:
0x12d: {  	p1 =	sne.s32 s31, $0xE000;
	v5 =	vld [tilespmem:s1+$0xABB0];
	[tilespmem:s30+$0x1AB20] =	vst v0  }
0x12e: {  	v0 =	vld [tilespmem:s1+$0xA400];
	[tilespmem:s30+$0x1AB30] =	vst v1  }
0x12f: {  	v1 =	vld [tilespmem:s1+$0xA410];
	[tilespmem:s30+$0x1AB80] =	vst v2  }
0x130: {  	v2 =	vld [tilespmem:s1+$0xA420];
	[tilespmem:s30+$0x1AB90] =	vst v3  }
0x131: {  	v3 =	vld [tilespmem:s1+$0xA430];
	[tilespmem:s30+$0x1ABA0] =	vst v4;
	s30 =	smov.u32 s1  }
0x132: {  	v4 =	vld [tilespmem:s30+$0xA480];
	[tilespmem:s30+$0x1ABB0] =	vst v5  }
0x133: {  	[tilespmem:s30+$0x1A400] =	vst v0;
	v0 =	vld [tilespmem:s30+$0xA490]  }
0x134: {  	[tilespmem:s30+$0x1A410] =	vst v1;
	v1 =	vld [tilespmem:s30+$0xA4A0]  }
0x135: {  	[tilespmem:s30+$0x1A420] =	vst v2;
	v2 =	vld [tilespmem:s30+$0xA4B0]  }
0x136: {  	[tilespmem:s30+$0x1A430] =	vst v3;
	v3 =	vld [tilespmem:s30+$0xA500]  }
0x137: {  	[tilespmem:s30+$0x1A480] =	vst v4;
	v4 =	vld [tilespmem:s30+$0xA510]  }
0x138: {  	[tilespmem:s30+$0x1A490] =	vst v0;
	v0 =	vld [tilespmem:s30+$0xA520]  }
0x139: {  	[tilespmem:s30+$0x1A4A0] =	vst v1;
	v1 =	vld [tilespmem:s30+$0xA530]  }
0x13a: {  	[tilespmem:s30+$0x1A4B0] =	vst v2;
	v2 =	vld [tilespmem:s30+$0xA580]  }
0x13b: {  	[tilespmem:s30+$0x1A500] =	vst v3;
	v3 =	vld [tilespmem:s30+$0xA590]  }
0x13c: {  	[tilespmem:s30+$0x1A510] =	vst v4;
	v4 =	vld [tilespmem:s30+$0xA5A0]  }
0x13d: {  	[tilespmem:s30+$0x1A520] =	vst v0;
	v0 =	vld [tilespmem:s30+$0xA5B0]  }
0x13e: {  	[tilespmem:s30+$0x1A530] =	vst v1;
	v1 =	vld [tilespmem:s30+$0xA600]  }
0x13f: {  	[tilespmem:s30+$0x1A580] =	vst v2;
	v2 =	vld [tilespmem:s30+$0xA610]  }
0x140: {  	[tilespmem:s30+$0x1A590] =	vst v3;
	v3 =	vld [tilespmem:s30+$0xA620]  }
0x141: {  	[tilespmem:s30+$0x1A5A0] =	vst v4;
	v4 =	vld [tilespmem:s30+$0xA630]  }
0x142: {  	[tilespmem:s30+$0x1A5B0] =	vst v0;
	v0 =	vld [tilespmem:s30+$0xA680]  }
0x143: {  	[tilespmem:s30+$0x1A600] =	vst v1;
	v1 =	vld [tilespmem:s30+$0xA690]  }
0x144: {  	[tilespmem:s30+$0x1A610] =	vst v2;
	v2 =	vld [tilespmem:s30+$0xA6A0]  }
0x145: {  	[tilespmem:s30+$0x1A620] =	vst v3;
	v3 =	vld [tilespmem:s30+$0xA6B0]  }
0x146: {  	[tilespmem:s30+$0x1A630] =	vst v4;
	v4 =	vld [tilespmem:s30+$0xA700]  }
0x147: {  	[tilespmem:s30+$0x1A680] =	vst v0;
	v0 =	vld [tilespmem:s30+$0xA710]  }
0x148: {  	[tilespmem:s30+$0x1A690] =	vst v1;
	v1 =	vld [tilespmem:s30+$0xA720]  }
0x149: {  	[tilespmem:s30+$0x1A6A0] =	vst v2;
	v2 =	vld [tilespmem:s30+$0xA730]  }
0x14a: {  	[tilespmem:s30+$0x1A6B0] =	vst v3;
	v3 =	vld [tilespmem:s30+$0xA780]  }
0x14b: {  	[tilespmem:s30+$0x1A700] =	vst v4;
	v4 =	vld [tilespmem:s30+$0xA790]  }
0x14c: {  	[tilespmem:s30+$0x1A710] =	vst v0;
	v0 =	vld [tilespmem:s30+$0xA7A0]  }
0x14d: {  	[tilespmem:s30+$0x1A720] =	vst v1;
	v1 =	vld [tilespmem:s30+$0xA7B0]  }
0x14e: {  	[tilespmem:s30+$0x1A730] =	vst v2;
	v2 =	vld [tilespmem:s30+$0xA800]  }
0x14f: {  	[tilespmem:s30+$0x1A780] =	vst v3;
	v3 =	vld [tilespmem:s30+$0xA810]  }
0x150: {  	[tilespmem:s30+$0x1A790] =	vst v4;
	v4 =	vld [tilespmem:s30+$0xA820]  }
0x151: {  	[tilespmem:s30+$0x1A7A0] =	vst v0;
	v0 =	vld [tilespmem:s30+$0xA830]  }
0x152: {  	[tilespmem:s30+$0x1A7B0] =	vst v1;
	v1 =	vld [tilespmem:s30+$0xA880]  }
0x153: {  	[tilespmem:s30+$0x1A800] =	vst v2;
	v2 =	vld [tilespmem:s30+$0xA890]  }
0x154: {  	[tilespmem:s30+$0x1A810] =	vst v3;
	v3 =	vld [tilespmem:s30+$0xA8A0]  }
0x155: {  	[tilespmem:s30+$0x1A820] =	vst v4;
	v4 =	vld [tilespmem:s30+$0xA8B0]  }
0x156: {  	[tilespmem:s30+$0x1A830] =	vst v0;
	v0 =	vld [tilespmem:s30+$0xA900]  }
0x157: {  	[tilespmem:s30+$0x1A880] =	vst v1;
	v1 =	vld [tilespmem:s30+$0xA910]  }
0x158: {  	[tilespmem:s30+$0x1A890] =	vst v2;
	v2 =	vld [tilespmem:s30+$0xA920]  }
0x159: {  	[tilespmem:s30+$0x1A8A0] =	vst v3;
	v3 =	vld [tilespmem:s30+$0xA930]  }
0x15a: {  	[tilespmem:s30+$0x1A8B0] =	vst v4;
	v4 =	vld [tilespmem:s30+$0xA980]  }
0x15b: {  	[tilespmem:s30+$0x1A900] =	vst v0;
	v0 =	vld [tilespmem:s30+$0xA990]  }
0x15c: {  	[tilespmem:s30+$0x1A910] =	vst v1;
	v1 =	vld [tilespmem:s30+$0xA9A0]  }
0x15d: {  	[tilespmem:s30+$0x1A920] =	vst v2;
	v2 =	vld [tilespmem:s30+$0xA9B0]  }
0x15e: {  	[tilespmem:s30+$0x1A930] =	vst v3;
	v3 =	vld [tilespmem:s30+$0xAA00]  }
0x15f: {  	[tilespmem:s30+$0x1A980] =	vst v4;
	v4 =	vld [tilespmem:s30+$0xAA10]  }
0x160: {  	[tilespmem:s30+$0x1A990] =	vst v0;
	v0 =	vld [tilespmem:s30+$0xAA20]  }
0x161: {  	[tilespmem:s30+$0x1A9A0] =	vst v1;
	v1 =	vld [tilespmem:s30+$0xAA30]  }
0x162: {  	[tilespmem:s30+$0x1A9B0] =	vst v2;
	v2 =	vld [tilespmem:s30+$0xAA80]  }
0x163: {  	[tilespmem:s30+$0x1AA00] =	vst v3;
	v3 =	vld [tilespmem:s30+$0xAA90]  }
0x164: {  	[tilespmem:s30+$0x1AA10] =	vst v4;
	v4 =	vld [tilespmem:s30+$0xAAA0]  }
0x165: {  	[tilespmem:s30+$0x1AA20] =	vst v0;
	v5 =	vld [tilespmem:s30+$0xAAB0]  }
0x166: {  	[tilespmem:s30+$0x1AA30] =	vst v1;
	v6 =	vld [tilespmem:s30+$0xAB00]  }
0x167: {  	[tilespmem:s30+$0x1AA80] =	vst v2;
	v7 =	vld [tilespmem:s30+$0xAB10]  }
.Ltmp1:
0x168: {  	[tilespmem:s30+$0x1AA90] =	vst v3;
	v0 =	vld [tilespmem:s30+$0xAB20];
	(pc) =	sbr.rel @p1 .LBB2_5-.Ltmp1, $4  }
0x169: {  	[tilespmem:s30+$0x1AAA0] =	vst v4;
	v1 =	vld [tilespmem:s30+$0xAB30]  }
0x16a: {  	[tilespmem:s30+$0x1AAB0] =	vst v5;
	v2 =	vld [tilespmem:s30+$0xAB80]  }
0x16b: {  	[tilespmem:s30+$0x1AB00] =	vst v6;
	v3 =	vld [tilespmem:s30+$0xAB90]  }
0x16c: {  	s1 =	sshra.s32 s31, $0x2;
	s31 =	sadd.s32 $0x2000, s31;
	[tilespmem:s30+$0x1AB10] =	vst v7;
	v4 =	vld [tilespmem:s30+$0xABA0]  }
0x16d: {  	v5 =	vld [tilespmem:s1+$0xABB0];
	[tilespmem:s30+$0x1AB20] =	vst v0  }
0x16e: {  	v0 =	vld [tilespmem:s1+$0xA400];
	[tilespmem:s30+$0x1AB30] =	vst v1  }
0x16f: {  	v1 =	vld [tilespmem:s1+$0xA410];
	[tilespmem:s30+$0x1AB80] =	vst v2  }
0x170: {  	v2 =	vld [tilespmem:s1+$0xA420];
	[tilespmem:s30+$0x1AB90] =	vst v3  }
0x171: {  	v3 =	vld [tilespmem:s1+$0xA430];
	[tilespmem:s30+$0x1ABA0] =	vst v4  }
0x172: {  	v4 =	vld [tilespmem:s1+$0xA480];
	[tilespmem:s1+$0x1ABB0] =	vst v5  }
0x173: {  	[tilespmem:s1+$0x1A400] =	vst v0;
	v0 =	vld [tilespmem:s1+$0xA490]  }
0x174: {  	[tilespmem:s1+$0x1A410] =	vst v1;
	v1 =	vld [tilespmem:s1+$0xA4A0]  }
0x175: {  	[tilespmem:s1+$0x1A420] =	vst v2;
	v2 =	vld [tilespmem:s1+$0xA4B0]  }
0x176: {  	[tilespmem:s1+$0x1A430] =	vst v3;
	v3 =	vld [tilespmem:s1+$0xA500]  }
0x177: {  	[tilespmem:s1+$0x1A480] =	vst v4;
	v4 =	vld [tilespmem:s1+$0xA510]  }
0x178: {  	[tilespmem:s1+$0x1A490] =	vst v0;
	v0 =	vld [tilespmem:s1+$0xA520]  }
0x179: {  	[tilespmem:s1+$0x1A4A0] =	vst v1;
	v1 =	vld [tilespmem:s1+$0xA530]  }
0x17a: {  	[tilespmem:s1+$0x1A4B0] =	vst v2;
	v2 =	vld [tilespmem:s1+$0xA580]  }
0x17b: {  	[tilespmem:s1+$0x1A500] =	vst v3;
	v3 =	vld [tilespmem:s1+$0xA590]  }
0x17c: {  	[tilespmem:s1+$0x1A510] =	vst v4;
	v4 =	vld [tilespmem:s1+$0xA5A0]  }
0x17d: {  	[tilespmem:s1+$0x1A520] =	vst v0;
	v0 =	vld [tilespmem:s1+$0xA5B0]  }
0x17e: {  	[tilespmem:s1+$0x1A530] =	vst v1;
	v1 =	vld [tilespmem:s1+$0xA600]  }
0x17f: {  	[tilespmem:s1+$0x1A580] =	vst v2;
	v2 =	vld [tilespmem:s1+$0xA610]  }
0x180: {  	[tilespmem:s1+$0x1A590] =	vst v3;
	v3 =	vld [tilespmem:s1+$0xA620]  }
0x181: {  	[tilespmem:s1+$0x1A5A0] =	vst v4;
	v4 =	vld [tilespmem:s1+$0xA630]  }
0x182: {  	[tilespmem:s1+$0x1A5B0] =	vst v0;
	v0 =	vld [tilespmem:s1+$0xA680]  }
0x183: {  	[tilespmem:s1+$0x1A600] =	vst v1;
	v1 =	vld [tilespmem:s1+$0xA690]  }
0x184: {  	[tilespmem:s1+$0x1A610] =	vst v2;
	v2 =	vld [tilespmem:s1+$0xA6A0]  }
0x185: {  	[tilespmem:s1+$0x1A620] =	vst v3;
	v3 =	vld [tilespmem:s1+$0xA6B0]  }
0x186: {  	[tilespmem:s1+$0x1A630] =	vst v4;
	v4 =	vld [tilespmem:s1+$0xA700]  }
0x187: {  	[tilespmem:s1+$0x1A680] =	vst v0;
	v0 =	vld [tilespmem:s1+$0xA710]  }
0x188: {  	[tilespmem:s1+$0x1A690] =	vst v1;
	v1 =	vld [tilespmem:s1+$0xA720]  }
0x189: {  	[tilespmem:s1+$0x1A6A0] =	vst v2;
	v2 =	vld [tilespmem:s1+$0xA730]  }
0x18a: {  	[tilespmem:s1+$0x1A6B0] =	vst v3;
	v3 =	vld [tilespmem:s1+$0xA780]  }
0x18b: {  	[tilespmem:s1+$0x1A700] =	vst v4;
	v4 =	vld [tilespmem:s1+$0xA790]  }
0x18c: {  	[tilespmem:s1+$0x1A710] =	vst v0;
	v0 =	vld [tilespmem:s1+$0xA7A0]  }
0x18d: {  	[tilespmem:s1+$0x1A720] =	vst v1;
	v1 =	vld [tilespmem:s1+$0xA7B0]  }
0x18e: {  	[tilespmem:s1+$0x1A730] =	vst v2;
	v2 =	vld [tilespmem:s1+$0xA800]  }
0x18f: {  	[tilespmem:s1+$0x1A780] =	vst v3;
	v3 =	vld [tilespmem:s1+$0xA810]  }
0x190: {  	[tilespmem:s1+$0x1A790] =	vst v4;
	v4 =	vld [tilespmem:s1+$0xA820]  }
0x191: {  	[tilespmem:s1+$0x1A7A0] =	vst v0;
	v0 =	vld [tilespmem:s1+$0xA830]  }
0x192: {  	[tilespmem:s1+$0x1A7B0] =	vst v1;
	v1 =	vld [tilespmem:s1+$0xA880]  }
0x193: {  	[tilespmem:s1+$0x1A800] =	vst v2;
	v2 =	vld [tilespmem:s1+$0xA890]  }
0x194: {  	[tilespmem:s1+$0x1A810] =	vst v3;
	v3 =	vld [tilespmem:s1+$0xA8A0]  }
0x195: {  	[tilespmem:s1+$0x1A820] =	vst v4;
	v4 =	vld [tilespmem:s1+$0xA8B0]  }
0x196: {  	[tilespmem:s1+$0x1A830] =	vst v0;
	v0 =	vld [tilespmem:s1+$0xA900]  }
0x197: {  	[tilespmem:s1+$0x1A880] =	vst v1;
	v1 =	vld [tilespmem:s1+$0xA910]  }
0x198: {  	[tilespmem:s1+$0x1A890] =	vst v2;
	v2 =	vld [tilespmem:s1+$0xA920]  }
0x199: {  	[tilespmem:s1+$0x1A8A0] =	vst v3;
	v3 =	vld [tilespmem:s1+$0xA930]  }
0x19a: {  	[tilespmem:s1+$0x1A8B0] =	vst v4;
	v4 =	vld [tilespmem:s1+$0xA980]  }
0x19b: {  	[tilespmem:s1+$0x1A900] =	vst v0;
	v0 =	vld [tilespmem:s1+$0xA990]  }
0x19c: {  	[tilespmem:s1+$0x1A910] =	vst v1;
	v1 =	vld [tilespmem:s1+$0xA9A0]  }
0x19d: {  	[tilespmem:s1+$0x1A920] =	vst v2;
	v2 =	vld [tilespmem:s1+$0xA9B0]  }
0x19e: {  	[tilespmem:s1+$0x1A930] =	vst v3;
	v3 =	vld [tilespmem:s1+$0xAA00]  }
0x19f: {  	[tilespmem:s1+$0x1A980] =	vst v4;
	v4 =	vld [tilespmem:s1+$0xAA10]  }
0x1a0: {  	[tilespmem:s1+$0x1A990] =	vst v0;
	v0 =	vld [tilespmem:s1+$0xAA20]  }
0x1a1: {  	[tilespmem:s1+$0x1A9A0] =	vst v1;
	v1 =	vld [tilespmem:s1+$0xAA30]  }
0x1a2: {  	[tilespmem:s1+$0x1A9B0] =	vst v2;
	v2 =	vld [tilespmem:s1+$0xAA80]  }
0x1a3: {  	[tilespmem:s1+$0x1AA00] =	vst v3;
	v3 =	vld [tilespmem:s1+$0xAA90]  }
0x1a4: {  	[tilespmem:s1+$0x1AA10] =	vst v4;
	v4 =	vld [tilespmem:s1+$0xAAA0]  }
0x1a5: {  	[tilespmem:s1+$0x1AA20] =	vst v0;
	v0 =	vld [tilespmem:s1+$0xAAB0]  }
0x1a6: {  	[tilespmem:s1+$0x1AA30] =	vst v1;
	v1 =	vld [tilespmem:s1+$0xAB00]  }
0x1a7: {  	[tilespmem:s1+$0x1AA80] =	vst v2;
	v2 =	vld [tilespmem:s1+$0xAB10]  }
0x1a8: {  	[tilespmem:s1+$0x1AA90] =	vst v3;
	v3 =	vld [tilespmem:s1+$0xAB20]  }
0x1a9: {  	[tilespmem:s1+$0x1AAA0] =	vst v4;
	v4 =	vld [tilespmem:s1+$0xAB30]  }
0x1aa: {  	[tilespmem:s1+$0x1AAB0] =	vst v0;
	v0 =	vld [tilespmem:s1+$0xAB80]  }
0x1ab: {  	[tilespmem:s1+$0x1AB00] =	vst v1;
	v1 =	vld [tilespmem:s1+$0xAB90]  }
0x1ac: {  	[tilespmem:s1+$0x1AB10] =	vst v2;
	v2 =	vld [tilespmem:s1+$0xABA0]  }
0x1ad: {  	[tilespmem:s1+$0x1AB20] =	vst v3  }
0x1ae: {  	s30 =	sshll.u32 s26, $0x9;
	[tilespmem:s1+$0x1AB30] =	vst v4  }
0x1af: {  	s0 =	sadd.s32 s30, s7;
	[tilespmem:s1+$0x1AB80] =	vst v0  }
0x1b0: {  	s0 =	sshll.u32 s0, $0x4;
	[tilespmem:s1+$0x1AB90] =	vst v1  }
0x1b1: {  	s0 =	sadd.s32 s4, s0;
	[tilespmem:s1+$0x1ABA0] =	vst v2  }
0x1b2: {  	[hbm4b:s0+s3] =	stream.linear.scatter [tilespmem:s20], [sflag:$0x6], $0x4000, $0x38;
	[tilespmem:$0x1E400] =	vst v63  }
0x1b3: {  	_ =	swait.ge [sflag:s21], $0x4000  }
0x1b4: {  	s31 =	simm.s32 @!p0 $0xA400;
	[sflag:s21] =	ssyncset.done $0x0  }
0x1b5: {  	s1 =	simm.s32 @!p0 $0x80;
	s0 =	sadd.s32 @!p0 $0x280, s29;
	[sflag:s21] =	ssyncadd.s32 $0xFFFFC000  }
0x1b6: {  	[tilespmem:s31], [sflag:$0x2] =	stream.indirect.gather @!p0 [hbm4b:s2+s1], $0x80, s0, s1, $0xb8;
	[tilespmem:$0x1E400] =	vst v63  }
0x1b7: {  	_ =	swait.ge [sflag:s22], $0x4000  }
0x1b8: {  	[sflag:s22] =	ssyncset.done $0x0  }
0x1b9: {  	s31 =	simm.s32 $0x0;
	[sflag:s22] =	ssyncadd.s32 $0xFFFFC000  }
0x1ba: {  	v0 =	vld [tilespmem:s31+$0xEBB0]  }
0x1bb: {  	v1 =	vld [tilespmem:s31+$0xE400]  }
0x1bc: {  	v2 =	vld [tilespmem:s31+$0xE410]  }
0x1bd: {  	v3 =	vld [tilespmem:s31+$0xE420]  }
0x1be: {  	v4 =	vld [tilespmem:s31+$0xE430]  }
0x1bf: {  	v5 =	vld [tilespmem:s31+$0xE480];
	[tilespmem:s31+$0x16BB0] =	vst v0  }
0x1c0: {  	v6 =	vld [tilespmem:s31+$0xEB00];
	[tilespmem:s31+$0x16400] =	vst v1  }
0x1c1: {  	v7 =	vld [tilespmem:s31+$0xEB10];
	[tilespmem:s31+$0x16410] =	vst v2  }
0x1c2: {  	v0 =	vld [tilespmem:s31+$0xE490];
	[tilespmem:s31+$0x16420] =	vst v3  }
0x1c3: {  	v1 =	vld [tilespmem:s31+$0xE4A0];
	[tilespmem:s31+$0x16430] =	vst v4  }
0x1c4: {  	v2 =	vld [tilespmem:s31+$0xE4B0];
	[tilespmem:s31+$0x16480] =	vst v5  }
0x1c5: {  	v3 =	vld [tilespmem:s31+$0xE500];
	[tilespmem:s31+$0x16B00] =	vst v6  }
0x1c6: {  	v4 =	vld [tilespmem:s31+$0xE510];
	[tilespmem:s31+$0x16B10] =	vst v7  }
0x1c7: {  	v5 =	vld [tilespmem:s31+$0xEAB0];
	[tilespmem:s31+$0x16490] =	vst v0  }
0x1c8: {  	v0 =	vld [tilespmem:s31+$0xE520];
	[tilespmem:s31+$0x164A0] =	vst v1  }
0x1c9: {  	v1 =	vld [tilespmem:s31+$0xE530];
	[tilespmem:s31+$0x164B0] =	vst v2  }
0x1ca: {  	v2 =	vld [tilespmem:s31+$0xE580];
	[tilespmem:s31+$0x16500] =	vst v3  }
0x1cb: {  	v3 =	vld [tilespmem:s31+$0xE590];
	[tilespmem:s31+$0x16510] =	vst v4  }
0x1cc: {  	v4 =	vld [tilespmem:s31+$0xE5A0];
	[tilespmem:s31+$0x16AB0] =	vst v5  }
0x1cd: {  	[tilespmem:s31+$0x16520] =	vst v0;
	v0 =	vld [tilespmem:s31+$0xE5B0]  }
0x1ce: {  	[tilespmem:s31+$0x16530] =	vst v1;
	v1 =	vld [tilespmem:s31+$0xE600]  }
0x1cf: {  	[tilespmem:s31+$0x16580] =	vst v2;
	v2 =	vld [tilespmem:s31+$0xE610]  }
0x1d0: {  	[tilespmem:s31+$0x16590] =	vst v3;
	v3 =	vld [tilespmem:s31+$0xE620]  }
0x1d1: {  	[tilespmem:s31+$0x165A0] =	vst v4;
	v4 =	vld [tilespmem:s31+$0xE630]  }
0x1d2: {  	[tilespmem:s31+$0x165B0] =	vst v0;
	v0 =	vld [tilespmem:s31+$0xE680]  }
0x1d3: {  	[tilespmem:s31+$0x16600] =	vst v1;
	v1 =	vld [tilespmem:s31+$0xE690]  }
0x1d4: {  	[tilespmem:s31+$0x16610] =	vst v2;
	v2 =	vld [tilespmem:s31+$0xE6A0]  }
0x1d5: {  	[tilespmem:s31+$0x16620] =	vst v3;
	v3 =	vld [tilespmem:s31+$0xE6B0]  }
0x1d6: {  	[tilespmem:s31+$0x16630] =	vst v4;
	v4 =	vld [tilespmem:s31+$0xE700]  }
0x1d7: {  	[tilespmem:s31+$0x16680] =	vst v0;
	v0 =	vld [tilespmem:s31+$0xE710]  }
0x1d8: {  	[tilespmem:s31+$0x16690] =	vst v1;
	v1 =	vld [tilespmem:s31+$0xE720]  }
0x1d9: {  	[tilespmem:s31+$0x166A0] =	vst v2;
	v2 =	vld [tilespmem:s31+$0xE730]  }
0x1da: {  	[tilespmem:s31+$0x166B0] =	vst v3;
	v3 =	vld [tilespmem:s31+$0xE780]  }
0x1db: {  	[tilespmem:s31+$0x16700] =	vst v4;
	v4 =	vld [tilespmem:s31+$0xE790]  }
0x1dc: {  	[tilespmem:s31+$0x16710] =	vst v0;
	v0 =	vld [tilespmem:s31+$0xE7A0]  }
0x1dd: {  	[tilespmem:s31+$0x16720] =	vst v1;
	v1 =	vld [tilespmem:s31+$0xE7B0]  }
0x1de: {  	[tilespmem:s31+$0x16730] =	vst v2;
	v2 =	vld [tilespmem:s31+$0xE800]  }
0x1df: {  	[tilespmem:s31+$0x16780] =	vst v3;
	v3 =	vld [tilespmem:s31+$0xE810]  }
0x1e0: {  	[tilespmem:s31+$0x16790] =	vst v4;
	v4 =	vld [tilespmem:s31+$0xE820]  }
0x1e1: {  	[tilespmem:s31+$0x167A0] =	vst v0;
	v0 =	vld [tilespmem:s31+$0xE830]  }
0x1e2: {  	[tilespmem:s31+$0x167B0] =	vst v1;
	v1 =	vld [tilespmem:s31+$0xE880]  }
0x1e3: {  	[tilespmem:s31+$0x16800] =	vst v2;
	v2 =	vld [tilespmem:s31+$0xE890]  }
0x1e4: {  	[tilespmem:s31+$0x16810] =	vst v3;
	v3 =	vld [tilespmem:s31+$0xE8A0]  }
0x1e5: {  	[tilespmem:s31+$0x16820] =	vst v4;
	v4 =	vld [tilespmem:s31+$0xE8B0]  }
0x1e6: {  	[tilespmem:s31+$0x16830] =	vst v0;
	v0 =	vld [tilespmem:s31+$0xE900]  }
0x1e7: {  	[tilespmem:s31+$0x16880] =	vst v1;
	v1 =	vld [tilespmem:s31+$0xE910]  }
0x1e8: {  	[tilespmem:s31+$0x16890] =	vst v2;
	v2 =	vld [tilespmem:s31+$0xE920]  }
0x1e9: {  	[tilespmem:s31+$0x168A0] =	vst v3;
	v3 =	vld [tilespmem:s31+$0xE930]  }
0x1ea: {  	[tilespmem:s31+$0x168B0] =	vst v4;
	v4 =	vld [tilespmem:s31+$0xE980]  }
0x1eb: {  	[tilespmem:s31+$0x16900] =	vst v0;
	v0 =	vld [tilespmem:s31+$0xE990]  }
0x1ec: {  	[tilespmem:s31+$0x16910] =	vst v1;
	v1 =	vld [tilespmem:s31+$0xE9A0]  }
0x1ed: {  	[tilespmem:s31+$0x16920] =	vst v2;
	v2 =	vld [tilespmem:s31+$0xE9B0]  }
0x1ee: {  	[tilespmem:s31+$0x16930] =	vst v3;
	v3 =	vld [tilespmem:s31+$0xEA00]  }
0x1ef: {  	[tilespmem:s31+$0x16980] =	vst v4;
	v4 =	vld [tilespmem:s31+$0xEA10]  }
0x1f0: {  	[tilespmem:s31+$0x16990] =	vst v0;
	v0 =	vld [tilespmem:s31+$0xEA20]  }
0x1f1: {  	[tilespmem:s31+$0x169A0] =	vst v1;
	v1 =	vld [tilespmem:s31+$0xEA30]  }
0x1f2: {  	[tilespmem:s31+$0x169B0] =	vst v2;
	v2 =	vld [tilespmem:s31+$0xEA80]  }
0x1f3: {  	[tilespmem:s31+$0x16A00] =	vst v3;
	v3 =	vld [tilespmem:s31+$0xEA90]  }
0x1f4: {  	[tilespmem:s31+$0x16A10] =	vst v4;
	v4 =	vld [tilespmem:s31+$0xEAA0]  }
0x1f5: {  	[tilespmem:s31+$0x16A20] =	vst v0;
	v0 =	vld [tilespmem:s31+$0xEB20]  }
0x1f6: {  	[tilespmem:s31+$0x16A30] =	vst v1;
	v1 =	vld [tilespmem:s31+$0xEB30]  }
0x1f7: {  	[tilespmem:s31+$0x16A80] =	vst v2;
	v2 =	vld [tilespmem:s31+$0xEB80]  }
0x1f8: {  	[tilespmem:s31+$0x16A90] =	vst v3;
	v3 =	vld [tilespmem:s31+$0xEB90]  }
0x1f9: {  	s0 =	simm.s32 $0x800;
	s1 =	simm.s32 $0x4000;
	[tilespmem:s31+$0x16AA0] =	vst v4;
	v4 =	vld [tilespmem:s31+$0xEBA0]  }
.LBB2_7:
0x1fa: {  	p1 =	sne.s32 s1, $0xE000;
	v5 =	vld [tilespmem:s0+$0xEBB0];
	[tilespmem:s31+$0x16B20] =	vst v0  }
0x1fb: {  	v0 =	vld [tilespmem:s0+$0xE400];
	[tilespmem:s31+$0x16B30] =	vst v1  }
0x1fc: {  	v1 =	vld [tilespmem:s0+$0xE410];
	[tilespmem:s31+$0x16B80] =	vst v2  }
0x1fd: {  	v2 =	vld [tilespmem:s0+$0xE420];
	[tilespmem:s31+$0x16B90] =	vst v3  }
0x1fe: {  	v3 =	vld [tilespmem:s0+$0xE430];
	[tilespmem:s31+$0x16BA0] =	vst v4;
	s31 =	smov.u32 s0  }
0x1ff: {  	v4 =	vld [tilespmem:s31+$0xE480];
	[tilespmem:s31+$0x16BB0] =	vst v5  }
0x200: {  	[tilespmem:s31+$0x16400] =	vst v0;
	v0 =	vld [tilespmem:s31+$0xE490]  }
0x201: {  	[tilespmem:s31+$0x16410] =	vst v1;
	v1 =	vld [tilespmem:s31+$0xE4A0]  }
0x202: {  	[tilespmem:s31+$0x16420] =	vst v2;
	v2 =	vld [tilespmem:s31+$0xE4B0]  }
0x203: {  	[tilespmem:s31+$0x16430] =	vst v3;
	v3 =	vld [tilespmem:s31+$0xE500]  }
0x204: {  	[tilespmem:s31+$0x16480] =	vst v4;
	v4 =	vld [tilespmem:s31+$0xE510]  }
0x205: {  	[tilespmem:s31+$0x16490] =	vst v0;
	v0 =	vld [tilespmem:s31+$0xE520]  }
0x206: {  	[tilespmem:s31+$0x164A0] =	vst v1;
	v1 =	vld [tilespmem:s31+$0xE530]  }
0x207: {  	[tilespmem:s31+$0x164B0] =	vst v2;
	v2 =	vld [tilespmem:s31+$0xE580]  }
0x208: {  	[tilespmem:s31+$0x16500] =	vst v3;
	v3 =	vld [tilespmem:s31+$0xE590]  }
0x209: {  	[tilespmem:s31+$0x16510] =	vst v4;
	v4 =	vld [tilespmem:s31+$0xE5A0]  }
0x20a: {  	[tilespmem:s31+$0x16520] =	vst v0;
	v0 =	vld [tilespmem:s31+$0xE5B0]  }
0x20b: {  	[tilespmem:s31+$0x16530] =	vst v1;
	v1 =	vld [tilespmem:s31+$0xE600]  }
0x20c: {  	[tilespmem:s31+$0x16580] =	vst v2;
	v2 =	vld [tilespmem:s31+$0xE610]  }
0x20d: {  	[tilespmem:s31+$0x16590] =	vst v3;
	v3 =	vld [tilespmem:s31+$0xE620]  }
0x20e: {  	[tilespmem:s31+$0x165A0] =	vst v4;
	v4 =	vld [tilespmem:s31+$0xE630]  }
0x20f: {  	[tilespmem:s31+$0x165B0] =	vst v0;
	v0 =	vld [tilespmem:s31+$0xE680]  }
0x210: {  	[tilespmem:s31+$0x16600] =	vst v1;
	v1 =	vld [tilespmem:s31+$0xE690]  }
0x211: {  	[tilespmem:s31+$0x16610] =	vst v2;
	v2 =	vld [tilespmem:s31+$0xE6A0]  }
0x212: {  	[tilespmem:s31+$0x16620] =	vst v3;
	v3 =	vld [tilespmem:s31+$0xE6B0]  }
0x213: {  	[tilespmem:s31+$0x16630] =	vst v4;
	v4 =	vld [tilespmem:s31+$0xE700]  }
0x214: {  	[tilespmem:s31+$0x16680] =	vst v0;
	v0 =	vld [tilespmem:s31+$0xE710]  }
0x215: {  	[tilespmem:s31+$0x16690] =	vst v1;
	v1 =	vld [tilespmem:s31+$0xE720]  }
0x216: {  	[tilespmem:s31+$0x166A0] =	vst v2;
	v2 =	vld [tilespmem:s31+$0xE730]  }
0x217: {  	[tilespmem:s31+$0x166B0] =	vst v3;
	v3 =	vld [tilespmem:s31+$0xE780]  }
0x218: {  	[tilespmem:s31+$0x16700] =	vst v4;
	v4 =	vld [tilespmem:s31+$0xE790]  }
0x219: {  	[tilespmem:s31+$0x16710] =	vst v0;
	v0 =	vld [tilespmem:s31+$0xE7A0]  }
0x21a: {  	[tilespmem:s31+$0x16720] =	vst v1;
	v1 =	vld [tilespmem:s31+$0xE7B0]  }
0x21b: {  	[tilespmem:s31+$0x16730] =	vst v2;
	v2 =	vld [tilespmem:s31+$0xE800]  }
0x21c: {  	[tilespmem:s31+$0x16780] =	vst v3;
	v3 =	vld [tilespmem:s31+$0xE810]  }
0x21d: {  	[tilespmem:s31+$0x16790] =	vst v4;
	v4 =	vld [tilespmem:s31+$0xE820]  }
0x21e: {  	[tilespmem:s31+$0x167A0] =	vst v0;
	v0 =	vld [tilespmem:s31+$0xE830]  }
0x21f: {  	[tilespmem:s31+$0x167B0] =	vst v1;
	v1 =	vld [tilespmem:s31+$0xE880]  }
0x220: {  	[tilespmem:s31+$0x16800] =	vst v2;
	v2 =	vld [tilespmem:s31+$0xE890]  }
0x221: {  	[tilespmem:s31+$0x16810] =	vst v3;
	v3 =	vld [tilespmem:s31+$0xE8A0]  }
0x222: {  	[tilespmem:s31+$0x16820] =	vst v4;
	v4 =	vld [tilespmem:s31+$0xE8B0]  }
0x223: {  	[tilespmem:s31+$0x16830] =	vst v0;
	v0 =	vld [tilespmem:s31+$0xE900]  }
0x224: {  	[tilespmem:s31+$0x16880] =	vst v1;
	v1 =	vld [tilespmem:s31+$0xE910]  }
0x225: {  	[tilespmem:s31+$0x16890] =	vst v2;
	v2 =	vld [tilespmem:s31+$0xE920]  }
0x226: {  	[tilespmem:s31+$0x168A0] =	vst v3;
	v3 =	vld [tilespmem:s31+$0xE930]  }
0x227: {  	[tilespmem:s31+$0x168B0] =	vst v4;
	v4 =	vld [tilespmem:s31+$0xE980]  }
0x228: {  	[tilespmem:s31+$0x16900] =	vst v0;
	v0 =	vld [tilespmem:s31+$0xE990]  }
0x229: {  	[tilespmem:s31+$0x16910] =	vst v1;
	v1 =	vld [tilespmem:s31+$0xE9A0]  }
0x22a: {  	[tilespmem:s31+$0x16920] =	vst v2;
	v2 =	vld [tilespmem:s31+$0xE9B0]  }
0x22b: {  	[tilespmem:s31+$0x16930] =	vst v3;
	v3 =	vld [tilespmem:s31+$0xEA00]  }
0x22c: {  	[tilespmem:s31+$0x16980] =	vst v4;
	v4 =	vld [tilespmem:s31+$0xEA10]  }
0x22d: {  	[tilespmem:s31+$0x16990] =	vst v0;
	v0 =	vld [tilespmem:s31+$0xEA20]  }
0x22e: {  	[tilespmem:s31+$0x169A0] =	vst v1;
	v1 =	vld [tilespmem:s31+$0xEA30]  }
0x22f: {  	[tilespmem:s31+$0x169B0] =	vst v2;
	v2 =	vld [tilespmem:s31+$0xEA80]  }
0x230: {  	[tilespmem:s31+$0x16A00] =	vst v3;
	v3 =	vld [tilespmem:s31+$0xEA90]  }
0x231: {  	[tilespmem:s31+$0x16A10] =	vst v4;
	v4 =	vld [tilespmem:s31+$0xEAA0]  }
0x232: {  	[tilespmem:s31+$0x16A20] =	vst v0;
	v5 =	vld [tilespmem:s31+$0xEAB0]  }
0x233: {  	[tilespmem:s31+$0x16A30] =	vst v1;
	v6 =	vld [tilespmem:s31+$0xEB00]  }
0x234: {  	[tilespmem:s31+$0x16A80] =	vst v2;
	v7 =	vld [tilespmem:s31+$0xEB10]  }
.Ltmp2:
0x235: {  	[tilespmem:s31+$0x16A90] =	vst v3;
	v0 =	vld [tilespmem:s31+$0xEB20];
	(pc) =	sbr.rel @p1 .LBB2_7-.Ltmp2, $4  }
0x236: {  	[tilespmem:s31+$0x16AA0] =	vst v4;
	v1 =	vld [tilespmem:s31+$0xEB30]  }
0x237: {  	[tilespmem:s31+$0x16AB0] =	vst v5;
	v2 =	vld [tilespmem:s31+$0xEB80]  }
0x238: {  	[tilespmem:s31+$0x16B00] =	vst v6;
	v3 =	vld [tilespmem:s31+$0xEB90]  }
0x239: {  	s0 =	sshra.s32 s1, $0x2;
	s1 =	sadd.s32 $0x2000, s1;
	[tilespmem:s31+$0x16B10] =	vst v7;
	v4 =	vld [tilespmem:s31+$0xEBA0]  }
0x23a: {  	v5 =	vld [tilespmem:s0+$0xEBB0];
	[tilespmem:s31+$0x16B20] =	vst v0  }
0x23b: {  	v0 =	vld [tilespmem:s0+$0xE400];
	[tilespmem:s31+$0x16B30] =	vst v1  }
0x23c: {  	v1 =	vld [tilespmem:s0+$0xE410];
	[tilespmem:s31+$0x16B80] =	vst v2  }
0x23d: {  	v2 =	vld [tilespmem:s0+$0xE420];
	[tilespmem:s31+$0x16B90] =	vst v3  }
0x23e: {  	v3 =	vld [tilespmem:s0+$0xE430];
	[tilespmem:s31+$0x16BA0] =	vst v4  }
0x23f: {  	v4 =	vld [tilespmem:s0+$0xE480];
	[tilespmem:s0+$0x16BB0] =	vst v5  }
0x240: {  	[tilespmem:s0+$0x16400] =	vst v0;
	v0 =	vld [tilespmem:s0+$0xE490]  }
0x241: {  	[tilespmem:s0+$0x16410] =	vst v1;
	v1 =	vld [tilespmem:s0+$0xE4A0]  }
0x242: {  	[tilespmem:s0+$0x16420] =	vst v2;
	v2 =	vld [tilespmem:s0+$0xE4B0]  }
0x243: {  	[tilespmem:s0+$0x16430] =	vst v3;
	v3 =	vld [tilespmem:s0+$0xE500]  }
0x244: {  	[tilespmem:s0+$0x16480] =	vst v4;
	v4 =	vld [tilespmem:s0+$0xE510]  }
0x245: {  	[tilespmem:s0+$0x16490] =	vst v0;
	v0 =	vld [tilespmem:s0+$0xE520]  }
0x246: {  	[tilespmem:s0+$0x164A0] =	vst v1;
	v1 =	vld [tilespmem:s0+$0xE530]  }
0x247: {  	[tilespmem:s0+$0x164B0] =	vst v2;
	v2 =	vld [tilespmem:s0+$0xE580]  }
0x248: {  	[tilespmem:s0+$0x16500] =	vst v3;
	v3 =	vld [tilespmem:s0+$0xE590]  }
0x249: {  	[tilespmem:s0+$0x16510] =	vst v4;
	v4 =	vld [tilespmem:s0+$0xE5A0]  }
0x24a: {  	[tilespmem:s0+$0x16520] =	vst v0;
	v0 =	vld [tilespmem:s0+$0xE5B0]  }
0x24b: {  	[tilespmem:s0+$0x16530] =	vst v1;
	v1 =	vld [tilespmem:s0+$0xE600]  }
0x24c: {  	[tilespmem:s0+$0x16580] =	vst v2;
	v2 =	vld [tilespmem:s0+$0xE610]  }
0x24d: {  	[tilespmem:s0+$0x16590] =	vst v3;
	v3 =	vld [tilespmem:s0+$0xE620]  }
0x24e: {  	[tilespmem:s0+$0x165A0] =	vst v4;
	v4 =	vld [tilespmem:s0+$0xE630]  }
0x24f: {  	[tilespmem:s0+$0x165B0] =	vst v0;
	v0 =	vld [tilespmem:s0+$0xE680]  }
0x250: {  	[tilespmem:s0+$0x16600] =	vst v1;
	v1 =	vld [tilespmem:s0+$0xE690]  }
0x251: {  	[tilespmem:s0+$0x16610] =	vst v2;
	v2 =	vld [tilespmem:s0+$0xE6A0]  }
0x252: {  	[tilespmem:s0+$0x16620] =	vst v3;
	v3 =	vld [tilespmem:s0+$0xE6B0]  }
0x253: {  	[tilespmem:s0+$0x16630] =	vst v4;
	v4 =	vld [tilespmem:s0+$0xE700]  }
0x254: {  	[tilespmem:s0+$0x16680] =	vst v0;
	v0 =	vld [tilespmem:s0+$0xE710]  }
0x255: {  	[tilespmem:s0+$0x16690] =	vst v1;
	v1 =	vld [tilespmem:s0+$0xE720]  }
0x256: {  	[tilespmem:s0+$0x166A0] =	vst v2;
	v2 =	vld [tilespmem:s0+$0xE730]  }
0x257: {  	[tilespmem:s0+$0x166B0] =	vst v3;
	v3 =	vld [tilespmem:s0+$0xE780]  }
0x258: {  	[tilespmem:s0+$0x16700] =	vst v4;
	v4 =	vld [tilespmem:s0+$0xE790]  }
0x259: {  	[tilespmem:s0+$0x16710] =	vst v0;
	v0 =	vld [tilespmem:s0+$0xE7A0]  }
0x25a: {  	[tilespmem:s0+$0x16720] =	vst v1;
	v1 =	vld [tilespmem:s0+$0xE7B0]  }
0x25b: {  	[tilespmem:s0+$0x16730] =	vst v2;
	v2 =	vld [tilespmem:s0+$0xE800]  }
0x25c: {  	[tilespmem:s0+$0x16780] =	vst v3;
	v3 =	vld [tilespmem:s0+$0xE810]  }
0x25d: {  	[tilespmem:s0+$0x16790] =	vst v4;
	v4 =	vld [tilespmem:s0+$0xE820]  }
0x25e: {  	[tilespmem:s0+$0x167A0] =	vst v0;
	v0 =	vld [tilespmem:s0+$0xE830]  }
0x25f: {  	[tilespmem:s0+$0x167B0] =	vst v1;
	v1 =	vld [tilespmem:s0+$0xE880]  }
0x260: {  	[tilespmem:s0+$0x16800] =	vst v2;
	v2 =	vld [tilespmem:s0+$0xE890]  }
0x261: {  	[tilespmem:s0+$0x16810] =	vst v3;
	v3 =	vld [tilespmem:s0+$0xE8A0]  }
0x262: {  	[tilespmem:s0+$0x16820] =	vst v4;
	v4 =	vld [tilespmem:s0+$0xE8B0]  }
0x263: {  	[tilespmem:s0+$0x16830] =	vst v0;
	v0 =	vld [tilespmem:s0+$0xE900]  }
0x264: {  	[tilespmem:s0+$0x16880] =	vst v1;
	v1 =	vld [tilespmem:s0+$0xE910]  }
0x265: {  	[tilespmem:s0+$0x16890] =	vst v2;
	v2 =	vld [tilespmem:s0+$0xE920]  }
0x266: {  	[tilespmem:s0+$0x168A0] =	vst v3;
	v3 =	vld [tilespmem:s0+$0xE930]  }
0x267: {  	[tilespmem:s0+$0x168B0] =	vst v4;
	v4 =	vld [tilespmem:s0+$0xE980]  }
0x268: {  	[tilespmem:s0+$0x16900] =	vst v0;
	v0 =	vld [tilespmem:s0+$0xE990]  }
0x269: {  	[tilespmem:s0+$0x16910] =	vst v1;
	v1 =	vld [tilespmem:s0+$0xE9A0]  }
0x26a: {  	[tilespmem:s0+$0x16920] =	vst v2;
	v2 =	vld [tilespmem:s0+$0xE9B0]  }
0x26b: {  	[tilespmem:s0+$0x16930] =	vst v3;
	v3 =	vld [tilespmem:s0+$0xEA00]  }
0x26c: {  	[tilespmem:s0+$0x16980] =	vst v4;
	v4 =	vld [tilespmem:s0+$0xEA10]  }
0x26d: {  	[tilespmem:s0+$0x16990] =	vst v0;
	v0 =	vld [tilespmem:s0+$0xEA20]  }
0x26e: {  	[tilespmem:s0+$0x169A0] =	vst v1;
	v1 =	vld [tilespmem:s0+$0xEA30]  }
0x26f: {  	[tilespmem:s0+$0x169B0] =	vst v2;
	v2 =	vld [tilespmem:s0+$0xEA80]  }
0x270: {  	[tilespmem:s0+$0x16A00] =	vst v3;
	v3 =	vld [tilespmem:s0+$0xEA90]  }
0x271: {  	[tilespmem:s0+$0x16A10] =	vst v4;
	v4 =	vld [tilespmem:s0+$0xEAA0]  }
0x272: {  	[tilespmem:s0+$0x16A20] =	vst v0;
	v0 =	vld [tilespmem:s0+$0xEAB0]  }
0x273: {  	[tilespmem:s0+$0x16A30] =	vst v1;
	v1 =	vld [tilespmem:s0+$0xEB00]  }
0x274: {  	[tilespmem:s0+$0x16A80] =	vst v2;
	v2 =	vld [tilespmem:s0+$0xEB10]  }
0x275: {  	[tilespmem:s0+$0x16A90] =	vst v3;
	v3 =	vld [tilespmem:s0+$0xEB20]  }
0x276: {  	[tilespmem:s0+$0x16AA0] =	vst v4;
	v4 =	vld [tilespmem:s0+$0xEB30]  }
0x277: {  	[tilespmem:s0+$0x16AB0] =	vst v0;
	v0 =	vld [tilespmem:s0+$0xEB80]  }
0x278: {  	[tilespmem:s0+$0x16B00] =	vst v1;
	v1 =	vld [tilespmem:s0+$0xEB90]  }
0x279: {  	[tilespmem:s0+$0x16B10] =	vst v2;
	v2 =	vld [tilespmem:s0+$0xEBA0]  }
0x27a: {  	[tilespmem:s0+$0x16B20] =	vst v3  }
0x27b: {  	[tilespmem:s0+$0x16B30] =	vst v4  }
0x27c: {  	s1 =	sadd.s32 s30, s8;
	[tilespmem:s0+$0x16B80] =	vst v0  }
0x27d: {  	s1 =	sshll.u32 s1, $0x4;
	[tilespmem:s0+$0x16B90] =	vst v1  }
0x27e: {  	s31 =	sadd.s32 s4, s1;
	[tilespmem:s0+$0x16BA0] =	vst v2  }
0x27f: {  	[hbm4b:s31+s3] =	stream.linear.scatter [tilespmem:s18], [sflag:$0x5], $0x4000, $0x38;
	[tilespmem:$0x1E400] =	vst v63  }
0x280: {  	_ =	swait.ge [sflag:s23], $0x4000  }
0x281: {  	s1 =	simm.s32 @!p0 $0x80;
	[sflag:s23] =	ssyncset.done $0x0  }
0x282: {  	s0 =	sadd.s32 @!p0 $0x300, s29;
	s29 =	simm.s32 @!p0 $0xE400;
	[sflag:s23] =	ssyncadd.s32 $0xFFFFC000  }
0x283: {  	[tilespmem:s29], [sflag:$0x3] =	stream.indirect.gather @!p0 [hbm4b:s2+s1], $0x80, s0, s1, $0xb8;
	[tilespmem:$0x1E400] =	vst v63  }
0x284: {  	_ =	swait.ge [sflag:s24], $0x4000  }
0x285: {  	[sflag:s24] =	ssyncset.done $0x0  }
0x286: {  	s29 =	simm.s32 $0x0;
	[sflag:s24] =	ssyncadd.s32 $0xFFFFC000  }
0x287: {  	v0 =	vld [tilespmem:s29+$0x12BB0]  }
0x288: {  	v1 =	vld [tilespmem:s29+$0x12400]  }
0x289: {  	v2 =	vld [tilespmem:s29+$0x12410]  }
0x28a: {  	v3 =	vld [tilespmem:s29+$0x12420]  }
0x28b: {  	v4 =	vld [tilespmem:s29+$0x12430]  }
0x28c: {  	v5 =	vld [tilespmem:s29+$0x12480];
	[tilespmem:s29+$0x1ABB0] =	vst v0  }
0x28d: {  	v6 =	vld [tilespmem:s29+$0x12B00];
	[tilespmem:s29+$0x1A400] =	vst v1  }
0x28e: {  	v7 =	vld [tilespmem:s29+$0x12B10];
	[tilespmem:s29+$0x1A410] =	vst v2  }
0x28f: {  	v0 =	vld [tilespmem:s29+$0x12490];
	[tilespmem:s29+$0x1A420] =	vst v3  }
0x290: {  	v1 =	vld [tilespmem:s29+$0x124A0];
	[tilespmem:s29+$0x1A430] =	vst v4  }
0x291: {  	v2 =	vld [tilespmem:s29+$0x124B0];
	[tilespmem:s29+$0x1A480] =	vst v5  }
0x292: {  	v3 =	vld [tilespmem:s29+$0x12500];
	[tilespmem:s29+$0x1AB00] =	vst v6  }
0x293: {  	v4 =	vld [tilespmem:s29+$0x12510];
	[tilespmem:s29+$0x1AB10] =	vst v7  }
0x294: {  	v5 =	vld [tilespmem:s29+$0x12AB0];
	[tilespmem:s29+$0x1A490] =	vst v0  }
0x295: {  	v0 =	vld [tilespmem:s29+$0x12520];
	[tilespmem:s29+$0x1A4A0] =	vst v1  }
0x296: {  	v1 =	vld [tilespmem:s29+$0x12530];
	[tilespmem:s29+$0x1A4B0] =	vst v2  }
0x297: {  	v2 =	vld [tilespmem:s29+$0x12580];
	[tilespmem:s29+$0x1A500] =	vst v3  }
0x298: {  	v3 =	vld [tilespmem:s29+$0x12590];
	[tilespmem:s29+$0x1A510] =	vst v4  }
0x299: {  	v4 =	vld [tilespmem:s29+$0x125A0];
	[tilespmem:s29+$0x1AAB0] =	vst v5  }
0x29a: {  	[tilespmem:s29+$0x1A520] =	vst v0;
	v0 =	vld [tilespmem:s29+$0x125B0]  }
0x29b: {  	[tilespmem:s29+$0x1A530] =	vst v1;
	v1 =	vld [tilespmem:s29+$0x12600]  }
0x29c: {  	[tilespmem:s29+$0x1A580] =	vst v2;
	v2 =	vld [tilespmem:s29+$0x12610]  }
0x29d: {  	[tilespmem:s29+$0x1A590] =	vst v3;
	v3 =	vld [tilespmem:s29+$0x12620]  }
0x29e: {  	[tilespmem:s29+$0x1A5A0] =	vst v4;
	v4 =	vld [tilespmem:s29+$0x12630]  }
0x29f: {  	[tilespmem:s29+$0x1A5B0] =	vst v0;
	v0 =	vld [tilespmem:s29+$0x12680]  }
0x2a0: {  	[tilespmem:s29+$0x1A600] =	vst v1;
	v1 =	vld [tilespmem:s29+$0x12690]  }
0x2a1: {  	[tilespmem:s29+$0x1A610] =	vst v2;
	v2 =	vld [tilespmem:s29+$0x126A0]  }
0x2a2: {  	[tilespmem:s29+$0x1A620] =	vst v3;
	v3 =	vld [tilespmem:s29+$0x126B0]  }
0x2a3: {  	[tilespmem:s29+$0x1A630] =	vst v4;
	v4 =	vld [tilespmem:s29+$0x12700]  }
0x2a4: {  	[tilespmem:s29+$0x1A680] =	vst v0;
	v0 =	vld [tilespmem:s29+$0x12710]  }
0x2a5: {  	[tilespmem:s29+$0x1A690] =	vst v1;
	v1 =	vld [tilespmem:s29+$0x12720]  }
0x2a6: {  	[tilespmem:s29+$0x1A6A0] =	vst v2;
	v2 =	vld [tilespmem:s29+$0x12730]  }
0x2a7: {  	[tilespmem:s29+$0x1A6B0] =	vst v3;
	v3 =	vld [tilespmem:s29+$0x12780]  }
0x2a8: {  	[tilespmem:s29+$0x1A700] =	vst v4;
	v4 =	vld [tilespmem:s29+$0x12790]  }
0x2a9: {  	[tilespmem:s29+$0x1A710] =	vst v0;
	v0 =	vld [tilespmem:s29+$0x127A0]  }
0x2aa: {  	[tilespmem:s29+$0x1A720] =	vst v1;
	v1 =	vld [tilespmem:s29+$0x127B0]  }
0x2ab: {  	[tilespmem:s29+$0x1A730] =	vst v2;
	v2 =	vld [tilespmem:s29+$0x12800]  }
0x2ac: {  	[tilespmem:s29+$0x1A780] =	vst v3;
	v3 =	vld [tilespmem:s29+$0x12810]  }
0x2ad: {  	[tilespmem:s29+$0x1A790] =	vst v4;
	v4 =	vld [tilespmem:s29+$0x12820]  }
0x2ae: {  	[tilespmem:s29+$0x1A7A0] =	vst v0;
	v0 =	vld [tilespmem:s29+$0x12830]  }
0x2af: {  	[tilespmem:s29+$0x1A7B0] =	vst v1;
	v1 =	vld [tilespmem:s29+$0x12880]  }
0x2b0: {  	[tilespmem:s29+$0x1A800] =	vst v2;
	v2 =	vld [tilespmem:s29+$0x12890]  }
0x2b1: {  	[tilespmem:s29+$0x1A810] =	vst v3;
	v3 =	vld [tilespmem:s29+$0x128A0]  }
0x2b2: {  	[tilespmem:s29+$0x1A820] =	vst v4;
	v4 =	vld [tilespmem:s29+$0x128B0]  }
0x2b3: {  	[tilespmem:s29+$0x1A830] =	vst v0;
	v0 =	vld [tilespmem:s29+$0x12900]  }
0x2b4: {  	[tilespmem:s29+$0x1A880] =	vst v1;
	v1 =	vld [tilespmem:s29+$0x12910]  }
0x2b5: {  	[tilespmem:s29+$0x1A890] =	vst v2;
	v2 =	vld [tilespmem:s29+$0x12920]  }
0x2b6: {  	[tilespmem:s29+$0x1A8A0] =	vst v3;
	v3 =	vld [tilespmem:s29+$0x12930]  }
0x2b7: {  	[tilespmem:s29+$0x1A8B0] =	vst v4;
	v4 =	vld [tilespmem:s29+$0x12980]  }
0x2b8: {  	[tilespmem:s29+$0x1A900] =	vst v0;
	v0 =	vld [tilespmem:s29+$0x12990]  }
0x2b9: {  	[tilespmem:s29+$0x1A910] =	vst v1;
	v1 =	vld [tilespmem:s29+$0x129A0]  }
0x2ba: {  	[tilespmem:s29+$0x1A920] =	vst v2;
	v2 =	vld [tilespmem:s29+$0x129B0]  }
0x2bb: {  	[tilespmem:s29+$0x1A930] =	vst v3;
	v3 =	vld [tilespmem:s29+$0x12A00]  }
0x2bc: {  	[tilespmem:s29+$0x1A980] =	vst v4;
	v4 =	vld [tilespmem:s29+$0x12A10]  }
0x2bd: {  	[tilespmem:s29+$0x1A990] =	vst v0;
	v0 =	vld [tilespmem:s29+$0x12A20]  }
0x2be: {  	[tilespmem:s29+$0x1A9A0] =	vst v1;
	v1 =	vld [tilespmem:s29+$0x12A30]  }
0x2bf: {  	[tilespmem:s29+$0x1A9B0] =	vst v2;
	v2 =	vld [tilespmem:s29+$0x12A80]  }
0x2c0: {  	[tilespmem:s29+$0x1AA00] =	vst v3;
	v3 =	vld [tilespmem:s29+$0x12A90]  }
0x2c1: {  	[tilespmem:s29+$0x1AA10] =	vst v4;
	v4 =	vld [tilespmem:s29+$0x12AA0]  }
0x2c2: {  	[tilespmem:s29+$0x1AA20] =	vst v0;
	v0 =	vld [tilespmem:s29+$0x12B20]  }
0x2c3: {  	[tilespmem:s29+$0x1AA30] =	vst v1;
	v1 =	vld [tilespmem:s29+$0x12B30]  }
0x2c4: {  	[tilespmem:s29+$0x1AA80] =	vst v2;
	v2 =	vld [tilespmem:s29+$0x12B80]  }
0x2c5: {  	[tilespmem:s29+$0x1AA90] =	vst v3;
	v3 =	vld [tilespmem:s29+$0x12B90]  }
0x2c6: {  	s30 =	simm.s32 $0x800;
	s1 =	simm.s32 $0x4000;
	[tilespmem:s29+$0x1AAA0] =	vst v4;
	v4 =	vld [tilespmem:s29+$0x12BA0]  }
.LBB2_9:
0x2c7: {  	p0 =	sne.s32 s1, $0xE000;
	v5 =	vld [tilespmem:s30+$0x12BB0];
	[tilespmem:s29+$0x1AB20] =	vst v0  }
0x2c8: {  	v0 =	vld [tilespmem:s30+$0x12400];
	[tilespmem:s29+$0x1AB30] =	vst v1  }
0x2c9: {  	v1 =	vld [tilespmem:s30+$0x12410];
	[tilespmem:s29+$0x1AB80] =	vst v2  }
0x2ca: {  	v2 =	vld [tilespmem:s30+$0x12420];
	[tilespmem:s29+$0x1AB90] =	vst v3  }
0x2cb: {  	v3 =	vld [tilespmem:s30+$0x12430];
	[tilespmem:s29+$0x1ABA0] =	vst v4;
	s29 =	smov.u32 s30  }
0x2cc: {  	v4 =	vld [tilespmem:s29+$0x12480];
	[tilespmem:s29+$0x1ABB0] =	vst v5  }
0x2cd: {  	[tilespmem:s29+$0x1A400] =	vst v0;
	v0 =	vld [tilespmem:s29+$0x12490]  }
0x2ce: {  	[tilespmem:s29+$0x1A410] =	vst v1;
	v1 =	vld [tilespmem:s29+$0x124A0]  }
0x2cf: {  	[tilespmem:s29+$0x1A420] =	vst v2;
	v2 =	vld [tilespmem:s29+$0x124B0]  }
0x2d0: {  	[tilespmem:s29+$0x1A430] =	vst v3;
	v3 =	vld [tilespmem:s29+$0x12500]  }
0x2d1: {  	[tilespmem:s29+$0x1A480] =	vst v4;
	v4 =	vld [tilespmem:s29+$0x12510]  }
0x2d2: {  	[tilespmem:s29+$0x1A490] =	vst v0;
	v0 =	vld [tilespmem:s29+$0x12520]  }
0x2d3: {  	[tilespmem:s29+$0x1A4A0] =	vst v1;
	v1 =	vld [tilespmem:s29+$0x12530]  }
0x2d4: {  	[tilespmem:s29+$0x1A4B0] =	vst v2;
	v2 =	vld [tilespmem:s29+$0x12580]  }
0x2d5: {  	[tilespmem:s29+$0x1A500] =	vst v3;
	v3 =	vld [tilespmem:s29+$0x12590]  }
0x2d6: {  	[tilespmem:s29+$0x1A510] =	vst v4;
	v4 =	vld [tilespmem:s29+$0x125A0]  }
0x2d7: {  	[tilespmem:s29+$0x1A520] =	vst v0;
	v0 =	vld [tilespmem:s29+$0x125B0]  }
0x2d8: {  	[tilespmem:s29+$0x1A530] =	vst v1;
	v1 =	vld [tilespmem:s29+$0x12600]  }
0x2d9: {  	[tilespmem:s29+$0x1A580] =	vst v2;
	v2 =	vld [tilespmem:s29+$0x12610]  }
0x2da: {  	[tilespmem:s29+$0x1A590] =	vst v3;
	v3 =	vld [tilespmem:s29+$0x12620]  }
0x2db: {  	[tilespmem:s29+$0x1A5A0] =	vst v4;
	v4 =	vld [tilespmem:s29+$0x12630]  }
0x2dc: {  	[tilespmem:s29+$0x1A5B0] =	vst v0;
	v0 =	vld [tilespmem:s29+$0x12680]  }
0x2dd: {  	[tilespmem:s29+$0x1A600] =	vst v1;
	v1 =	vld [tilespmem:s29+$0x12690]  }
0x2de: {  	[tilespmem:s29+$0x1A610] =	vst v2;
	v2 =	vld [tilespmem:s29+$0x126A0]  }
0x2df: {  	[tilespmem:s29+$0x1A620] =	vst v3;
	v3 =	vld [tilespmem:s29+$0x126B0]  }
0x2e0: {  	[tilespmem:s29+$0x1A630] =	vst v4;
	v4 =	vld [tilespmem:s29+$0x12700]  }
0x2e1: {  	[tilespmem:s29+$0x1A680] =	vst v0;
	v0 =	vld [tilespmem:s29+$0x12710]  }
0x2e2: {  	[tilespmem:s29+$0x1A690] =	vst v1;
	v1 =	vld [tilespmem:s29+$0x12720]  }
0x2e3: {  	[tilespmem:s29+$0x1A6A0] =	vst v2;
	v2 =	vld [tilespmem:s29+$0x12730]  }
0x2e4: {  	[tilespmem:s29+$0x1A6B0] =	vst v3;
	v3 =	vld [tilespmem:s29+$0x12780]  }
0x2e5: {  	[tilespmem:s29+$0x1A700] =	vst v4;
	v4 =	vld [tilespmem:s29+$0x12790]  }
0x2e6: {  	[tilespmem:s29+$0x1A710] =	vst v0;
	v0 =	vld [tilespmem:s29+$0x127A0]  }
0x2e7: {  	[tilespmem:s29+$0x1A720] =	vst v1;
	v1 =	vld [tilespmem:s29+$0x127B0]  }
0x2e8: {  	[tilespmem:s29+$0x1A730] =	vst v2;
	v2 =	vld [tilespmem:s29+$0x12800]  }
0x2e9: {  	[tilespmem:s29+$0x1A780] =	vst v3;
	v3 =	vld [tilespmem:s29+$0x12810]  }
0x2ea: {  	[tilespmem:s29+$0x1A790] =	vst v4;
	v4 =	vld [tilespmem:s29+$0x12820]  }
0x2eb: {  	[tilespmem:s29+$0x1A7A0] =	vst v0;
	v0 =	vld [tilespmem:s29+$0x12830]  }
0x2ec: {  	[tilespmem:s29+$0x1A7B0] =	vst v1;
	v1 =	vld [tilespmem:s29+$0x12880]  }
0x2ed: {  	[tilespmem:s29+$0x1A800] =	vst v2;
	v2 =	vld [tilespmem:s29+$0x12890]  }
0x2ee: {  	[tilespmem:s29+$0x1A810] =	vst v3;
	v3 =	vld [tilespmem:s29+$0x128A0]  }
0x2ef: {  	[tilespmem:s29+$0x1A820] =	vst v4;
	v4 =	vld [tilespmem:s29+$0x128B0]  }
0x2f0: {  	[tilespmem:s29+$0x1A830] =	vst v0;
	v0 =	vld [tilespmem:s29+$0x12900]  }
0x2f1: {  	[tilespmem:s29+$0x1A880] =	vst v1;
	v1 =	vld [tilespmem:s29+$0x12910]  }
0x2f2: {  	[tilespmem:s29+$0x1A890] =	vst v2;
	v2 =	vld [tilespmem:s29+$0x12920]  }
0x2f3: {  	[tilespmem:s29+$0x1A8A0] =	vst v3;
	v3 =	vld [tilespmem:s29+$0x12930]  }
0x2f4: {  	[tilespmem:s29+$0x1A8B0] =	vst v4;
	v4 =	vld [tilespmem:s29+$0x12980]  }
0x2f5: {  	[tilespmem:s29+$0x1A900] =	vst v0;
	v0 =	vld [tilespmem:s29+$0x12990]  }
0x2f6: {  	[tilespmem:s29+$0x1A910] =	vst v1;
	v1 =	vld [tilespmem:s29+$0x129A0]  }
0x2f7: {  	[tilespmem:s29+$0x1A920] =	vst v2;
	v2 =	vld [tilespmem:s29+$0x129B0]  }
0x2f8: {  	[tilespmem:s29+$0x1A930] =	vst v3;
	v3 =	vld [tilespmem:s29+$0x12A00]  }
0x2f9: {  	[tilespmem:s29+$0x1A980] =	vst v4;
	v4 =	vld [tilespmem:s29+$0x12A10]  }
0x2fa: {  	[tilespmem:s29+$0x1A990] =	vst v0;
	v0 =	vld [tilespmem:s29+$0x12A20]  }
0x2fb: {  	[tilespmem:s29+$0x1A9A0] =	vst v1;
	v1 =	vld [tilespmem:s29+$0x12A30]  }
0x2fc: {  	[tilespmem:s29+$0x1A9B0] =	vst v2;
	v2 =	vld [tilespmem:s29+$0x12A80]  }
0x2fd: {  	[tilespmem:s29+$0x1AA00] =	vst v3;
	v3 =	vld [tilespmem:s29+$0x12A90]  }
0x2fe: {  	[tilespmem:s29+$0x1AA10] =	vst v4;
	v4 =	vld [tilespmem:s29+$0x12AA0]  }
0x2ff: {  	[tilespmem:s29+$0x1AA20] =	vst v0;
	v5 =	vld [tilespmem:s29+$0x12AB0]  }
0x300: {  	[tilespmem:s29+$0x1AA30] =	vst v1;
	v6 =	vld [tilespmem:s29+$0x12B00]  }
0x301: {  	[tilespmem:s29+$0x1AA80] =	vst v2;
	v7 =	vld [tilespmem:s29+$0x12B10]  }
.Ltmp3:
0x302: {  	[tilespmem:s29+$0x1AA90] =	vst v3;
	v0 =	vld [tilespmem:s29+$0x12B20];
	(pc) =	sbr.rel @p0 .LBB2_9-.Ltmp3, $4  }
0x303: {  	[tilespmem:s29+$0x1AAA0] =	vst v4;
	v1 =	vld [tilespmem:s29+$0x12B30]  }
0x304: {  	[tilespmem:s29+$0x1AAB0] =	vst v5;
	v2 =	vld [tilespmem:s29+$0x12B80]  }
0x305: {  	[tilespmem:s29+$0x1AB00] =	vst v6;
	v3 =	vld [tilespmem:s29+$0x12B90]  }
0x306: {  	s30 =	sshra.s32 s1, $0x2;
	s1 =	sadd.s32 $0x2000, s1;
	[tilespmem:s29+$0x1AB10] =	vst v7;
	v4 =	vld [tilespmem:s29+$0x12BA0]  }
0x307: {  	v5 =	vld [tilespmem:s30+$0x12BB0];
	[tilespmem:s29+$0x1AB20] =	vst v0  }
0x308: {  	v0 =	vld [tilespmem:s30+$0x12400];
	[tilespmem:s29+$0x1AB30] =	vst v1  }
0x309: {  	v1 =	vld [tilespmem:s30+$0x12410];
	[tilespmem:s29+$0x1AB80] =	vst v2  }
0x30a: {  	v2 =	vld [tilespmem:s30+$0x12420];
	[tilespmem:s29+$0x1AB90] =	vst v3  }
0x30b: {  	v3 =	vld [tilespmem:s30+$0x12430];
	[tilespmem:s29+$0x1ABA0] =	vst v4  }
0x30c: {  	v4 =	vld [tilespmem:s30+$0x12480];
	[tilespmem:s30+$0x1ABB0] =	vst v5  }
0x30d: {  	v62 =	vld [tilespmem:s30+$0x12490];
	[tilespmem:s30+$0x1A400] =	vst v0  }
0x30e: {  	v63 =	vld [tilespmem:s30+$0x124A0];
	[tilespmem:s30+$0x1A410] =	vst v1  }
0x30f: {  	v8 =	vld [tilespmem:s30+$0x124B0];
	[tilespmem:s30+$0x1A420] =	vst v2  }
0x310: {  	v9 =	vld [tilespmem:s30+$0x12500];
	[tilespmem:s30+$0x1A430] =	vst v3  }
0x311: {  	v10 =	vld [tilespmem:s30+$0x12510];
	[tilespmem:s30+$0x1A480] =	vst v4  }
0x312: {  	v11 =	vld [tilespmem:s30+$0x12520];
	[tilespmem:s30+$0x1A490] =	vst v62  }
0x313: {  	v12 =	vld [tilespmem:s30+$0x12530];
	[tilespmem:s30+$0x1A4A0] =	vst v63  }
0x314: {  	v13 =	vld [tilespmem:s30+$0x12580];
	[tilespmem:s30+$0x1A4B0] =	vst v8  }
0x315: {  	v14 =	vld [tilespmem:s30+$0x12590];
	[tilespmem:s30+$0x1A500] =	vst v9  }
0x316: {  	v15 =	vld [tilespmem:s30+$0x125A0];
	[tilespmem:s30+$0x1A510] =	vst v10  }
0x317: {  	v16 =	vld [tilespmem:s30+$0x125B0];
	[tilespmem:s30+$0x1A520] =	vst v11  }
0x318: {  	v17 =	vld [tilespmem:s30+$0x12600];
	[tilespmem:s30+$0x1A530] =	vst v12  }
0x319: {  	v18 =	vld [tilespmem:s30+$0x12610];
	[tilespmem:s30+$0x1A580] =	vst v13  }
0x31a: {  	v19 =	vld [tilespmem:s30+$0x12620];
	[tilespmem:s30+$0x1A590] =	vst v14  }
0x31b: {  	v20 =	vld [tilespmem:s30+$0x12630];
	[tilespmem:s30+$0x1A5A0] =	vst v15  }
0x31c: {  	v21 =	vld [tilespmem:s30+$0x12680];
	[tilespmem:s30+$0x1A5B0] =	vst v16  }
0x31d: {  	v22 =	vld [tilespmem:s30+$0x12690];
	[tilespmem:s30+$0x1A600] =	vst v17  }
0x31e: {  	v23 =	vld [tilespmem:s30+$0x126A0];
	[tilespmem:s30+$0x1A610] =	vst v18  }
0x31f: {  	v24 =	vld [tilespmem:s30+$0x126B0];
	[tilespmem:s30+$0x1A620] =	vst v19  }
0x320: {  	v25 =	vld [tilespmem:s30+$0x12700];
	[tilespmem:s30+$0x1A630] =	vst v20  }
0x321: {  	v26 =	vld [tilespmem:s30+$0x12710];
	[tilespmem:s30+$0x1A680] =	vst v21  }
0x322: {  	v27 =	vld [tilespmem:s30+$0x12720];
	[tilespmem:s30+$0x1A690] =	vst v22  }
0x323: {  	v28 =	vld [tilespmem:s30+$0x12730];
	[tilespmem:s30+$0x1A6A0] =	vst v23  }
0x324: {  	v29 =	vld [tilespmem:s30+$0x12780];
	[tilespmem:s30+$0x1A6B0] =	vst v24  }
0x325: {  	v30 =	vld [tilespmem:s30+$0x12790];
	[tilespmem:s30+$0x1A700] =	vst v25  }
0x326: {  	v31 =	vld [tilespmem:s30+$0x127A0];
	[tilespmem:s30+$0x1A710] =	vst v26  }
0x327: {  	v32 =	vld [tilespmem:s30+$0x127B0];
	[tilespmem:s30+$0x1A720] =	vst v27  }
0x328: {  	v33 =	vld [tilespmem:s30+$0x12800];
	[tilespmem:s30+$0x1A730] =	vst v28  }
0x329: {  	v34 =	vld [tilespmem:s30+$0x12810];
	[tilespmem:s30+$0x1A780] =	vst v29  }
0x32a: {  	v35 =	vld [tilespmem:s30+$0x12820];
	[tilespmem:s30+$0x1A790] =	vst v30  }
0x32b: {  	v36 =	vld [tilespmem:s30+$0x12830];
	[tilespmem:s30+$0x1A7A0] =	vst v31  }
0x32c: {  	v37 =	vld [tilespmem:s30+$0x12880];
	[tilespmem:s30+$0x1A7B0] =	vst v32  }
0x32d: {  	v38 =	vld [tilespmem:s30+$0x12890];
	[tilespmem:s30+$0x1A800] =	vst v33  }
0x32e: {  	v39 =	vld [tilespmem:s30+$0x128A0];
	[tilespmem:s30+$0x1A810] =	vst v34  }
0x32f: {  	v40 =	vld [tilespmem:s30+$0x128B0];
	[tilespmem:s30+$0x1A820] =	vst v35  }
0x330: {  	v41 =	vld [tilespmem:s30+$0x12900];
	[tilespmem:s30+$0x1A830] =	vst v36  }
0x331: {  	v42 =	vld [tilespmem:s30+$0x12910];
	[tilespmem:s30+$0x1A880] =	vst v37  }
0x332: {  	v43 =	vld [tilespmem:s30+$0x12920];
	[tilespmem:s30+$0x1A890] =	vst v38  }
0x333: {  	v44 =	vld [tilespmem:s30+$0x12930];
	[tilespmem:s30+$0x1A8A0] =	vst v39  }
0x334: {  	v45 =	vld [tilespmem:s30+$0x12980];
	[tilespmem:s30+$0x1A8B0] =	vst v40  }
0x335: {  	v46 =	vld [tilespmem:s30+$0x12990];
	[tilespmem:s30+$0x1A900] =	vst v41  }
0x336: {  	v47 =	vld [tilespmem:s30+$0x129A0];
	[tilespmem:s30+$0x1A910] =	vst v42  }
0x337: {  	v48 =	vld [tilespmem:s30+$0x129B0];
	[tilespmem:s30+$0x1A920] =	vst v43  }
0x338: {  	v49 =	vld [tilespmem:s30+$0x12A00];
	[tilespmem:s30+$0x1A930] =	vst v44  }
0x339: {  	v50 =	vld [tilespmem:s30+$0x12A10];
	[tilespmem:s30+$0x1A980] =	vst v45  }
0x33a: {  	v51 =	vld [tilespmem:s30+$0x12A20];
	[tilespmem:s30+$0x1A990] =	vst v46  }
0x33b: {  	v52 =	vld [tilespmem:s30+$0x12A30];
	[tilespmem:s30+$0x1A9A0] =	vst v47  }
0x33c: {  	v53 =	vld [tilespmem:s30+$0x12A80];
	[tilespmem:s30+$0x1A9B0] =	vst v48  }
0x33d: {  	v54 =	vld [tilespmem:s30+$0x12A90];
	[tilespmem:s30+$0x1AA00] =	vst v49  }
0x33e: {  	v55 =	vld [tilespmem:s30+$0x12AA0];
	[tilespmem:s30+$0x1AA10] =	vst v50  }
0x33f: {  	v56 =	vld [tilespmem:s30+$0x12AB0];
	[tilespmem:s30+$0x1AA20] =	vst v51  }
0x340: {  	v57 =	vld [tilespmem:s30+$0x12B00];
	[tilespmem:s30+$0x1AA30] =	vst v52  }
0x341: {  	v58 =	vld [tilespmem:s30+$0x12B10];
	[tilespmem:s30+$0x1AA80] =	vst v53  }
0x342: {  	v59 =	vld [tilespmem:s30+$0x12B20];
	[tilespmem:s30+$0x1AA90] =	vst v54  }
0x343: {  	v60 =	vld [tilespmem:s30+$0x12B30];
	[tilespmem:s30+$0x1AAA0] =	vst v55  }
0x344: {  	v61 =	vld [tilespmem:s30+$0x12B80];
	[tilespmem:s30+$0x1AAB0] =	vst v56  }
0x345: {  	[tilespmem:s30+$0x1AB00] =	vst v57;
	v62 =	vld [tilespmem:s30+$0x12B90]  }
0x346: {  	s26 =	sadd.s32 $0x1, s26;
	[tilespmem:s30+$0x1AB10] =	vst v58;
	v63 =	vld [tilespmem:s30+$0x12BA0]  }
0x347: {  	p0 =	sne.s32 s26, $0x32;
	[tilespmem:s30+$0x1AB20] =	vst v59  }
.Ltmp4:
0x348: {  	s0 =	sshll.u32 s28, $0xE;
	[tilespmem:s30+$0x1AB30] =	vst v60;
	(pc) =	sbr.rel @p0 .LBB2_2-.Ltmp4, $4  }
0x349: {  	s0 =	sadd.s32 s6, s0;
	[tilespmem:s30+$0x1AB80] =	vst v61  }
0x34a: {  	s0 =	sshrl.u32 s0, $0x3;
	[tilespmem:s30+$0x1AB90] =	vst v62  }
0x34b: {  	s0 =	sadd.s32 s4, s0;
	[tilespmem:s30+$0x1ABA0] =	vst v63  }
0x34c: {  	[hbm4b:s0+s3] =	stream.linear.scatter [tilespmem:s20], [sflag:$0x6], $0x4000, $0x38;
	[tilespmem:$0x1E400] =	vst v63  }
0x34d: {  	s25 =	sadd.s32 $0x1, s25  }
0x34e: {  	_ =	swait.ge [sflag:s22], $0x4000;
	p0 =	sne.s32 s25, s9  }
.Ltmp5:
0x34f: {  	[sflag:s22] =	ssyncset.done $0x0;
	(pc) =	sbr.rel @p0 .LBB2_1-.Ltmp5, $4  }
0x350: {  	[sflag:s22] =	ssyncadd.s32 $0xFFFFC000  }
0x351: {  	_ =	swait.ge [sflag:s24], $0x4000  }
0x352: {  	[sflag:s24] =	ssyncset.done $0x0  }
0x353: {  	[sflag:s24] =	ssyncadd.s32 $0xFFFFC000  }
0x354: {  	_ =	sfence.sel $0x180000  }
0x355: {  	[bflag:$0x0] =	sbarrier.arrive $0xFFFF  }
0x356: {  	_ =	strace $0x90000047  }
0x357: {  	s0 =	stileid.u32;
	[bflag:$0x2] =	sbarrier.arrive $0xFFFF  }
0x358: {  	p0 =	sne.s32 s0, $0x0;
	s0 =	rddreg [dreg:$0x3]  }
0x359: {  	s0 =	sadd.s32 @!p0 $0x100000, s0  }
0x35a: {  	[sflag:s0] =	ssyncadd.tile.s32 @!p0 $0x1;
	_ =	shalt  }
.Lfunc_end2:
_tile_overlayer_lowered:
.L_overlay_start_2:
0x35b: {  	(tag) =	ssettag $0x2  }
0x35c: {  	s0 =	rddreg [dreg:$0x0];
	s2 =	stileid.u32  }
0x35d: {  	s1 =	rddreg [dreg:$0x1];
	p0 =	sne.s32 s2, $0x0  }
0x35e: {  	s3 =	rddreg [dreg:$0x2];
	[bflag:$0x3] =	sbarrier.arrive $0xFFFF;
	s2 =	simm.s32 @!p0 $0x1C07  }
0x35f: {  	[timem:s3], [sflag:s2] =	dma.local @!p0 [hbm:s0], s1  }
0x360: {  	s0 =	simm.s32 @!p0 $0x7  }
0x361: {  	_ =	swait.ge @!p0 [sflag:s0], s1  }
0x362: {  	s1 =	ssub.s32 @!p0 $0x0, s1;
	[sflag:s0] =	ssyncset.done @!p0 $0x0  }
0x363: {  	[sflag:s0] =	ssyncadd.s32 @!p0 s1  }
0x364: {  	[bflag:$0x3] =	sbarrier.arrive $0xFFFF  }
0x365: {  	_ =	shalt  }

</sc_bundles>
